<compile_context>
chip_gen: v7x
topology: tpu7x:2x2x1
jax: 0.10.2.dev20260603
libtpu: 0.0.44.dev20260713+nightly
codegen_flags: <defaults>
</compile_context>

<pallas_src>
import functools

import jax
import jax.numpy as jnp
from jax import lax
from jax.experimental import pallas as pl
from jax.experimental.pallas import tpu as pltpu
from jax.experimental.pallas import tpu_sc as plsc

N, L, D = 4, 8192, 768
H = D // 4
KEEP = L // 2
LOG = 13
NW = 32
PERW = N * KEEP // NW
CHUNK = 128

_mesh = plsc.VectorSubcoreMesh(core_axis_name="c", subcore_axis_name="s")


def _score_mm(a1, w3, b3):
    def body(x_ref, w_ref, b_ref, o_ref):
        o_ref[...] = jnp.dot(x_ref[...], w_ref[...], precision=None) + b_ref[...]

    blk = 2048
    return pl.pallas_call(
        body,
        grid=(N * L // blk,),
        in_specs=[pl.BlockSpec((blk, H), lambda i: (i, 0)),
                  pl.BlockSpec((H, 1), lambda i: (0, 0)),
                  pl.BlockSpec((1,), lambda i: (0,))],
        out_specs=pl.BlockSpec((blk, 1), lambda i: (i, 0)),
        out_shape=jax.ShapeDtypeStruct((N * L, 1), jnp.float32),
    )(a1, w3, b3)


def _bitonic_ids(v3):
    def body(v_ref, o_ref):
        v = v_ref[0]
        k = lax.bitcast_convert_type(v, jnp.int32)
        ix = lax.broadcasted_iota(jnp.int32, (1, L), 1)
        pos = lax.broadcasted_iota(jnp.int32, (1, L), 1)
        for ph in range(1, LOG + 1):
            for j in range(ph - 1, -1, -1):
                d = 1 << j
                kp_m = pltpu.roll(k, L - d, 1)
                kp_p = pltpu.roll(k, d, 1)
                ip_m = pltpu.roll(ix, L - d, 1)
                ip_p = pltpu.roll(ix, d, 1)
                rh = ((pos >> j) & 1) == 1
                kb = jnp.where(rh, kp_p, kp_m)
                ib = jnp.where(rh, ip_p, ip_m)
                q = (k > kb) | ((k == kb) & (ix < ib))
                asc = ((pos >> ph) & 1) == 1
                keep = q ^ rh ^ asc
                k = jnp.where(keep, k, kb)
                ix = jnp.where(keep, ix, ib)
        o_ref[0] = ix

    return pl.pallas_call(
        body,
        grid=(N,),
        in_specs=[pl.BlockSpec((1, 1, L), lambda i: (i, 0, 0))],
        out_specs=pl.BlockSpec((1, 1, L), lambda i: (i, 0, 0)),
        out_shape=jax.ShapeDtypeStruct((N, 1, L), jnp.int32),
    )(v3)


@functools.partial(
    pl.kernel, mesh=_mesh,
    out_type=(jax.ShapeDtypeStruct((N * KEEP, D), jnp.float32),
              jax.ShapeDtypeStruct((N * KEEP, D), jnp.float32)),
    scratch_types=[pltpu.VMEM((PERW,), jnp.int32),
                   pltpu.VMEM((CHUNK, D), jnp.float32),
                   pltpu.SemaphoreType.DMA],
)
def _sc_gather(inp_hbm, pos_hbm, gids_hbm, oi_hbm, op_hbm, idx_v, rows_v, sem):
    wid = lax.axis_index("s") * 2 + lax.axis_index("c")
    base = wid * PERW
    pltpu.sync_copy(gids_hbm.at[pl.ds(base, PERW)], idx_v)
    for c in range(PERW // CHUNK):
        pltpu.async_copy(inp_hbm.at[idx_v.at[pl.ds(c * CHUNK, CHUNK)]], rows_v, sem).wait()
        pltpu.sync_copy(rows_v, oi_hbm.at[pl.ds(base + c * CHUNK, CHUNK)])
    for c in range(PERW // CHUNK):
        pltpu.async_copy(pos_hbm.at[idx_v.at[pl.ds(c * CHUNK, CHUNK)]], rows_v, sem).wait()
        pltpu.sync_copy(rows_v, op_hbm.at[pl.ds(base + c * CHUNK, CHUNK)])


def kernel(input, positin_embedding, W0, b0, W1, b1, W3, b3):
    gelu = functools.partial(jax.nn.gelu, approximate=False)
    a1 = gelu(jnp.dot(gelu(jnp.dot(input, W0) + b0), W1) + b1)
    sc = _score_mm(a1.reshape(N * L, H), W3, b3).reshape(N, L)
    v = jax.nn.softmax(sc, axis=-1)
    ids = _bitonic_ids(v[:, None, :])[:, 0, :KEEP]
    gids = (ids + jnp.arange(N, dtype=jnp.int32)[:, None] * L).reshape(-1)
    oi, op = _sc_gather(input.reshape(N * L, D), positin_embedding.reshape(N * L, D), gids)
    return oi.reshape(N, KEEP, D), op.reshape(N, KEEP, D)

# --- scband reference (transcript-rebuilt; emitter-appended) ---
"""Pipeline reference for scband-mlp-purification-16527034155653 (READ-ONLY COPY).

The authoritative reference and input builder live on the scoring server;
editing this copy changes nothing except your own understanding.
"""

import jax, jax.numpy as jnp
import numpy as np

N, L, D = 4, 8192, 768
H = D // 4

def setup_inputs(seed: int = 0) -> dict:
    key = jax.random.key(seed)
    ks = jax.random.split(key, 8)
    inp = jax.random.normal(ks[0], (N, L, D), dtype=jnp.float32)
    pos = jax.random.normal(ks[1], (N, L, D), dtype=jnp.float32)
    W0 = jax.random.normal(ks[2], (D, D), dtype=jnp.float32) * 0.02
    b0 = jnp.zeros((D,), dtype=jnp.float32)
    W1 = jax.random.normal(ks[3], (D, H), dtype=jnp.float32) * 0.02
    b1 = jnp.zeros((H,), dtype=jnp.float32)
    W3 = jax.random.normal(ks[4], (H, 1), dtype=jnp.float32) * 0.02
    b3 = jnp.zeros((1,), dtype=jnp.float32)
    return {"input": inp, "positin_embedding": pos, "W0": W0, "b0": b0, "W1": W1, "b1": b1, "W3": W3, "b3": b3}

def reference(input, positin_embedding, W0, b0, W1, b1, W3, b3):
    # pure_ways='atten' (default path)
    n, l, d = input.shape
    len_keep = int(l * 0.5)
    x = jnp.dot(input, W0) + b0
    x = jax.nn.gelu(x, approximate=False)
    x = jnp.dot(x, W1) + b1
    x = jax.nn.gelu(x, approximate=False)
    x = jnp.dot(x, W3) + b3
    x = jnp.squeeze(x, axis=-1)
    x = jax.nn.softmax(x, axis=-1)
    ids_sorted = jnp.argsort(-x, axis=1)  # descending
    ids_keep = ids_sorted[:, :len_keep]
    idx = jnp.broadcast_to(ids_keep[:, :, None], (n, len_keep, d))
    x_selected = jnp.take_along_axis(input, idx, axis=1)
    idx_pos = jnp.broadcast_to(ids_keep[:, :, None], (n, len_keep, positin_embedding.shape[-1]))
    x_selected_pos = jnp.take_along_axis(positin_embedding, idx_pos, axis=1)
    return (x_selected, x_selected_pos)

if __name__ == "__main__":
    import jax
    _d = setup_inputs()
    print(jax.jit(kernel)(*tuple(_d.values())))

</pallas_src>

<mosaic_0001>
#map = affine_map<(d0, d1) -> (0, 0)>
#map1 = affine_map<(d0, d1) -> (0)>
module attributes {stable_mosaic.version = 14 : i64} {
  func.func @_sc_gather(%arg0: i32, %arg1: i32, %arg2: memref<32768x768xf32, #tpu.memory_space<hbm>>, %arg3: memref<32768x768xf32, #tpu.memory_space<hbm>>, %arg4: memref<16384xi32, #tpu.memory_space<hbm>>, %arg5: memref<16384x768xf32, #tpu.memory_space<hbm>>, %arg6: memref<16384x768xf32, #tpu.memory_space<hbm>>, %arg7: memref<512xi32, #tpu.memory_space<vmem>>, %arg8: memref<128x768xf32, #tpu.memory_space<vmem>>, %arg9: memref<!tpu.dma_semaphore, #tpu.memory_space<semaphore_mem>>) attributes {dimension_semantics = [#tpu.dimension_semantics<core_parallel>, #tpu.dimension_semantics<subcore_parallel>], iteration_bounds = array<i64: 2, 16>, scalar_prefetch = 0 : i64, scratch_operands = 3 : i64, tpu.core_type = #tpu.core_type<sc_vector_subcore>, window_params = [{transform_indices = #map}, {transform_indices = #map}, {transform_indices = #map1}, {transform_indices = #map}, {transform_indices = #map}]} {
    %mul3A = arith.constant 2 : i32
    %mul3A_0 = arith.muli %arg1, %mul3A : i32
    %add3A = arith.addi %mul3A_0, %arg0 : i32
    %mul3A_1 = arith.constant 512 : i32
    %mul3A_2 = arith.muli %add3A, %mul3A_1 : i32
    "tpu.region"() ({
      %run_scoped3A = tpu.sem_alloc : memref<!tpu.dma_semaphore, #tpu.memory_space<semaphore_mem>>
      %dma_start3A_97 = tpu.memref_slice %arg4[%mul3A_2] : memref<16384xi32, #tpu.memory_space<hbm>> -> memref<512xi32, #tpu.memory_space<hbm>>
      %dma_start3A_98 = tpu.memref_slice %arg4[%mul3A_2] : memref<16384xi32, #tpu.memory_space<hbm>> -> memref<512xi32, #tpu.memory_space<hbm>>
      tpu.enqueue_dma source(%dma_start3A_98 : memref<512xi32, #tpu.memory_space<hbm>>) target(%arg7 : memref<512xi32, #tpu.memory_space<vmem>>) target_semaphore(%run_scoped3A : memref<!tpu.dma_semaphore, #tpu.memory_space<semaphore_mem>>)
      %dma_wait3A_99 = tpu.memref_slice %arg4[%mul3A_2] : memref<16384xi32, #tpu.memory_space<hbm>> -> memref<512xi32, #tpu.memory_space<hbm>>
      %dma_wait3A_100 = tpu.memref_slice %arg4[%mul3A_2] : memref<16384xi32, #tpu.memory_space<hbm>> -> memref<512xi32, #tpu.memory_space<hbm>>
      tpu.wait_dma2 semaphore(%run_scoped3A : memref<!tpu.dma_semaphore, #tpu.memory_space<semaphore_mem>>) src(%dma_wait3A_100 : memref<512xi32, #tpu.memory_space<hbm>>) dst(%arg7 : memref<512xi32, #tpu.memory_space<vmem>>)
      tpu.yield
    }) : () -> ()
    %dma_start3A = arith.constant 0 : i32
    %dma_start3A_3 = tpu.memref_slice %arg7[%dma_start3A] : memref<512xi32, #tpu.memory_space<vmem>> -> memref<128xi32, #tpu.memory_space<vmem>>
    %dma_start3A_4 = arith.constant 0 : i32
    %dma_start3A_5 = arith.constant 0 : i32
    %dma_start3A_6 = tpu.memref_slice %arg2[%dma_start3A_4, %dma_start3A_5] : memref<32768x768xf32, #tpu.memory_space<hbm>> -> memref<32768x768xf32, #tpu.memory_space<hbm>>
    tpu.enqueue_indirect_dma source(%dma_start3A_6 : memref<32768x768xf32, #tpu.memory_space<hbm>>) target(%arg8 : memref<128x768xf32, #tpu.memory_space<vmem>>) offsets(%dma_start3A_3 : memref<128xi32, #tpu.memory_space<vmem>>) semaphore(%arg9 : memref<!tpu.dma_semaphore, #tpu.memory_space<semaphore_mem>>)
    %dma_wait3A = arith.constant 0 : i32
    %dma_wait3A_7 = tpu.memref_slice %arg7[%dma_wait3A] : memref<512xi32, #tpu.memory_space<vmem>> -> memref<128xi32, #tpu.memory_space<vmem>>
    %dma_wait3A_8 = arith.constant 0 : i32
    %dma_wait3A_9 = arith.constant 0 : i32
    %dma_wait3A_10 = tpu.memref_slice %arg2[%dma_wait3A_8, %dma_wait3A_9] : memref<32768x768xf32, #tpu.memory_space<hbm>> -> memref<32768x768xf32, #tpu.memory_space<hbm>>
    tpu.wait_indirect_dma semaphore(%arg9 : memref<!tpu.dma_semaphore, #tpu.memory_space<semaphore_mem>>) src(%dma_wait3A_10 : memref<32768x768xf32, #tpu.memory_space<hbm>>) dst(%arg8 : memref<128x768xf32, #tpu.memory_space<vmem>>)
    %add3A_11 = arith.constant 0 : i32
    %add3A_12 = arith.addi %mul3A_2, %add3A_11 : i32
    "tpu.region"() ({
      %run_scoped3A = tpu.sem_alloc : memref<!tpu.dma_semaphore, #tpu.memory_space<semaphore_mem>>
      %dma_start3A_97 = arith.constant 0 : i32
      %dma_start3A_98 = tpu.memref_slice %arg5[%add3A_12, %dma_start3A_97] : memref<16384x768xf32, #tpu.memory_space<hbm>> -> memref<128x768xf32, #tpu.memory_space<hbm>>
      %dma_start3A_99 = arith.constant 0 : i32
      %dma_start3A_100 = tpu.memref_slice %arg5[%add3A_12, %dma_start3A_99] : memref<16384x768xf32, #tpu.memory_space<hbm>> -> memref<128x768xf32, #tpu.memory_space<hbm>>
      tpu.enqueue_dma source(%arg8 : memref<128x768xf32, #tpu.memory_space<vmem>>) target(%dma_start3A_100 : memref<128x768xf32, #tpu.memory_space<hbm>>) target_semaphore(%run_scoped3A : memref<!tpu.dma_semaphore, #tpu.memory_space<semaphore_mem>>)
      %dma_wait3A_101 = arith.constant 0 : i32
      %dma_wait3A_102 = tpu.memref_slice %arg5[%add3A_12, %dma_wait3A_101] : memref<16384x768xf32, #tpu.memory_space<hbm>> -> memref<128x768xf32, #tpu.memory_space<hbm>>
      %dma_wait3A_103 = arith.constant 0 : i32
      %dma_wait3A_104 = tpu.memref_slice %arg5[%add3A_12, %dma_wait3A_103] : memref<16384x768xf32, #tpu.memory_space<hbm>> -> memref<128x768xf32, #tpu.memory_space<hbm>>
      tpu.wait_dma2 semaphore(%run_scoped3A : memref<!tpu.dma_semaphore, #tpu.memory_space<semaphore_mem>>) src(%arg8 : memref<128x768xf32, #tpu.memory_space<vmem>>) dst(%dma_wait3A_104 : memref<128x768xf32, #tpu.memory_space<hbm>>)
      tpu.yield
    }) : () -> ()
    %dma_start3A_13 = arith.constant 128 : i32
    %dma_start3A_14 = tpu.memref_slice %arg7[%dma_start3A_13] : memref<512xi32, #tpu.memory_space<vmem>> -> memref<128xi32, #tpu.memory_space<vmem>>
    %dma_start3A_15 = arith.constant 0 : i32
    %dma_start3A_16 = arith.constant 0 : i32
    %dma_start3A_17 = tpu.memref_slice %arg2[%dma_start3A_15, %dma_start3A_16] : memref<32768x768xf32, #tpu.memory_space<hbm>> -> memref<32768x768xf32, #tpu.memory_space<hbm>>
    tpu.enqueue_indirect_dma source(%dma_start3A_17 : memref<32768x768xf32, #tpu.memory_space<hbm>>) target(%arg8 : memref<128x768xf32, #tpu.memory_space<vmem>>) offsets(%dma_start3A_14 : memref<128xi32, #tpu.memory_space<vmem>>) semaphore(%arg9 : memref<!tpu.dma_semaphore, #tpu.memory_space<semaphore_mem>>)
    %dma_wait3A_18 = arith.constant 128 : i32
    %dma_wait3A_19 = tpu.memref_slice %arg7[%dma_wait3A_18] : memref<512xi32, #tpu.memory_space<vmem>> -> memref<128xi32, #tpu.memory_space<vmem>>
    %dma_wait3A_20 = arith.constant 0 : i32
    %dma_wait3A_21 = arith.constant 0 : i32
    %dma_wait3A_22 = tpu.memref_slice %arg2[%dma_wait3A_20, %dma_wait3A_21] : memref<32768x768xf32, #tpu.memory_space<hbm>> -> memref<32768x768xf32, #tpu.memory_space<hbm>>
    tpu.wait_indirect_dma semaphore(%arg9 : memref<!tpu.dma_semaphore, #tpu.memory_space<semaphore_mem>>) src(%dma_wait3A_22 : memref<32768x768xf32, #tpu.memory_space<hbm>>) dst(%arg8 : memref<128x768xf32, #tpu.memory_space<vmem>>)
    %add3A_23 = arith.constant 128 : i32
    %add3A_24 = arith.addi %mul3A_2, %add3A_23 : i32
    "tpu.region"() ({
      %run_scoped3A = tpu.sem_alloc : memref<!tpu.dma_semaphore, #tpu.memory_space<semaphore_mem>>
      %dma_start3A_97 = arith.constant 0 : i32
      %dma_start3A_98 = tpu.memref_slice %arg5[%add3A_24, %dma_start3A_97] : memref<16384x768xf32, #tpu.memory_space<hbm>> -> memref<128x768xf32, #tpu.memory_space<hbm>>
      %dma_start3A_99 = arith.constant 0 : i32
      %dma_start3A_100 = tpu.memref_slice %arg5[%add3A_24, %dma_start3A_99] : memref<16384x768xf32, #tpu.memory_space<hbm>> -> memref<128x768xf32, #tpu.memory_space<hbm>>
      tpu.enqueue_dma source(%arg8 : memref<128x768xf32, #tpu.memory_space<vmem>>) target(%dma_start3A_100 : memref<128x768xf32, #tpu.memory_space<hbm>>) target_semaphore(%run_scoped3A : memref<!tpu.dma_semaphore, #tpu.memory_space<semaphore_mem>>)
      %dma_wait3A_101 = arith.constant 0 : i32
      %dma_wait3A_102 = tpu.memref_slice %arg5[%add3A_24, %dma_wait3A_101] : memref<16384x768xf32, #tpu.memory_space<hbm>> -> memref<128x768xf32, #tpu.memory_space<hbm>>
      %dma_wait3A_103 = arith.constant 0 : i32
      %dma_wait3A_104 = tpu.memref_slice %arg5[%add3A_24, %dma_wait3A_103] : memref<16384x768xf32, #tpu.memory_space<hbm>> -> memref<128x768xf32, #tpu.memory_space<hbm>>
      tpu.wait_dma2 semaphore(%run_scoped3A : memref<!tpu.dma_semaphore, #tpu.memory_space<semaphore_mem>>) src(%arg8 : memref<128x768xf32, #tpu.memory_space<vmem>>) dst(%dma_wait3A_104 : memref<128x768xf32, #tpu.memory_space<hbm>>)
      tpu.yield
    }) : () -> ()
    %dma_start3A_25 = arith.constant 256 : i32
    %dma_start3A_26 = tpu.memref_slice %arg7[%dma_start3A_25] : memref<512xi32, #tpu.memory_space<vmem>> -> memref<128xi32, #tpu.memory_space<vmem>>
    %dma_start3A_27 = arith.constant 0 : i32
    %dma_start3A_28 = arith.constant 0 : i32
    %dma_start3A_29 = tpu.memref_slice %arg2[%dma_start3A_27, %dma_start3A_28] : memref<32768x768xf32, #tpu.memory_space<hbm>> -> memref<32768x768xf32, #tpu.memory_space<hbm>>
    tpu.enqueue_indirect_dma source(%dma_start3A_29 : memref<32768x768xf32, #tpu.memory_space<hbm>>) target(%arg8 : memref<128x768xf32, #tpu.memory_space<vmem>>) offsets(%dma_start3A_26 : memref<128xi32, #tpu.memory_space<vmem>>) semaphore(%arg9 : memref<!tpu.dma_semaphore, #tpu.memory_space<semaphore_mem>>)
    %dma_wait3A_30 = arith.constant 256 : i32
    %dma_wait3A_31 = tpu.memref_slice %arg7[%dma_wait3A_30] : memref<512xi32, #tpu.memory_space<vmem>> -> memref<128xi32, #tpu.memory_space<vmem>>
    %dma_wait3A_32 = arith.constant 0 : i32
    %dma_wait3A_33 = arith.constant 0 : i32
    %dma_wait3A_34 = tpu.memref_slice %arg2[%dma_wait3A_32, %dma_wait3A_33] : memref<32768x768xf32, #tpu.memory_space<hbm>> -> memref<32768x768xf32, #tpu.memory_space<hbm>>
    tpu.wait_indirect_dma semaphore(%arg9 : memref<!tpu.dma_semaphore, #tpu.memory_space<semaphore_mem>>) src(%dma_wait3A_34 : memref<32768x768xf32, #tpu.memory_space<hbm>>) dst(%arg8 : memref<128x768xf32, #tpu.memory_space<vmem>>)
    %add3A_35 = arith.constant 256 : i32
    %add3A_36 = arith.addi %mul3A_2, %add3A_35 : i32
    "tpu.region"() ({
      %run_scoped3A = tpu.sem_alloc : memref<!tpu.dma_semaphore, #tpu.memory_space<semaphore_mem>>
      %dma_start3A_97 = arith.constant 0 : i32
      %dma_start3A_98 = tpu.memref_slice %arg5[%add3A_36, %dma_start3A_97] : memref<16384x768xf32, #tpu.memory_space<hbm>> -> memref<128x768xf32, #tpu.memory_space<hbm>>
      %dma_start3A_99 = arith.constant 0 : i32
      %dma_start3A_100 = tpu.memref_slice %arg5[%add3A_36, %dma_start3A_99] : memref<16384x768xf32, #tpu.memory_space<hbm>> -> memref<128x768xf32, #tpu.memory_space<hbm>>
      tpu.enqueue_dma source(%arg8 : memref<128x768xf32, #tpu.memory_space<vmem>>) target(%dma_start3A_100 : memref<128x768xf32, #tpu.memory_space<hbm>>) target_semaphore(%run_scoped3A : memref<!tpu.dma_semaphore, #tpu.memory_space<semaphore_mem>>)
      %dma_wait3A_101 = arith.constant 0 : i32
      %dma_wait3A_102 = tpu.memref_slice %arg5[%add3A_36, %dma_wait3A_101] : memref<16384x768xf32, #tpu.memory_space<hbm>> -> memref<128x768xf32, #tpu.memory_space<hbm>>
      %dma_wait3A_103 = arith.constant 0 : i32
      %dma_wait3A_104 = tpu.memref_slice %arg5[%add3A_36, %dma_wait3A_103] : memref<16384x768xf32, #tpu.memory_space<hbm>> -> memref<128x768xf32, #tpu.memory_space<hbm>>
      tpu.wait_dma2 semaphore(%run_scoped3A : memref<!tpu.dma_semaphore, #tpu.memory_space<semaphore_mem>>) src(%arg8 : memref<128x768xf32, #tpu.memory_space<vmem>>) dst(%dma_wait3A_104 : memref<128x768xf32, #tpu.memory_space<hbm>>)
      tpu.yield
    }) : () -> ()
    %dma_start3A_37 = arith.constant 384 : i32
    %dma_start3A_38 = tpu.memref_slice %arg7[%dma_start3A_37] : memref<512xi32, #tpu.memory_space<vmem>> -> memref<128xi32, #tpu.memory_space<vmem>>
    %dma_start3A_39 = arith.constant 0 : i32
    %dma_start3A_40 = arith.constant 0 : i32
    %dma_start3A_41 = tpu.memref_slice %arg2[%dma_start3A_39, %dma_start3A_40] : memref<32768x768xf32, #tpu.memory_space<hbm>> -> memref<32768x768xf32, #tpu.memory_space<hbm>>
    tpu.enqueue_indirect_dma source(%dma_start3A_41 : memref<32768x768xf32, #tpu.memory_space<hbm>>) target(%arg8 : memref<128x768xf32, #tpu.memory_space<vmem>>) offsets(%dma_start3A_38 : memref<128xi32, #tpu.memory_space<vmem>>) semaphore(%arg9 : memref<!tpu.dma_semaphore, #tpu.memory_space<semaphore_mem>>)
    %dma_wait3A_42 = arith.constant 384 : i32
    %dma_wait3A_43 = tpu.memref_slice %arg7[%dma_wait3A_42] : memref<512xi32, #tpu.memory_space<vmem>> -> memref<128xi32, #tpu.memory_space<vmem>>
    %dma_wait3A_44 = arith.constant 0 : i32
    %dma_wait3A_45 = arith.constant 0 : i32
    %dma_wait3A_46 = tpu.memref_slice %arg2[%dma_wait3A_44, %dma_wait3A_45] : memref<32768x768xf32, #tpu.memory_space<hbm>> -> memref<32768x768xf32, #tpu.memory_space<hbm>>
    tpu.wait_indirect_dma semaphore(%arg9 : memref<!tpu.dma_semaphore, #tpu.memory_space<semaphore_mem>>) src(%dma_wait3A_46 : memref<32768x768xf32, #tpu.memory_space<hbm>>) dst(%arg8 : memref<128x768xf32, #tpu.memory_space<vmem>>)
    %add3A_47 = arith.constant 384 : i32
    %add3A_48 = arith.addi %mul3A_2, %add3A_47 : i32
    "tpu.region"() ({
      %run_scoped3A = tpu.sem_alloc : memref<!tpu.dma_semaphore, #tpu.memory_space<semaphore_mem>>
      %dma_start3A_97 = arith.constant 0 : i32
      %dma_start3A_98 = tpu.memref_slice %arg5[%add3A_48, %dma_start3A_97] : memref<16384x768xf32, #tpu.memory_space<hbm>> -> memref<128x768xf32, #tpu.memory_space<hbm>>
      %dma_start3A_99 = arith.constant 0 : i32
      %dma_start3A_100 = tpu.memref_slice %arg5[%add3A_48, %dma_start3A_99] : memref<16384x768xf32, #tpu.memory_space<hbm>> -> memref<128x768xf32, #tpu.memory_space<hbm>>
      tpu.enqueue_dma source(%arg8 : memref<128x768xf32, #tpu.memory_space<vmem>>) target(%dma_start3A_100 : memref<128x768xf32, #tpu.memory_space<hbm>>) target_semaphore(%run_scoped3A : memref<!tpu.dma_semaphore, #tpu.memory_space<semaphore_mem>>)
      %dma_wait3A_101 = arith.constant 0 : i32
      %dma_wait3A_102 = tpu.memref_slice %arg5[%add3A_48, %dma_wait3A_101] : memref<16384x768xf32, #tpu.memory_space<hbm>> -> memref<128x768xf32, #tpu.memory_space<hbm>>
      %dma_wait3A_103 = arith.constant 0 : i32
      %dma_wait3A_104 = tpu.memref_slice %arg5[%add3A_48, %dma_wait3A_103] : memref<16384x768xf32, #tpu.memory_space<hbm>> -> memref<128x768xf32, #tpu.memory_space<hbm>>
      tpu.wait_dma2 semaphore(%run_scoped3A : memref<!tpu.dma_semaphore, #tpu.memory_space<semaphore_mem>>) src(%arg8 : memref<128x768xf32, #tpu.memory_space<vmem>>) dst(%dma_wait3A_104 : memref<128x768xf32, #tpu.memory_space<hbm>>)
      tpu.yield
    }) : () -> ()
    %dma_start3A_49 = arith.constant 0 : i32
    %dma_start3A_50 = tpu.memref_slice %arg7[%dma_start3A_49] : memref<512xi32, #tpu.memory_space<vmem>> -> memref<128xi32, #tpu.memory_space<vmem>>
    %dma_start3A_51 = arith.constant 0 : i32
    %dma_start3A_52 = arith.constant 0 : i32
    %dma_start3A_53 = tpu.memref_slice %arg3[%dma_start3A_51, %dma_start3A_52] : memref<32768x768xf32, #tpu.memory_space<hbm>> -> memref<32768x768xf32, #tpu.memory_space<hbm>>
    tpu.enqueue_indirect_dma source(%dma_start3A_53 : memref<32768x768xf32, #tpu.memory_space<hbm>>) target(%arg8 : memref<128x768xf32, #tpu.memory_space<vmem>>) offsets(%dma_start3A_50 : memref<128xi32, #tpu.memory_space<vmem>>) semaphore(%arg9 : memref<!tpu.dma_semaphore, #tpu.memory_space<semaphore_mem>>)
    %dma_wait3A_54 = arith.constant 0 : i32
    %dma_wait3A_55 = tpu.memref_slice %arg7[%dma_wait3A_54] : memref<512xi32, #tpu.memory_space<vmem>> -> memref<128xi32, #tpu.memory_space<vmem>>
    %dma_wait3A_56 = arith.constant 0 : i32
    %dma_wait3A_57 = arith.constant 0 : i32
    %dma_wait3A_58 = tpu.memref_slice %arg3[%dma_wait3A_56, %dma_wait3A_57] : memref<32768x768xf32, #tpu.memory_space<hbm>> -> memref<32768x768xf32, #tpu.memory_space<hbm>>
    tpu.wait_indirect_dma semaphore(%arg9 : memref<!tpu.dma_semaphore, #tpu.memory_space<semaphore_mem>>) src(%dma_wait3A_58 : memref<32768x768xf32, #tpu.memory_space<hbm>>) dst(%arg8 : memref<128x768xf32, #tpu.memory_space<vmem>>)
    %add3A_59 = arith.constant 0 : i32
    %add3A_60 = arith.addi %mul3A_2, %add3A_59 : i32
    "tpu.region"() ({
      %run_scoped3A = tpu.sem_alloc : memref<!tpu.dma_semaphore, #tpu.memory_space<semaphore_mem>>
      %dma_start3A_97 = arith.constant 0 : i32
      %dma_start3A_98 = tpu.memref_slice %arg6[%add3A_60, %dma_start3A_97] : memref<16384x768xf32, #tpu.memory_space<hbm>> -> memref<128x768xf32, #tpu.memory_space<hbm>>
      %dma_start3A_99 = arith.constant 0 : i32
      %dma_start3A_100 = tpu.memref_slice %arg6[%add3A_60, %dma_start3A_99] : memref<16384x768xf32, #tpu.memory_space<hbm>> -> memref<128x768xf32, #tpu.memory_space<hbm>>
      tpu.enqueue_dma source(%arg8 : memref<128x768xf32, #tpu.memory_space<vmem>>) target(%dma_start3A_100 : memref<128x768xf32, #tpu.memory_space<hbm>>) target_semaphore(%run_scoped3A : memref<!tpu.dma_semaphore, #tpu.memory_space<semaphore_mem>>)
      %dma_wait3A_101 = arith.constant 0 : i32
      %dma_wait3A_102 = tpu.memref_slice %arg6[%add3A_60, %dma_wait3A_101] : memref<16384x768xf32, #tpu.memory_space<hbm>> -> memref<128x768xf32, #tpu.memory_space<hbm>>
      %dma_wait3A_103 = arith.constant 0 : i32
      %dma_wait3A_104 = tpu.memref_slice %arg6[%add3A_60, %dma_wait3A_103] : memref<16384x768xf32, #tpu.memory_space<hbm>> -> memref<128x768xf32, #tpu.memory_space<hbm>>
      tpu.wait_dma2 semaphore(%run_scoped3A : memref<!tpu.dma_semaphore, #tpu.memory_space<semaphore_mem>>) src(%arg8 : memref<128x768xf32, #tpu.memory_space<vmem>>) dst(%dma_wait3A_104 : memref<128x768xf32, #tpu.memory_space<hbm>>)
      tpu.yield
    }) : () -> ()
    %dma_start3A_61 = arith.constant 128 : i32
    %dma_start3A_62 = tpu.memref_slice %arg7[%dma_start3A_61] : memref<512xi32, #tpu.memory_space<vmem>> -> memref<128xi32, #tpu.memory_space<vmem>>
    %dma_start3A_63 = arith.constant 0 : i32
    %dma_start3A_64 = arith.constant 0 : i32
    %dma_start3A_65 = tpu.memref_slice %arg3[%dma_start3A_63, %dma_start3A_64] : memref<32768x768xf32, #tpu.memory_space<hbm>> -> memref<32768x768xf32, #tpu.memory_space<hbm>>
    tpu.enqueue_indirect_dma source(%dma_start3A_65 : memref<32768x768xf32, #tpu.memory_space<hbm>>) target(%arg8 : memref<128x768xf32, #tpu.memory_space<vmem>>) offsets(%dma_start3A_62 : memref<128xi32, #tpu.memory_space<vmem>>) semaphore(%arg9 : memref<!tpu.dma_semaphore, #tpu.memory_space<semaphore_mem>>)
    %dma_wait3A_66 = arith.constant 128 : i32
    %dma_wait3A_67 = tpu.memref_slice %arg7[%dma_wait3A_66] : memref<512xi32, #tpu.memory_space<vmem>> -> memref<128xi32, #tpu.memory_space<vmem>>
    %dma_wait3A_68 = arith.constant 0 : i32
    %dma_wait3A_69 = arith.constant 0 : i32
    %dma_wait3A_70 = tpu.memref_slice %arg3[%dma_wait3A_68, %dma_wait3A_69] : memref<32768x768xf32, #tpu.memory_space<hbm>> -> memref<32768x768xf32, #tpu.memory_space<hbm>>
    tpu.wait_indirect_dma semaphore(%arg9 : memref<!tpu.dma_semaphore, #tpu.memory_space<semaphore_mem>>) src(%dma_wait3A_70 : memref<32768x768xf32, #tpu.memory_space<hbm>>) dst(%arg8 : memref<128x768xf32, #tpu.memory_space<vmem>>)
    %add3A_71 = arith.constant 128 : i32
    %add3A_72 = arith.addi %mul3A_2, %add3A_71 : i32
    "tpu.region"() ({
      %run_scoped3A = tpu.sem_alloc : memref<!tpu.dma_semaphore, #tpu.memory_space<semaphore_mem>>
      %dma_start3A_97 = arith.constant 0 : i32
      %dma_start3A_98 = tpu.memref_slice %arg6[%add3A_72, %dma_start3A_97] : memref<16384x768xf32, #tpu.memory_space<hbm>> -> memref<128x768xf32, #tpu.memory_space<hbm>>
      %dma_start3A_99 = arith.constant 0 : i32
      %dma_start3A_100 = tpu.memref_slice %arg6[%add3A_72, %dma_start3A_99] : memref<16384x768xf32, #tpu.memory_space<hbm>> -> memref<128x768xf32, #tpu.memory_space<hbm>>
      tpu.enqueue_dma source(%arg8 : memref<128x768xf32, #tpu.memory_space<vmem>>) target(%dma_start3A_100 : memref<128x768xf32, #tpu.memory_space<hbm>>) target_semaphore(%run_scoped3A : memref<!tpu.dma_semaphore, #tpu.memory_space<semaphore_mem>>)
      %dma_wait3A_101 = arith.constant 0 : i32
      %dma_wait3A_102 = tpu.memref_slice %arg6[%add3A_72, %dma_wait3A_101] : memref<16384x768xf32, #tpu.memory_space<hbm>> -> memref<128x768xf32, #tpu.memory_space<hbm>>
      %dma_wait3A_103 = arith.constant 0 : i32
      %dma_wait3A_104 = tpu.memref_slice %arg6[%add3A_72, %dma_wait3A_103] : memref<16384x768xf32, #tpu.memory_space<hbm>> -> memref<128x768xf32, #tpu.memory_space<hbm>>
      tpu.wait_dma2 semaphore(%run_scoped3A : memref<!tpu.dma_semaphore, #tpu.memory_space<semaphore_mem>>) src(%arg8 : memref<128x768xf32, #tpu.memory_space<vmem>>) dst(%dma_wait3A_104 : memref<128x768xf32, #tpu.memory_space<hbm>>)
      tpu.yield
    }) : () -> ()
    %dma_start3A_73 = arith.constant 256 : i32
    %dma_start3A_74 = tpu.memref_slice %arg7[%dma_start3A_73] : memref<512xi32, #tpu.memory_space<vmem>> -> memref<128xi32, #tpu.memory_space<vmem>>
    %dma_start3A_75 = arith.constant 0 : i32
    %dma_start3A_76 = arith.constant 0 : i32
    %dma_start3A_77 = tpu.memref_slice %arg3[%dma_start3A_75, %dma_start3A_76] : memref<32768x768xf32, #tpu.memory_space<hbm>> -> memref<32768x768xf32, #tpu.memory_space<hbm>>
    tpu.enqueue_indirect_dma source(%dma_start3A_77 : memref<32768x768xf32, #tpu.memory_space<hbm>>) target(%arg8 : memref<128x768xf32, #tpu.memory_space<vmem>>) offsets(%dma_start3A_74 : memref<128xi32, #tpu.memory_space<vmem>>) semaphore(%arg9 : memref<!tpu.dma_semaphore, #tpu.memory_space<semaphore_mem>>)
    %dma_wait3A_78 = arith.constant 256 : i32
    %dma_wait3A_79 = tpu.memref_slice %arg7[%dma_wait3A_78] : memref<512xi32, #tpu.memory_space<vmem>> -> memref<128xi32, #tpu.memory_space<vmem>>
    %dma_wait3A_80 = arith.constant 0 : i32
    %dma_wait3A_81 = arith.constant 0 : i32
    %dma_wait3A_82 = tpu.memref_slice %arg3[%dma_wait3A_80, %dma_wait3A_81] : memref<32768x768xf32, #tpu.memory_space<hbm>> -> memref<32768x768xf32, #tpu.memory_space<hbm>>
    tpu.wait_indirect_dma semaphore(%arg9 : memref<!tpu.dma_semaphore, #tpu.memory_space<semaphore_mem>>) src(%dma_wait3A_82 : memref<32768x768xf32, #tpu.memory_space<hbm>>) dst(%arg8 : memref<128x768xf32, #tpu.memory_space<vmem>>)
    %add3A_83 = arith.constant 256 : i32
    %add3A_84 = arith.addi %mul3A_2, %add3A_83 : i32
    "tpu.region"() ({
      %run_scoped3A = tpu.sem_alloc : memref<!tpu.dma_semaphore, #tpu.memory_space<semaphore_mem>>
      %dma_start3A_97 = arith.constant 0 : i32
      %dma_start3A_98 = tpu.memref_slice %arg6[%add3A_84, %dma_start3A_97] : memref<16384x768xf32, #tpu.memory_space<hbm>> -> memref<128x768xf32, #tpu.memory_space<hbm>>
      %dma_start3A_99 = arith.constant 0 : i32
      %dma_start3A_100 = tpu.memref_slice %arg6[%add3A_84, %dma_start3A_99] : memref<16384x768xf32, #tpu.memory_space<hbm>> -> memref<128x768xf32, #tpu.memory_space<hbm>>
      tpu.enqueue_dma source(%arg8 : memref<128x768xf32, #tpu.memory_space<vmem>>) target(%dma_start3A_100 : memref<128x768xf32, #tpu.memory_space<hbm>>) target_semaphore(%run_scoped3A : memref<!tpu.dma_semaphore, #tpu.memory_space<semaphore_mem>>)
      %dma_wait3A_101 = arith.constant 0 : i32
      %dma_wait3A_102 = tpu.memref_slice %arg6[%add3A_84, %dma_wait3A_101] : memref<16384x768xf32, #tpu.memory_space<hbm>> -> memref<128x768xf32, #tpu.memory_space<hbm>>
      %dma_wait3A_103 = arith.constant 0 : i32
      %dma_wait3A_104 = tpu.memref_slice %arg6[%add3A_84, %dma_wait3A_103] : memref<16384x768xf32, #tpu.memory_space<hbm>> -> memref<128x768xf32, #tpu.memory_space<hbm>>
      tpu.wait_dma2 semaphore(%run_scoped3A : memref<!tpu.dma_semaphore, #tpu.memory_space<semaphore_mem>>) src(%arg8 : memref<128x768xf32, #tpu.memory_space<vmem>>) dst(%dma_wait3A_104 : memref<128x768xf32, #tpu.memory_space<hbm>>)
      tpu.yield
    }) : () -> ()
    %dma_start3A_85 = arith.constant 384 : i32
    %dma_start3A_86 = tpu.memref_slice %arg7[%dma_start3A_85] : memref<512xi32, #tpu.memory_space<vmem>> -> memref<128xi32, #tpu.memory_space<vmem>>
    %dma_start3A_87 = arith.constant 0 : i32
    %dma_start3A_88 = arith.constant 0 : i32
    %dma_start3A_89 = tpu.memref_slice %arg3[%dma_start3A_87, %dma_start3A_88] : memref<32768x768xf32, #tpu.memory_space<hbm>> -> memref<32768x768xf32, #tpu.memory_space<hbm>>
    tpu.enqueue_indirect_dma source(%dma_start3A_89 : memref<32768x768xf32, #tpu.memory_space<hbm>>) target(%arg8 : memref<128x768xf32, #tpu.memory_space<vmem>>) offsets(%dma_start3A_86 : memref<128xi32, #tpu.memory_space<vmem>>) semaphore(%arg9 : memref<!tpu.dma_semaphore, #tpu.memory_space<semaphore_mem>>)
    %dma_wait3A_90 = arith.constant 384 : i32
    %dma_wait3A_91 = tpu.memref_slice %arg7[%dma_wait3A_90] : memref<512xi32, #tpu.memory_space<vmem>> -> memref<128xi32, #tpu.memory_space<vmem>>
    %dma_wait3A_92 = arith.constant 0 : i32
    %dma_wait3A_93 = arith.constant 0 : i32
    %dma_wait3A_94 = tpu.memref_slice %arg3[%dma_wait3A_92, %dma_wait3A_93] : memref<32768x768xf32, #tpu.memory_space<hbm>> -> memref<32768x768xf32, #tpu.memory_space<hbm>>
    tpu.wait_indirect_dma semaphore(%arg9 : memref<!tpu.dma_semaphore, #tpu.memory_space<semaphore_mem>>) src(%dma_wait3A_94 : memref<32768x768xf32, #tpu.memory_space<hbm>>) dst(%arg8 : memref<128x768xf32, #tpu.memory_space<vmem>>)
    %add3A_95 = arith.constant 384 : i32
    %add3A_96 = arith.addi %mul3A_2, %add3A_95 : i32
    "tpu.region"() ({
      %run_scoped3A = tpu.sem_alloc : memref<!tpu.dma_semaphore, #tpu.memory_space<semaphore_mem>>
      %dma_start3A_97 = arith.constant 0 : i32
      %dma_start3A_98 = tpu.memref_slice %arg6[%add3A_96, %dma_start3A_97] : memref<16384x768xf32, #tpu.memory_space<hbm>> -> memref<128x768xf32, #tpu.memory_space<hbm>>
      %dma_start3A_99 = arith.constant 0 : i32
      %dma_start3A_100 = tpu.memref_slice %arg6[%add3A_96, %dma_start3A_99] : memref<16384x768xf32, #tpu.memory_space<hbm>> -> memref<128x768xf32, #tpu.memory_space<hbm>>
      tpu.enqueue_dma source(%arg8 : memref<128x768xf32, #tpu.memory_space<vmem>>) target(%dma_start3A_100 : memref<128x768xf32, #tpu.memory_space<hbm>>) target_semaphore(%run_scoped3A : memref<!tpu.dma_semaphore, #tpu.memory_space<semaphore_mem>>)
      %dma_wait3A_101 = arith.constant 0 : i32
      %dma_wait3A_102 = tpu.memref_slice %arg6[%add3A_96, %dma_wait3A_101] : memref<16384x768xf32, #tpu.memory_space<hbm>> -> memref<128x768xf32, #tpu.memory_space<hbm>>
      %dma_wait3A_103 = arith.constant 0 : i32
      %dma_wait3A_104 = tpu.memref_slice %arg6[%add3A_96, %dma_wait3A_103] : memref<16384x768xf32, #tpu.memory_space<hbm>> -> memref<128x768xf32, #tpu.memory_space<hbm>>
      tpu.wait_dma2 semaphore(%run_scoped3A : memref<!tpu.dma_semaphore, #tpu.memory_space<semaphore_mem>>) src(%arg8 : memref<128x768xf32, #tpu.memory_space<vmem>>) dst(%dma_wait3A_104 : memref<128x768xf32, #tpu.memory_space<hbm>>)
      tpu.yield
    }) : () -> ()
    return
  }
}

module attributes {stable_mosaic.version = 14 : i64} {
  func.func @body(%arg0: i32, %arg1: memref<2048x192xf32, #tpu.memory_space<vmem>>, %arg2: memref<192x1xf32, #tpu.memory_space<vmem>>, %arg3: memref<1xf32, #tpu.memory_space<vmem>>, %arg4: memref<2048x1xf32, #tpu.memory_space<vmem>>) attributes {dimension_semantics = [#tpu.dimension_semantics<arbitrary>], iteration_bounds = array<i64: 16>, scalar_prefetch = 0 : i64, scratch_operands = 0 : i64, tpu.core_type = #tpu.core_type<tc>, window_params = [{transform_indices = @transform_0, window_bounds = array<i64: 2048, 192>}, {pipeline_mode = #tpu.pipeline_mode<synchronous>, transform_indices = @transform_1, window_bounds = array<i64: 192, 1>}, {pipeline_mode = #tpu.pipeline_mode<synchronous>, transform_indices = @transform_2, window_bounds = array<i64: 1>}, {transform_indices = @transform_3, window_bounds = array<i64: 2048, 1>}]} {
    %get3A = arith.constant 0 : index
    %get3A_0 = arith.constant 0 : index
    %get3A_1 = vector.load %arg1[%get3A, %get3A_0] : memref<2048x192xf32, #tpu.memory_space<vmem>>, vector<2048x192xf32>
    %get3A_2 = arith.constant 0 : index
    %get3A_3 = arith.constant 0 : index
    %get3A_4 = vector.load %arg2[%get3A_2, %get3A_3] : memref<192x1xf32, #tpu.memory_space<vmem>>, vector<192x1xf32>
    %dot_general3A = arith.constant dense<0.000000e+00> : vector<2048x1xf32>
    %dot_general3A_5 = tpu.matmul %get3A_1, %get3A_4, %dot_general3A {dimension_numbers = #tpu.dot_dimension_numbers<[1], [0], [0], [1], [0, 0, 1, 1], [], []>, transpose_lhs_hint = false} : vector<2048x192xf32>, vector<192x1xf32>, vector<2048x1xf32> -> vector<2048x1xf32>
    %get3A_6 = arith.constant 0 : index
    %get3A_7 = vector.load %arg3[%get3A_6] : memref<1xf32, #tpu.memory_space<vmem>>, vector<1xf32>
    %broadcast_in_dim3A = vector.shape_cast %get3A_7 : vector<1xf32> to vector<1x1xf32>
    %add3A = vector.broadcast %broadcast_in_dim3A : vector<1x1xf32> to vector<2048x1xf32>
    %add3A_8 = arith.addf %dot_general3A_5, %add3A : vector<2048x1xf32>
    %swap3A = arith.constant 0 : index
    %swap3A_9 = arith.constant 0 : index
    %swap3A_10 = vector.load %arg4[%swap3A, %swap3A_9] : memref<2048x1xf32, #tpu.memory_space<vmem>>, vector<2048x1xf32>
    tpu.vector_store %arg4[%swap3A, %swap3A_9], %add3A_8 {strides = array<i32>} : memref<2048x1xf32, #tpu.memory_space<vmem>>, vector<2048x1xf32>,
    return
  }
  func.func @transform_0(%arg0: i32) -> (i32, i32) {
    %c0_i32 = arith.constant 0 : i32
    %c0_i32_0 = arith.constant 0 : i32
    return %arg0, %c0_i32 : i32, i32
  }
  func.func @transform_1(%arg0: i32) -> (i32, i32) {
    %c0_i32 = arith.constant 0 : i32
    %c0_i32_0 = arith.constant 0 : i32
    %c0_i32_1 = arith.constant 0 : i32
    return %c0_i32, %c0_i32_0 : i32, i32
  }
  func.func @transform_2(%arg0: i32) -> i32 {
    %c0_i32 = arith.constant 0 : i32
    %c0_i32_0 = arith.constant 0 : i32
    return %c0_i32 : i32
  }
  func.func @transform_3(%arg0: i32) -> (i32, i32) {
    %c0_i32 = arith.constant 0 : i32
    %c0_i32_0 = arith.constant 0 : i32
    return %arg0, %c0_i32 : i32, i32
  }
}

module attributes {stable_mosaic.version = 14 : i64} {
  func.func @body(%arg0: i32, %arg1: memref<1x1x8192xf32, #tpu.memory_space<vmem>>, %arg2: memref<1x1x8192xi32, #tpu.memory_space<vmem>>) attributes {dimension_semantics = [#tpu.dimension_semantics<arbitrary>], iteration_bounds = array<i64: 4>, scalar_prefetch = 0 : i64, scratch_operands = 0 : i64, tpu.core_type = #tpu.core_type<tc>, window_params = [{transform_indices = @transform_0, window_bounds = array<i64: 1, 1, 8192>}, {transform_indices = @transform_1, window_bounds = array<i64: 1, 1, 8192>}]} {
    %get3A = arith.constant 0 : index
    %get3A_0 = arith.constant 0 : index
    %get3A_1 = arith.constant 0 : index
    %get3A_2 = vector.load %arg1[%get3A, %get3A_0, %get3A_1] : memref<1x1x8192xf32, #tpu.memory_space<vmem>>, vector<1x1x8192xf32>
    %get3A_3 = vector.shape_cast %get3A_2 : vector<1x1x8192xf32> to vector<1x8192xf32>
    %bitcast_convert_type3A = tpu.bitcast %get3A_3 : vector<1x8192xf32> -> vector<1x8192xi32>
    %iota3A = tpu.iota {dimensions = array<i32: 1>} : vector<1x8192xi32>
    %iota3A_4 = tpu.iota {dimensions = array<i32: 1>} : vector<1x8192xi32>
    %roll3A = arith.constant 8191 : i32
    %roll3A_5 = tpu.dynamic_rotate %bitcast_convert_type3A by %roll3A dim 1 : vector<1x8192xi32>, i32 -> vector<1x8192xi32>
    %roll3A_6 = arith.constant 1 : i32
    %roll3A_7 = tpu.dynamic_rotate %bitcast_convert_type3A by %roll3A_6 dim 1 : vector<1x8192xi32>, i32 -> vector<1x8192xi32>
    %roll3A_8 = arith.constant 8191 : i32
    %roll3A_9 = tpu.dynamic_rotate %iota3A by %roll3A_8 dim 1 : vector<1x8192xi32>, i32 -> vector<1x8192xi32>
    %roll3A_10 = arith.constant 1 : i32
    %roll3A_11 = tpu.dynamic_rotate %iota3A by %roll3A_10 dim 1 : vector<1x8192xi32>, i32 -> vector<1x8192xi32>
    %shift_right_arithmetic3A = arith.constant 0 : i32
    %shift_right_arithmetic3A_12 = vector.broadcast %shift_right_arithmetic3A : i32 to vector<1x8192xi32>
    %shift_right_arithmetic3A_13 = arith.shrsi %iota3A_4, %shift_right_arithmetic3A_12 : vector<1x8192xi32>
    %and3A = arith.constant 1 : i32
    %and3A_14 = vector.broadcast %and3A : i32 to vector<1x8192xi32>
    %and3A_15 = arith.andi %shift_right_arithmetic3A_13, %and3A_14 : vector<1x8192xi32>
    %eq3A = arith.constant 1 : i32
    %eq3A_16 = vector.broadcast %eq3A : i32 to vector<1x8192xi32>
    %eq3A_17 = arith.cmpi eq, %and3A_15, %eq3A_16 : vector<1x8192xi32>
    %select_n3A = arith.select %eq3A_17, %roll3A_7, %roll3A_5 : vector<1x8192xi1>, vector<1x8192xi32>
    %select_n3A_18 = arith.select %eq3A_17, %roll3A_11, %roll3A_9 : vector<1x8192xi1>, vector<1x8192xi32>
    %gt3A = arith.cmpi sgt, %bitcast_convert_type3A, %select_n3A : vector<1x8192xi32>
    %eq3A_19 = arith.cmpi eq, %bitcast_convert_type3A, %select_n3A : vector<1x8192xi32>
    %lt3A = arith.cmpi slt, %iota3A, %select_n3A_18 : vector<1x8192xi32>
    %and3A_20 = arith.andi %eq3A_19, %lt3A : vector<1x8192xi1>
    %or3A = arith.ori %gt3A, %and3A_20 : vector<1x8192xi1>
    %shift_right_arithmetic3A_21 = arith.constant 1 : i32
    %shift_right_arithmetic3A_22 = vector.broadcast %shift_right_arithmetic3A_21 : i32 to vector<1x8192xi32>
    %shift_right_arithmetic3A_23 = arith.shrsi %iota3A_4, %shift_right_arithmetic3A_22 : vector<1x8192xi32>
    %and3A_24 = arith.constant 1 : i32
    %and3A_25 = vector.broadcast %and3A_24 : i32 to vector<1x8192xi32>
    %and3A_26 = arith.andi %shift_right_arithmetic3A_23, %and3A_25 : vector<1x8192xi32>
    %eq3A_27 = arith.constant 1 : i32
    %eq3A_28 = vector.broadcast %eq3A_27 : i32 to vector<1x8192xi32>
    %eq3A_29 = arith.cmpi eq, %and3A_26, %eq3A_28 : vector<1x8192xi32>
    %xor3A = arith.xori %or3A, %eq3A_17 : vector<1x8192xi1>
    %xor3A_30 = arith.xori %xor3A, %eq3A_29 : vector<1x8192xi1>
    %select_n3A_31 = arith.select %xor3A_30, %bitcast_convert_type3A, %select_n3A : vector<1x8192xi1>, vector<1x8192xi32>
    %select_n3A_32 = arith.select %xor3A_30, %iota3A, %select_n3A_18 : vector<1x8192xi1>, vector<1x8192xi32>
    %roll3A_33 = arith.constant 8190 : i32
    %roll3A_34 = tpu.dynamic_rotate %select_n3A_31 by %roll3A_33 dim 1 : vector<1x8192xi32>, i32 -> vector<1x8192xi32>
    %roll3A_35 = arith.constant 2 : i32
    %roll3A_36 = tpu.dynamic_rotate %select_n3A_31 by %roll3A_35 dim 1 : vector<1x8192xi32>, i32 -> vector<1x8192xi32>
    %roll3A_37 = arith.constant 8190 : i32
    %roll3A_38 = tpu.dynamic_rotate %select_n3A_32 by %roll3A_37 dim 1 : vector<1x8192xi32>, i32 -> vector<1x8192xi32>
    %roll3A_39 = arith.constant 2 : i32
    %roll3A_40 = tpu.dynamic_rotate %select_n3A_32 by %roll3A_39 dim 1 : vector<1x8192xi32>, i32 -> vector<1x8192xi32>
    %shift_right_arithmetic3A_41 = arith.constant 1 : i32
    %shift_right_arithmetic3A_42 = vector.broadcast %shift_right_arithmetic3A_41 : i32 to vector<1x8192xi32>
    %shift_right_arithmetic3A_43 = arith.shrsi %iota3A_4, %shift_right_arithmetic3A_42 : vector<1x8192xi32>
    %and3A_44 = arith.constant 1 : i32
    %and3A_45 = vector.broadcast %and3A_44 : i32 to vector<1x8192xi32>
    %and3A_46 = arith.andi %shift_right_arithmetic3A_43, %and3A_45 : vector<1x8192xi32>
    %eq3A_47 = arith.constant 1 : i32
    %eq3A_48 = vector.broadcast %eq3A_47 : i32 to vector<1x8192xi32>
    %eq3A_49 = arith.cmpi eq, %and3A_46, %eq3A_48 : vector<1x8192xi32>
    %select_n3A_50 = arith.select %eq3A_49, %roll3A_36, %roll3A_34 : vector<1x8192xi1>, vector<1x8192xi32>
    %select_n3A_51 = arith.select %eq3A_49, %roll3A_40, %roll3A_38 : vector<1x8192xi1>, vector<1x8192xi32>
    %gt3A_52 = arith.cmpi sgt, %select_n3A_31, %select_n3A_50 : vector<1x8192xi32>
    %eq3A_53 = arith.cmpi eq, %select_n3A_31, %select_n3A_50 : vector<1x8192xi32>
    %lt3A_54 = arith.cmpi slt, %select_n3A_32, %select_n3A_51 : vector<1x8192xi32>
    %and3A_55 = arith.andi %eq3A_53, %lt3A_54 : vector<1x8192xi1>
    %or3A_56 = arith.ori %gt3A_52, %and3A_55 : vector<1x8192xi1>
    %shift_right_arithmetic3A_57 = arith.constant 2 : i32
    %shift_right_arithmetic3A_58 = vector.broadcast %shift_right_arithmetic3A_57 : i32 to vector<1x8192xi32>
    %shift_right_arithmetic3A_59 = arith.shrsi %iota3A_4, %shift_right_arithmetic3A_58 : vector<1x8192xi32>
    %and3A_60 = arith.constant 1 : i32
    %and3A_61 = vector.broadcast %and3A_60 : i32 to vector<1x8192xi32>
    %and3A_62 = arith.andi %shift_right_arithmetic3A_59, %and3A_61 : vector<1x8192xi32>
    %eq3A_63 = arith.constant 1 : i32
    %eq3A_64 = vector.broadcast %eq3A_63 : i32 to vector<1x8192xi32>
    %eq3A_65 = arith.cmpi eq, %and3A_62, %eq3A_64 : vector<1x8192xi32>
    %xor3A_66 = arith.xori %or3A_56, %eq3A_49 : vector<1x8192xi1>
    %xor3A_67 = arith.xori %xor3A_66, %eq3A_65 : vector<1x8192xi1>
    %select_n3A_68 = arith.select %xor3A_67, %select_n3A_31, %select_n3A_50 : vector<1x8192xi1>, vector<1x8192xi32>
    %select_n3A_69 = arith.select %xor3A_67, %select_n3A_32, %select_n3A_51 : vector<1x8192xi1>, vector<1x8192xi32>
    %roll3A_70 = arith.constant 8191 : i32
    %roll3A_71 = tpu.dynamic_rotate %select_n3A_68 by %roll3A_70 dim 1 : vector<1x8192xi32>, i32 -> vector<1x8192xi32>
    %roll3A_72 = arith.constant 1 : i32
    %roll3A_73 = tpu.dynamic_rotate %select_n3A_68 by %roll3A_72 dim 1 : vector<1x8192xi32>, i32 -> vector<1x8192xi32>
    %roll3A_74 = arith.constant 8191 : i32
    %roll3A_75 = tpu.dynamic_rotate %select_n3A_69 by %roll3A_74 dim 1 : vector<1x8192xi32>, i32 -> vector<1x8192xi32>
    %roll3A_76 = arith.constant 1 : i32
    %roll3A_77 = tpu.dynamic_rotate %select_n3A_69 by %roll3A_76 dim 1 : vector<1x8192xi32>, i32 -> vector<1x8192xi32>
    %shift_right_arithmetic3A_78 = arith.constant 0 : i32
    %shift_right_arithmetic3A_79 = vector.broadcast %shift_right_arithmetic3A_78 : i32 to vector<1x8192xi32>
    %shift_right_arithmetic3A_80 = arith.shrsi %iota3A_4, %shift_right_arithmetic3A_79 : vector<1x8192xi32>
    %and3A_81 = arith.constant 1 : i32
    %and3A_82 = vector.broadcast %and3A_81 : i32 to vector<1x8192xi32>
    %and3A_83 = arith.andi %shift_right_arithmetic3A_80, %and3A_82 : vector<1x8192xi32>
    %eq3A_84 = arith.constant 1 : i32
    %eq3A_85 = vector.broadcast %eq3A_84 : i32 to vector<1x8192xi32>
    %eq3A_86 = arith.cmpi eq, %and3A_83, %eq3A_85 : vector<1x8192xi32>
    %select_n3A_87 = arith.select %eq3A_86, %roll3A_73, %roll3A_71 : vector<1x8192xi1>, vector<1x8192xi32>
    %select_n3A_88 = arith.select %eq3A_86, %roll3A_77, %roll3A_75 : vector<1x8192xi1>, vector<1x8192xi32>
    %gt3A_89 = arith.cmpi sgt, %select_n3A_68, %select_n3A_87 : vector<1x8192xi32>
    %eq3A_90 = arith.cmpi eq, %select_n3A_68, %select_n3A_87 : vector<1x8192xi32>
    %lt3A_91 = arith.cmpi slt, %select_n3A_69, %select_n3A_88 : vector<1x8192xi32>
    %and3A_92 = arith.andi %eq3A_90, %lt3A_91 : vector<1x8192xi1>
    %or3A_93 = arith.ori %gt3A_89, %and3A_92 : vector<1x8192xi1>
    %shift_right_arithmetic3A_94 = arith.constant 2 : i32
    %shift_right_arithmetic3A_95 = vector.broadcast %shift_right_arithmetic3A_94 : i32 to vector<1x8192xi32>
    %shift_right_arithmetic3A_96 = arith.shrsi %iota3A_4, %shift_right_arithmetic3A_95 : vector<1x8192xi32>
    %and3A_97 = arith.constant 1 : i32
    %and3A_98 = vector.broadcast %and3A_97 : i32 to vector<1x8192xi32>
    %and3A_99 = arith.andi %shift_right_arithmetic3A_96, %and3A_98 : vector<1x8192xi32>
    %eq3A_100 = arith.constant 1 : i32
    %eq3A_101 = vector.broadcast %eq3A_100 : i32 to vector<1x8192xi32>
    %eq3A_102 = arith.cmpi eq, %and3A_99, %eq3A_101 : vector<1x8192xi32>
    %xor3A_103 = arith.xori %or3A_93, %eq3A_86 : vector<1x8192xi1>
    %xor3A_104 = arith.xori %xor3A_103, %eq3A_102 : vector<1x8192xi1>
    %select_n3A_105 = arith.select %xor3A_104, %select_n3A_68, %select_n3A_87 : vector<1x8192xi1>, vector<1x8192xi32>
    %select_n3A_106 = arith.select %xor3A_104, %select_n3A_69, %select_n3A_88 : vector<1x8192xi1>, vector<1x8192xi32>
    %roll3A_107 = arith.constant 8188 : i32
    %roll3A_108 = tpu.dynamic_rotate %select_n3A_105 by %roll3A_107 dim 1 : vector<1x8192xi32>, i32 -> vector<1x8192xi32>
    %roll3A_109 = arith.constant 4 : i32
    %roll3A_110 = tpu.dynamic_rotate %select_n3A_105 by %roll3A_109 dim 1 : vector<1x8192xi32>, i32 -> vector<1x8192xi32>
    %roll3A_111 = arith.constant 8188 : i32
    %roll3A_112 = tpu.dynamic_rotate %select_n3A_106 by %roll3A_111 dim 1 : vector<1x8192xi32>, i32 -> vector<1x8192xi32>
    %roll3A_113 = arith.constant 4 : i32
    %roll3A_114 = tpu.dynamic_rotate %select_n3A_106 by %roll3A_113 dim 1 : vector<1x8192xi32>, i32 -> vector<1x8192xi32>
    %shift_right_arithmetic3A_115 = arith.constant 2 : i32
    %shift_right_arithmetic3A_116 = vector.broadcast %shift_right_arithmetic3A_115 : i32 to vector<1x8192xi32>
    %shift_right_arithmetic3A_117 = arith.shrsi %iota3A_4, %shift_right_arithmetic3A_116 : vector<1x8192xi32>
    %and3A_118 = arith.constant 1 : i32
    %and3A_119 = vector.broadcast %and3A_118 : i32 to vector<1x8192xi32>
    %and3A_120 = arith.andi %shift_right_arithmetic3A_117, %and3A_119 : vector<1x8192xi32>
    %eq3A_121 = arith.constant 1 : i32
    %eq3A_122 = vector.broadcast %eq3A_121 : i32 to vector<1x8192xi32>
    %eq3A_123 = arith.cmpi eq, %and3A_120, %eq3A_122 : vector<1x8192xi32>
    %select_n3A_124 = arith.select %eq3A_123, %roll3A_110, %roll3A_108 : vector<1x8192xi1>, vector<1x8192xi32>
    %select_n3A_125 = arith.select %eq3A_123, %roll3A_114, %roll3A_112 : vector<1x8192xi1>, vector<1x8192xi32>
    %gt3A_126 = arith.cmpi sgt, %select_n3A_105, %select_n3A_124 : vector<1x8192xi32>
    %eq3A_127 = arith.cmpi eq, %select_n3A_105, %select_n3A_124 : vector<1x8192xi32>
    %lt3A_128 = arith.cmpi slt, %select_n3A_106, %select_n3A_125 : vector<1x8192xi32>
    %and3A_129 = arith.andi %eq3A_127, %lt3A_128 : vector<1x8192xi1>
    %or3A_130 = arith.ori %gt3A_126, %and3A_129 : vector<1x8192xi1>
    %shift_right_arithmetic3A_131 = arith.constant 3 : i32
    %shift_right_arithmetic3A_132 = vector.broadcast %shift_right_arithmetic3A_131 : i32 to vector<1x8192xi32>
    %shift_right_arithmetic3A_133 = arith.shrsi %iota3A_4, %shift_right_arithmetic3A_132 : vector<1x8192xi32>
    %and3A_134 = arith.constant 1 : i32
    %and3A_135 = vector.broadcast %and3A_134 : i32 to vector<1x8192xi32>
    %and3A_136 = arith.andi %shift_right_arithmetic3A_133, %and3A_135 : vector<1x8192xi32>
    %eq3A_137 = arith.constant 1 : i32
    %eq3A_138 = vector.broadcast %eq3A_137 : i32 to vector<1x8192xi32>
    %eq3A_139 = arith.cmpi eq, %and3A_136, %eq3A_138 : vector<1x8192xi32>
    %xor3A_140 = arith.xori %or3A_130, %eq3A_123 : vector<1x8192xi1>
    %xor3A_141 = arith.xori %xor3A_140, %eq3A_139 : vector<1x8192xi1>
    %select_n3A_142 = arith.select %xor3A_141, %select_n3A_105, %select_n3A_124 : vector<1x8192xi1>, vector<1x8192xi32>
    %select_n3A_143 = arith.select %xor3A_141, %select_n3A_106, %select_n3A_125 : vector<1x8192xi1>, vector<1x8192xi32>
    %roll3A_144 = arith.constant 8190 : i32
    %roll3A_145 = tpu.dynamic_rotate %select_n3A_142 by %roll3A_144 dim 1 : vector<1x8192xi32>, i32 -> vector<1x8192xi32>
    %roll3A_146 = arith.constant 2 : i32
    %roll3A_147 = tpu.dynamic_rotate %select_n3A_142 by %roll3A_146 dim 1 : vector<1x8192xi32>, i32 -> vector<1x8192xi32>
    %roll3A_148 = arith.constant 8190 : i32
    %roll3A_149 = tpu.dynamic_rotate %select_n3A_143 by %roll3A_148 dim 1 : vector<1x8192xi32>, i32 -> vector<1x8192xi32>
    %roll3A_150 = arith.constant 2 : i32
    %roll3A_151 = tpu.dynamic_rotate %select_n3A_143 by %roll3A_150 dim 1 : vector<1x8192xi32>, i32 -> vector<1x8192xi32>
    %shift_right_arithmetic3A_152 = arith.constant 1 : i32
    %shift_right_arithmetic3A_153 = vector.broadcast %shift_right_arithmetic3A_152 : i32 to vector<1x8192xi32>
    %shift_right_arithmetic3A_154 = arith.shrsi %iota3A_4, %shift_right_arithmetic3A_153 : vector<1x8192xi32>
    %and3A_155 = arith.constant 1 : i32
    %and3A_156 = vector.broadcast %and3A_155 : i32 to vector<1x8192xi32>
    %and3A_157 = arith.andi %shift_right_arithmetic3A_154, %and3A_156 : vector<1x8192xi32>
    %eq3A_158 = arith.constant 1 : i32
    %eq3A_159 = vector.broadcast %eq3A_158 : i32 to vector<1x8192xi32>
    %eq3A_160 = arith.cmpi eq, %and3A_157, %eq3A_159 : vector<1x8192xi32>
    %select_n3A_161 = arith.select %eq3A_160, %roll3A_147, %roll3A_145 : vector<1x8192xi1>, vector<1x8192xi32>
    %select_n3A_162 = arith.select %eq3A_160, %roll3A_151, %roll3A_149 : vector<1x8192xi1>, vector<1x8192xi32>
    %gt3A_163 = arith.cmpi sgt, %select_n3A_142, %select_n3A_161 : vector<1x8192xi32>
    %eq3A_164 = arith.cmpi eq, %select_n3A_142, %select_n3A_161 : vector<1x8192xi32>
    %lt3A_165 = arith.cmpi slt, %select_n3A_143, %select_n3A_162 : vector<1x8192xi32>
    %and3A_166 = arith.andi %eq3A_164, %lt3A_165 : vector<1x8192xi1>
    %or3A_167 = arith.ori %gt3A_163, %and3A_166 : vector<1x8192xi1>
    %shift_right_arithmetic3A_168 = arith.constant 3 : i32
    %shift_right_arithmetic3A_169 = vector.broadcast %shift_right_arithmetic3A_168 : i32 to vector<1x8192xi32>
    %shift_right_arithmetic3A_170 = arith.shrsi %iota3A_4, %shift_right_arithmetic3A_169 : vector<1x8192xi32>
    %and3A_171 = arith.constant 1 : i32
    %and3A_172 = vector.broadcast %and3A_171 : i32 to vector<1x8192xi32>
    %and3A_173 = arith.andi %shift_right_arithmetic3A_170, %and3A_172 : vector<1x8192xi32>
    %eq3A_174 = arith.constant 1 : i32
    %eq3A_175 = vector.broadcast %eq3A_174 : i32 to vector<1x8192xi32>
    %eq3A_176 = arith.cmpi eq, %and3A_173, %eq3A_175 : vector<1x8192xi32>
    %xor3A_177 = arith.xori %or3A_167, %eq3A_160 : vector<1x8192xi1>
    %xor3A_178 = arith.xori %xor3A_177, %eq3A_176 : vector<1x8192xi1>
    %select_n3A_179 = arith.select %xor3A_178, %select_n3A_142, %select_n3A_161 : vector<1x8192xi1>, vector<1x8192xi32>
    %select_n3A_180 = arith.select %xor3A_178, %select_n3A_143, %select_n3A_162 : vector<1x8192xi1>, vector<1x8192xi32>
    %roll3A_181 = arith.constant 8191 : i32
    %roll3A_182 = tpu.dynamic_rotate %select_n3A_179 by %roll3A_181 dim 1 : vector<1x8192xi32>, i32 -> vector<1x8192xi32>
    %roll3A_183 = arith.constant 1 : i32
    %roll3A_184 = tpu.dynamic_rotate %select_n3A_179 by %roll3A_183 dim 1 : vector<1x8192xi32>, i32 -> vector<1x8192xi32>
    %roll3A_185 = arith.constant 8191 : i32
    %roll3A_186 = tpu.dynamic_rotate %select_n3A_180 by %roll3A_185 dim 1 : vector<1x8192xi32>, i32 -> vector<1x8192xi32>
    %roll3A_187 = arith.constant 1 : i32
    %roll3A_188 = tpu.dynamic_rotate %select_n3A_180 by %roll3A_187 dim 1 : vector<1x8192xi32>, i32 -> vector<1x8192xi32>
    %shift_right_arithmetic3A_189 = arith.constant 0 : i32
    %shift_right_arithmetic3A_190 = vector.broadcast %shift_right_arithmetic3A_189 : i32 to vector<1x8192xi32>
    %shift_right_arithmetic3A_191 = arith.shrsi %iota3A_4, %shift_right_arithmetic3A_190 : vector<1x8192xi32>
    %and3A_192 = arith.constant 1 : i32
    %and3A_193 = vector.broadcast %and3A_192 : i32 to vector<1x8192xi32>
    %and3A_194 = arith.andi %shift_right_arithmetic3A_191, %and3A_193 : vector<1x8192xi32>
    %eq3A_195 = arith.constant 1 : i32
    %eq3A_196 = vector.broadcast %eq3A_195 : i32 to vector<1x8192xi32>
    %eq3A_197 = arith.cmpi eq, %and3A_194, %eq3A_196 : vector<1x8192xi32>
    %select_n3A_198 = arith.select %eq3A_197, %roll3A_184, %roll3A_182 : vector<1x8192xi1>, vector<1x8192xi32>
    %select_n3A_199 = arith.select %eq3A_197, %roll3A_188, %roll3A_186 : vector<1x8192xi1>, vector<1x8192xi32>
    %gt3A_200 = arith.cmpi sgt, %select_n3A_179, %select_n3A_198 : vector<1x8192xi32>
    %eq3A_201 = arith.cmpi eq, %select_n3A_179, %select_n3A_198 : vector<1x8192xi32>
    %lt3A_202 = arith.cmpi slt, %select_n3A_180, %select_n3A_199 : vector<1x8192xi32>
    %and3A_203 = arith.andi %eq3A_201, %lt3A_202 : vector<1x8192xi1>
    %or3A_204 = arith.ori %gt3A_200, %and3A_203 : vector<1x8192xi1>
    %shift_right_arithmetic3A_205 = arith.constant 3 : i32
    %shift_right_arithmetic3A_206 = vector.broadcast %shift_right_arithmetic3A_205 : i32 to vector<1x8192xi32>
    %shift_right_arithmetic3A_207 = arith.shrsi %iota3A_4, %shift_right_arithmetic3A_206 : vector<1x8192xi32>
    %and3A_208 = arith.constant 1 : i32
    %and3A_209 = vector.broadcast %and3A_208 : i32 to vector<1x8192xi32>
    %and3A_210 = arith.andi %shift_right_arithmetic3A_207, %and3A_209 : vector<1x8192xi32>
    %eq3A_211 = arith.constant 1 : i32
    %eq3A_212 = vector.broadcast %eq3A_211 : i32 to vector<1x8192xi32>
    %eq3A_213 = arith.cmpi eq, %and3A_210, %eq3A_212 : vector<1x8192xi32>
    %xor3A_214 = arith.xori %or3A_204, %eq3A_197 : vector<1x8192xi1>
    %xor3A_215 = arith.xori %xor3A_214, %eq3A_213 : vector<1x8192xi1>
    %select_n3A_216 = arith.select %xor3A_215, %select_n3A_179, %select_n3A_198 : vector<1x8192xi1>, vector<1x8192xi32>
    %select_n3A_217 = arith.select %xor3A_215, %select_n3A_180, %select_n3A_199 : vector<1x8192xi1>, vector<1x8192xi32>
    %roll3A_218 = arith.constant 8184 : i32
    %roll3A_219 = tpu.dynamic_rotate %select_n3A_216 by %roll3A_218 dim 1 : vector<1x8192xi32>, i32 -> vector<1x8192xi32>
    %roll3A_220 = arith.constant 8 : i32
    %roll3A_221 = tpu.dynamic_rotate %select_n3A_216 by %roll3A_220 dim 1 : vector<1x8192xi32>, i32 -> vector<1x8192xi32>
    %roll3A_222 = arith.constant 8184 : i32
    %roll3A_223 = tpu.dynamic_rotate %select_n3A_217 by %roll3A_222 dim 1 : vector<1x8192xi32>, i32 -> vector<1x8192xi32>
    %roll3A_224 = arith.constant 8 : i32
    %roll3A_225 = tpu.dynamic_rotate %select_n3A_217 by %roll3A_224 dim 1 : vector<1x8192xi32>, i32 -> vector<1x8192xi32>
    %shift_right_arithmetic3A_226 = arith.constant 3 : i32
    %shift_right_arithmetic3A_227 = vector.broadcast %shift_right_arithmetic3A_226 : i32 to vector<1x8192xi32>
    %shift_right_arithmetic3A_228 = arith.shrsi %iota3A_4, %shift_right_arithmetic3A_227 : vector<1x8192xi32>
    %and3A_229 = arith.constant 1 : i32
    %and3A_230 = vector.broadcast %and3A_229 : i32 to vector<1x8192xi32>
    %and3A_231 = arith.andi %shift_right_arithmetic3A_228, %and3A_230 : vector<1x8192xi32>
    %eq3A_232 = arith.constant 1 : i32
    %eq3A_233 = vector.broadcast %eq3A_232 : i32 to vector<1x8192xi32>
    %eq3A_234 = arith.cmpi eq, %and3A_231, %eq3A_233 : vector<1x8192xi32>
    %select_n3A_235 = arith.select %eq3A_234, %roll3A_221, %roll3A_219 : vector<1x8192xi1>, vector<1x8192xi32>
    %select_n3A_236 = arith.select %eq3A_234, %roll3A_225, %roll3A_223 : vector<1x8192xi1>, vector<1x8192xi32>
    %gt3A_237 = arith.cmpi sgt, %select_n3A_216, %select_n3A_235 : vector<1x8192xi32>
    %eq3A_238 = arith.cmpi eq, %select_n3A_216, %select_n3A_235 : vector<1x8192xi32>
    %lt3A_239 = arith.cmpi slt, %select_n3A_217, %select_n3A_236 : vector<1x8192xi32>
    %and3A_240 = arith.andi %eq3A_238, %lt3A_239 : vector<1x8192xi1>
    %or3A_241 = arith.ori %gt3A_237, %and3A_240 : vector<1x8192xi1>
    %shift_right_arithmetic3A_242 = arith.constant 4 : i32
    %shift_right_arithmetic3A_243 = vector.broadcast %shift_right_arithmetic3A_242 : i32 to vector<1x8192xi32>
    %shift_right_arithmetic3A_244 = arith.shrsi %iota3A_4, %shift_right_arithmetic3A_243 : vector<1x8192xi32>
    %and3A_245 = arith.constant 1 : i32
    %and3A_246 = vector.broadcast %and3A_245 : i32 to vector<1x8192xi32>
    %and3A_247 = arith.andi %shift_right_arithmetic3A_244, %and3A_246 : vector<1x8192xi32>
    %eq3A_248 = arith.constant 1 : i32
    %eq3A_249 = vector.broadcast %eq3A_248 : i32 to vector<1x8192xi32>
    %eq3A_250 = arith.cmpi eq, %and3A_247, %eq3A_249 : vector<1x8192xi32>
    %xor3A_251 = arith.xori %or3A_241, %eq3A_234 : vector<1x8192xi1>
    %xor3A_252 = arith.xori %xor3A_251, %eq3A_250 : vector<1x8192xi1>
    %select_n3A_253 = arith.select %xor3A_252, %select_n3A_216, %select_n3A_235 : vector<1x8192xi1>, vector<1x8192xi32>
    %select_n3A_254 = arith.select %xor3A_252, %select_n3A_217, %select_n3A_236 : vector<1x8192xi1>, vector<1x8192xi32>
    %roll3A_255 = arith.constant 8188 : i32
    %roll3A_256 = tpu.dynamic_rotate %select_n3A_253 by %roll3A_255 dim 1 : vector<1x8192xi32>, i32 -> vector<1x8192xi32>
    %roll3A_257 = arith.constant 4 : i32
    %roll3A_258 = tpu.dynamic_rotate %select_n3A_253 by %roll3A_257 dim 1 : vector<1x8192xi32>, i32 -> vector<1x8192xi32>
    %roll3A_259 = arith.constant 8188 : i32
    %roll3A_260 = tpu.dynamic_rotate %select_n3A_254 by %roll3A_259 dim 1 : vector<1x8192xi32>, i32 -> vector<1x8192xi32>
    %roll3A_261 = arith.constant 4 : i32
    %roll3A_262 = tpu.dynamic_rotate %select_n3A_254 by %roll3A_261 dim 1 : vector<1x8192xi32>, i32 -> vector<1x8192xi32>
    %shift_right_arithmetic3A_263 = arith.constant 2 : i32
    %shift_right_arithmetic3A_264 = vector.broadcast %shift_right_arithmetic3A_263 : i32 to vector<1x8192xi32>
    %shift_right_arithmetic3A_265 = arith.shrsi %iota3A_4, %shift_right_arithmetic3A_264 : vector<1x8192xi32>
    %and3A_266 = arith.constant 1 : i32
    %and3A_267 = vector.broadcast %and3A_266 : i32 to vector<1x8192xi32>
    %and3A_268 = arith.andi %shift_right_arithmetic3A_265, %and3A_267 : vector<1x8192xi32>
    %eq3A_269 = arith.constant 1 : i32
    %eq3A_270 = vector.broadcast %eq3A_269 : i32 to vector<1x8192xi32>
    %eq3A_271 = arith.cmpi eq, %and3A_268, %eq3A_270 : vector<1x8192xi32>
    %select_n3A_272 = arith.select %eq3A_271, %roll3A_258, %roll3A_256 : vector<1x8192xi1>, vector<1x8192xi32>
    %select_n3A_273 = arith.select %eq3A_271, %roll3A_262, %roll3A_260 : vector<1x8192xi1>, vector<1x8192xi32>
    %gt3A_274 = arith.cmpi sgt, %select_n3A_253, %select_n3A_272 : vector<1x8192xi32>
    %eq3A_275 = arith.cmpi eq, %select_n3A_253, %select_n3A_272 : vector<1x8192xi32>
    %lt3A_276 = arith.cmpi slt, %select_n3A_254, %select_n3A_273 : vector<1x8192xi32>
    %and3A_277 = arith.andi %eq3A_275, %lt3A_276 : vector<1x8192xi1>
    %or3A_278 = arith.ori %gt3A_274, %and3A_277 : vector<1x8192xi1>
    %shift_right_arithmetic3A_279 = arith.constant 4 : i32
    %shift_right_arithmetic3A_280 = vector.broadcast %shift_right_arithmetic3A_279 : i32 to vector<1x8192xi32>
    %shift_right_arithmetic3A_281 = arith.shrsi %iota3A_4, %shift_right_arithmetic3A_280 : vector<1x8192xi32>
    %and3A_282 = arith.constant 1 : i32
    %and3A_283 = vector.broadcast %and3A_282 : i32 to vector<1x8192xi32>
    %and3A_284 = arith.andi %shift_right_arithmetic3A_281, %and3A_283 : vector<1x8192xi32>
    %eq3A_285 = arith.constant 1 : i32
    %eq3A_286 = vector.broadcast %eq3A_285 : i32 to vector<1x8192xi32>
    %eq3A_287 = arith.cmpi eq, %and3A_284, %eq3A_286 : vector<1x8192xi32>
    %xor3A_288 = arith.xori %or3A_278, %eq3A_271 : vector<1x8192xi1>
    %xor3A_289 = arith.xori %xor3A_288, %eq3A_287 : vector<1x8192xi1>
    %select_n3A_290 = arith.select %xor3A_289, %select_n3A_253, %select_n3A_272 : vector<1x8192xi1>, vector<1x8192xi32>
    %select_n3A_291 = arith.select %xor3A_289, %select_n3A_254, %select_n3A_273 : vector<1x8192xi1>, vector<1x8192xi32>
    %roll3A_292 = arith.constant 8190 : i32
    %roll3A_293 = tpu.dynamic_rotate %select_n3A_290 by %roll3A_292 dim 1 : vector<1x8192xi32>, i32 -> vector<1x8192xi32>
    %roll3A_294 = arith.constant 2 : i32
    %roll3A_295 = tpu.dynamic_rotate %select_n3A_290 by %roll3A_294 dim 1 : vector<1x8192xi32>, i32 -> vector<1x8192xi32>
    %roll3A_296 = arith.constant 8190 : i32
    %roll3A_297 = tpu.dynamic_rotate %select_n3A_291 by %roll3A_296 dim 1 : vector<1x8192xi32>, i32 -> vector<1x8192xi32>
    %roll3A_298 = arith.constant 2 : i32
    %roll3A_299 = tpu.dynamic_rotate %select_n3A_291 by %roll3A_298 dim 1 : vector<1x8192xi32>, i32 -> vector<1x8192xi32>
    %shift_right_arithmetic3A_300 = arith.constant 1 : i32
    %shift_right_arithmetic3A_301 = vector.broadcast %shift_right_arithmetic3A_300 : i32 to vector<1x8192xi32>
    %shift_right_arithmetic3A_302 = arith.shrsi %iota3A_4, %shift_right_arithmetic3A_301 : vector<1x8192xi32>
    %and3A_303 = arith.constant 1 : i32
    %and3A_304 = vector.broadcast %and3A_303 : i32 to vector<1x8192xi32>
    %and3A_305 = arith.andi %shift_right_arithmetic3A_302, %and3A_304 : vector<1x8192xi32>
    %eq3A_306 = arith.constant 1 : i32
    %eq3A_307 = vector.broadcast %eq3A_306 : i32 to vector<1x8192xi32>
    %eq3A_308 = arith.cmpi eq, %and3A_305, %eq3A_307 : vector<1x8192xi32>
    %select_n3A_309 = arith.select %eq3A_308, %roll3A_295, %roll3A_293 : vector<1x8192xi1>, vector<1x8192xi32>
    %select_n3A_310 = arith.select %eq3A_308, %roll3A_299, %roll3A_297 : vector<1x8192xi1>, vector<1x8192xi32>
    %gt3A_311 = arith.cmpi sgt, %select_n3A_290, %select_n3A_309 : vector<1x8192xi32>
    %eq3A_312 = arith.cmpi eq, %select_n3A_290, %select_n3A_309 : vector<1x8192xi32>
    %lt3A_313 = arith.cmpi slt, %select_n3A_291, %select_n3A_310 : vector<1x8192xi32>
    %and3A_314 = arith.andi %eq3A_312, %lt3A_313 : vector<1x8192xi1>
    %or3A_315 = arith.ori %gt3A_311, %and3A_314 : vector<1x8192xi1>
    %shift_right_arithmetic3A_316 = arith.constant 4 : i32
    %shift_right_arithmetic3A_317 = vector.broadcast %shift_right_arithmetic3A_316 : i32 to vector<1x8192xi32>
    %shift_right_arithmetic3A_318 = arith.shrsi %iota3A_4, %shift_right_arithmetic3A_317 : vector<1x8192xi32>
    %and3A_319 = arith.constant 1 : i32
    %and3A_320 = vector.broadcast %and3A_319 : i32 to vector<1x8192xi32>
    %and3A_321 = arith.andi %shift_right_arithmetic3A_318, %and3A_320 : vector<1x8192xi32>
    %eq3A_322 = arith.constant 1 : i32
    %eq3A_323 = vector.broadcast %eq3A_322 : i32 to vector<1x8192xi32>
    %eq3A_324 = arith.cmpi eq, %and3A_321, %eq3A_323 : vector<1x8192xi32>
    %xor3A_325 = arith.xori %or3A_315, %eq3A_308 : vector<1x8192xi1>
    %xor3A_326 = arith.xori %xor3A_325, %eq3A_324 : vector<1x8192xi1>
    %select_n3A_327 = arith.select %xor3A_326, %select_n3A_290, %select_n3A_309 : vector<1x8192xi1>, vector<1x8192xi32>
    %select_n3A_328 = arith.select %xor3A_326, %select_n3A_291, %select_n3A_310 : vector<1x8192xi1>, vector<1x8192xi32>
    %roll3A_329 = arith.constant 8191 : i32
    %roll3A_330 = tpu.dynamic_rotate %select_n3A_327 by %roll3A_329 dim 1 : vector<1x8192xi32>, i32 -> vector<1x8192xi32>
    %roll3A_331 = arith.constant 1 : i32
    %roll3A_332 = tpu.dynamic_rotate %select_n3A_327 by %roll3A_331 dim 1 : vector<1x8192xi32>, i32 -> vector<1x8192xi32>
    %roll3A_333 = arith.constant 8191 : i32
    %roll3A_334 = tpu.dynamic_rotate %select_n3A_328 by %roll3A_333 dim 1 : vector<1x8192xi32>, i32 -> vector<1x8192xi32>
    %roll3A_335 = arith.constant 1 : i32
    %roll3A_336 = tpu.dynamic_rotate %select_n3A_328 by %roll3A_335 dim 1 : vector<1x8192xi32>, i32 -> vector<1x8192xi32>
    %shift_right_arithmetic3A_337 = arith.constant 0 : i32
    %shift_right_arithmetic3A_338 = vector.broadcast %shift_right_arithmetic3A_337 : i32 to vector<1x8192xi32>
    %shift_right_arithmetic3A_339 = arith.shrsi %iota3A_4, %shift_right_arithmetic3A_338 : vector<1x8192xi32>
    %and3A_340 = arith.constant 1 : i32
    %and3A_341 = vector.broadcast %and3A_340 : i32 to vector<1x8192xi32>
    %and3A_342 = arith.andi %shift_right_arithmetic3A_339, %and3A_341 : vector<1x8192xi32>
    %eq3A_343 = arith.constant 1 : i32
    %eq3A_344 = vector.broadcast %eq3A_343 : i32 to vector<1x8192xi32>
    %eq3A_345 = arith.cmpi eq, %and3A_342, %eq3A_344 : vector<1x8192xi32>
    %select_n3A_346 = arith.select %eq3A_345, %roll3A_332, %roll3A_330 : vector<1x8192xi1>, vector<1x8192xi32>
    %select_n3A_347 = arith.select %eq3A_345, %roll3A_336, %roll3A_334 : vector<1x8192xi1>, vector<1x8192xi32>
    %gt3A_348 = arith.cmpi sgt, %select_n3A_327, %select_n3A_346 : vector<1x8192xi32>
    %eq3A_349 = arith.cmpi eq, %select_n3A_327, %select_n3A_346 : vector<1x8192xi32>
    %lt3A_350 = arith.cmpi slt, %select_n3A_328, %select_n3A_347 : vector<1x8192xi32>
    %and3A_351 = arith.andi %eq3A_349, %lt3A_350 : vector<1x8192xi1>
    %or3A_352 = arith.ori %gt3A_348, %and3A_351 : vector<1x8192xi1>
    %shift_right_arithmetic3A_353 = arith.constant 4 : i32
    %shift_right_arithmetic3A_354 = vector.broadcast %shift_right_arithmetic3A_353 : i32 to vector<1x8192xi32>
    %shift_right_arithmetic3A_355 = arith.shrsi %iota3A_4, %shift_right_arithmetic3A_354 : vector<1x8192xi32>
    %and3A_356 = arith.constant 1 : i32
    %and3A_357 = vector.broadcast %and3A_356 : i32 to vector<1x8192xi32>
    %and3A_358 = arith.andi %shift_right_arithmetic3A_355, %and3A_357 : vector<1x8192xi32>
    %eq3A_359 = arith.constant 1 : i32
    %eq3A_360 = vector.broadcast %eq3A_359 : i32 to vector<1x8192xi32>
    %eq3A_361 = arith.cmpi eq, %and3A_358, %eq3A_360 : vector<1x8192xi32>
    %xor3A_362 = arith.xori %or3A_352, %eq3A_345 : vector<1x8192xi1>
    %xor3A_363 = arith.xori %xor3A_362, %eq3A_361 : vector<1x8192xi1>
    %select_n3A_364 = arith.select %xor3A_363, %select_n3A_327, %select_n3A_346 : vector<1x8192xi1>, vector<1x8192xi32>
    %select_n3A_365 = arith.select %xor3A_363, %select_n3A_328, %select_n3A_347 : vector<1x8192xi1>, vector<1x8192xi32>
    %roll3A_366 = arith.constant 8176 : i32
    %roll3A_367 = tpu.dynamic_rotate %select_n3A_364 by %roll3A_366 dim 1 : vector<1x8192xi32>, i32 -> vector<1x8192xi32>
    %roll3A_368 = arith.constant 16 : i32
    %roll3A_369 = tpu.dynamic_rotate %select_n3A_364 by %roll3A_368 dim 1 : vector<1x8192xi32>, i32 -> vector<1x8192xi32>
    %roll3A_370 = arith.constant 8176 : i32
    %roll3A_371 = tpu.dynamic_rotate %select_n3A_365 by %roll3A_370 dim 1 : vector<1x8192xi32>, i32 -> vector<1x8192xi32>
    %roll3A_372 = arith.constant 16 : i32
    %roll3A_373 = tpu.dynamic_rotate %select_n3A_365 by %roll3A_372 dim 1 : vector<1x8192xi32>, i32 -> vector<1x8192xi32>
    %shift_right_arithmetic3A_374 = arith.constant 4 : i32
    %shift_right_arithmetic3A_375 = vector.broadcast %shift_right_arithmetic3A_374 : i32 to vector<1x8192xi32>
    %shift_right_arithmetic3A_376 = arith.shrsi %iota3A_4, %shift_right_arithmetic3A_375 : vector<1x8192xi32>
    %and3A_377 = arith.constant 1 : i32
    %and3A_378 = vector.broadcast %and3A_377 : i32 to vector<1x8192xi32>
    %and3A_379 = arith.andi %shift_right_arithmetic3A_376, %and3A_378 : vector<1x8192xi32>
    %eq3A_380 = arith.constant 1 : i32
    %eq3A_381 = vector.broadcast %eq3A_380 : i32 to vector<1x8192xi32>
    %eq3A_382 = arith.cmpi eq, %and3A_379, %eq3A_381 : vector<1x8192xi32>
    %select_n3A_383 = arith.select %eq3A_382, %roll3A_369, %roll3A_367 : vector<1x8192xi1>, vector<1x8192xi32>
    %select_n3A_384 = arith.select %eq3A_382, %roll3A_373, %roll3A_371 : vector<1x8192xi1>, vector<1x8192xi32>
    %gt3A_385 = arith.cmpi sgt, %select_n3A_364, %select_n3A_383 : vector<1x8192xi32>
    %eq3A_386 = arith.cmpi eq, %select_n3A_364, %select_n3A_383 : vector<1x8192xi32>
    %lt3A_387 = arith.cmpi slt, %select_n3A_365, %select_n3A_384 : vector<1x8192xi32>
    %and3A_388 = arith.andi %eq3A_386, %lt3A_387 : vector<1x8192xi1>
    %or3A_389 = arith.ori %gt3A_385, %and3A_388 : vector<1x8192xi1>
    %shift_right_arithmetic3A_390 = arith.constant 5 : i32
    %shift_right_arithmetic3A_391 = vector.broadcast %shift_right_arithmetic3A_390 : i32 to vector<1x8192xi32>
    %shift_right_arithmetic3A_392 = arith.shrsi %iota3A_4, %shift_right_arithmetic3A_391 : vector<1x8192xi32>
    %and3A_393 = arith.constant 1 : i32
    %and3A_394 = vector.broadcast %and3A_393 : i32 to vector<1x8192xi32>
    %and3A_395 = arith.andi %shift_right_arithmetic3A_392, %and3A_394 : vector<1x8192xi32>
    %eq3A_396 = arith.constant 1 : i32
    %eq3A_397 = vector.broadcast %eq3A_396 : i32 to vector<1x8192xi32>
    %eq3A_398 = arith.cmpi eq, %and3A_395, %eq3A_397 : vector<1x8192xi32>
    %xor3A_399 = arith.xori %or3A_389, %eq3A_382 : vector<1x8192xi1>
    %xor3A_400 = arith.xori %xor3A_399, %eq3A_398 : vector<1x8192xi1>
    %select_n3A_401 = arith.select %xor3A_400, %select_n3A_364, %select_n3A_383 : vector<1x8192xi1>, vector<1x8192xi32>
    %select_n3A_402 = arith.select %xor3A_400, %select_n3A_365, %select_n3A_384 : vector<1x8192xi1>, vector<1x8192xi32>
    %roll3A_403 = arith.constant 8184 : i32
    %roll3A_404 = tpu.dynamic_rotate %select_n3A_401 by %roll3A_403 dim 1 : vector<1x8192xi32>, i32 -> vector<1x8192xi32>
    %roll3A_405 = arith.constant 8 : i32
    %roll3A_406 = tpu.dynamic_rotate %select_n3A_401 by %roll3A_405 dim 1 : vector<1x8192xi32>, i32 -> vector<1x8192xi32>
    %roll3A_407 = arith.constant 8184 : i32
    %roll3A_408 = tpu.dynamic_rotate %select_n3A_402 by %roll3A_407 dim 1 : vector<1x8192xi32>, i32 -> vector<1x8192xi32>
    %roll3A_409 = arith.constant 8 : i32
    %roll3A_410 = tpu.dynamic_rotate %select_n3A_402 by %roll3A_409 dim 1 : vector<1x8192xi32>, i32 -> vector<1x8192xi32>
    %shift_right_arithmetic3A_411 = arith.constant 3 : i32
    %shift_right_arithmetic3A_412 = vector.broadcast %shift_right_arithmetic3A_411 : i32 to vector<1x8192xi32>
    %shift_right_arithmetic3A_413 = arith.shrsi %iota3A_4, %shift_right_arithmetic3A_412 : vector<1x8192xi32>
    %and3A_414 = arith.constant 1 : i32
    %and3A_415 = vector.broadcast %and3A_414 : i32 to vector<1x8192xi32>
    %and3A_416 = arith.andi %shift_right_arithmetic3A_413, %and3A_415 : vector<1x8192xi32>
    %eq3A_417 = arith.constant 1 : i32
    %eq3A_418 = vector.broadcast %eq3A_417 : i32 to vector<1x8192xi32>
    %eq3A_419 = arith.cmpi eq, %and3A_416, %eq3A_418 : vector<1x8192xi32>
    %select_n3A_420 = arith.select %eq3A_419, %roll3A_406, %roll3A_404 : vector<1x8192xi1>, vector<1x8192xi32>
    %select_n3A_421 = arith.select %eq3A_419, %roll3A_410, %roll3A_408 : vector<1x8192xi1>, vector<1x8192xi32>
    %gt3A_422 = arith.cmpi sgt, %select_n3A_401, %select_n3A_420 : vector<1x8192xi32>
    %eq3A_423 = arith.cmpi eq, %select_n3A_401, %select_n3A_420 : vector<1x8192xi32>
    %lt3A_424 = arith.cmpi slt, %select_n3A_402, %select_n3A_421 : vector<1x8192xi32>
    %and3A_425 = arith.andi %eq3A_423, %lt3A_424 : vector<1x8192xi1>
    %or3A_426 = arith.ori %gt3A_422, %and3A_425 : vector<1x8192xi1>
    %shift_right_arithmetic3A_427 = arith.constant 5 : i32
    %shift_right_arithmetic3A_428 = vector.broadcast %shift_right_arithmetic3A_427 : i32 to vector<1x8192xi32>
    %shift_right_arithmetic3A_429 = arith.shrsi %iota3A_4, %shift_right_arithmetic3A_428 : vector<1x8192xi32>
    %and3A_430 = arith.constant 1 : i32
    %and3A_431 = vector.broadcast %and3A_430 : i32 to vector<1x8192xi32>
    %and3A_432 = arith.andi %shift_right_arithmetic3A_429, %and3A_431 : vector<1x8192xi32>
    %eq3A_433 = arith.constant 1 : i32
    %eq3A_434 = vector.broadcast %eq3A_433 : i32 to vector<1x8192xi32>
    %eq3A_435 = arith.cmpi eq, %and3A_432, %eq3A_434 : vector<1x8192xi32>
    %xor3A_436 = arith.xori %or3A_426, %eq3A_419 : vector<1x8192xi1>
    %xor3A_437 = arith.xori %xor3A_436, %eq3A_435 : vector<1x8192xi1>
    %select_n3A_438 = arith.select %xor3A_437, %select_n3A_401, %select_n3A_420 : vector<1x8192xi1>, vector<1x8192xi32>
    %select_n3A_439 = arith.select %xor3A_437, %select_n3A_402, %select_n3A_421 : vector<1x8192xi1>, vector<1x8192xi32>
    %roll3A_440 = arith.constant 8188 : i32
    %roll3A_441 = tpu.dynamic_rotate %select_n3A_438 by %roll3A_440 dim 1 : vector<1x8192xi32>, i32 -> vector<1x8192xi32>
    %roll3A_442 = arith.constant 4 : i32
    %roll3A_443 = tpu.dynamic_rotate %select_n3A_438 by %roll3A_442 dim 1 : vector<1x8192xi32>, i32 -> vector<1x8192xi32>
    %roll3A_444 = arith.constant 8188 : i32
    %roll3A_445 = tpu.dynamic_rotate %select_n3A_439 by %roll3A_444 dim 1 : vector<1x8192xi32>, i32 -> vector<1x8192xi32>
    %roll3A_446 = arith.constant 4 : i32
    %roll3A_447 = tpu.dynamic_rotate %select_n3A_439 by %roll3A_446 dim 1 : vector<1x8192xi32>, i32 -> vector<1x8192xi32>
    %shift_right_arithmetic3A_448 = arith.constant 2 : i32
    %shift_right_arithmetic3A_449 = vector.broadcast %shift_right_arithmetic3A_448 : i32 to vector<1x8192xi32>
    %shift_right_arithmetic3A_450 = arith.shrsi %iota3A_4, %shift_right_arithmetic3A_449 : vector<1x8192xi32>
    %and3A_451 = arith.constant 1 : i32
    %and3A_452 = vector.broadcast %and3A_451 : i32 to vector<1x8192xi32>
    %and3A_453 = arith.andi %shift_right_arithmetic3A_450, %and3A_452 : vector<1x8192xi32>
    %eq3A_454 = arith.constant 1 : i32
    %eq3A_455 = vector.broadcast %eq3A_454 : i32 to vector<1x8192xi32>
    %eq3A_456 = arith.cmpi eq, %and3A_453, %eq3A_455 : vector<1x8192xi32>
    %select_n3A_457 = arith.select %eq3A_456, %roll3A_443, %roll3A_441 : vector<1x8192xi1>, vector<1x8192xi32>
    %select_n3A_458 = arith.select %eq3A_456, %roll3A_447, %roll3A_445 : vector<1x8192xi1>, vector<1x8192xi32>
    %gt3A_459 = arith.cmpi sgt, %select_n3A_438, %select_n3A_457 : vector<1x8192xi32>
    %eq3A_460 = arith.cmpi eq, %select_n3A_438, %select_n3A_457 : vector<1x8192xi32>
    %lt3A_461 = arith.cmpi slt, %select_n3A_439, %select_n3A_458 : vector<1x8192xi32>
    %and3A_462 = arith.andi %eq3A_460, %lt3A_461 : vector<1x8192xi1>
    %or3A_463 = arith.ori %gt3A_459, %and3A_462 : vector<1x8192xi1>
    %shift_right_arithmetic3A_464 = arith.constant 5 : i32
    %shift_right_arithmetic3A_465 = vector.broadcast %shift_right_arithmetic3A_464 : i32 to vector<1x8192xi32>
    %shift_right_arithmetic3A_466 = arith.shrsi %iota3A_4, %shift_right_arithmetic3A_465 : vector<1x8192xi32>
    %and3A_467 = arith.constant 1 : i32
    %and3A_468 = vector.broadcast %and3A_467 : i32 to vector<1x8192xi32>
    %and3A_469 = arith.andi %shift_right_arithmetic3A_466, %and3A_468 : vector<1x8192xi32>
    %eq3A_470 = arith.constant 1 : i32
    %eq3A_471 = vector.broadcast %eq3A_470 : i32 to vector<1x8192xi32>
    %eq3A_472 = arith.cmpi eq, %and3A_469, %eq3A_471 : vector<1x8192xi32>
    %xor3A_473 = arith.xori %or3A_463, %eq3A_456 : vector<1x8192xi1>
    %xor3A_474 = arith.xori %xor3A_473, %eq3A_472 : vector<1x8192xi1>
    %select_n3A_475 = arith.select %xor3A_474, %select_n3A_438, %select_n3A_457 : vector<1x8192xi1>, vector<1x8192xi32>
    %select_n3A_476 = arith.select %xor3A_474, %select_n3A_439, %select_n3A_458 : vector<1x8192xi1>, vector<1x8192xi32>
    %roll3A_477 = arith.constant 8190 : i32
    %roll3A_478 = tpu.dynamic_rotate %select_n3A_475 by %roll3A_477 dim 1 : vector<1x8192xi32>, i32 -> vector<1x8192xi32>
    %roll3A_479 = arith.constant 2 : i32
    %roll3A_480 = tpu.dynamic_rotate %select_n3A_475 by %roll3A_479 dim 1 : vector<1x8192xi32>, i32 -> vector<1x8192xi32>
    %roll3A_481 = arith.constant 8190 : i32
    %roll3A_482 = tpu.dynamic_rotate %select_n3A_476 by %roll3A_481 dim 1 : vector<1x8192xi32>, i32 -> vector<1x8192xi32>
    %roll3A_483 = arith.constant 2 : i32
    %roll3A_484 = tpu.dynamic_rotate %select_n3A_476 by %roll3A_483 dim 1 : vector<1x8192xi32>, i32 -> vector<1x8192xi32>
    %shift_right_arithmetic3A_485 = arith.constant 1 : i32
    %shift_right_arithmetic3A_486 = vector.broadcast %shift_right_arithmetic3A_485 : i32 to vector<1x8192xi32>
    %shift_right_arithmetic3A_487 = arith.shrsi %iota3A_4, %shift_right_arithmetic3A_486 : vector<1x8192xi32>
    %and3A_488 = arith.constant 1 : i32
    %and3A_489 = vector.broadcast %and3A_488 : i32 to vector<1x8192xi32>
    %and3A_490 = arith.andi %shift_right_arithmetic3A_487, %and3A_489 : vector<1x8192xi32>
    %eq3A_491 = arith.constant 1 : i32
    %eq3A_492 = vector.broadcast %eq3A_491 : i32 to vector<1x8192xi32>
    %eq3A_493 = arith.cmpi eq, %and3A_490, %eq3A_492 : vector<1x8192xi32>
    %select_n3A_494 = arith.select %eq3A_493, %roll3A_480, %roll3A_478 : vector<1x8192xi1>, vector<1x8192xi32>
    %select_n3A_495 = arith.select %eq3A_493, %roll3A_484, %roll3A_482 : vector<1x8192xi1>, vector<1x8192xi32>
    %gt3A_496 = arith.cmpi sgt, %select_n3A_475, %select_n3A_494 : vector<1x8192xi32>
    %eq3A_497 = arith.cmpi eq, %select_n3A_475, %select_n3A_494 : vector<1x8192xi32>
    %lt3A_498 = arith.cmpi slt, %select_n3A_476, %select_n3A_495 : vector<1x8192xi32>
    %and3A_499 = arith.andi %eq3A_497, %lt3A_498 : vector<1x8192xi1>
    %or3A_500 = arith.ori %gt3A_496, %and3A_499 : vector<1x8192xi1>
    %shift_right_arithmetic3A_501 = arith.constant 5 : i32
    %shift_right_arithmetic3A_502 = vector.broadcast %shift_right_arithmetic3A_501 : i32 to vector<1x8192xi32>
    %shift_right_arithmetic3A_503 = arith.shrsi %iota3A_4, %shift_right_arithmetic3A_502 : vector<1x8192xi32>
    %and3A_504 = arith.constant 1 : i32
    %and3A_505 = vector.broadcast %and3A_504 : i32 to vector<1x8192xi32>
    %and3A_506 = arith.andi %shift_right_arithmetic3A_503, %and3A_505 : vector<1x8192xi32>
    %eq3A_507 = arith.constant 1 : i32
    %eq3A_508 = vector.broadcast %eq3A_507 : i32 to vector<1x8192xi32>
    %eq3A_509 = arith.cmpi eq, %and3A_506, %eq3A_508 : vector<1x8192xi32>
    %xor3A_510 = arith.xori %or3A_500, %eq3A_493 : vector<1x8192xi1>
    %xor3A_511 = arith.xori %xor3A_510, %eq3A_509 : vector<1x8192xi1>
    %select_n3A_512 = arith.select %xor3A_511, %select_n3A_475, %select_n3A_494 : vector<1x8192xi1>, vector<1x8192xi32>
    %select_n3A_513 = arith.select %xor3A_511, %select_n3A_476, %select_n3A_495 : vector<1x8192xi1>, vector<1x8192xi32>
    %roll3A_514 = arith.constant 8191 : i32
    %roll3A_515 = tpu.dynamic_rotate %select_n3A_512 by %roll3A_514 dim 1 : vector<1x8192xi32>, i32 -> vector<1x8192xi32>
    %roll3A_516 = arith.constant 1 : i32
    %roll3A_517 = tpu.dynamic_rotate %select_n3A_512 by %roll3A_516 dim 1 : vector<1x8192xi32>, i32 -> vector<1x8192xi32>
    %roll3A_518 = arith.constant 8191 : i32
    %roll3A_519 = tpu.dynamic_rotate %select_n3A_513 by %roll3A_518 dim 1 : vector<1x8192xi32>, i32 -> vector<1x8192xi32>
    %roll3A_520 = arith.constant 1 : i32
    %roll3A_521 = tpu.dynamic_rotate %select_n3A_513 by %roll3A_520 dim 1 : vector<1x8192xi32>, i32 -> vector<1x8192xi32>
    %shift_right_arithmetic3A_522 = arith.constant 0 : i32
    %shift_right_arithmetic3A_523 = vector.broadcast %shift_right_arithmetic3A_522 : i32 to vector<1x8192xi32>
    %shift_right_arithmetic3A_524 = arith.shrsi %iota3A_4, %shift_right_arithmetic3A_523 : vector<1x8192xi32>
    %and3A_525 = arith.constant 1 : i32
    %and3A_526 = vector.broadcast %and3A_525 : i32 to vector<1x8192xi32>
    %and3A_527 = arith.andi %shift_right_arithmetic3A_524, %and3A_526 : vector<1x8192xi32>
    %eq3A_528 = arith.constant 1 : i32
    %eq3A_529 = vector.broadcast %eq3A_528 : i32 to vector<1x8192xi32>
    %eq3A_530 = arith.cmpi eq, %and3A_527, %eq3A_529 : vector<1x8192xi32>
    %select_n3A_531 = arith.select %eq3A_530, %roll3A_517, %roll3A_515 : vector<1x8192xi1>, vector<1x8192xi32>
    %select_n3A_532 = arith.select %eq3A_530, %roll3A_521, %roll3A_519 : vector<1x8192xi1>, vector<1x8192xi32>
    %gt3A_533 = arith.cmpi sgt, %select_n3A_512, %select_n3A_531 : vector<1x8192xi32>
    %eq3A_534 = arith.cmpi eq, %select_n3A_512, %select_n3A_531 : vector<1x8192xi32>
    %lt3A_535 = arith.cmpi slt, %select_n3A_513, %select_n3A_532 : vector<1x8192xi32>
    %and3A_536 = arith.andi %eq3A_534, %lt3A_535 : vector<1x8192xi1>
    %or3A_537 = arith.ori %gt3A_533, %and3A_536 : vector<1x8192xi1>
    %shift_right_arithmetic3A_538 = arith.constant 5 : i32
    %shift_right_arithmetic3A_539 = vector.broadcast %shift_right_arithmetic3A_538 : i32 to vector<1x8192xi32>
    %shift_right_arithmetic3A_540 = arith.shrsi %iota3A_4, %shift_right_arithmetic3A_539 : vector<1x8192xi32>
    %and3A_541 = arith.constant 1 : i32
    %and3A_542 = vector.broadcast %and3A_541 : i32 to vector<1x8192xi32>
    %and3A_543 = arith.andi %shift_right_arithmetic3A_540, %and3A_542 : vector<1x8192xi32>
    %eq3A_544 = arith.constant 1 : i32
    %eq3A_545 = vector.broadcast %eq3A_544 : i32 to vector<1x8192xi32>
    %eq3A_546 = arith.cmpi eq, %and3A_543, %eq3A_545 : vector<1x8192xi32>
    %xor3A_547 = arith.xori %or3A_537, %eq3A_530 : vector<1x8192xi1>
    %xor3A_548 = arith.xori %xor3A_547, %eq3A_546 : vector<1x8192xi1>
    %select_n3A_549 = arith.select %xor3A_548, %select_n3A_512, %select_n3A_531 : vector<1x8192xi1>, vector<1x8192xi32>
    %select_n3A_550 = arith.select %xor3A_548, %select_n3A_513, %select_n3A_532 : vector<1x8192xi1>, vector<1x8192xi32>
    %roll3A_551 = arith.constant 8160 : i32
    %roll3A_552 = tpu.dynamic_rotate %select_n3A_549 by %roll3A_551 dim 1 : vector<1x8192xi32>, i32 -> vector<1x8192xi32>
    %roll3A_553 = arith.constant 32 : i32
    %roll3A_554 = tpu.dynamic_rotate %select_n3A_549 by %roll3A_553 dim 1 : vector<1x8192xi32>, i32 -> vector<1x8192xi32>
    %roll3A_555 = arith.constant 8160 : i32
    %roll3A_556 = tpu.dynamic_rotate %select_n3A_550 by %roll3A_555 dim 1 : vector<1x8192xi32>, i32 -> vector<1x8192xi32>
    %roll3A_557 = arith.constant 32 : i32
    %roll3A_558 = tpu.dynamic_rotate %select_n3A_550 by %roll3A_557 dim 1 : vector<1x8192xi32>, i32 -> vector<1x8192xi32>
    %shift_right_arithmetic3A_559 = arith.constant 5 : i32
    %shift_right_arithmetic3A_560 = vector.broadcast %shift_right_arithmetic3A_559 : i32 to vector<1x8192xi32>
    %shift_right_arithmetic3A_561 = arith.shrsi %iota3A_4, %shift_right_arithmetic3A_560 : vector<1x8192xi32>
    %and3A_562 = arith.constant 1 : i32
    %and3A_563 = vector.broadcast %and3A_562 : i32 to vector<1x8192xi32>
    %and3A_564 = arith.andi %shift_right_arithmetic3A_561, %and3A_563 : vector<1x8192xi32>
    %eq3A_565 = arith.constant 1 : i32
    %eq3A_566 = vector.broadcast %eq3A_565 : i32 to vector<1x8192xi32>
    %eq3A_567 = arith.cmpi eq, %and3A_564, %eq3A_566 : vector<1x8192xi32>
    %select_n3A_568 = arith.select %eq3A_567, %roll3A_554, %roll3A_552 : vector<1x8192xi1>, vector<1x8192xi32>
    %select_n3A_569 = arith.select %eq3A_567, %roll3A_558, %roll3A_556 : vector<1x8192xi1>, vector<1x8192xi32>
    %gt3A_570 = arith.cmpi sgt, %select_n3A_549, %select_n3A_568 : vector<1x8192xi32>
    %eq3A_571 = arith.cmpi eq, %select_n3A_549, %select_n3A_568 : vector<1x8192xi32>
    %lt3A_572 = arith.cmpi slt, %select_n3A_550, %select_n3A_569 : vector<1x8192xi32>
    %and3A_573 = arith.andi %eq3A_571, %lt3A_572 : vector<1x8192xi1>
    %or3A_574 = arith.ori %gt3A_570, %and3A_573 : vector<1x8192xi1>
    %shift_right_arithmetic3A_575 = arith.constant 6 : i32
    %shift_right_arithmetic3A_576 = vector.broadcast %shift_right_arithmetic3A_575 : i32 to vector<1x8192xi32>
    %shift_right_arithmetic3A_577 = arith.shrsi %iota3A_4, %shift_right_arithmetic3A_576 : vector<1x8192xi32>
    %and3A_578 = arith.constant 1 : i32
    %and3A_579 = vector.broadcast %and3A_578 : i32 to vector<1x8192xi32>
    %and3A_580 = arith.andi %shift_right_arithmetic3A_577, %and3A_579 : vector<1x8192xi32>
    %eq3A_581 = arith.constant 1 : i32
    %eq3A_582 = vector.broadcast %eq3A_581 : i32 to vector<1x8192xi32>
    %eq3A_583 = arith.cmpi eq, %and3A_580, %eq3A_582 : vector<1x8192xi32>
    %xor3A_584 = arith.xori %or3A_574, %eq3A_567 : vector<1x8192xi1>
    %xor3A_585 = arith.xori %xor3A_584, %eq3A_583 : vector<1x8192xi1>
    %select_n3A_586 = arith.select %xor3A_585, %select_n3A_549, %select_n3A_568 : vector<1x8192xi1>, vector<1x8192xi32>
    %select_n3A_587 = arith.select %xor3A_585, %select_n3A_550, %select_n3A_569 : vector<1x8192xi1>, vector<1x8192xi32>
    %roll3A_588 = arith.constant 8176 : i32
    %roll3A_589 = tpu.dynamic_rotate %select_n3A_586 by %roll3A_588 dim 1 : vector<1x8192xi32>, i32 -> vector<1x8192xi32>
    %roll3A_590 = arith.constant 16 : i32
    %roll3A_591 = tpu.dynamic_rotate %select_n3A_586 by %roll3A_590 dim 1 : vector<1x8192xi32>, i32 -> vector<1x8192xi32>
    %roll3A_592 = arith.constant 8176 : i32
    %roll3A_593 = tpu.dynamic_rotate %select_n3A_587 by %roll3A_592 dim 1 : vector<1x8192xi32>, i32 -> vector<1x8192xi32>
    %roll3A_594 = arith.constant 16 : i32
    %roll3A_595 = tpu.dynamic_rotate %select_n3A_587 by %roll3A_594 dim 1 : vector<1x8192xi32>, i32 -> vector<1x8192xi32>
    %shift_right_arithmetic3A_596 = arith.constant 4 : i32
    %shift_right_arithmetic3A_597 = vector.broadcast %shift_right_arithmetic3A_596 : i32 to vector<1x8192xi32>
    %shift_right_arithmetic3A_598 = arith.shrsi %iota3A_4, %shift_right_arithmetic3A_597 : vector<1x8192xi32>
    %and3A_599 = arith.constant 1 : i32
    %and3A_600 = vector.broadcast %and3A_599 : i32 to vector<1x8192xi32>
    %and3A_601 = arith.andi %shift_right_arithmetic3A_598, %and3A_600 : vector<1x8192xi32>
    %eq3A_602 = arith.constant 1 : i32
    %eq3A_603 = vector.broadcast %eq3A_602 : i32 to vector<1x8192xi32>
    %eq3A_604 = arith.cmpi eq, %and3A_601, %eq3A_603 : vector<1x8192xi32>
    %select_n3A_605 = arith.select %eq3A_604, %roll3A_591, %roll3A_589 : vector<1x8192xi1>, vector<1x8192xi32>
    %select_n3A_606 = arith.select %eq3A_604, %roll3A_595, %roll3A_593 : vector<1x8192xi1>, vector<1x8192xi32>
    %gt3A_607 = arith.cmpi sgt, %select_n3A_586, %select_n3A_605 : vector<1x8192xi32>
    %eq3A_608 = arith.cmpi eq, %select_n3A_586, %select_n3A_605 : vector<1x8192xi32>
    %lt3A_609 = arith.cmpi slt, %select_n3A_587, %select_n3A_606 : vector<1x8192xi32>
    %and3A_610 = arith.andi %eq3A_608, %lt3A_609 : vector<1x8192xi1>
    %or3A_611 = arith.ori %gt3A_607, %and3A_610 : vector<1x8192xi1>
    %shift_right_arithmetic3A_612 = arith.constant 6 : i32
    %shift_right_arithmetic3A_613 = vector.broadcast %shift_right_arithmetic3A_612 : i32 to vector<1x8192xi32>
    %shift_right_arithmetic3A_614 = arith.shrsi %iota3A_4, %shift_right_arithmetic3A_613 : vector<1x8192xi32>
    %and3A_615 = arith.constant 1 : i32
    %and3A_616 = vector.broadcast %and3A_615 : i32 to vector<1x8192xi32>
    %and3A_617 = arith.andi %shift_right_arithmetic3A_614, %and3A_616 : vector<1x8192xi32>
    %eq3A_618 = arith.constant 1 : i32
    %eq3A_619 = vector.broadcast %eq3A_618 : i32 to vector<1x8192xi32>
    %eq3A_620 = arith.cmpi eq, %and3A_617, %eq3A_619 : vector<1x8192xi32>
    %xor3A_621 = arith.xori %or3A_611, %eq3A_604 : vector<1x8192xi1>
    %xor3A_622 = arith.xori %xor3A_621, %eq3A_620 : vector<1x8192xi1>
    %select_n3A_623 = arith.select %xor3A_622, %select_n3A_586, %select_n3A_605 : vector<1x8192xi1>, vector<1x8192xi32>
    %select_n3A_624 = arith.select %xor3A_622, %select_n3A_587, %select_n3A_606 : vector<1x8192xi1>, vector<1x8192xi32>
    %roll3A_625 = arith.constant 8184 : i32
    %roll3A_626 = tpu.dynamic_rotate %select_n3A_623 by %roll3A_625 dim 1 : vector<1x8192xi32>, i32 -> vector<1x8192xi32>
    %roll3A_627 = arith.constant 8 : i32
    %roll3A_628 = tpu.dynamic_rotate %select_n3A_623 by %roll3A_627 dim 1 : vector<1x8192xi32>, i32 -> vector<1x8192xi32>
    %roll3A_629 = arith.constant 8184 : i32
    %roll3A_630 = tpu.dynamic_rotate %select_n3A_624 by %roll3A_629 dim 1 : vector<1x8192xi32>, i32 -> vector<1x8192xi32>
    %roll3A_631 = arith.constant 8 : i32
    %roll3A_632 = tpu.dynamic_rotate %select_n3A_624 by %roll3A_631 dim 1 : vector<1x8192xi32>, i32 -> vector<1x8192xi32>
    %shift_right_arithmetic3A_633 = arith.constant 3 : i32
    %shift_right_arithmetic3A_634 = vector.broadcast %shift_right_arithmetic3A_633 : i32 to vector<1x8192xi32>
    %shift_right_arithmetic3A_635 = arith.shrsi %iota3A_4, %shift_right_arithmetic3A_634 : vector<1x8192xi32>
    %and3A_636 = arith.constant 1 : i32
    %and3A_637 = vector.broadcast %and3A_636 : i32 to vector<1x8192xi32>
    %and3A_638 = arith.andi %shift_right_arithmetic3A_635, %and3A_637 : vector<1x8192xi32>
    %eq3A_639 = arith.constant 1 : i32
    %eq3A_640 = vector.broadcast %eq3A_639 : i32 to vector<1x8192xi32>
    %eq3A_641 = arith.cmpi eq, %and3A_638, %eq3A_640 : vector<1x8192xi32>
    %select_n3A_642 = arith.select %eq3A_641, %roll3A_628, %roll3A_626 : vector<1x8192xi1>, vector<1x8192xi32>
    %select_n3A_643 = arith.select %eq3A_641, %roll3A_632, %roll3A_630 : vector<1x8192xi1>, vector<1x8192xi32>
    %gt3A_644 = arith.cmpi sgt, %select_n3A_623, %select_n3A_642 : vector<1x8192xi32>
    %eq3A_645 = arith.cmpi eq, %select_n3A_623, %select_n3A_642 : vector<1x8192xi32>
    %lt3A_646 = arith.cmpi slt, %select_n3A_624, %select_n3A_643 : vector<1x8192xi32>
    %and3A_647 = arith.andi %eq3A_645, %lt3A_646 : vector<1x8192xi1>
    %or3A_648 = arith.ori %gt3A_644, %and3A_647 : vector<1x8192xi1>
    %shift_right_arithmetic3A_649 = arith.constant 6 : i32
    %shift_right_arithmetic3A_650 = vector.broadcast %shift_right_arithmetic3A_649 : i32 to vector<1x8192xi32>
    %shift_right_arithmetic3A_651 = arith.shrsi %iota3A_4, %shift_right_arithmetic3A_650 : vector<1x8192xi32>
    %and3A_652 = arith.constant 1 : i32
    %and3A_653 = vector.broadcast %and3A_652 : i32 to vector<1x8192xi32>
    %and3A_654 = arith.andi %shift_right_arithmetic3A_651, %and3A_653 : vector<1x8192xi32>
    %eq3A_655 = arith.constant 1 : i32
    %eq3A_656 = vector.broadcast %eq3A_655 : i32 to vector<1x8192xi32>
    %eq3A_657 = arith.cmpi eq, %and3A_654, %eq3A_656 : vector<1x8192xi32>
    %xor3A_658 = arith.xori %or3A_648, %eq3A_641 : vector<1x8192xi1>
    %xor3A_659 = arith.xori %xor3A_658, %eq3A_657 : vector<1x8192xi1>
    %select_n3A_660 = arith.select %xor3A_659, %select_n3A_623, %select_n3A_642 : vector<1x8192xi1>, vector<1x8192xi32>
    %select_n3A_661 = arith.select %xor3A_659, %select_n3A_624, %select_n3A_643 : vector<1x8192xi1>, vector<1x8192xi32>
    %roll3A_662 = arith.constant 8188 : i32
    %roll3A_663 = tpu.dynamic_rotate %select_n3A_660 by %roll3A_662 dim 1 : vector<1x8192xi32>, i32 -> vector<1x8192xi32>
    %roll3A_664 = arith.constant 4 : i32
    %roll3A_665 = tpu.dynamic_rotate %select_n3A_660 by %roll3A_664 dim 1 : vector<1x8192xi32>, i32 -> vector<1x8192xi32>
    %roll3A_666 = arith.constant 8188 : i32
    %roll3A_667 = tpu.dynamic_rotate %select_n3A_661 by %roll3A_666 dim 1 : vector<1x8192xi32>, i32 -> vector<1x8192xi32>
    %roll3A_668 = arith.constant 4 : i32
    %roll3A_669 = tpu.dynamic_rotate %select_n3A_661 by %roll3A_668 dim 1 : vector<1x8192xi32>, i32 -> vector<1x8192xi32>
    %shift_right_arithmetic3A_670 = arith.constant 2 : i32
    %shift_right_arithmetic3A_671 = vector.broadcast %shift_right_arithmetic3A_670 : i32 to vector<1x8192xi32>
    %shift_right_arithmetic3A_672 = arith.shrsi %iota3A_4, %shift_right_arithmetic3A_671 : vector<1x8192xi32>
    %and3A_673 = arith.constant 1 : i32
    %and3A_674 = vector.broadcast %and3A_673 : i32 to vector<1x8192xi32>
    %and3A_675 = arith.andi %shift_right_arithmetic3A_672, %and3A_674 : vector<1x8192xi32>
    %eq3A_676 = arith.constant 1 : i32
    %eq3A_677 = vector.broadcast %eq3A_676 : i32 to vector<1x8192xi32>
    %eq3A_678 = arith.cmpi eq, %and3A_675, %eq3A_677 : vector<1x8192xi32>
    %select_n3A_679 = arith.select %eq3A_678, %roll3A_665, %roll3A_663 : vector<1x8192xi1>, vector<1x8192xi32>
    %select_n3A_680 = arith.select %eq3A_678, %roll3A_669, %roll3A_667 : vector<1x8192xi1>, vector<1x8192xi32>
    %gt3A_681 = arith.cmpi sgt, %select_n3A_660, %select_n3A_679 : vector<1x8192xi32>
    %eq3A_682 = arith.cmpi eq, %select_n3A_660, %select_n3A_679 : vector<1x8192xi32>
    %lt3A_683 = arith.cmpi slt, %select_n3A_661, %select_n3A_680 : vector<1x8192xi32>
    %and3A_684 = arith.andi %eq3A_682, %lt3A_683 : vector<1x8192xi1>
    %or3A_685 = arith.ori %gt3A_681, %and3A_684 : vector<1x8192xi1>
    %shift_right_arithmetic3A_686 = arith.constant 6 : i32
    %shift_right_arithmetic3A_687 = vector.broadcast %shift_right_arithmetic3A_686 : i32 to vector<1x8192xi32>
    %shift_right_arithmetic3A_688 = arith.shrsi %iota3A_4, %shift_right_arithmetic3A_687 : vector<1x8192xi32>
    %and3A_689 = arith.constant 1 : i32
    %and3A_690 = vector.broadcast %and3A_689 : i32 to vector<1x8192xi32>
    %and3A_691 = arith.andi %shift_right_arithmetic3A_688, %and3A_690 : vector<1x8192xi32>
    %eq3A_692 = arith.constant 1 : i32
    %eq3A_693 = vector.broadcast %eq3A_692 : i32 to vector<1x8192xi32>
    %eq3A_694 = arith.cmpi eq, %and3A_691, %eq3A_693 : vector<1x8192xi32>
    %xor3A_695 = arith.xori %or3A_685, %eq3A_678 : vector<1x8192xi1>
    %xor3A_696 = arith.xori %xor3A_695, %eq3A_694 : vector<1x8192xi1>
    %select_n3A_697 = arith.select %xor3A_696, %select_n3A_660, %select_n3A_679 : vector<1x8192xi1>, vector<1x8192xi32>
    %select_n3A_698 = arith.select %xor3A_696, %select_n3A_661, %select_n3A_680 : vector<1x8192xi1>, vector<1x8192xi32>
    %roll3A_699 = arith.constant 8190 : i32
    %roll3A_700 = tpu.dynamic_rotate %select_n3A_697 by %roll3A_699 dim 1 : vector<1x8192xi32>, i32 -> vector<1x8192xi32>
    %roll3A_701 = arith.constant 2 : i32
    %roll3A_702 = tpu.dynamic_rotate %select_n3A_697 by %roll3A_701 dim 1 : vector<1x8192xi32>, i32 -> vector<1x8192xi32>
    %roll3A_703 = arith.constant 8190 : i32
    %roll3A_704 = tpu.dynamic_rotate %select_n3A_698 by %roll3A_703 dim 1 : vector<1x8192xi32>, i32 -> vector<1x8192xi32>
    %roll3A_705 = arith.constant 2 : i32
    %roll3A_706 = tpu.dynamic_rotate %select_n3A_698 by %roll3A_705 dim 1 : vector<1x8192xi32>, i32 -> vector<1x8192xi32>
    %shift_right_arithmetic3A_707 = arith.constant 1 : i32
    %shift_right_arithmetic3A_708 = vector.broadcast %shift_right_arithmetic3A_707 : i32 to vector<1x8192xi32>
    %shift_right_arithmetic3A_709 = arith.shrsi %iota3A_4, %shift_right_arithmetic3A_708 : vector<1x8192xi32>
    %and3A_710 = arith.constant 1 : i32
    %and3A_711 = vector.broadcast %and3A_710 : i32 to vector<1x8192xi32>
    %and3A_712 = arith.andi %shift_right_arithmetic3A_709, %and3A_711 : vector<1x8192xi32>
    %eq3A_713 = arith.constant 1 : i32
    %eq3A_714 = vector.broadcast %eq3A_713 : i32 to vector<1x8192xi32>
    %eq3A_715 = arith.cmpi eq, %and3A_712, %eq3A_714 : vector<1x8192xi32>
    %select_n3A_716 = arith.select %eq3A_715, %roll3A_702, %roll3A_700 : vector<1x8192xi1>, vector<1x8192xi32>
    %select_n3A_717 = arith.select %eq3A_715, %roll3A_706, %roll3A_704 : vector<1x8192xi1>, vector<1x8192xi32>
    %gt3A_718 = arith.cmpi sgt, %select_n3A_697, %select_n3A_716 : vector<1x8192xi32>
    %eq3A_719 = arith.cmpi eq, %select_n3A_697, %select_n3A_716 : vector<1x8192xi32>
    %lt3A_720 = arith.cmpi slt, %select_n3A_698, %select_n3A_717 : vector<1x8192xi32>
    %and3A_721 = arith.andi %eq3A_719, %lt3A_720 : vector<1x8192xi1>
    %or3A_722 = arith.ori %gt3A_718, %and3A_721 : vector<1x8192xi1>
    %shift_right_arithmetic3A_723 = arith.constant 6 : i32
    %shift_right_arithmetic3A_724 = vector.broadcast %shift_right_arithmetic3A_723 : i32 to vector<1x8192xi32>
    %shift_right_arithmetic3A_725 = arith.shrsi %iota3A_4, %shift_right_arithmetic3A_724 : vector<1x8192xi32>
    %and3A_726 = arith.constant 1 : i32
    %and3A_727 = vector.broadcast %and3A_726 : i32 to vector<1x8192xi32>
    %and3A_728 = arith.andi %shift_right_arithmetic3A_725, %and3A_727 : vector<1x8192xi32>
    %eq3A_729 = arith.constant 1 : i32
    %eq3A_730 = vector.broadcast %eq3A_729 : i32 to vector<1x8192xi32>
    %eq3A_731 = arith.cmpi eq, %and3A_728, %eq3A_730 : vector<1x8192xi32>
    %xor3A_732 = arith.xori %or3A_722, %eq3A_715 : vector<1x8192xi1>
    %xor3A_733 = arith.xori %xor3A_732, %eq3A_731 : vector<1x8192xi1>
    %select_n3A_734 = arith.select %xor3A_733, %select_n3A_697, %select_n3A_716 : vector<1x8192xi1>, vector<1x8192xi32>
    %select_n3A_735 = arith.select %xor3A_733, %select_n3A_698, %select_n3A_717 : vector<1x8192xi1>, vector<1x8192xi32>
    %roll3A_736 = arith.constant 8191 : i32
    %roll3A_737 = tpu.dynamic_rotate %select_n3A_734 by %roll3A_736 dim 1 : vector<1x8192xi32>, i32 -> vector<1x8192xi32>
    %roll3A_738 = arith.constant 1 : i32
    %roll3A_739 = tpu.dynamic_rotate %select_n3A_734 by %roll3A_738 dim 1 : vector<1x8192xi32>, i32 -> vector<1x8192xi32>
    %roll3A_740 = arith.constant 8191 : i32
    %roll3A_741 = tpu.dynamic_rotate %select_n3A_735 by %roll3A_740 dim 1 : vector<1x8192xi32>, i32 -> vector<1x8192xi32>
    %roll3A_742 = arith.constant 1 : i32
    %roll3A_743 = tpu.dynamic_rotate %select_n3A_735 by %roll3A_742 dim 1 : vector<1x8192xi32>, i32 -> vector<1x8192xi32>
    %shift_right_arithmetic3A_744 = arith.constant 0 : i32
    %shift_right_arithmetic3A_745 = vector.broadcast %shift_right_arithmetic3A_744 : i32 to vector<1x8192xi32>
    %shift_right_arithmetic3A_746 = arith.shrsi %iota3A_4, %shift_right_arithmetic3A_745 : vector<1x8192xi32>
    %and3A_747 = arith.constant 1 : i32
    %and3A_748 = vector.broadcast %and3A_747 : i32 to vector<1x8192xi32>
    %and3A_749 = arith.andi %shift_right_arithmetic3A_746, %and3A_748 : vector<1x8192xi32>
    %eq3A_750 = arith.constant 1 : i32
    %eq3A_751 = vector.broadcast %eq3A_750 : i32 to vector<1x8192xi32>
    %eq3A_752 = arith.cmpi eq, %and3A_749, %eq3A_751 : vector<1x8192xi32>
    %select_n3A_753 = arith.select %eq3A_752, %roll3A_739, %roll3A_737 : vector<1x8192xi1>, vector<1x8192xi32>
    %select_n3A_754 = arith.select %eq3A_752, %roll3A_743, %roll3A_741 : vector<1x8192xi1>, vector<1x8192xi32>
    %gt3A_755 = arith.cmpi sgt, %select_n3A_734, %select_n3A_753 : vector<1x8192xi32>
    %eq3A_756 = arith.cmpi eq, %select_n3A_734, %select_n3A_753 : vector<1x8192xi32>
    %lt3A_757 = arith.cmpi slt, %select_n3A_735, %select_n3A_754 : vector<1x8192xi32>
    %and3A_758 = arith.andi %eq3A_756, %lt3A_757 : vector<1x8192xi1>
    %or3A_759 = arith.ori %gt3A_755, %and3A_758 : vector<1x8192xi1>
    %shift_right_arithmetic3A_760 = arith.constant 6 : i32
    %shift_right_arithmetic3A_761 = vector.broadcast %shift_right_arithmetic3A_760 : i32 to vector<1x8192xi32>
    %shift_right_arithmetic3A_762 = arith.shrsi %iota3A_4, %shift_right_arithmetic3A_761 : vector<1x8192xi32>
    %and3A_763 = arith.constant 1 : i32
    %and3A_764 = vector.broadcast %and3A_763 : i32 to vector<1x8192xi32>
    %and3A_765 = arith.andi %shift_right_arithmetic3A_762, %and3A_764 : vector<1x8192xi32>
    %eq3A_766 = arith.constant 1 : i32
    %eq3A_767 = vector.broadcast %eq3A_766 : i32 to vector<1x8192xi32>
    %eq3A_768 = arith.cmpi eq, %and3A_765, %eq3A_767 : vector<1x8192xi32>
    %xor3A_769 = arith.xori %or3A_759, %eq3A_752 : vector<1x8192xi1>
    %xor3A_770 = arith.xori %xor3A_769, %eq3A_768 : vector<1x8192xi1>
    %select_n3A_771 = arith.select %xor3A_770, %select_n3A_734, %select_n3A_753 : vector<1x8192xi1>, vector<1x8192xi32>
    %select_n3A_772 = arith.select %xor3A_770, %select_n3A_735, %select_n3A_754 : vector<1x8192xi1>, vector<1x8192xi32>
    %roll3A_773 = arith.constant 8128 : i32
    %roll3A_774 = tpu.dynamic_rotate %select_n3A_771 by %roll3A_773 dim 1 : vector<1x8192xi32>, i32 -> vector<1x8192xi32>
    %roll3A_775 = arith.constant 64 : i32
    %roll3A_776 = tpu.dynamic_rotate %select_n3A_771 by %roll3A_775 dim 1 : vector<1x8192xi32>, i32 -> vector<1x8192xi32>
    %roll3A_777 = arith.constant 8128 : i32
    %roll3A_778 = tpu.dynamic_rotate %select_n3A_772 by %roll3A_777 dim 1 : vector<1x8192xi32>, i32 -> vector<1x8192xi32>
    %roll3A_779 = arith.constant 64 : i32
    %roll3A_780 = tpu.dynamic_rotate %select_n3A_772 by %roll3A_779 dim 1 : vector<1x8192xi32>, i32 -> vector<1x8192xi32>
    %shift_right_arithmetic3A_781 = arith.constant 6 : i32
    %shift_right_arithmetic3A_782 = vector.broadcast %shift_right_arithmetic3A_781 : i32 to vector<1x8192xi32>
    %shift_right_arithmetic3A_783 = arith.shrsi %iota3A_4, %shift_right_arithmetic3A_782 : vector<1x8192xi32>
    %and3A_784 = arith.constant 1 : i32
    %and3A_785 = vector.broadcast %and3A_784 : i32 to vector<1x8192xi32>
    %and3A_786 = arith.andi %shift_right_arithmetic3A_783, %and3A_785 : vector<1x8192xi32>
    %eq3A_787 = arith.constant 1 : i32
    %eq3A_788 = vector.broadcast %eq3A_787 : i32 to vector<1x8192xi32>
    %eq3A_789 = arith.cmpi eq, %and3A_786, %eq3A_788 : vector<1x8192xi32>
    %select_n3A_790 = arith.select %eq3A_789, %roll3A_776, %roll3A_774 : vector<1x8192xi1>, vector<1x8192xi32>
    %select_n3A_791 = arith.select %eq3A_789, %roll3A_780, %roll3A_778 : vector<1x8192xi1>, vector<1x8192xi32>
    %gt3A_792 = arith.cmpi sgt, %select_n3A_771, %select_n3A_790 : vector<1x8192xi32>
    %eq3A_793 = arith.cmpi eq, %select_n3A_771, %select_n3A_790 : vector<1x8192xi32>
    %lt3A_794 = arith.cmpi slt, %select_n3A_772, %select_n3A_791 : vector<1x8192xi32>
    %and3A_795 = arith.andi %eq3A_793, %lt3A_794 : vector<1x8192xi1>
    %or3A_796 = arith.ori %gt3A_792, %and3A_795 : vector<1x8192xi1>
    %shift_right_arithmetic3A_797 = arith.constant 7 : i32
    %shift_right_arithmetic3A_798 = vector.broadcast %shift_right_arithmetic3A_797 : i32 to vector<1x8192xi32>
    %shift_right_arithmetic3A_799 = arith.shrsi %iota3A_4, %shift_right_arithmetic3A_798 : vector<1x8192xi32>
    %and3A_800 = arith.constant 1 : i32
    %and3A_801 = vector.broadcast %and3A_800 : i32 to vector<1x8192xi32>
    %and3A_802 = arith.andi %shift_right_arithmetic3A_799, %and3A_801 : vector<1x8192xi32>
    %eq3A_803 = arith.constant 1 : i32
    %eq3A_804 = vector.broadcast %eq3A_803 : i32 to vector<1x8192xi32>
    %eq3A_805 = arith.cmpi eq, %and3A_802, %eq3A_804 : vector<1x8192xi32>
    %xor3A_806 = arith.xori %or3A_796, %eq3A_789 : vector<1x8192xi1>
    %xor3A_807 = arith.xori %xor3A_806, %eq3A_805 : vector<1x8192xi1>
    %select_n3A_808 = arith.select %xor3A_807, %select_n3A_771, %select_n3A_790 : vector<1x8192xi1>, vector<1x8192xi32>
    %select_n3A_809 = arith.select %xor3A_807, %select_n3A_772, %select_n3A_791 : vector<1x8192xi1>, vector<1x8192xi32>
    %roll3A_810 = arith.constant 8160 : i32
    %roll3A_811 = tpu.dynamic_rotate %select_n3A_808 by %roll3A_810 dim 1 : vector<1x8192xi32>, i32 -> vector<1x8192xi32>
    %roll3A_812 = arith.constant 32 : i32
    %roll3A_813 = tpu.dynamic_rotate %select_n3A_808 by %roll3A_812 dim 1 : vector<1x8192xi32>, i32 -> vector<1x8192xi32>
    %roll3A_814 = arith.constant 8160 : i32
    %roll3A_815 = tpu.dynamic_rotate %select_n3A_809 by %roll3A_814 dim 1 : vector<1x8192xi32>, i32 -> vector<1x8192xi32>
    %roll3A_816 = arith.constant 32 : i32
    %roll3A_817 = tpu.dynamic_rotate %select_n3A_809 by %roll3A_816 dim 1 : vector<1x8192xi32>, i32 -> vector<1x8192xi32>
    %shift_right_arithmetic3A_818 = arith.constant 5 : i32
    %shift_right_arithmetic3A_819 = vector.broadcast %shift_right_arithmetic3A_818 : i32 to vector<1x8192xi32>
    %shift_right_arithmetic3A_820 = arith.shrsi %iota3A_4, %shift_right_arithmetic3A_819 : vector<1x8192xi32>
    %and3A_821 = arith.constant 1 : i32
    %and3A_822 = vector.broadcast %and3A_821 : i32 to vector<1x8192xi32>
    %and3A_823 = arith.andi %shift_right_arithmetic3A_820, %and3A_822 : vector<1x8192xi32>
    %eq3A_824 = arith.constant 1 : i32
    %eq3A_825 = vector.broadcast %eq3A_824 : i32 to vector<1x8192xi32>
    %eq3A_826 = arith.cmpi eq, %and3A_823, %eq3A_825 : vector<1x8192xi32>
    %select_n3A_827 = arith.select %eq3A_826, %roll3A_813, %roll3A_811 : vector<1x8192xi1>, vector<1x8192xi32>
    %select_n3A_828 = arith.select %eq3A_826, %roll3A_817, %roll3A_815 : vector<1x8192xi1>, vector<1x8192xi32>
    %gt3A_829 = arith.cmpi sgt, %select_n3A_808, %select_n3A_827 : vector<1x8192xi32>
    %eq3A_830 = arith.cmpi eq, %select_n3A_808, %select_n3A_827 : vector<1x8192xi32>
    %lt3A_831 = arith.cmpi slt, %select_n3A_809, %select_n3A_828 : vector<1x8192xi32>
    %and3A_832 = arith.andi %eq3A_830, %lt3A_831 : vector<1x8192xi1>
    %or3A_833 = arith.ori %gt3A_829, %and3A_832 : vector<1x8192xi1>
    %shift_right_arithmetic3A_834 = arith.constant 7 : i32
    %shift_right_arithmetic3A_835 = vector.broadcast %shift_right_arithmetic3A_834 : i32 to vector<1x8192xi32>
    %shift_right_arithmetic3A_836 = arith.shrsi %iota3A_4, %shift_right_arithmetic3A_835 : vector<1x8192xi32>
    %and3A_837 = arith.constant 1 : i32
    %and3A_838 = vector.broadcast %and3A_837 : i32 to vector<1x8192xi32>
    %and3A_839 = arith.andi %shift_right_arithmetic3A_836, %and3A_838 : vector<1x8192xi32>
    %eq3A_840 = arith.constant 1 : i32
    %eq3A_841 = vector.broadcast %eq3A_840 : i32 to vector<1x8192xi32>
    %eq3A_842 = arith.cmpi eq, %and3A_839, %eq3A_841 : vector<1x8192xi32>
    %xor3A_843 = arith.xori %or3A_833, %eq3A_826 : vector<1x8192xi1>
    %xor3A_844 = arith.xori %xor3A_843, %eq3A_842 : vector<1x8192xi1>
    %select_n3A_845 = arith.select %xor3A_844, %select_n3A_808, %select_n3A_827 : vector<1x8192xi1>, vector<1x8192xi32>
    %select_n3A_846 = arith.select %xor3A_844, %select_n3A_809, %select_n3A_828 : vector<1x8192xi1>, vector<1x8192xi32>
    %roll3A_847 = arith.constant 8176 : i32
    %roll3A_848 = tpu.dynamic_rotate %select_n3A_845 by %roll3A_847 dim 1 : vector<1x8192xi32>, i32 -> vector<1x8192xi32>
    %roll3A_849 = arith.constant 16 : i32
    %roll3A_850 = tpu.dynamic_rotate %select_n3A_845 by %roll3A_849 dim 1 : vector<1x8192xi32>, i32 -> vector<1x8192xi32>
    %roll3A_851 = arith.constant 8176 : i32
    %roll3A_852 = tpu.dynamic_rotate %select_n3A_846 by %roll3A_851 dim 1 : vector<1x8192xi32>, i32 -> vector<1x8192xi32>
    %roll3A_853 = arith.constant 16 : i32
    %roll3A_854 = tpu.dynamic_rotate %select_n3A_846 by %roll3A_853 dim 1 : vector<1x8192xi32>, i32 -> vector<1x8192xi32>
    %shift_right_arithmetic3A_855 = arith.constant 4 : i32
    %shift_right_arithmetic3A_856 = vector.broadcast %shift_right_arithmetic3A_855 : i32 to vector<1x8192xi32>
    %shift_right_arithmetic3A_857 = arith.shrsi %iota3A_4, %shift_right_arithmetic3A_856 : vector<1x8192xi32>
    %and3A_858 = arith.constant 1 : i32
    %and3A_859 = vector.broadcast %and3A_858 : i32 to vector<1x8192xi32>
    %and3A_860 = arith.andi %shift_right_arithmetic3A_857, %and3A_859 : vector<1x8192xi32>
    %eq3A_861 = arith.constant 1 : i32
    %eq3A_862 = vector.broadcast %eq3A_861 : i32 to vector<1x8192xi32>
    %eq3A_863 = arith.cmpi eq, %and3A_860, %eq3A_862 : vector<1x8192xi32>
    %select_n3A_864 = arith.select %eq3A_863, %roll3A_850, %roll3A_848 : vector<1x8192xi1>, vector<1x8192xi32>
    %select_n3A_865 = arith.select %eq3A_863, %roll3A_854, %roll3A_852 : vector<1x8192xi1>, vector<1x8192xi32>
    %gt3A_866 = arith.cmpi sgt, %select_n3A_845, %select_n3A_864 : vector<1x8192xi32>
    %eq3A_867 = arith.cmpi eq, %select_n3A_845, %select_n3A_864 : vector<1x8192xi32>
    %lt3A_868 = arith.cmpi slt, %select_n3A_846, %select_n3A_865 : vector<1x8192xi32>
    %and3A_869 = arith.andi %eq3A_867, %lt3A_868 : vector<1x8192xi1>
    %or3A_870 = arith.ori %gt3A_866, %and3A_869 : vector<1x8192xi1>
    %shift_right_arithmetic3A_871 = arith.constant 7 : i32
    %shift_right_arithmetic3A_872 = vector.broadcast %shift_right_arithmetic3A_871 : i32 to vector<1x8192xi32>
    %shift_right_arithmetic3A_873 = arith.shrsi %iota3A_4, %shift_right_arithmetic3A_872 : vector<1x8192xi32>
    %and3A_874 = arith.constant 1 : i32
    %and3A_875 = vector.broadcast %and3A_874 : i32 to vector<1x8192xi32>
    %and3A_876 = arith.andi %shift_right_arithmetic3A_873, %and3A_875 : vector<1x8192xi32>
    %eq3A_877 = arith.constant 1 : i32
    %eq3A_878 = vector.broadcast %eq3A_877 : i32 to vector<1x8192xi32>
    %eq3A_879 = arith.cmpi eq, %and3A_876, %eq3A_878 : vector<1x8192xi32>
    %xor3A_880 = arith.xori %or3A_870, %eq3A_863 : vector<1x8192xi1>
    %xor3A_881 = arith.xori %xor3A_880, %eq3A_879 : vector<1x8192xi1>
    %select_n3A_882 = arith.select %xor3A_881, %select_n3A_845, %select_n3A_864 : vector<1x8192xi1>, vector<1x8192xi32>
    %select_n3A_883 = arith.select %xor3A_881, %select_n3A_846, %select_n3A_865 : vector<1x8192xi1>, vector<1x8192xi32>
    %roll3A_884 = arith.constant 8184 : i32
    %roll3A_885 = tpu.dynamic_rotate %select_n3A_882 by %roll3A_884 dim 1 : vector<1x8192xi32>, i32 -> vector<1x8192xi32>
    %roll3A_886 = arith.constant 8 : i32
    %roll3A_887 = tpu.dynamic_rotate %select_n3A_882 by %roll3A_886 dim 1 : vector<1x8192xi32>, i32 -> vector<1x8192xi32>
    %roll3A_888 = arith.constant 8184 : i32
    %roll3A_889 = tpu.dynamic_rotate %select_n3A_883 by %roll3A_888 dim 1 : vector<1x8192xi32>, i32 -> vector<1x8192xi32>
    %roll3A_890 = arith.constant 8 : i32
    %roll3A_891 = tpu.dynamic_rotate %select_n3A_883 by %roll3A_890 dim 1 : vector<1x8192xi32>, i32 -> vector<1x8192xi32>
    %shift_right_arithmetic3A_892 = arith.constant 3 : i32
    %shift_right_arithmetic3A_893 = vector.broadcast %shift_right_arithmetic3A_892 : i32 to vector<1x8192xi32>
    %shift_right_arithmetic3A_894 = arith.shrsi %iota3A_4, %shift_right_arithmetic3A_893 : vector<1x8192xi32>
    %and3A_895 = arith.constant 1 : i32
    %and3A_896 = vector.broadcast %and3A_895 : i32 to vector<1x8192xi32>
    %and3A_897 = arith.andi %shift_right_arithmetic3A_894, %and3A_896 : vector<1x8192xi32>
    %eq3A_898 = arith.constant 1 : i32
    %eq3A_899 = vector.broadcast %eq3A_898 : i32 to vector<1x8192xi32>
    %eq3A_900 = arith.cmpi eq, %and3A_897, %eq3A_899 : vector<1x8192xi32>
    %select_n3A_901 = arith.select %eq3A_900, %roll3A_887, %roll3A_885 : vector<1x8192xi1>, vector<1x8192xi32>
    %select_n3A_902 = arith.select %eq3A_900, %roll3A_891, %roll3A_889 : vector<1x8192xi1>, vector<1x8192xi32>
    %gt3A_903 = arith.cmpi sgt, %select_n3A_882, %select_n3A_901 : vector<1x8192xi32>
    %eq3A_904 = arith.cmpi eq, %select_n3A_882, %select_n3A_901 : vector<1x8192xi32>
    %lt3A_905 = arith.cmpi slt, %select_n3A_883, %select_n3A_902 : vector<1x8192xi32>
    %and3A_906 = arith.andi %eq3A_904, %lt3A_905 : vector<1x8192xi1>
    %or3A_907 = arith.ori %gt3A_903, %and3A_906 : vector<1x8192xi1>
    %shift_right_arithmetic3A_908 = arith.constant 7 : i32
    %shift_right_arithmetic3A_909 = vector.broadcast %shift_right_arithmetic3A_908 : i32 to vector<1x8192xi32>
    %shift_right_arithmetic3A_910 = arith.shrsi %iota3A_4, %shift_right_arithmetic3A_909 : vector<1x8192xi32>
    %and3A_911 = arith.constant 1 : i32
    %and3A_912 = vector.broadcast %and3A_911 : i32 to vector<1x8192xi32>
    %and3A_913 = arith.andi %shift_right_arithmetic3A_910, %and3A_912 : vector<1x8192xi32>
    %eq3A_914 = arith.constant 1 : i32
    %eq3A_915 = vector.broadcast %eq3A_914 : i32 to vector<1x8192xi32>
    %eq3A_916 = arith.cmpi eq, %and3A_913, %eq3A_915 : vector<1x8192xi32>
    %xor3A_917 = arith.xori %or3A_907, %eq3A_900 : vector<1x8192xi1>
    %xor3A_918 = arith.xori %xor3A_917, %eq3A_916 : vector<1x8192xi1>
    %select_n3A_919 = arith.select %xor3A_918, %select_n3A_882, %select_n3A_901 : vector<1x8192xi1>, vector<1x8192xi32>
    %select_n3A_920 = arith.select %xor3A_918, %select_n3A_883, %select_n3A_902 : vector<1x8192xi1>, vector<1x8192xi32>
    %roll3A_921 = arith.constant 8188 : i32
    %roll3A_922 = tpu.dynamic_rotate %select_n3A_919 by %roll3A_921 dim 1 : vector<1x8192xi32>, i32 -> vector<1x8192xi32>
    %roll3A_923 = arith.constant 4 : i32
    %roll3A_924 = tpu.dynamic_rotate %select_n3A_919 by %roll3A_923 dim 1 : vector<1x8192xi32>, i32 -> vector<1x8192xi32>
    %roll3A_925 = arith.constant 8188 : i32
    %roll3A_926 = tpu.dynamic_rotate %select_n3A_920 by %roll3A_925 dim 1 : vector<1x8192xi32>, i32 -> vector<1x8192xi32>
    %roll3A_927 = arith.constant 4 : i32
    %roll3A_928 = tpu.dynamic_rotate %select_n3A_920 by %roll3A_927 dim 1 : vector<1x8192xi32>, i32 -> vector<1x8192xi32>
    %shift_right_arithmetic3A_929 = arith.constant 2 : i32
    %shift_right_arithmetic3A_930 = vector.broadcast %shift_right_arithmetic3A_929 : i32 to vector<1x8192xi32>
    %shift_right_arithmetic3A_931 = arith.shrsi %iota3A_4, %shift_right_arithmetic3A_930 : vector<1x8192xi32>
    %and3A_932 = arith.constant 1 : i32
    %and3A_933 = vector.broadcast %and3A_932 : i32 to vector<1x8192xi32>
    %and3A_934 = arith.andi %shift_right_arithmetic3A_931, %and3A_933 : vector<1x8192xi32>
    %eq3A_935 = arith.constant 1 : i32
    %eq3A_936 = vector.broadcast %eq3A_935 : i32 to vector<1x8192xi32>
    %eq3A_937 = arith.cmpi eq, %and3A_934, %eq3A_936 : vector<1x8192xi32>
    %select_n3A_938 = arith.select %eq3A_937, %roll3A_924, %roll3A_922 : vector<1x8192xi1>, vector<1x8192xi32>
    %select_n3A_939 = arith.select %eq3A_937, %roll3A_928, %roll3A_926 : vector<1x8192xi1>, vector<1x8192xi32>
    %gt3A_940 = arith.cmpi sgt, %select_n3A_919, %select_n3A_938 : vector<1x8192xi32>
    %eq3A_941 = arith.cmpi eq, %select_n3A_919, %select_n3A_938 : vector<1x8192xi32>
    %lt3A_942 = arith.cmpi slt, %select_n3A_920, %select_n3A_939 : vector<1x8192xi32>
    %and3A_943 = arith.andi %eq3A_941, %lt3A_942 : vector<1x8192xi1>
    %or3A_944 = arith.ori %gt3A_940, %and3A_943 : vector<1x8192xi1>
    %shift_right_arithmetic3A_945 = arith.constant 7 : i32
    %shift_right_arithmetic3A_946 = vector.broadcast %shift_right_arithmetic3A_945 : i32 to vector<1x8192xi32>
    %shift_right_arithmetic3A_947 = arith.shrsi %iota3A_4, %shift_right_arithmetic3A_946 : vector<1x8192xi32>
    %and3A_948 = arith.constant 1 : i32
    %and3A_949 = vector.broadcast %and3A_948 : i32 to vector<1x8192xi32>
    %and3A_950 = arith.andi %shift_right_arithmetic3A_947, %and3A_949 : vector<1x8192xi32>
    %eq3A_951 = arith.constant 1 : i32
    %eq3A_952 = vector.broadcast %eq3A_951 : i32 to vector<1x8192xi32>
    %eq3A_953 = arith.cmpi eq, %and3A_950, %eq3A_952 : vector<1x8192xi32>
    %xor3A_954 = arith.xori %or3A_944, %eq3A_937 : vector<1x8192xi1>
    %xor3A_955 = arith.xori %xor3A_954, %eq3A_953 : vector<1x8192xi1>
    %select_n3A_956 = arith.select %xor3A_955, %select_n3A_919, %select_n3A_938 : vector<1x8192xi1>, vector<1x8192xi32>
    %select_n3A_957 = arith.select %xor3A_955, %select_n3A_920, %select_n3A_939 : vector<1x8192xi1>, vector<1x8192xi32>
    %roll3A_958 = arith.constant 8190 : i32
    %roll3A_959 = tpu.dynamic_rotate %select_n3A_956 by %roll3A_958 dim 1 : vector<1x8192xi32>, i32 -> vector<1x8192xi32>
    %roll3A_960 = arith.constant 2 : i32
    %roll3A_961 = tpu.dynamic_rotate %select_n3A_956 by %roll3A_960 dim 1 : vector<1x8192xi32>, i32 -> vector<1x8192xi32>
    %roll3A_962 = arith.constant 8190 : i32
    %roll3A_963 = tpu.dynamic_rotate %select_n3A_957 by %roll3A_962 dim 1 : vector<1x8192xi32>, i32 -> vector<1x8192xi32>
    %roll3A_964 = arith.constant 2 : i32
    %roll3A_965 = tpu.dynamic_rotate %select_n3A_957 by %roll3A_964 dim 1 : vector<1x8192xi32>, i32 -> vector<1x8192xi32>
    %shift_right_arithmetic3A_966 = arith.constant 1 : i32
    %shift_right_arithmetic3A_967 = vector.broadcast %shift_right_arithmetic3A_966 : i32 to vector<1x8192xi32>
    %shift_right_arithmetic3A_968 = arith.shrsi %iota3A_4, %shift_right_arithmetic3A_967 : vector<1x8192xi32>
    %and3A_969 = arith.constant 1 : i32
    %and3A_970 = vector.broadcast %and3A_969 : i32 to vector<1x8192xi32>
    %and3A_971 = arith.andi %shift_right_arithmetic3A_968, %and3A_970 : vector<1x8192xi32>
    %eq3A_972 = arith.constant 1 : i32
    %eq3A_973 = vector.broadcast %eq3A_972 : i32 to vector<1x8192xi32>
    %eq3A_974 = arith.cmpi eq, %and3A_971, %eq3A_973 : vector<1x8192xi32>
    %select_n3A_975 = arith.select %eq3A_974, %roll3A_961, %roll3A_959 : vector<1x8192xi1>, vector<1x8192xi32>
    %select_n3A_976 = arith.select %eq3A_974, %roll3A_965, %roll3A_963 : vector<1x8192xi1>, vector<1x8192xi32>
    %gt3A_977 = arith.cmpi sgt, %select_n3A_956, %select_n3A_975 : vector<1x8192xi32>
    %eq3A_978 = arith.cmpi eq, %select_n3A_956, %select_n3A_975 : vector<1x8192xi32>
    %lt3A_979 = arith.cmpi slt, %select_n3A_957, %select_n3A_976 : vector<1x8192xi32>
    %and3A_980 = arith.andi %eq3A_978, %lt3A_979 : vector<1x8192xi1>
    %or3A_981 = arith.ori %gt3A_977, %and3A_980 : vector<1x8192xi1>
    %shift_right_arithmetic3A_982 = arith.constant 7 : i32
    %shift_right_arithmetic3A_983 = vector.broadcast %shift_right_arithmetic3A_982 : i32 to vector<1x8192xi32>
    %shift_right_arithmetic3A_984 = arith.shrsi %iota3A_4, %shift_right_arithmetic3A_983 : vector<1x8192xi32>
    %and3A_985 = arith.constant 1 : i32
    %and3A_986 = vector.broadcast %and3A_985 : i32 to vector<1x8192xi32>
    %and3A_987 = arith.andi %shift_right_arithmetic3A_984, %and3A_986 : vector<1x8192xi32>
    %eq3A_988 = arith.constant 1 : i32
    %eq3A_989 = vector.broadcast %eq3A_988 : i32 to vector<1x8192xi32>
    %eq3A_990 = arith.cmpi eq, %and3A_987, %eq3A_989 : vector<1x8192xi32>
    %xor3A_991 = arith.xori %or3A_981, %eq3A_974 : vector<1x8192xi1>
    %xor3A_992 = arith.xori %xor3A_991, %eq3A_990 : vector<1x8192xi1>
    %select_n3A_993 = arith.select %xor3A_992, %select_n3A_956, %select_n3A_975 : vector<1x8192xi1>, vector<1x8192xi32>
    %select_n3A_994 = arith.select %xor3A_992, %select_n3A_957, %select_n3A_976 : vector<1x8192xi1>, vector<1x8192xi32>
    %roll3A_995 = arith.constant 8191 : i32
    %roll3A_996 = tpu.dynamic_rotate %select_n3A_993 by %roll3A_995 dim 1 : vector<1x8192xi32>, i32 -> vector<1x8192xi32>
    %roll3A_997 = arith.constant 1 : i32
    %roll3A_998 = tpu.dynamic_rotate %select_n3A_993 by %roll3A_997 dim 1 : vector<1x8192xi32>, i32 -> vector<1x8192xi32>
    %roll3A_999 = arith.constant 8191 : i32
    %roll3A_1000 = tpu.dynamic_rotate %select_n3A_994 by %roll3A_999 dim 1 : vector<1x8192xi32>, i32 -> vector<1x8192xi32>
    %roll3A_1001 = arith.constant 1 : i32
    %roll3A_1002 = tpu.dynamic_rotate %select_n3A_994 by %roll3A_1001 dim 1 : vector<1x8192xi32>, i32 -> vector<1x8192xi32>
    %shift_right_arithmetic3A_1003 = arith.constant 0 : i32
    %shift_right_arithmetic3A_1004 = vector.broadcast %shift_right_arithmetic3A_1003 : i32 to vector<1x8192xi32>
    %shift_right_arithmetic3A_1005 = arith.shrsi %iota3A_4, %shift_right_arithmetic3A_1004 : vector<1x8192xi32>
    %and3A_1006 = arith.constant 1 : i32
    %and3A_1007 = vector.broadcast %and3A_1006 : i32 to vector<1x8192xi32>
    %and3A_1008 = arith.andi %shift_right_arithmetic3A_1005, %and3A_1007 : vector<1x8192xi32>
    %eq3A_1009 = arith.constant 1 : i32
    %eq3A_1010 = vector.broadcast %eq3A_1009 : i32 to vector<1x8192xi32>
    %eq3A_1011 = arith.cmpi eq, %and3A_1008, %eq3A_1010 : vector<1x8192xi32>
    %select_n3A_1012 = arith.select %eq3A_1011, %roll3A_998, %roll3A_996 : vector<1x8192xi1>, vector<1x8192xi32>
    %select_n3A_1013 = arith.select %eq3A_1011, %roll3A_1002, %roll3A_1000 : vector<1x8192xi1>, vector<1x8192xi32>
    %gt3A_1014 = arith.cmpi sgt, %select_n3A_993, %select_n3A_1012 : vector<1x8192xi32>
    %eq3A_1015 = arith.cmpi eq, %select_n3A_993, %select_n3A_1012 : vector<1x8192xi32>
    %lt3A_1016 = arith.cmpi slt, %select_n3A_994, %select_n3A_1013 : vector<1x8192xi32>
    %and3A_1017 = arith.andi %eq3A_1015, %lt3A_1016 : vector<1x8192xi1>
    %or3A_1018 = arith.ori %gt3A_1014, %and3A_1017 : vector<1x8192xi1>
    %shift_right_arithmetic3A_1019 = arith.constant 7 : i32
    %shift_right_arithmetic3A_1020 = vector.broadcast %shift_right_arithmetic3A_1019 : i32 to vector<1x8192xi32>
    %shift_right_arithmetic3A_1021 = arith.shrsi %iota3A_4, %shift_right_arithmetic3A_1020 : vector<1x8192xi32>
    %and3A_1022 = arith.constant 1 : i32
    %and3A_1023 = vector.broadcast %and3A_1022 : i32 to vector<1x8192xi32>
    %and3A_1024 = arith.andi %shift_right_arithmetic3A_1021, %and3A_1023 : vector<1x8192xi32>
    %eq3A_1025 = arith.constant 1 : i32
    %eq3A_1026 = vector.broadcast %eq3A_1025 : i32 to vector<1x8192xi32>
    %eq3A_1027 = arith.cmpi eq, %and3A_1024, %eq3A_1026 : vector<1x8192xi32>
    %xor3A_1028 = arith.xori %or3A_1018, %eq3A_1011 : vector<1x8192xi1>
    %xor3A_1029 = arith.xori %xor3A_1028, %eq3A_1027 : vector<1x8192xi1>
    %select_n3A_1030 = arith.select %xor3A_1029, %select_n3A_993, %select_n3A_1012 : vector<1x8192xi1>, vector<1x8192xi32>
    %select_n3A_1031 = arith.select %xor3A_1029, %select_n3A_994, %select_n3A_1013 : vector<1x8192xi1>, vector<1x8192xi32>
    %roll3A_1032 = arith.constant 8064 : i32
    %roll3A_1033 = tpu.dynamic_rotate %select_n3A_1030 by %roll3A_1032 dim 1 : vector<1x8192xi32>, i32 -> vector<1x8192xi32>
    %roll3A_1034 = arith.constant 128 : i32
    %roll3A_1035 = tpu.dynamic_rotate %select_n3A_1030 by %roll3A_1034 dim 1 : vector<1x8192xi32>, i32 -> vector<1x8192xi32>
    %roll3A_1036 = arith.constant 8064 : i32
    %roll3A_1037 = tpu.dynamic_rotate %select_n3A_1031 by %roll3A_1036 dim 1 : vector<1x8192xi32>, i32 -> vector<1x8192xi32>
    %roll3A_1038 = arith.constant 128 : i32
    %roll3A_1039 = tpu.dynamic_rotate %select_n3A_1031 by %roll3A_1038 dim 1 : vector<1x8192xi32>, i32 -> vector<1x8192xi32>
    %shift_right_arithmetic3A_1040 = arith.constant 7 : i32
    %shift_right_arithmetic3A_1041 = vector.broadcast %shift_right_arithmetic3A_1040 : i32 to vector<1x8192xi32>
    %shift_right_arithmetic3A_1042 = arith.shrsi %iota3A_4, %shift_right_arithmetic3A_1041 : vector<1x8192xi32>
    %and3A_1043 = arith.constant 1 : i32
    %and3A_1044 = vector.broadcast %and3A_1043 : i32 to vector<1x8192xi32>
    %and3A_1045 = arith.andi %shift_right_arithmetic3A_1042, %and3A_1044 : vector<1x8192xi32>
    %eq3A_1046 = arith.constant 1 : i32
    %eq3A_1047 = vector.broadcast %eq3A_1046 : i32 to vector<1x8192xi32>
    %eq3A_1048 = arith.cmpi eq, %and3A_1045, %eq3A_1047 : vector<1x8192xi32>
    %select_n3A_1049 = arith.select %eq3A_1048, %roll3A_1035, %roll3A_1033 : vector<1x8192xi1>, vector<1x8192xi32>
    %select_n3A_1050 = arith.select %eq3A_1048, %roll3A_1039, %roll3A_1037 : vector<1x8192xi1>, vector<1x8192xi32>
    %gt3A_1051 = arith.cmpi sgt, %select_n3A_1030, %select_n3A_1049 : vector<1x8192xi32>
    %eq3A_1052 = arith.cmpi eq, %select_n3A_1030, %select_n3A_1049 : vector<1x8192xi32>
    %lt3A_1053 = arith.cmpi slt, %select_n3A_1031, %select_n3A_1050 : vector<1x8192xi32>
    %and3A_1054 = arith.andi %eq3A_1052, %lt3A_1053 : vector<1x8192xi1>
    %or3A_1055 = arith.ori %gt3A_1051, %and3A_1054 : vector<1x8192xi1>
    %shift_right_arithmetic3A_1056 = arith.constant 8 : i32
    %shift_right_arithmetic3A_1057 = vector.broadcast %shift_right_arithmetic3A_1056 : i32 to vector<1x8192xi32>
    %shift_right_arithmetic3A_1058 = arith.shrsi %iota3A_4, %shift_right_arithmetic3A_1057 : vector<1x8192xi32>
    %and3A_1059 = arith.constant 1 : i32
    %and3A_1060 = vector.broadcast %and3A_1059 : i32 to vector<1x8192xi32>
    %and3A_1061 = arith.andi %shift_right_arithmetic3A_1058, %and3A_1060 : vector<1x8192xi32>
    %eq3A_1062 = arith.constant 1 : i32
    %eq3A_1063 = vector.broadcast %eq3A_1062 : i32 to vector<1x8192xi32>
    %eq3A_1064 = arith.cmpi eq, %and3A_1061, %eq3A_1063 : vector<1x8192xi32>
    %xor3A_1065 = arith.xori %or3A_1055, %eq3A_1048 : vector<1x8192xi1>
    %xor3A_1066 = arith.xori %xor3A_1065, %eq3A_1064 : vector<1x8192xi1>
    %select_n3A_1067 = arith.select %xor3A_1066, %select_n3A_1030, %select_n3A_1049 : vector<1x8192xi1>, vector<1x8192xi32>
    %select_n3A_1068 = arith.select %xor3A_1066, %select_n3A_1031, %select_n3A_1050 : vector<1x8192xi1>, vector<1x8192xi32>
    %roll3A_1069 = arith.constant 8128 : i32
    %roll3A_1070 = tpu.dynamic_rotate %select_n3A_1067 by %roll3A_1069 dim 1 : vector<1x8192xi32>, i32 -> vector<1x8192xi32>
    %roll3A_1071 = arith.constant 64 : i32
    %roll3A_1072 = tpu.dynamic_rotate %select_n3A_1067 by %roll3A_1071 dim 1 : vector<1x8192xi32>, i32 -> vector<1x8192xi32>
    %roll3A_1073 = arith.constant 8128 : i32
    %roll3A_1074 = tpu.dynamic_rotate %select_n3A_1068 by %roll3A_1073 dim 1 : vector<1x8192xi32>, i32 -> vector<1x8192xi32>
    %roll3A_1075 = arith.constant 64 : i32
    %roll3A_1076 = tpu.dynamic_rotate %select_n3A_1068 by %roll3A_1075 dim 1 : vector<1x8192xi32>, i32 -> vector<1x8192xi32>
    %shift_right_arithmetic3A_1077 = arith.constant 6 : i32
    %shift_right_arithmetic3A_1078 = vector.broadcast %shift_right_arithmetic3A_1077 : i32 to vector<1x8192xi32>
    %shift_right_arithmetic3A_1079 = arith.shrsi %iota3A_4, %shift_right_arithmetic3A_1078 : vector<1x8192xi32>
    %and3A_1080 = arith.constant 1 : i32
    %and3A_1081 = vector.broadcast %and3A_1080 : i32 to vector<1x8192xi32>
    %and3A_1082 = arith.andi %shift_right_arithmetic3A_1079, %and3A_1081 : vector<1x8192xi32>
    %eq3A_1083 = arith.constant 1 : i32
    %eq3A_1084 = vector.broadcast %eq3A_1083 : i32 to vector<1x8192xi32>
    %eq3A_1085 = arith.cmpi eq, %and3A_1082, %eq3A_1084 : vector<1x8192xi32>
    %select_n3A_1086 = arith.select %eq3A_1085, %roll3A_1072, %roll3A_1070 : vector<1x8192xi1>, vector<1x8192xi32>
    %select_n3A_1087 = arith.select %eq3A_1085, %roll3A_1076, %roll3A_1074 : vector<1x8192xi1>, vector<1x8192xi32>
    %gt3A_1088 = arith.cmpi sgt, %select_n3A_1067, %select_n3A_1086 : vector<1x8192xi32>
    %eq3A_1089 = arith.cmpi eq, %select_n3A_1067, %select_n3A_1086 : vector<1x8192xi32>
    %lt3A_1090 = arith.cmpi slt, %select_n3A_1068, %select_n3A_1087 : vector<1x8192xi32>
    %and3A_1091 = arith.andi %eq3A_1089, %lt3A_1090 : vector<1x8192xi1>
    %or3A_1092 = arith.ori %gt3A_1088, %and3A_1091 : vector<1x8192xi1>
    %shift_right_arithmetic3A_1093 = arith.constant 8 : i32
    %shift_right_arithmetic3A_1094 = vector.broadcast %shift_right_arithmetic3A_1093 : i32 to vector<1x8192xi32>
    %shift_right_arithmetic3A_1095 = arith.shrsi %iota3A_4, %shift_right_arithmetic3A_1094 : vector<1x8192xi32>
    %and3A_1096 = arith.constant 1 : i32
    %and3A_1097 = vector.broadcast %and3A_1096 : i32 to vector<1x8192xi32>
    %and3A_1098 = arith.andi %shift_right_arithmetic3A_1095, %and3A_1097 : vector<1x8192xi32>
    %eq3A_1099 = arith.constant 1 : i32
    %eq3A_1100 = vector.broadcast %eq3A_1099 : i32 to vector<1x8192xi32>
    %eq3A_1101 = arith.cmpi eq, %and3A_1098, %eq3A_1100 : vector<1x8192xi32>
    %xor3A_1102 = arith.xori %or3A_1092, %eq3A_1085 : vector<1x8192xi1>
    %xor3A_1103 = arith.xori %xor3A_1102, %eq3A_1101 : vector<1x8192xi1>
    %select_n3A_1104 = arith.select %xor3A_1103, %select_n3A_1067, %select_n3A_1086 : vector<1x8192xi1>, vector<1x8192xi32>
    %select_n3A_1105 = arith.select %xor3A_1103, %select_n3A_1068, %select_n3A_1087 : vector<1x8192xi1>, vector<1x8192xi32>
    %roll3A_1106 = arith.constant 8160 : i32
    %roll3A_1107 = tpu.dynamic_rotate %select_n3A_1104 by %roll3A_1106 dim 1 : vector<1x8192xi32>, i32 -> vector<1x8192xi32>
    %roll3A_1108 = arith.constant 32 : i32
    %roll3A_1109 = tpu.dynamic_rotate %select_n3A_1104 by %roll3A_1108 dim 1 : vector<1x8192xi32>, i32 -> vector<1x8192xi32>
    %roll3A_1110 = arith.constant 8160 : i32
    %roll3A_1111 = tpu.dynamic_rotate %select_n3A_1105 by %roll3A_1110 dim 1 : vector<1x8192xi32>, i32 -> vector<1x8192xi32>
    %roll3A_1112 = arith.constant 32 : i32
    %roll3A_1113 = tpu.dynamic_rotate %select_n3A_1105 by %roll3A_1112 dim 1 : vector<1x8192xi32>, i32 -> vector<1x8192xi32>
    %shift_right_arithmetic3A_1114 = arith.constant 5 : i32
    %shift_right_arithmetic3A_1115 = vector.broadcast %shift_right_arithmetic3A_1114 : i32 to vector<1x8192xi32>
    %shift_right_arithmetic3A_1116 = arith.shrsi %iota3A_4, %shift_right_arithmetic3A_1115 : vector<1x8192xi32>
    %and3A_1117 = arith.constant 1 : i32
    %and3A_1118 = vector.broadcast %and3A_1117 : i32 to vector<1x8192xi32>
    %and3A_1119 = arith.andi %shift_right_arithmetic3A_1116, %and3A_1118 : vector<1x8192xi32>
    %eq3A_1120 = arith.constant 1 : i32
    %eq3A_1121 = vector.broadcast %eq3A_1120 : i32 to vector<1x8192xi32>
    %eq3A_1122 = arith.cmpi eq, %and3A_1119, %eq3A_1121 : vector<1x8192xi32>
    %select_n3A_1123 = arith.select %eq3A_1122, %roll3A_1109, %roll3A_1107 : vector<1x8192xi1>, vector<1x8192xi32>
    %select_n3A_1124 = arith.select %eq3A_1122, %roll3A_1113, %roll3A_1111 : vector<1x8192xi1>, vector<1x8192xi32>
    %gt3A_1125 = arith.cmpi sgt, %select_n3A_1104, %select_n3A_1123 : vector<1x8192xi32>
    %eq3A_1126 = arith.cmpi eq, %select_n3A_1104, %select_n3A_1123 : vector<1x8192xi32>
    %lt3A_1127 = arith.cmpi slt, %select_n3A_1105, %select_n3A_1124 : vector<1x8192xi32>
    %and3A_1128 = arith.andi %eq3A_1126, %lt3A_1127 : vector<1x8192xi1>
    %or3A_1129 = arith.ori %gt3A_1125, %and3A_1128 : vector<1x8192xi1>
    %shift_right_arithmetic3A_1130 = arith.constant 8 : i32
    %shift_right_arithmetic3A_1131 = vector.broadcast %shift_right_arithmetic3A_1130 : i32 to vector<1x8192xi32>
    %shift_right_arithmetic3A_1132 = arith.shrsi %iota3A_4, %shift_right_arithmetic3A_1131 : vector<1x8192xi32>
    %and3A_1133 = arith.constant 1 : i32
    %and3A_1134 = vector.broadcast %and3A_1133 : i32 to vector<1x8192xi32>
    %and3A_1135 = arith.andi %shift_right_arithmetic3A_1132, %and3A_1134 : vector<1x8192xi32>
    %eq3A_1136 = arith.constant 1 : i32
    %eq3A_1137 = vector.broadcast %eq3A_1136 : i32 to vector<1x8192xi32>
    %eq3A_1138 = arith.cmpi eq, %and3A_1135, %eq3A_1137 : vector<1x8192xi32>
    %xor3A_1139 = arith.xori %or3A_1129, %eq3A_1122 : vector<1x8192xi1>
    %xor3A_1140 = arith.xori %xor3A_1139, %eq3A_1138 : vector<1x8192xi1>
    %select_n3A_1141 = arith.select %xor3A_1140, %select_n3A_1104, %select_n3A_1123 : vector<1x8192xi1>, vector<1x8192xi32>
    %select_n3A_1142 = arith.select %xor3A_1140, %select_n3A_1105, %select_n3A_1124 : vector<1x8192xi1>, vector<1x8192xi32>
    %roll3A_1143 = arith.constant 8176 : i32
    %roll3A_1144 = tpu.dynamic_rotate %select_n3A_1141 by %roll3A_1143 dim 1 : vector<1x8192xi32>, i32 -> vector<1x8192xi32>
    %roll3A_1145 = arith.constant 16 : i32
    %roll3A_1146 = tpu.dynamic_rotate %select_n3A_1141 by %roll3A_1145 dim 1 : vector<1x8192xi32>, i32 -> vector<1x8192xi32>
    %roll3A_1147 = arith.constant 8176 : i32
    %roll3A_1148 = tpu.dynamic_rotate %select_n3A_1142 by %roll3A_1147 dim 1 : vector<1x8192xi32>, i32 -> vector<1x8192xi32>
    %roll3A_1149 = arith.constant 16 : i32
    %roll3A_1150 = tpu.dynamic_rotate %select_n3A_1142 by %roll3A_1149 dim 1 : vector<1x8192xi32>, i32 -> vector<1x8192xi32>
    %shift_right_arithmetic3A_1151 = arith.constant 4 : i32
    %shift_right_arithmetic3A_1152 = vector.broadcast %shift_right_arithmetic3A_1151 : i32 to vector<1x8192xi32>
    %shift_right_arithmetic3A_1153 = arith.shrsi %iota3A_4, %shift_right_arithmetic3A_1152 : vector<1x8192xi32>
    %and3A_1154 = arith.constant 1 : i32
    %and3A_1155 = vector.broadcast %and3A_1154 : i32 to vector<1x8192xi32>
    %and3A_1156 = arith.andi %shift_right_arithmetic3A_1153, %and3A_1155 : vector<1x8192xi32>
    %eq3A_1157 = arith.constant 1 : i32
    %eq3A_1158 = vector.broadcast %eq3A_1157 : i32 to vector<1x8192xi32>
    %eq3A_1159 = arith.cmpi eq, %and3A_1156, %eq3A_1158 : vector<1x8192xi32>
    %select_n3A_1160 = arith.select %eq3A_1159, %roll3A_1146, %roll3A_1144 : vector<1x8192xi1>, vector<1x8192xi32>
    %select_n3A_1161 = arith.select %eq3A_1159, %roll3A_1150, %roll3A_1148 : vector<1x8192xi1>, vector<1x8192xi32>
    %gt3A_1162 = arith.cmpi sgt, %select_n3A_1141, %select_n3A_1160 : vector<1x8192xi32>
    %eq3A_1163 = arith.cmpi eq, %select_n3A_1141, %select_n3A_1160 : vector<1x8192xi32>
    %lt3A_1164 = arith.cmpi slt, %select_n3A_1142, %select_n3A_1161 : vector<1x8192xi32>
    %and3A_1165 = arith.andi %eq3A_1163, %lt3A_1164 : vector<1x8192xi1>
    %or3A_1166 = arith.ori %gt3A_1162, %and3A_1165 : vector<1x8192xi1>
    %shift_right_arithmetic3A_1167 = arith.constant 8 : i32
    %shift_right_arithmetic3A_1168 = vector.broadcast %shift_right_arithmetic3A_1167 : i32 to vector<1x8192xi32>
    %shift_right_arithmetic3A_1169 = arith.shrsi %iota3A_4, %shift_right_arithmetic3A_1168 : vector<1x8192xi32>
    %and3A_1170 = arith.constant 1 : i32
    %and3A_1171 = vector.broadcast %and3A_1170 : i32 to vector<1x8192xi32>
    %and3A_1172 = arith.andi %shift_right_arithmetic3A_1169, %and3A_1171 : vector<1x8192xi32>
    %eq3A_1173 = arith.constant 1 : i32
    %eq3A_1174 = vector.broadcast %eq3A_1173 : i32 to vector<1x8192xi32>
    %eq3A_1175 = arith.cmpi eq, %and3A_1172, %eq3A_1174 : vector<1x8192xi32>
    %xor3A_1176 = arith.xori %or3A_1166, %eq3A_1159 : vector<1x8192xi1>
    %xor3A_1177 = arith.xori %xor3A_1176, %eq3A_1175 : vector<1x8192xi1>
    %select_n3A_1178 = arith.select %xor3A_1177, %select_n3A_1141, %select_n3A_1160 : vector<1x8192xi1>, vector<1x8192xi32>
    %select_n3A_1179 = arith.select %xor3A_1177, %select_n3A_1142, %select_n3A_1161 : vector<1x8192xi1>, vector<1x8192xi32>
    %roll3A_1180 = arith.constant 8184 : i32
    %roll3A_1181 = tpu.dynamic_rotate %select_n3A_1178 by %roll3A_1180 dim 1 : vector<1x8192xi32>, i32 -> vector<1x8192xi32>
    %roll3A_1182 = arith.constant 8 : i32
    %roll3A_1183 = tpu.dynamic_rotate %select_n3A_1178 by %roll3A_1182 dim 1 : vector<1x8192xi32>, i32 -> vector<1x8192xi32>
    %roll3A_1184 = arith.constant 8184 : i32
    %roll3A_1185 = tpu.dynamic_rotate %select_n3A_1179 by %roll3A_1184 dim 1 : vector<1x8192xi32>, i32 -> vector<1x8192xi32>
    %roll3A_1186 = arith.constant 8 : i32
    %roll3A_1187 = tpu.dynamic_rotate %select_n3A_1179 by %roll3A_1186 dim 1 : vector<1x8192xi32>, i32 -> vector<1x8192xi32>
    %shift_right_arithmetic3A_1188 = arith.constant 3 : i32
    %shift_right_arithmetic3A_1189 = vector.broadcast %shift_right_arithmetic3A_1188 : i32 to vector<1x8192xi32>
    %shift_right_arithmetic3A_1190 = arith.shrsi %iota3A_4, %shift_right_arithmetic3A_1189 : vector<1x8192xi32>
    %and3A_1191 = arith.constant 1 : i32
    %and3A_1192 = vector.broadcast %and3A_1191 : i32 to vector<1x8192xi32>
    %and3A_1193 = arith.andi %shift_right_arithmetic3A_1190, %and3A_1192 : vector<1x8192xi32>
    %eq3A_1194 = arith.constant 1 : i32
    %eq3A_1195 = vector.broadcast %eq3A_1194 : i32 to vector<1x8192xi32>
    %eq3A_1196 = arith.cmpi eq, %and3A_1193, %eq3A_1195 : vector<1x8192xi32>
    %select_n3A_1197 = arith.select %eq3A_1196, %roll3A_1183, %roll3A_1181 : vector<1x8192xi1>, vector<1x8192xi32>
    %select_n3A_1198 = arith.select %eq3A_1196, %roll3A_1187, %roll3A_1185 : vector<1x8192xi1>, vector<1x8192xi32>
    %gt3A_1199 = arith.cmpi sgt, %select_n3A_1178, %select_n3A_1197 : vector<1x8192xi32>
    %eq3A_1200 = arith.cmpi eq, %select_n3A_1178, %select_n3A_1197 : vector<1x8192xi32>
    %lt3A_1201 = arith.cmpi slt, %select_n3A_1179, %select_n3A_1198 : vector<1x8192xi32>
    %and3A_1202 = arith.andi %eq3A_1200, %lt3A_1201 : vector<1x8192xi1>
    %or3A_1203 = arith.ori %gt3A_1199, %and3A_1202 : vector<1x8192xi1>
    %shift_right_arithmetic3A_1204 = arith.constant 8 : i32
    %shift_right_arithmetic3A_1205 = vector.broadcast %shift_right_arithmetic3A_1204 : i32 to vector<1x8192xi32>
    %shift_right_arithmetic3A_1206 = arith.shrsi %iota3A_4, %shift_right_arithmetic3A_1205 : vector<1x8192xi32>
    %and3A_1207 = arith.constant 1 : i32
    %and3A_1208 = vector.broadcast %and3A_1207 : i32 to vector<1x8192xi32>
    %and3A_1209 = arith.andi %shift_right_arithmetic3A_1206, %and3A_1208 : vector<1x8192xi32>
    %eq3A_1210 = arith.constant 1 : i32
    %eq3A_1211 = vector.broadcast %eq3A_1210 : i32 to vector<1x8192xi32>
    %eq3A_1212 = arith.cmpi eq, %and3A_1209, %eq3A_1211 : vector<1x8192xi32>
    %xor3A_1213 = arith.xori %or3A_1203, %eq3A_1196 : vector<1x8192xi1>
    %xor3A_1214 = arith.xori %xor3A_1213, %eq3A_1212 : vector<1x8192xi1>
    %select_n3A_1215 = arith.select %xor3A_1214, %select_n3A_1178, %select_n3A_1197 : vector<1x8192xi1>, vector<1x8192xi32>
    %select_n3A_1216 = arith.select %xor3A_1214, %select_n3A_1179, %select_n3A_1198 : vector<1x8192xi1>, vector<1x8192xi32>
    %roll3A_1217 = arith.constant 8188 : i32
    %roll3A_1218 = tpu.dynamic_rotate %select_n3A_1215 by %roll3A_1217 dim 1 : vector<1x8192xi32>, i32 -> vector<1x8192xi32>
    %roll3A_1219 = arith.constant 4 : i32
    %roll3A_1220 = tpu.dynamic_rotate %select_n3A_1215 by %roll3A_1219 dim 1 : vector<1x8192xi32>, i32 -> vector<1x8192xi32>
    %roll3A_1221 = arith.constant 8188 : i32
    %roll3A_1222 = tpu.dynamic_rotate %select_n3A_1216 by %roll3A_1221 dim 1 : vector<1x8192xi32>, i32 -> vector<1x8192xi32>
    %roll3A_1223 = arith.constant 4 : i32
    %roll3A_1224 = tpu.dynamic_rotate %select_n3A_1216 by %roll3A_1223 dim 1 : vector<1x8192xi32>, i32 -> vector<1x8192xi32>
    %shift_right_arithmetic3A_1225 = arith.constant 2 : i32
    %shift_right_arithmetic3A_1226 = vector.broadcast %shift_right_arithmetic3A_1225 : i32 to vector<1x8192xi32>
    %shift_right_arithmetic3A_1227 = arith.shrsi %iota3A_4, %shift_right_arithmetic3A_1226 : vector<1x8192xi32>
    %and3A_1228 = arith.constant 1 : i32
    %and3A_1229 = vector.broadcast %and3A_1228 : i32 to vector<1x8192xi32>
    %and3A_1230 = arith.andi %shift_right_arithmetic3A_1227, %and3A_1229 : vector<1x8192xi32>
    %eq3A_1231 = arith.constant 1 : i32
    %eq3A_1232 = vector.broadcast %eq3A_1231 : i32 to vector<1x8192xi32>
    %eq3A_1233 = arith.cmpi eq, %and3A_1230, %eq3A_1232 : vector<1x8192xi32>
    %select_n3A_1234 = arith.select %eq3A_1233, %roll3A_1220, %roll3A_1218 : vector<1x8192xi1>, vector<1x8192xi32>
    %select_n3A_1235 = arith.select %eq3A_1233, %roll3A_1224, %roll3A_1222 : vector<1x8192xi1>, vector<1x8192xi32>
    %gt3A_1236 = arith.cmpi sgt, %select_n3A_1215, %select_n3A_1234 : vector<1x8192xi32>
    %eq3A_1237 = arith.cmpi eq, %select_n3A_1215, %select_n3A_1234 : vector<1x8192xi32>
    %lt3A_1238 = arith.cmpi slt, %select_n3A_1216, %select_n3A_1235 : vector<1x8192xi32>
    %and3A_1239 = arith.andi %eq3A_1237, %lt3A_1238 : vector<1x8192xi1>
    %or3A_1240 = arith.ori %gt3A_1236, %and3A_1239 : vector<1x8192xi1>
    %shift_right_arithmetic3A_1241 = arith.constant 8 : i32
    %shift_right_arithmetic3A_1242 = vector.broadcast %shift_right_arithmetic3A_1241 : i32 to vector<1x8192xi32>
    %shift_right_arithmetic3A_1243 = arith.shrsi %iota3A_4, %shift_right_arithmetic3A_1242 : vector<1x8192xi32>
    %and3A_1244 = arith.constant 1 : i32
    %and3A_1245 = vector.broadcast %and3A_1244 : i32 to vector<1x8192xi32>
    %and3A_1246 = arith.andi %shift_right_arithmetic3A_1243, %and3A_1245 : vector<1x8192xi32>
    %eq3A_1247 = arith.constant 1 : i32
    %eq3A_1248 = vector.broadcast %eq3A_1247 : i32 to vector<1x8192xi32>
    %eq3A_1249 = arith.cmpi eq, %and3A_1246, %eq3A_1248 : vector<1x8192xi32>
    %xor3A_1250 = arith.xori %or3A_1240, %eq3A_1233 : vector<1x8192xi1>
    %xor3A_1251 = arith.xori %xor3A_1250, %eq3A_1249 : vector<1x8192xi1>
    %select_n3A_1252 = arith.select %xor3A_1251, %select_n3A_1215, %select_n3A_1234 : vector<1x8192xi1>, vector<1x8192xi32>
    %select_n3A_1253 = arith.select %xor3A_1251, %select_n3A_1216, %select_n3A_1235 : vector<1x8192xi1>, vector<1x8192xi32>
    %roll3A_1254 = arith.constant 8190 : i32
    %roll3A_1255 = tpu.dynamic_rotate %select_n3A_1252 by %roll3A_1254 dim 1 : vector<1x8192xi32>, i32 -> vector<1x8192xi32>
    %roll3A_1256 = arith.constant 2 : i32
    %roll3A_1257 = tpu.dynamic_rotate %select_n3A_1252 by %roll3A_1256 dim 1 : vector<1x8192xi32>, i32 -> vector<1x8192xi32>
    %roll3A_1258 = arith.constant 8190 : i32
    %roll3A_1259 = tpu.dynamic_rotate %select_n3A_1253 by %roll3A_1258 dim 1 : vector<1x8192xi32>, i32 -> vector<1x8192xi32>
    %roll3A_1260 = arith.constant 2 : i32
    %roll3A_1261 = tpu.dynamic_rotate %select_n3A_1253 by %roll3A_1260 dim 1 : vector<1x8192xi32>, i32 -> vector<1x8192xi32>
    %shift_right_arithmetic3A_1262 = arith.constant 1 : i32
    %shift_right_arithmetic3A_1263 = vector.broadcast %shift_right_arithmetic3A_1262 : i32 to vector<1x8192xi32>
    %shift_right_arithmetic3A_1264 = arith.shrsi %iota3A_4, %shift_right_arithmetic3A_1263 : vector<1x8192xi32>
    %and3A_1265 = arith.constant 1 : i32
    %and3A_1266 = vector.broadcast %and3A_1265 : i32 to vector<1x8192xi32>
    %and3A_1267 = arith.andi %shift_right_arithmetic3A_1264, %and3A_1266 : vector<1x8192xi32>
    %eq3A_1268 = arith.constant 1 : i32
    %eq3A_1269 = vector.broadcast %eq3A_1268 : i32 to vector<1x8192xi32>
    %eq3A_1270 = arith.cmpi eq, %and3A_1267, %eq3A_1269 : vector<1x8192xi32>
    %select_n3A_1271 = arith.select %eq3A_1270, %roll3A_1257, %roll3A_1255 : vector<1x8192xi1>, vector<1x8192xi32>
    %select_n3A_1272 = arith.select %eq3A_1270, %roll3A_1261, %roll3A_1259 : vector<1x8192xi1>, vector<1x8192xi32>
    %gt3A_1273 = arith.cmpi sgt, %select_n3A_1252, %select_n3A_1271 : vector<1x8192xi32>
    %eq3A_1274 = arith.cmpi eq, %select_n3A_1252, %select_n3A_1271 : vector<1x8192xi32>
    %lt3A_1275 = arith.cmpi slt, %select_n3A_1253, %select_n3A_1272 : vector<1x8192xi32>
    %and3A_1276 = arith.andi %eq3A_1274, %lt3A_1275 : vector<1x8192xi1>
    %or3A_1277 = arith.ori %gt3A_1273, %and3A_1276 : vector<1x8192xi1>
    %shift_right_arithmetic3A_1278 = arith.constant 8 : i32
    %shift_right_arithmetic3A_1279 = vector.broadcast %shift_right_arithmetic3A_1278 : i32 to vector<1x8192xi32>
    %shift_right_arithmetic3A_1280 = arith.shrsi %iota3A_4, %shift_right_arithmetic3A_1279 : vector<1x8192xi32>
    %and3A_1281 = arith.constant 1 : i32
    %and3A_1282 = vector.broadcast %and3A_1281 : i32 to vector<1x8192xi32>
    %and3A_1283 = arith.andi %shift_right_arithmetic3A_1280, %and3A_1282 : vector<1x8192xi32>
    %eq3A_1284 = arith.constant 1 : i32
    %eq3A_1285 = vector.broadcast %eq3A_1284 : i32 to vector<1x8192xi32>
    %eq3A_1286 = arith.cmpi eq, %and3A_1283, %eq3A_1285 : vector<1x8192xi32>
    %xor3A_1287 = arith.xori %or3A_1277, %eq3A_1270 : vector<1x8192xi1>
    %xor3A_1288 = arith.xori %xor3A_1287, %eq3A_1286 : vector<1x8192xi1>
    %select_n3A_1289 = arith.select %xor3A_1288, %select_n3A_1252, %select_n3A_1271 : vector<1x8192xi1>, vector<1x8192xi32>
    %select_n3A_1290 = arith.select %xor3A_1288, %select_n3A_1253, %select_n3A_1272 : vector<1x8192xi1>, vector<1x8192xi32>
    %roll3A_1291 = arith.constant 8191 : i32
    %roll3A_1292 = tpu.dynamic_rotate %select_n3A_1289 by %roll3A_1291 dim 1 : vector<1x8192xi32>, i32 -> vector<1x8192xi32>
    %roll3A_1293 = arith.constant 1 : i32
    %roll3A_1294 = tpu.dynamic_rotate %select_n3A_1289 by %roll3A_1293 dim 1 : vector<1x8192xi32>, i32 -> vector<1x8192xi32>
    %roll3A_1295 = arith.constant 8191 : i32
    %roll3A_1296 = tpu.dynamic_rotate %select_n3A_1290 by %roll3A_1295 dim 1 : vector<1x8192xi32>, i32 -> vector<1x8192xi32>
    %roll3A_1297 = arith.constant 1 : i32
    %roll3A_1298 = tpu.dynamic_rotate %select_n3A_1290 by %roll3A_1297 dim 1 : vector<1x8192xi32>, i32 -> vector<1x8192xi32>
    %shift_right_arithmetic3A_1299 = arith.constant 0 : i32
    %shift_right_arithmetic3A_1300 = vector.broadcast %shift_right_arithmetic3A_1299 : i32 to vector<1x8192xi32>
    %shift_right_arithmetic3A_1301 = arith.shrsi %iota3A_4, %shift_right_arithmetic3A_1300 : vector<1x8192xi32>
    %and3A_1302 = arith.constant 1 : i32
    %and3A_1303 = vector.broadcast %and3A_1302 : i32 to vector<1x8192xi32>
    %and3A_1304 = arith.andi %shift_right_arithmetic3A_1301, %and3A_1303 : vector<1x8192xi32>
    %eq3A_1305 = arith.constant 1 : i32
    %eq3A_1306 = vector.broadcast %eq3A_1305 : i32 to vector<1x8192xi32>
    %eq3A_1307 = arith.cmpi eq, %and3A_1304, %eq3A_1306 : vector<1x8192xi32>
    %select_n3A_1308 = arith.select %eq3A_1307, %roll3A_1294, %roll3A_1292 : vector<1x8192xi1>, vector<1x8192xi32>
    %select_n3A_1309 = arith.select %eq3A_1307, %roll3A_1298, %roll3A_1296 : vector<1x8192xi1>, vector<1x8192xi32>
    %gt3A_1310 = arith.cmpi sgt, %select_n3A_1289, %select_n3A_1308 : vector<1x8192xi32>
    %eq3A_1311 = arith.cmpi eq, %select_n3A_1289, %select_n3A_1308 : vector<1x8192xi32>
    %lt3A_1312 = arith.cmpi slt, %select_n3A_1290, %select_n3A_1309 : vector<1x8192xi32>
    %and3A_1313 = arith.andi %eq3A_1311, %lt3A_1312 : vector<1x8192xi1>
    %or3A_1314 = arith.ori %gt3A_1310, %and3A_1313 : vector<1x8192xi1>
    %shift_right_arithmetic3A_1315 = arith.constant 8 : i32
    %shift_right_arithmetic3A_1316 = vector.broadcast %shift_right_arithmetic3A_1315 : i32 to vector<1x8192xi32>
    %shift_right_arithmetic3A_1317 = arith.shrsi %iota3A_4, %shift_right_arithmetic3A_1316 : vector<1x8192xi32>
    %and3A_1318 = arith.constant 1 : i32
    %and3A_1319 = vector.broadcast %and3A_1318 : i32 to vector<1x8192xi32>
    %and3A_1320 = arith.andi %shift_right_arithmetic3A_1317, %and3A_1319 : vector<1x8192xi32>
    %eq3A_1321 = arith.constant 1 : i32
    %eq3A_1322 = vector.broadcast %eq3A_1321 : i32 to vector<1x8192xi32>
    %eq3A_1323 = arith.cmpi eq, %and3A_1320, %eq3A_1322 : vector<1x8192xi32>
    %xor3A_1324 = arith.xori %or3A_1314, %eq3A_1307 : vector<1x8192xi1>
    %xor3A_1325 = arith.xori %xor3A_1324, %eq3A_1323 : vector<1x8192xi1>
    %select_n3A_1326 = arith.select %xor3A_1325, %select_n3A_1289, %select_n3A_1308 : vector<1x8192xi1>, vector<1x8192xi32>
    %select_n3A_1327 = arith.select %xor3A_1325, %select_n3A_1290, %select_n3A_1309 : vector<1x8192xi1>, vector<1x8192xi32>
    %roll3A_1328 = arith.constant 7936 : i32
    %roll3A_1329 = tpu.dynamic_rotate %select_n3A_1326 by %roll3A_1328 dim 1 : vector<1x8192xi32>, i32 -> vector<1x8192xi32>
    %roll3A_1330 = arith.constant 256 : i32
    %roll3A_1331 = tpu.dynamic_rotate %select_n3A_1326 by %roll3A_1330 dim 1 : vector<1x8192xi32>, i32 -> vector<1x8192xi32>
    %roll3A_1332 = arith.constant 7936 : i32
    %roll3A_1333 = tpu.dynamic_rotate %select_n3A_1327 by %roll3A_1332 dim 1 : vector<1x8192xi32>, i32 -> vector<1x8192xi32>
    %roll3A_1334 = arith.constant 256 : i32
    %roll3A_1335 = tpu.dynamic_rotate %select_n3A_1327 by %roll3A_1334 dim 1 : vector<1x8192xi32>, i32 -> vector<1x8192xi32>
    %shift_right_arithmetic3A_1336 = arith.constant 8 : i32
    %shift_right_arithmetic3A_1337 = vector.broadcast %shift_right_arithmetic3A_1336 : i32 to vector<1x8192xi32>
    %shift_right_arithmetic3A_1338 = arith.shrsi %iota3A_4, %shift_right_arithmetic3A_1337 : vector<1x8192xi32>
    %and3A_1339 = arith.constant 1 : i32
    %and3A_1340 = vector.broadcast %and3A_1339 : i32 to vector<1x8192xi32>
    %and3A_1341 = arith.andi %shift_right_arithmetic3A_1338, %and3A_1340 : vector<1x8192xi32>
    %eq3A_1342 = arith.constant 1 : i32
    %eq3A_1343 = vector.broadcast %eq3A_1342 : i32 to vector<1x8192xi32>
    %eq3A_1344 = arith.cmpi eq, %and3A_1341, %eq3A_1343 : vector<1x8192xi32>
    %select_n3A_1345 = arith.select %eq3A_1344, %roll3A_1331, %roll3A_1329 : vector<1x8192xi1>, vector<1x8192xi32>
    %select_n3A_1346 = arith.select %eq3A_1344, %roll3A_1335, %roll3A_1333 : vector<1x8192xi1>, vector<1x8192xi32>
    %gt3A_1347 = arith.cmpi sgt, %select_n3A_1326, %select_n3A_1345 : vector<1x8192xi32>
    %eq3A_1348 = arith.cmpi eq, %select_n3A_1326, %select_n3A_1345 : vector<1x8192xi32>
    %lt3A_1349 = arith.cmpi slt, %select_n3A_1327, %select_n3A_1346 : vector<1x8192xi32>
    %and3A_1350 = arith.andi %eq3A_1348, %lt3A_1349 : vector<1x8192xi1>
    %or3A_1351 = arith.ori %gt3A_1347, %and3A_1350 : vector<1x8192xi1>
    %shift_right_arithmetic3A_1352 = arith.constant 9 : i32
    %shift_right_arithmetic3A_1353 = vector.broadcast %shift_right_arithmetic3A_1352 : i32 to vector<1x8192xi32>
    %shift_right_arithmetic3A_1354 = arith.shrsi %iota3A_4, %shift_right_arithmetic3A_1353 : vector<1x8192xi32>
    %and3A_1355 = arith.constant 1 : i32
    %and3A_1356 = vector.broadcast %and3A_1355 : i32 to vector<1x8192xi32>
    %and3A_1357 = arith.andi %shift_right_arithmetic3A_1354, %and3A_1356 : vector<1x8192xi32>
    %eq3A_1358 = arith.constant 1 : i32
    %eq3A_1359 = vector.broadcast %eq3A_1358 : i32 to vector<1x8192xi32>
    %eq3A_1360 = arith.cmpi eq, %and3A_1357, %eq3A_1359 : vector<1x8192xi32>
    %xor3A_1361 = arith.xori %or3A_1351, %eq3A_1344 : vector<1x8192xi1>
    %xor3A_1362 = arith.xori %xor3A_1361, %eq3A_1360 : vector<1x8192xi1>
    %select_n3A_1363 = arith.select %xor3A_1362, %select_n3A_1326, %select_n3A_1345 : vector<1x8192xi1>, vector<1x8192xi32>
    %select_n3A_1364 = arith.select %xor3A_1362, %select_n3A_1327, %select_n3A_1346 : vector<1x8192xi1>, vector<1x8192xi32>
    %roll3A_1365 = arith.constant 8064 : i32
    %roll3A_1366 = tpu.dynamic_rotate %select_n3A_1363 by %roll3A_1365 dim 1 : vector<1x8192xi32>, i32 -> vector<1x8192xi32>
    %roll3A_1367 = arith.constant 128 : i32
    %roll3A_1368 = tpu.dynamic_rotate %select_n3A_1363 by %roll3A_1367 dim 1 : vector<1x8192xi32>, i32 -> vector<1x8192xi32>
    %roll3A_1369 = arith.constant 8064 : i32
    %roll3A_1370 = tpu.dynamic_rotate %select_n3A_1364 by %roll3A_1369 dim 1 : vector<1x8192xi32>, i32 -> vector<1x8192xi32>
    %roll3A_1371 = arith.constant 128 : i32
    %roll3A_1372 = tpu.dynamic_rotate %select_n3A_1364 by %roll3A_1371 dim 1 : vector<1x8192xi32>, i32 -> vector<1x8192xi32>
    %shift_right_arithmetic3A_1373 = arith.constant 7 : i32
    %shift_right_arithmetic3A_1374 = vector.broadcast %shift_right_arithmetic3A_1373 : i32 to vector<1x8192xi32>
    %shift_right_arithmetic3A_1375 = arith.shrsi %iota3A_4, %shift_right_arithmetic3A_1374 : vector<1x8192xi32>
    %and3A_1376 = arith.constant 1 : i32
    %and3A_1377 = vector.broadcast %and3A_1376 : i32 to vector<1x8192xi32>
    %and3A_1378 = arith.andi %shift_right_arithmetic3A_1375, %and3A_1377 : vector<1x8192xi32>
    %eq3A_1379 = arith.constant 1 : i32
    %eq3A_1380 = vector.broadcast %eq3A_1379 : i32 to vector<1x8192xi32>
    %eq3A_1381 = arith.cmpi eq, %and3A_1378, %eq3A_1380 : vector<1x8192xi32>
    %select_n3A_1382 = arith.select %eq3A_1381, %roll3A_1368, %roll3A_1366 : vector<1x8192xi1>, vector<1x8192xi32>
    %select_n3A_1383 = arith.select %eq3A_1381, %roll3A_1372, %roll3A_1370 : vector<1x8192xi1>, vector<1x8192xi32>
    %gt3A_1384 = arith.cmpi sgt, %select_n3A_1363, %select_n3A_1382 : vector<1x8192xi32>
    %eq3A_1385 = arith.cmpi eq, %select_n3A_1363, %select_n3A_1382 : vector<1x8192xi32>
    %lt3A_1386 = arith.cmpi slt, %select_n3A_1364, %select_n3A_1383 : vector<1x8192xi32>
    %and3A_1387 = arith.andi %eq3A_1385, %lt3A_1386 : vector<1x8192xi1>
    %or3A_1388 = arith.ori %gt3A_1384, %and3A_1387 : vector<1x8192xi1>
    %shift_right_arithmetic3A_1389 = arith.constant 9 : i32
    %shift_right_arithmetic3A_1390 = vector.broadcast %shift_right_arithmetic3A_1389 : i32 to vector<1x8192xi32>
    %shift_right_arithmetic3A_1391 = arith.shrsi %iota3A_4, %shift_right_arithmetic3A_1390 : vector<1x8192xi32>
    %and3A_1392 = arith.constant 1 : i32
    %and3A_1393 = vector.broadcast %and3A_1392 : i32 to vector<1x8192xi32>
    %and3A_1394 = arith.andi %shift_right_arithmetic3A_1391, %and3A_1393 : vector<1x8192xi32>
    %eq3A_1395 = arith.constant 1 : i32
    %eq3A_1396 = vector.broadcast %eq3A_1395 : i32 to vector<1x8192xi32>
    %eq3A_1397 = arith.cmpi eq, %and3A_1394, %eq3A_1396 : vector<1x8192xi32>
    %xor3A_1398 = arith.xori %or3A_1388, %eq3A_1381 : vector<1x8192xi1>
    %xor3A_1399 = arith.xori %xor3A_1398, %eq3A_1397 : vector<1x8192xi1>
    %select_n3A_1400 = arith.select %xor3A_1399, %select_n3A_1363, %select_n3A_1382 : vector<1x8192xi1>, vector<1x8192xi32>
    %select_n3A_1401 = arith.select %xor3A_1399, %select_n3A_1364, %select_n3A_1383 : vector<1x8192xi1>, vector<1x8192xi32>
    %roll3A_1402 = arith.constant 8128 : i32
    %roll3A_1403 = tpu.dynamic_rotate %select_n3A_1400 by %roll3A_1402 dim 1 : vector<1x8192xi32>, i32 -> vector<1x8192xi32>
    %roll3A_1404 = arith.constant 64 : i32
    %roll3A_1405 = tpu.dynamic_rotate %select_n3A_1400 by %roll3A_1404 dim 1 : vector<1x8192xi32>, i32 -> vector<1x8192xi32>
    %roll3A_1406 = arith.constant 8128 : i32
    %roll3A_1407 = tpu.dynamic_rotate %select_n3A_1401 by %roll3A_1406 dim 1 : vector<1x8192xi32>, i32 -> vector<1x8192xi32>
    %roll3A_1408 = arith.constant 64 : i32
    %roll3A_1409 = tpu.dynamic_rotate %select_n3A_1401 by %roll3A_1408 dim 1 : vector<1x8192xi32>, i32 -> vector<1x8192xi32>
    %shift_right_arithmetic3A_1410 = arith.constant 6 : i32
    %shift_right_arithmetic3A_1411 = vector.broadcast %shift_right_arithmetic3A_1410 : i32 to vector<1x8192xi32>
    %shift_right_arithmetic3A_1412 = arith.shrsi %iota3A_4, %shift_right_arithmetic3A_1411 : vector<1x8192xi32>
    %and3A_1413 = arith.constant 1 : i32
    %and3A_1414 = vector.broadcast %and3A_1413 : i32 to vector<1x8192xi32>
    %and3A_1415 = arith.andi %shift_right_arithmetic3A_1412, %and3A_1414 : vector<1x8192xi32>
    %eq3A_1416 = arith.constant 1 : i32
    %eq3A_1417 = vector.broadcast %eq3A_1416 : i32 to vector<1x8192xi32>
    %eq3A_1418 = arith.cmpi eq, %and3A_1415, %eq3A_1417 : vector<1x8192xi32>
    %select_n3A_1419 = arith.select %eq3A_1418, %roll3A_1405, %roll3A_1403 : vector<1x8192xi1>, vector<1x8192xi32>
    %select_n3A_1420 = arith.select %eq3A_1418, %roll3A_1409, %roll3A_1407 : vector<1x8192xi1>, vector<1x8192xi32>
    %gt3A_1421 = arith.cmpi sgt, %select_n3A_1400, %select_n3A_1419 : vector<1x8192xi32>
    %eq3A_1422 = arith.cmpi eq, %select_n3A_1400, %select_n3A_1419 : vector<1x8192xi32>
    %lt3A_1423 = arith.cmpi slt, %select_n3A_1401, %select_n3A_1420 : vector<1x8192xi32>
    %and3A_1424 = arith.andi %eq3A_1422, %lt3A_1423 : vector<1x8192xi1>
    %or3A_1425 = arith.ori %gt3A_1421, %and3A_1424 : vector<1x8192xi1>
    %shift_right_arithmetic3A_1426 = arith.constant 9 : i32
    %shift_right_arithmetic3A_1427 = vector.broadcast %shift_right_arithmetic3A_1426 : i32 to vector<1x8192xi32>
    %shift_right_arithmetic3A_1428 = arith.shrsi %iota3A_4, %shift_right_arithmetic3A_1427 : vector<1x8192xi32>
    %and3A_1429 = arith.constant 1 : i32
    %and3A_1430 = vector.broadcast %and3A_1429 : i32 to vector<1x8192xi32>
    %and3A_1431 = arith.andi %shift_right_arithmetic3A_1428, %and3A_1430 : vector<1x8192xi32>
    %eq3A_1432 = arith.constant 1 : i32
    %eq3A_1433 = vector.broadcast %eq3A_1432 : i32 to vector<1x8192xi32>
    %eq3A_1434 = arith.cmpi eq, %and3A_1431, %eq3A_1433 : vector<1x8192xi32>
    %xor3A_1435 = arith.xori %or3A_1425, %eq3A_1418 : vector<1x8192xi1>
    %xor3A_1436 = arith.xori %xor3A_1435, %eq3A_1434 : vector<1x8192xi1>
    %select_n3A_1437 = arith.select %xor3A_1436, %select_n3A_1400, %select_n3A_1419 : vector<1x8192xi1>, vector<1x8192xi32>
    %select_n3A_1438 = arith.select %xor3A_1436, %select_n3A_1401, %select_n3A_1420 : vector<1x8192xi1>, vector<1x8192xi32>
    %roll3A_1439 = arith.constant 8160 : i32
    %roll3A_1440 = tpu.dynamic_rotate %select_n3A_1437 by %roll3A_1439 dim 1 : vector<1x8192xi32>, i32 -> vector<1x8192xi32>
    %roll3A_1441 = arith.constant 32 : i32
    %roll3A_1442 = tpu.dynamic_rotate %select_n3A_1437 by %roll3A_1441 dim 1 : vector<1x8192xi32>, i32 -> vector<1x8192xi32>
    %roll3A_1443 = arith.constant 8160 : i32
    %roll3A_1444 = tpu.dynamic_rotate %select_n3A_1438 by %roll3A_1443 dim 1 : vector<1x8192xi32>, i32 -> vector<1x8192xi32>
    %roll3A_1445 = arith.constant 32 : i32
    %roll3A_1446 = tpu.dynamic_rotate %select_n3A_1438 by %roll3A_1445 dim 1 : vector<1x8192xi32>, i32 -> vector<1x8192xi32>
    %shift_right_arithmetic3A_1447 = arith.constant 5 : i32
    %shift_right_arithmetic3A_1448 = vector.broadcast %shift_right_arithmetic3A_1447 : i32 to vector<1x8192xi32>
    %shift_right_arithmetic3A_1449 = arith.shrsi %iota3A_4, %shift_right_arithmetic3A_1448 : vector<1x8192xi32>
    %and3A_1450 = arith.constant 1 : i32
    %and3A_1451 = vector.broadcast %and3A_1450 : i32 to vector<1x8192xi32>
    %and3A_1452 = arith.andi %shift_right_arithmetic3A_1449, %and3A_1451 : vector<1x8192xi32>
    %eq3A_1453 = arith.constant 1 : i32
    %eq3A_1454 = vector.broadcast %eq3A_1453 : i32 to vector<1x8192xi32>
    %eq3A_1455 = arith.cmpi eq, %and3A_1452, %eq3A_1454 : vector<1x8192xi32>
    %select_n3A_1456 = arith.select %eq3A_1455, %roll3A_1442, %roll3A_1440 : vector<1x8192xi1>, vector<1x8192xi32>
    %select_n3A_1457 = arith.select %eq3A_1455, %roll3A_1446, %roll3A_1444 : vector<1x8192xi1>, vector<1x8192xi32>
    %gt3A_1458 = arith.cmpi sgt, %select_n3A_1437, %select_n3A_1456 : vector<1x8192xi32>
    %eq3A_1459 = arith.cmpi eq, %select_n3A_1437, %select_n3A_1456 : vector<1x8192xi32>
    %lt3A_1460 = arith.cmpi slt, %select_n3A_1438, %select_n3A_1457 : vector<1x8192xi32>
    %and3A_1461 = arith.andi %eq3A_1459, %lt3A_1460 : vector<1x8192xi1>
    %or3A_1462 = arith.ori %gt3A_1458, %and3A_1461 : vector<1x8192xi1>
    %shift_right_arithmetic3A_1463 = arith.constant 9 : i32
    %shift_right_arithmetic3A_1464 = vector.broadcast %shift_right_arithmetic3A_1463 : i32 to vector<1x8192xi32>
    %shift_right_arithmetic3A_1465 = arith.shrsi %iota3A_4, %shift_right_arithmetic3A_1464 : vector<1x8192xi32>
    %and3A_1466 = arith.constant 1 : i32
    %and3A_1467 = vector.broadcast %and3A_1466 : i32 to vector<1x8192xi32>
    %and3A_1468 = arith.andi %shift_right_arithmetic3A_1465, %and3A_1467 : vector<1x8192xi32>
    %eq3A_1469 = arith.constant 1 : i32
    %eq3A_1470 = vector.broadcast %eq3A_1469 : i32 to vector<1x8192xi32>
    %eq3A_1471 = arith.cmpi eq, %and3A_1468, %eq3A_1470 : vector<1x8192xi32>
    %xor3A_1472 = arith.xori %or3A_1462, %eq3A_1455 : vector<1x8192xi1>
    %xor3A_1473 = arith.xori %xor3A_1472, %eq3A_1471 : vector<1x8192xi1>
    %select_n3A_1474 = arith.select %xor3A_1473, %select_n3A_1437, %select_n3A_1456 : vector<1x8192xi1>, vector<1x8192xi32>
    %select_n3A_1475 = arith.select %xor3A_1473, %select_n3A_1438, %select_n3A_1457 : vector<1x8192xi1>, vector<1x8192xi32>
    %roll3A_1476 = arith.constant 8176 : i32
    %roll3A_1477 = tpu.dynamic_rotate %select_n3A_1474 by %roll3A_1476 dim 1 : vector<1x8192xi32>, i32 -> vector<1x8192xi32>
    %roll3A_1478 = arith.constant 16 : i32
    %roll3A_1479 = tpu.dynamic_rotate %select_n3A_1474 by %roll3A_1478 dim 1 : vector<1x8192xi32>, i32 -> vector<1x8192xi32>
    %roll3A_1480 = arith.constant 8176 : i32
    %roll3A_1481 = tpu.dynamic_rotate %select_n3A_1475 by %roll3A_1480 dim 1 : vector<1x8192xi32>, i32 -> vector<1x8192xi32>
    %roll3A_1482 = arith.constant 16 : i32
    %roll3A_1483 = tpu.dynamic_rotate %select_n3A_1475 by %roll3A_1482 dim 1 : vector<1x8192xi32>, i32 -> vector<1x8192xi32>
    %shift_right_arithmetic3A_1484 = arith.constant 4 : i32
    %shift_right_arithmetic3A_1485 = vector.broadcast %shift_right_arithmetic3A_1484 : i32 to vector<1x8192xi32>
    %shift_right_arithmetic3A_1486 = arith.shrsi %iota3A_4, %shift_right_arithmetic3A_1485 : vector<1x8192xi32>
    %and3A_1487 = arith.constant 1 : i32
    %and3A_1488 = vector.broadcast %and3A_1487 : i32 to vector<1x8192xi32>
    %and3A_1489 = arith.andi %shift_right_arithmetic3A_1486, %and3A_1488 : vector<1x8192xi32>
    %eq3A_1490 = arith.constant 1 : i32
    %eq3A_1491 = vector.broadcast %eq3A_1490 : i32 to vector<1x8192xi32>
    %eq3A_1492 = arith.cmpi eq, %and3A_1489, %eq3A_1491 : vector<1x8192xi32>
    %select_n3A_1493 = arith.select %eq3A_1492, %roll3A_1479, %roll3A_1477 : vector<1x8192xi1>, vector<1x8192xi32>
    %select_n3A_1494 = arith.select %eq3A_1492, %roll3A_1483, %roll3A_1481 : vector<1x8192xi1>, vector<1x8192xi32>
    %gt3A_1495 = arith.cmpi sgt, %select_n3A_1474, %select_n3A_1493 : vector<1x8192xi32>
    %eq3A_1496 = arith.cmpi eq, %select_n3A_1474, %select_n3A_1493 : vector<1x8192xi32>
    %lt3A_1497 = arith.cmpi slt, %select_n3A_1475, %select_n3A_1494 : vector<1x8192xi32>
    %and3A_1498 = arith.andi %eq3A_1496, %lt3A_1497 : vector<1x8192xi1>
    %or3A_1499 = arith.ori %gt3A_1495, %and3A_1498 : vector<1x8192xi1>
    %shift_right_arithmetic3A_1500 = arith.constant 9 : i32
    %shift_right_arithmetic3A_1501 = vector.broadcast %shift_right_arithmetic3A_1500 : i32 to vector<1x8192xi32>
    %shift_right_arithmetic3A_1502 = arith.shrsi %iota3A_4, %shift_right_arithmetic3A_1501 : vector<1x8192xi32>
    %and3A_1503 = arith.constant 1 : i32
    %and3A_1504 = vector.broadcast %and3A_1503 : i32 to vector<1x8192xi32>
    %and3A_1505 = arith.andi %shift_right_arithmetic3A_1502, %and3A_1504 : vector<1x8192xi32>
    %eq3A_1506 = arith.constant 1 : i32
    %eq3A_1507 = vector.broadcast %eq3A_1506 : i32 to vector<1x8192xi32>
    %eq3A_1508 = arith.cmpi eq, %and3A_1505, %eq3A_1507 : vector<1x8192xi32>
    %xor3A_1509 = arith.xori %or3A_1499, %eq3A_1492 : vector<1x8192xi1>
    %xor3A_1510 = arith.xori %xor3A_1509, %eq3A_1508 : vector<1x8192xi1>
    %select_n3A_1511 = arith.select %xor3A_1510, %select_n3A_1474, %select_n3A_1493 : vector<1x8192xi1>, vector<1x8192xi32>
    %select_n3A_1512 = arith.select %xor3A_1510, %select_n3A_1475, %select_n3A_1494 : vector<1x8192xi1>, vector<1x8192xi32>
    %roll3A_1513 = arith.constant 8184 : i32
    %roll3A_1514 = tpu.dynamic_rotate %select_n3A_1511 by %roll3A_1513 dim 1 : vector<1x8192xi32>, i32 -> vector<1x8192xi32>
    %roll3A_1515 = arith.constant 8 : i32
    %roll3A_1516 = tpu.dynamic_rotate %select_n3A_1511 by %roll3A_1515 dim 1 : vector<1x8192xi32>, i32 -> vector<1x8192xi32>
    %roll3A_1517 = arith.constant 8184 : i32
    %roll3A_1518 = tpu.dynamic_rotate %select_n3A_1512 by %roll3A_1517 dim 1 : vector<1x8192xi32>, i32 -> vector<1x8192xi32>
    %roll3A_1519 = arith.constant 8 : i32
    %roll3A_1520 = tpu.dynamic_rotate %select_n3A_1512 by %roll3A_1519 dim 1 : vector<1x8192xi32>, i32 -> vector<1x8192xi32>
    %shift_right_arithmetic3A_1521 = arith.constant 3 : i32
    %shift_right_arithmetic3A_1522 = vector.broadcast %shift_right_arithmetic3A_1521 : i32 to vector<1x8192xi32>
    %shift_right_arithmetic3A_1523 = arith.shrsi %iota3A_4, %shift_right_arithmetic3A_1522 : vector<1x8192xi32>
    %and3A_1524 = arith.constant 1 : i32
    %and3A_1525 = vector.broadcast %and3A_1524 : i32 to vector<1x8192xi32>
    %and3A_1526 = arith.andi %shift_right_arithmetic3A_1523, %and3A_1525 : vector<1x8192xi32>
    %eq3A_1527 = arith.constant 1 : i32
    %eq3A_1528 = vector.broadcast %eq3A_1527 : i32 to vector<1x8192xi32>
    %eq3A_1529 = arith.cmpi eq, %and3A_1526, %eq3A_1528 : vector<1x8192xi32>
    %select_n3A_1530 = arith.select %eq3A_1529, %roll3A_1516, %roll3A_1514 : vector<1x8192xi1>, vector<1x8192xi32>
    %select_n3A_1531 = arith.select %eq3A_1529, %roll3A_1520, %roll3A_1518 : vector<1x8192xi1>, vector<1x8192xi32>
    %gt3A_1532 = arith.cmpi sgt, %select_n3A_1511, %select_n3A_1530 : vector<1x8192xi32>
    %eq3A_1533 = arith.cmpi eq, %select_n3A_1511, %select_n3A_1530 : vector<1x8192xi32>
    %lt3A_1534 = arith.cmpi slt, %select_n3A_1512, %select_n3A_1531 : vector<1x8192xi32>
    %and3A_1535 = arith.andi %eq3A_1533, %lt3A_1534 : vector<1x8192xi1>
    %or3A_1536 = arith.ori %gt3A_1532, %and3A_1535 : vector<1x8192xi1>
    %shift_right_arithmetic3A_1537 = arith.constant 9 : i32
    %shift_right_arithmetic3A_1538 = vector.broadcast %shift_right_arithmetic3A_1537 : i32 to vector<1x8192xi32>
    %shift_right_arithmetic3A_1539 = arith.shrsi %iota3A_4, %shift_right_arithmetic3A_1538 : vector<1x8192xi32>
    %and3A_1540 = arith.constant 1 : i32
    %and3A_1541 = vector.broadcast %and3A_1540 : i32 to vector<1x8192xi32>
    %and3A_1542 = arith.andi %shift_right_arithmetic3A_1539, %and3A_1541 : vector<1x8192xi32>
    %eq3A_1543 = arith.constant 1 : i32
    %eq3A_1544 = vector.broadcast %eq3A_1543 : i32 to vector<1x8192xi32>
    %eq3A_1545 = arith.cmpi eq, %and3A_1542, %eq3A_1544 : vector<1x8192xi32>
    %xor3A_1546 = arith.xori %or3A_1536, %eq3A_1529 : vector<1x8192xi1>
    %xor3A_1547 = arith.xori %xor3A_1546, %eq3A_1545 : vector<1x8192xi1>
    %select_n3A_1548 = arith.select %xor3A_1547, %select_n3A_1511, %select_n3A_1530 : vector<1x8192xi1>, vector<1x8192xi32>
    %select_n3A_1549 = arith.select %xor3A_1547, %select_n3A_1512, %select_n3A_1531 : vector<1x8192xi1>, vector<1x8192xi32>
    %roll3A_1550 = arith.constant 8188 : i32
    %roll3A_1551 = tpu.dynamic_rotate %select_n3A_1548 by %roll3A_1550 dim 1 : vector<1x8192xi32>, i32 -> vector<1x8192xi32>
    %roll3A_1552 = arith.constant 4 : i32
    %roll3A_1553 = tpu.dynamic_rotate %select_n3A_1548 by %roll3A_1552 dim 1 : vector<1x8192xi32>, i32 -> vector<1x8192xi32>
    %roll3A_1554 = arith.constant 8188 : i32
    %roll3A_1555 = tpu.dynamic_rotate %select_n3A_1549 by %roll3A_1554 dim 1 : vector<1x8192xi32>, i32 -> vector<1x8192xi32>
    %roll3A_1556 = arith.constant 4 : i32
    %roll3A_1557 = tpu.dynamic_rotate %select_n3A_1549 by %roll3A_1556 dim 1 : vector<1x8192xi32>, i32 -> vector<1x8192xi32>
    %shift_right_arithmetic3A_1558 = arith.constant 2 : i32
    %shift_right_arithmetic3A_1559 = vector.broadcast %shift_right_arithmetic3A_1558 : i32 to vector<1x8192xi32>
    %shift_right_arithmetic3A_1560 = arith.shrsi %iota3A_4, %shift_right_arithmetic3A_1559 : vector<1x8192xi32>
    %and3A_1561 = arith.constant 1 : i32
    %and3A_1562 = vector.broadcast %and3A_1561 : i32 to vector<1x8192xi32>
    %and3A_1563 = arith.andi %shift_right_arithmetic3A_1560, %and3A_1562 : vector<1x8192xi32>
    %eq3A_1564 = arith.constant 1 : i32
    %eq3A_1565 = vector.broadcast %eq3A_1564 : i32 to vector<1x8192xi32>
    %eq3A_1566 = arith.cmpi eq, %and3A_1563, %eq3A_1565 : vector<1x8192xi32>
    %select_n3A_1567 = arith.select %eq3A_1566, %roll3A_1553, %roll3A_1551 : vector<1x8192xi1>, vector<1x8192xi32>
    %select_n3A_1568 = arith.select %eq3A_1566, %roll3A_1557, %roll3A_1555 : vector<1x8192xi1>, vector<1x8192xi32>
    %gt3A_1569 = arith.cmpi sgt, %select_n3A_1548, %select_n3A_1567 : vector<1x8192xi32>
    %eq3A_1570 = arith.cmpi eq, %select_n3A_1548, %select_n3A_1567 : vector<1x8192xi32>
    %lt3A_1571 = arith.cmpi slt, %select_n3A_1549, %select_n3A_1568 : vector<1x8192xi32>
    %and3A_1572 = arith.andi %eq3A_1570, %lt3A_1571 : vector<1x8192xi1>
    %or3A_1573 = arith.ori %gt3A_1569, %and3A_1572 : vector<1x8192xi1>
    %shift_right_arithmetic3A_1574 = arith.constant 9 : i32
    %shift_right_arithmetic3A_1575 = vector.broadcast %shift_right_arithmetic3A_1574 : i32 to vector<1x8192xi32>
    %shift_right_arithmetic3A_1576 = arith.shrsi %iota3A_4, %shift_right_arithmetic3A_1575 : vector<1x8192xi32>
    %and3A_1577 = arith.constant 1 : i32
    %and3A_1578 = vector.broadcast %and3A_1577 : i32 to vector<1x8192xi32>
    %and3A_1579 = arith.andi %shift_right_arithmetic3A_1576, %and3A_1578 : vector<1x8192xi32>
    %eq3A_1580 = arith.constant 1 : i32
    %eq3A_1581 = vector.broadcast %eq3A_1580 : i32 to vector<1x8192xi32>
    %eq3A_1582 = arith.cmpi eq, %and3A_1579, %eq3A_1581 : vector<1x8192xi32>
    %xor3A_1583 = arith.xori %or3A_1573, %eq3A_1566 : vector<1x8192xi1>
    %xor3A_1584 = arith.xori %xor3A_1583, %eq3A_1582 : vector<1x8192xi1>
    %select_n3A_1585 = arith.select %xor3A_1584, %select_n3A_1548, %select_n3A_1567 : vector<1x8192xi1>, vector<1x8192xi32>
    %select_n3A_1586 = arith.select %xor3A_1584, %select_n3A_1549, %select_n3A_1568 : vector<1x8192xi1>, vector<1x8192xi32>
    %roll3A_1587 = arith.constant 8190 : i32
    %roll3A_1588 = tpu.dynamic_rotate %select_n3A_1585 by %roll3A_1587 dim 1 : vector<1x8192xi32>, i32 -> vector<1x8192xi32>
    %roll3A_1589 = arith.constant 2 : i32
    %roll3A_1590 = tpu.dynamic_rotate %select_n3A_1585 by %roll3A_1589 dim 1 : vector<1x8192xi32>, i32 -> vector<1x8192xi32>
    %roll3A_1591 = arith.constant 8190 : i32
    %roll3A_1592 = tpu.dynamic_rotate %select_n3A_1586 by %roll3A_1591 dim 1 : vector<1x8192xi32>, i32 -> vector<1x8192xi32>
    %roll3A_1593 = arith.constant 2 : i32
    %roll3A_1594 = tpu.dynamic_rotate %select_n3A_1586 by %roll3A_1593 dim 1 : vector<1x8192xi32>, i32 -> vector<1x8192xi32>
    %shift_right_arithmetic3A_1595 = arith.constant 1 : i32
    %shift_right_arithmetic3A_1596 = vector.broadcast %shift_right_arithmetic3A_1595 : i32 to vector<1x8192xi32>
    %shift_right_arithmetic3A_1597 = arith.shrsi %iota3A_4, %shift_right_arithmetic3A_1596 : vector<1x8192xi32>
    %and3A_1598 = arith.constant 1 : i32
    %and3A_1599 = vector.broadcast %and3A_1598 : i32 to vector<1x8192xi32>
    %and3A_1600 = arith.andi %shift_right_arithmetic3A_1597, %and3A_1599 : vector<1x8192xi32>
    %eq3A_1601 = arith.constant 1 : i32
    %eq3A_1602 = vector.broadcast %eq3A_1601 : i32 to vector<1x8192xi32>
    %eq3A_1603 = arith.cmpi eq, %and3A_1600, %eq3A_1602 : vector<1x8192xi32>
    %select_n3A_1604 = arith.select %eq3A_1603, %roll3A_1590, %roll3A_1588 : vector<1x8192xi1>, vector<1x8192xi32>
    %select_n3A_1605 = arith.select %eq3A_1603, %roll3A_1594, %roll3A_1592 : vector<1x8192xi1>, vector<1x8192xi32>
    %gt3A_1606 = arith.cmpi sgt, %select_n3A_1585, %select_n3A_1604 : vector<1x8192xi32>
    %eq3A_1607 = arith.cmpi eq, %select_n3A_1585, %select_n3A_1604 : vector<1x8192xi32>
    %lt3A_1608 = arith.cmpi slt, %select_n3A_1586, %select_n3A_1605 : vector<1x8192xi32>
    %and3A_1609 = arith.andi %eq3A_1607, %lt3A_1608 : vector<1x8192xi1>
    %or3A_1610 = arith.ori %gt3A_1606, %and3A_1609 : vector<1x8192xi1>
    %shift_right_arithmetic3A_1611 = arith.constant 9 : i32
    %shift_right_arithmetic3A_1612 = vector.broadcast %shift_right_arithmetic3A_1611 : i32 to vector<1x8192xi32>
    %shift_right_arithmetic3A_1613 = arith.shrsi %iota3A_4, %shift_right_arithmetic3A_1612 : vector<1x8192xi32>
    %and3A_1614 = arith.constant 1 : i32
    %and3A_1615 = vector.broadcast %and3A_1614 : i32 to vector<1x8192xi32>
    %and3A_1616 = arith.andi %shift_right_arithmetic3A_1613, %and3A_1615 : vector<1x8192xi32>
    %eq3A_1617 = arith.constant 1 : i32
    %eq3A_1618 = vector.broadcast %eq3A_1617 : i32 to vector<1x8192xi32>
    %eq3A_1619 = arith.cmpi eq, %and3A_1616, %eq3A_1618 : vector<1x8192xi32>
    %xor3A_1620 = arith.xori %or3A_1610, %eq3A_1603 : vector<1x8192xi1>
    %xor3A_1621 = arith.xori %xor3A_1620, %eq3A_1619 : vector<1x8192xi1>
    %select_n3A_1622 = arith.select %xor3A_1621, %select_n3A_1585, %select_n3A_1604 : vector<1x8192xi1>, vector<1x8192xi32>
    %select_n3A_1623 = arith.select %xor3A_1621, %select_n3A_1586, %select_n3A_1605 : vector<1x8192xi1>, vector<1x8192xi32>
    %roll3A_1624 = arith.constant 8191 : i32
    %roll3A_1625 = tpu.dynamic_rotate %select_n3A_1622 by %roll3A_1624 dim 1 : vector<1x8192xi32>, i32 -> vector<1x8192xi32>
    %roll3A_1626 = arith.constant 1 : i32
    %roll3A_1627 = tpu.dynamic_rotate %select_n3A_1622 by %roll3A_1626 dim 1 : vector<1x8192xi32>, i32 -> vector<1x8192xi32>
    %roll3A_1628 = arith.constant 8191 : i32
    %roll3A_1629 = tpu.dynamic_rotate %select_n3A_1623 by %roll3A_1628 dim 1 : vector<1x8192xi32>, i32 -> vector<1x8192xi32>
    %roll3A_1630 = arith.constant 1 : i32
    %roll3A_1631 = tpu.dynamic_rotate %select_n3A_1623 by %roll3A_1630 dim 1 : vector<1x8192xi32>, i32 -> vector<1x8192xi32>
    %shift_right_arithmetic3A_1632 = arith.constant 0 : i32
    %shift_right_arithmetic3A_1633 = vector.broadcast %shift_right_arithmetic3A_1632 : i32 to vector<1x8192xi32>
    %shift_right_arithmetic3A_1634 = arith.shrsi %iota3A_4, %shift_right_arithmetic3A_1633 : vector<1x8192xi32>
    %and3A_1635 = arith.constant 1 : i32
    %and3A_1636 = vector.broadcast %and3A_1635 : i32 to vector<1x8192xi32>
    %and3A_1637 = arith.andi %shift_right_arithmetic3A_1634, %and3A_1636 : vector<1x8192xi32>
    %eq3A_1638 = arith.constant 1 : i32
    %eq3A_1639 = vector.broadcast %eq3A_1638 : i32 to vector<1x8192xi32>
    %eq3A_1640 = arith.cmpi eq, %and3A_1637, %eq3A_1639 : vector<1x8192xi32>
    %select_n3A_1641 = arith.select %eq3A_1640, %roll3A_1627, %roll3A_1625 : vector<1x8192xi1>, vector<1x8192xi32>
    %select_n3A_1642 = arith.select %eq3A_1640, %roll3A_1631, %roll3A_1629 : vector<1x8192xi1>, vector<1x8192xi32>
    %gt3A_1643 = arith.cmpi sgt, %select_n3A_1622, %select_n3A_1641 : vector<1x8192xi32>
    %eq3A_1644 = arith.cmpi eq, %select_n3A_1622, %select_n3A_1641 : vector<1x8192xi32>
    %lt3A_1645 = arith.cmpi slt, %select_n3A_1623, %select_n3A_1642 : vector<1x8192xi32>
    %and3A_1646 = arith.andi %eq3A_1644, %lt3A_1645 : vector<1x8192xi1>
    %or3A_1647 = arith.ori %gt3A_1643, %and3A_1646 : vector<1x8192xi1>
    %shift_right_arithmetic3A_1648 = arith.constant 9 : i32
    %shift_right_arithmetic3A_1649 = vector.broadcast %shift_right_arithmetic3A_1648 : i32 to vector<1x8192xi32>
    %shift_right_arithmetic3A_1650 = arith.shrsi %iota3A_4, %shift_right_arithmetic3A_1649 : vector<1x8192xi32>
    %and3A_1651 = arith.constant 1 : i32
    %and3A_1652 = vector.broadcast %and3A_1651 : i32 to vector<1x8192xi32>
    %and3A_1653 = arith.andi %shift_right_arithmetic3A_1650, %and3A_1652 : vector<1x8192xi32>
    %eq3A_1654 = arith.constant 1 : i32
    %eq3A_1655 = vector.broadcast %eq3A_1654 : i32 to vector<1x8192xi32>
    %eq3A_1656 = arith.cmpi eq, %and3A_1653, %eq3A_1655 : vector<1x8192xi32>
    %xor3A_1657 = arith.xori %or3A_1647, %eq3A_1640 : vector<1x8192xi1>
    %xor3A_1658 = arith.xori %xor3A_1657, %eq3A_1656 : vector<1x8192xi1>
    %select_n3A_1659 = arith.select %xor3A_1658, %select_n3A_1622, %select_n3A_1641 : vector<1x8192xi1>, vector<1x8192xi32>
    %select_n3A_1660 = arith.select %xor3A_1658, %select_n3A_1623, %select_n3A_1642 : vector<1x8192xi1>, vector<1x8192xi32>
    %roll3A_1661 = arith.constant 7680 : i32
    %roll3A_1662 = tpu.dynamic_rotate %select_n3A_1659 by %roll3A_1661 dim 1 : vector<1x8192xi32>, i32 -> vector<1x8192xi32>
    %roll3A_1663 = arith.constant 512 : i32
    %roll3A_1664 = tpu.dynamic_rotate %select_n3A_1659 by %roll3A_1663 dim 1 : vector<1x8192xi32>, i32 -> vector<1x8192xi32>
    %roll3A_1665 = arith.constant 7680 : i32
    %roll3A_1666 = tpu.dynamic_rotate %select_n3A_1660 by %roll3A_1665 dim 1 : vector<1x8192xi32>, i32 -> vector<1x8192xi32>
    %roll3A_1667 = arith.constant 512 : i32
    %roll3A_1668 = tpu.dynamic_rotate %select_n3A_1660 by %roll3A_1667 dim 1 : vector<1x8192xi32>, i32 -> vector<1x8192xi32>
    %shift_right_arithmetic3A_1669 = arith.constant 9 : i32
    %shift_right_arithmetic3A_1670 = vector.broadcast %shift_right_arithmetic3A_1669 : i32 to vector<1x8192xi32>
    %shift_right_arithmetic3A_1671 = arith.shrsi %iota3A_4, %shift_right_arithmetic3A_1670 : vector<1x8192xi32>
    %and3A_1672 = arith.constant 1 : i32
    %and3A_1673 = vector.broadcast %and3A_1672 : i32 to vector<1x8192xi32>
    %and3A_1674 = arith.andi %shift_right_arithmetic3A_1671, %and3A_1673 : vector<1x8192xi32>
    %eq3A_1675 = arith.constant 1 : i32
    %eq3A_1676 = vector.broadcast %eq3A_1675 : i32 to vector<1x8192xi32>
    %eq3A_1677 = arith.cmpi eq, %and3A_1674, %eq3A_1676 : vector<1x8192xi32>
    %select_n3A_1678 = arith.select %eq3A_1677, %roll3A_1664, %roll3A_1662 : vector<1x8192xi1>, vector<1x8192xi32>
    %select_n3A_1679 = arith.select %eq3A_1677, %roll3A_1668, %roll3A_1666 : vector<1x8192xi1>, vector<1x8192xi32>
    %gt3A_1680 = arith.cmpi sgt, %select_n3A_1659, %select_n3A_1678 : vector<1x8192xi32>
    %eq3A_1681 = arith.cmpi eq, %select_n3A_1659, %select_n3A_1678 : vector<1x8192xi32>
    %lt3A_1682 = arith.cmpi slt, %select_n3A_1660, %select_n3A_1679 : vector<1x8192xi32>
    %and3A_1683 = arith.andi %eq3A_1681, %lt3A_1682 : vector<1x8192xi1>
    %or3A_1684 = arith.ori %gt3A_1680, %and3A_1683 : vector<1x8192xi1>
    %shift_right_arithmetic3A_1685 = arith.constant 10 : i32
    %shift_right_arithmetic3A_1686 = vector.broadcast %shift_right_arithmetic3A_1685 : i32 to vector<1x8192xi32>
    %shift_right_arithmetic3A_1687 = arith.shrsi %iota3A_4, %shift_right_arithmetic3A_1686 : vector<1x8192xi32>
    %and3A_1688 = arith.constant 1 : i32
    %and3A_1689 = vector.broadcast %and3A_1688 : i32 to vector<1x8192xi32>
    %and3A_1690 = arith.andi %shift_right_arithmetic3A_1687, %and3A_1689 : vector<1x8192xi32>
    %eq3A_1691 = arith.constant 1 : i32
    %eq3A_1692 = vector.broadcast %eq3A_1691 : i32 to vector<1x8192xi32>
    %eq3A_1693 = arith.cmpi eq, %and3A_1690, %eq3A_1692 : vector<1x8192xi32>
    %xor3A_1694 = arith.xori %or3A_1684, %eq3A_1677 : vector<1x8192xi1>
    %xor3A_1695 = arith.xori %xor3A_1694, %eq3A_1693 : vector<1x8192xi1>
    %select_n3A_1696 = arith.select %xor3A_1695, %select_n3A_1659, %select_n3A_1678 : vector<1x8192xi1>, vector<1x8192xi32>
    %select_n3A_1697 = arith.select %xor3A_1695, %select_n3A_1660, %select_n3A_1679 : vector<1x8192xi1>, vector<1x8192xi32>
    %roll3A_1698 = arith.constant 7936 : i32
    %roll3A_1699 = tpu.dynamic_rotate %select_n3A_1696 by %roll3A_1698 dim 1 : vector<1x8192xi32>, i32 -> vector<1x8192xi32>
    %roll3A_1700 = arith.constant 256 : i32
    %roll3A_1701 = tpu.dynamic_rotate %select_n3A_1696 by %roll3A_1700 dim 1 : vector<1x8192xi32>, i32 -> vector<1x8192xi32>
    %roll3A_1702 = arith.constant 7936 : i32
    %roll3A_1703 = tpu.dynamic_rotate %select_n3A_1697 by %roll3A_1702 dim 1 : vector<1x8192xi32>, i32 -> vector<1x8192xi32>
    %roll3A_1704 = arith.constant 256 : i32
    %roll3A_1705 = tpu.dynamic_rotate %select_n3A_1697 by %roll3A_1704 dim 1 : vector<1x8192xi32>, i32 -> vector<1x8192xi32>
    %shift_right_arithmetic3A_1706 = arith.constant 8 : i32
    %shift_right_arithmetic3A_1707 = vector.broadcast %shift_right_arithmetic3A_1706 : i32 to vector<1x8192xi32>
    %shift_right_arithmetic3A_1708 = arith.shrsi %iota3A_4, %shift_right_arithmetic3A_1707 : vector<1x8192xi32>
    %and3A_1709 = arith.constant 1 : i32
    %and3A_1710 = vector.broadcast %and3A_1709 : i32 to vector<1x8192xi32>
    %and3A_1711 = arith.andi %shift_right_arithmetic3A_1708, %and3A_1710 : vector<1x8192xi32>
    %eq3A_1712 = arith.constant 1 : i32
    %eq3A_1713 = vector.broadcast %eq3A_1712 : i32 to vector<1x8192xi32>
    %eq3A_1714 = arith.cmpi eq, %and3A_1711, %eq3A_1713 : vector<1x8192xi32>
    %select_n3A_1715 = arith.select %eq3A_1714, %roll3A_1701, %roll3A_1699 : vector<1x8192xi1>, vector<1x8192xi32>
    %select_n3A_1716 = arith.select %eq3A_1714, %roll3A_1705, %roll3A_1703 : vector<1x8192xi1>, vector<1x8192xi32>
    %gt3A_1717 = arith.cmpi sgt, %select_n3A_1696, %select_n3A_1715 : vector<1x8192xi32>
    %eq3A_1718 = arith.cmpi eq, %select_n3A_1696, %select_n3A_1715 : vector<1x8192xi32>
    %lt3A_1719 = arith.cmpi slt, %select_n3A_1697, %select_n3A_1716 : vector<1x8192xi32>
    %and3A_1720 = arith.andi %eq3A_1718, %lt3A_1719 : vector<1x8192xi1>
    %or3A_1721 = arith.ori %gt3A_1717, %and3A_1720 : vector<1x8192xi1>
    %shift_right_arithmetic3A_1722 = arith.constant 10 : i32
    %shift_right_arithmetic3A_1723 = vector.broadcast %shift_right_arithmetic3A_1722 : i32 to vector<1x8192xi32>
    %shift_right_arithmetic3A_1724 = arith.shrsi %iota3A_4, %shift_right_arithmetic3A_1723 : vector<1x8192xi32>
    %and3A_1725 = arith.constant 1 : i32
    %and3A_1726 = vector.broadcast %and3A_1725 : i32 to vector<1x8192xi32>
    %and3A_1727 = arith.andi %shift_right_arithmetic3A_1724, %and3A_1726 : vector<1x8192xi32>
    %eq3A_1728 = arith.constant 1 : i32
    %eq3A_1729 = vector.broadcast %eq3A_1728 : i32 to vector<1x8192xi32>
    %eq3A_1730 = arith.cmpi eq, %and3A_1727, %eq3A_1729 : vector<1x8192xi32>
    %xor3A_1731 = arith.xori %or3A_1721, %eq3A_1714 : vector<1x8192xi1>
    %xor3A_1732 = arith.xori %xor3A_1731, %eq3A_1730 : vector<1x8192xi1>
    %select_n3A_1733 = arith.select %xor3A_1732, %select_n3A_1696, %select_n3A_1715 : vector<1x8192xi1>, vector<1x8192xi32>
    %select_n3A_1734 = arith.select %xor3A_1732, %select_n3A_1697, %select_n3A_1716 : vector<1x8192xi1>, vector<1x8192xi32>
    %roll3A_1735 = arith.constant 8064 : i32
    %roll3A_1736 = tpu.dynamic_rotate %select_n3A_1733 by %roll3A_1735 dim 1 : vector<1x8192xi32>, i32 -> vector<1x8192xi32>
    %roll3A_1737 = arith.constant 128 : i32
    %roll3A_1738 = tpu.dynamic_rotate %select_n3A_1733 by %roll3A_1737 dim 1 : vector<1x8192xi32>, i32 -> vector<1x8192xi32>
    %roll3A_1739 = arith.constant 8064 : i32
    %roll3A_1740 = tpu.dynamic_rotate %select_n3A_1734 by %roll3A_1739 dim 1 : vector<1x8192xi32>, i32 -> vector<1x8192xi32>
    %roll3A_1741 = arith.constant 128 : i32
    %roll3A_1742 = tpu.dynamic_rotate %select_n3A_1734 by %roll3A_1741 dim 1 : vector<1x8192xi32>, i32 -> vector<1x8192xi32>
    %shift_right_arithmetic3A_1743 = arith.constant 7 : i32
    %shift_right_arithmetic3A_1744 = vector.broadcast %shift_right_arithmetic3A_1743 : i32 to vector<1x8192xi32>
    %shift_right_arithmetic3A_1745 = arith.shrsi %iota3A_4, %shift_right_arithmetic3A_1744 : vector<1x8192xi32>
    %and3A_1746 = arith.constant 1 : i32
    %and3A_1747 = vector.broadcast %and3A_1746 : i32 to vector<1x8192xi32>
    %and3A_1748 = arith.andi %shift_right_arithmetic3A_1745, %and3A_1747 : vector<1x8192xi32>
    %eq3A_1749 = arith.constant 1 : i32
    %eq3A_1750 = vector.broadcast %eq3A_1749 : i32 to vector<1x8192xi32>
    %eq3A_1751 = arith.cmpi eq, %and3A_1748, %eq3A_1750 : vector<1x8192xi32>
    %select_n3A_1752 = arith.select %eq3A_1751, %roll3A_1738, %roll3A_1736 : vector<1x8192xi1>, vector<1x8192xi32>
    %select_n3A_1753 = arith.select %eq3A_1751, %roll3A_1742, %roll3A_1740 : vector<1x8192xi1>, vector<1x8192xi32>
    %gt3A_1754 = arith.cmpi sgt, %select_n3A_1733, %select_n3A_1752 : vector<1x8192xi32>
    %eq3A_1755 = arith.cmpi eq, %select_n3A_1733, %select_n3A_1752 : vector<1x8192xi32>
    %lt3A_1756 = arith.cmpi slt, %select_n3A_1734, %select_n3A_1753 : vector<1x8192xi32>
    %and3A_1757 = arith.andi %eq3A_1755, %lt3A_1756 : vector<1x8192xi1>
    %or3A_1758 = arith.ori %gt3A_1754, %and3A_1757 : vector<1x8192xi1>
    %shift_right_arithmetic3A_1759 = arith.constant 10 : i32
    %shift_right_arithmetic3A_1760 = vector.broadcast %shift_right_arithmetic3A_1759 : i32 to vector<1x8192xi32>
    %shift_right_arithmetic3A_1761 = arith.shrsi %iota3A_4, %shift_right_arithmetic3A_1760 : vector<1x8192xi32>
    %and3A_1762 = arith.constant 1 : i32
    %and3A_1763 = vector.broadcast %and3A_1762 : i32 to vector<1x8192xi32>
    %and3A_1764 = arith.andi %shift_right_arithmetic3A_1761, %and3A_1763 : vector<1x8192xi32>
    %eq3A_1765 = arith.constant 1 : i32
    %eq3A_1766 = vector.broadcast %eq3A_1765 : i32 to vector<1x8192xi32>
    %eq3A_1767 = arith.cmpi eq, %and3A_1764, %eq3A_1766 : vector<1x8192xi32>
    %xor3A_1768 = arith.xori %or3A_1758, %eq3A_1751 : vector<1x8192xi1>
    %xor3A_1769 = arith.xori %xor3A_1768, %eq3A_1767 : vector<1x8192xi1>
    %select_n3A_1770 = arith.select %xor3A_1769, %select_n3A_1733, %select_n3A_1752 : vector<1x8192xi1>, vector<1x8192xi32>
    %select_n3A_1771 = arith.select %xor3A_1769, %select_n3A_1734, %select_n3A_1753 : vector<1x8192xi1>, vector<1x8192xi32>
    %roll3A_1772 = arith.constant 8128 : i32
    %roll3A_1773 = tpu.dynamic_rotate %select_n3A_1770 by %roll3A_1772 dim 1 : vector<1x8192xi32>, i32 -> vector<1x8192xi32>
    %roll3A_1774 = arith.constant 64 : i32
    %roll3A_1775 = tpu.dynamic_rotate %select_n3A_1770 by %roll3A_1774 dim 1 : vector<1x8192xi32>, i32 -> vector<1x8192xi32>
    %roll3A_1776 = arith.constant 8128 : i32
    %roll3A_1777 = tpu.dynamic_rotate %select_n3A_1771 by %roll3A_1776 dim 1 : vector<1x8192xi32>, i32 -> vector<1x8192xi32>
    %roll3A_1778 = arith.constant 64 : i32
    %roll3A_1779 = tpu.dynamic_rotate %select_n3A_1771 by %roll3A_1778 dim 1 : vector<1x8192xi32>, i32 -> vector<1x8192xi32>
    %shift_right_arithmetic3A_1780 = arith.constant 6 : i32
    %shift_right_arithmetic3A_1781 = vector.broadcast %shift_right_arithmetic3A_1780 : i32 to vector<1x8192xi32>
    %shift_right_arithmetic3A_1782 = arith.shrsi %iota3A_4, %shift_right_arithmetic3A_1781 : vector<1x8192xi32>
    %and3A_1783 = arith.constant 1 : i32
    %and3A_1784 = vector.broadcast %and3A_1783 : i32 to vector<1x8192xi32>
    %and3A_1785 = arith.andi %shift_right_arithmetic3A_1782, %and3A_1784 : vector<1x8192xi32>
    %eq3A_1786 = arith.constant 1 : i32
    %eq3A_1787 = vector.broadcast %eq3A_1786 : i32 to vector<1x8192xi32>
    %eq3A_1788 = arith.cmpi eq, %and3A_1785, %eq3A_1787 : vector<1x8192xi32>
    %select_n3A_1789 = arith.select %eq3A_1788, %roll3A_1775, %roll3A_1773 : vector<1x8192xi1>, vector<1x8192xi32>
    %select_n3A_1790 = arith.select %eq3A_1788, %roll3A_1779, %roll3A_1777 : vector<1x8192xi1>, vector<1x8192xi32>
    %gt3A_1791 = arith.cmpi sgt, %select_n3A_1770, %select_n3A_1789 : vector<1x8192xi32>
    %eq3A_1792 = arith.cmpi eq, %select_n3A_1770, %select_n3A_1789 : vector<1x8192xi32>
    %lt3A_1793 = arith.cmpi slt, %select_n3A_1771, %select_n3A_1790 : vector<1x8192xi32>
    %and3A_1794 = arith.andi %eq3A_1792, %lt3A_1793 : vector<1x8192xi1>
    %or3A_1795 = arith.ori %gt3A_1791, %and3A_1794 : vector<1x8192xi1>
    %shift_right_arithmetic3A_1796 = arith.constant 10 : i32
    %shift_right_arithmetic3A_1797 = vector.broadcast %shift_right_arithmetic3A_1796 : i32 to vector<1x8192xi32>
    %shift_right_arithmetic3A_1798 = arith.shrsi %iota3A_4, %shift_right_arithmetic3A_1797 : vector<1x8192xi32>
    %and3A_1799 = arith.constant 1 : i32
    %and3A_1800 = vector.broadcast %and3A_1799 : i32 to vector<1x8192xi32>
    %and3A_1801 = arith.andi %shift_right_arithmetic3A_1798, %and3A_1800 : vector<1x8192xi32>
    %eq3A_1802 = arith.constant 1 : i32
    %eq3A_1803 = vector.broadcast %eq3A_1802 : i32 to vector<1x8192xi32>
    %eq3A_1804 = arith.cmpi eq, %and3A_1801, %eq3A_1803 : vector<1x8192xi32>
    %xor3A_1805 = arith.xori %or3A_1795, %eq3A_1788 : vector<1x8192xi1>
    %xor3A_1806 = arith.xori %xor3A_1805, %eq3A_1804 : vector<1x8192xi1>
    %select_n3A_1807 = arith.select %xor3A_1806, %select_n3A_1770, %select_n3A_1789 : vector<1x8192xi1>, vector<1x8192xi32>
    %select_n3A_1808 = arith.select %xor3A_1806, %select_n3A_1771, %select_n3A_1790 : vector<1x8192xi1>, vector<1x8192xi32>
    %roll3A_1809 = arith.constant 8160 : i32
    %roll3A_1810 = tpu.dynamic_rotate %select_n3A_1807 by %roll3A_1809 dim 1 : vector<1x8192xi32>, i32 -> vector<1x8192xi32>
    %roll3A_1811 = arith.constant 32 : i32
    %roll3A_1812 = tpu.dynamic_rotate %select_n3A_1807 by %roll3A_1811 dim 1 : vector<1x8192xi32>, i32 -> vector<1x8192xi32>
    %roll3A_1813 = arith.constant 8160 : i32
    %roll3A_1814 = tpu.dynamic_rotate %select_n3A_1808 by %roll3A_1813 dim 1 : vector<1x8192xi32>, i32 -> vector<1x8192xi32>
    %roll3A_1815 = arith.constant 32 : i32
    %roll3A_1816 = tpu.dynamic_rotate %select_n3A_1808 by %roll3A_1815 dim 1 : vector<1x8192xi32>, i32 -> vector<1x8192xi32>
    %shift_right_arithmetic3A_1817 = arith.constant 5 : i32
    %shift_right_arithmetic3A_1818 = vector.broadcast %shift_right_arithmetic3A_1817 : i32 to vector<1x8192xi32>
    %shift_right_arithmetic3A_1819 = arith.shrsi %iota3A_4, %shift_right_arithmetic3A_1818 : vector<1x8192xi32>
    %and3A_1820 = arith.constant 1 : i32
    %and3A_1821 = vector.broadcast %and3A_1820 : i32 to vector<1x8192xi32>
    %and3A_1822 = arith.andi %shift_right_arithmetic3A_1819, %and3A_1821 : vector<1x8192xi32>
    %eq3A_1823 = arith.constant 1 : i32
    %eq3A_1824 = vector.broadcast %eq3A_1823 : i32 to vector<1x8192xi32>
    %eq3A_1825 = arith.cmpi eq, %and3A_1822, %eq3A_1824 : vector<1x8192xi32>
    %select_n3A_1826 = arith.select %eq3A_1825, %roll3A_1812, %roll3A_1810 : vector<1x8192xi1>, vector<1x8192xi32>
    %select_n3A_1827 = arith.select %eq3A_1825, %roll3A_1816, %roll3A_1814 : vector<1x8192xi1>, vector<1x8192xi32>
    %gt3A_1828 = arith.cmpi sgt, %select_n3A_1807, %select_n3A_1826 : vector<1x8192xi32>
    %eq3A_1829 = arith.cmpi eq, %select_n3A_1807, %select_n3A_1826 : vector<1x8192xi32>
    %lt3A_1830 = arith.cmpi slt, %select_n3A_1808, %select_n3A_1827 : vector<1x8192xi32>
    %and3A_1831 = arith.andi %eq3A_1829, %lt3A_1830 : vector<1x8192xi1>
    %or3A_1832 = arith.ori %gt3A_1828, %and3A_1831 : vector<1x8192xi1>
    %shift_right_arithmetic3A_1833 = arith.constant 10 : i32
    %shift_right_arithmetic3A_1834 = vector.broadcast %shift_right_arithmetic3A_1833 : i32 to vector<1x8192xi32>
    %shift_right_arithmetic3A_1835 = arith.shrsi %iota3A_4, %shift_right_arithmetic3A_1834 : vector<1x8192xi32>
    %and3A_1836 = arith.constant 1 : i32
    %and3A_1837 = vector.broadcast %and3A_1836 : i32 to vector<1x8192xi32>
    %and3A_1838 = arith.andi %shift_right_arithmetic3A_1835, %and3A_1837 : vector<1x8192xi32>
    %eq3A_1839 = arith.constant 1 : i32
    %eq3A_1840 = vector.broadcast %eq3A_1839 : i32 to vector<1x8192xi32>
    %eq3A_1841 = arith.cmpi eq, %and3A_1838, %eq3A_1840 : vector<1x8192xi32>
    %xor3A_1842 = arith.xori %or3A_1832, %eq3A_1825 : vector<1x8192xi1>
    %xor3A_1843 = arith.xori %xor3A_1842, %eq3A_1841 : vector<1x8192xi1>
    %select_n3A_1844 = arith.select %xor3A_1843, %select_n3A_1807, %select_n3A_1826 : vector<1x8192xi1>, vector<1x8192xi32>
    %select_n3A_1845 = arith.select %xor3A_1843, %select_n3A_1808, %select_n3A_1827 : vector<1x8192xi1>, vector<1x8192xi32>
    %roll3A_1846 = arith.constant 8176 : i32
    %roll3A_1847 = tpu.dynamic_rotate %select_n3A_1844 by %roll3A_1846 dim 1 : vector<1x8192xi32>, i32 -> vector<1x8192xi32>
    %roll3A_1848 = arith.constant 16 : i32
    %roll3A_1849 = tpu.dynamic_rotate %select_n3A_1844 by %roll3A_1848 dim 1 : vector<1x8192xi32>, i32 -> vector<1x8192xi32>
    %roll3A_1850 = arith.constant 8176 : i32
    %roll3A_1851 = tpu.dynamic_rotate %select_n3A_1845 by %roll3A_1850 dim 1 : vector<1x8192xi32>, i32 -> vector<1x8192xi32>
    %roll3A_1852 = arith.constant 16 : i32
    %roll3A_1853 = tpu.dynamic_rotate %select_n3A_1845 by %roll3A_1852 dim 1 : vector<1x8192xi32>, i32 -> vector<1x8192xi32>
    %shift_right_arithmetic3A_1854 = arith.constant 4 : i32
    %shift_right_arithmetic3A_1855 = vector.broadcast %shift_right_arithmetic3A_1854 : i32 to vector<1x8192xi32>
    %shift_right_arithmetic3A_1856 = arith.shrsi %iota3A_4, %shift_right_arithmetic3A_1855 : vector<1x8192xi32>
    %and3A_1857 = arith.constant 1 : i32
    %and3A_1858 = vector.broadcast %and3A_1857 : i32 to vector<1x8192xi32>
    %and3A_1859 = arith.andi %shift_right_arithmetic3A_1856, %and3A_1858 : vector<1x8192xi32>
    %eq3A_1860 = arith.constant 1 : i32
    %eq3A_1861 = vector.broadcast %eq3A_1860 : i32 to vector<1x8192xi32>
    %eq3A_1862 = arith.cmpi eq, %and3A_1859, %eq3A_1861 : vector<1x8192xi32>
    %select_n3A_1863 = arith.select %eq3A_1862, %roll3A_1849, %roll3A_1847 : vector<1x8192xi1>, vector<1x8192xi32>
    %select_n3A_1864 = arith.select %eq3A_1862, %roll3A_1853, %roll3A_1851 : vector<1x8192xi1>, vector<1x8192xi32>
    %gt3A_1865 = arith.cmpi sgt, %select_n3A_1844, %select_n3A_1863 : vector<1x8192xi32>
    %eq3A_1866 = arith.cmpi eq, %select_n3A_1844, %select_n3A_1863 : vector<1x8192xi32>
    %lt3A_1867 = arith.cmpi slt, %select_n3A_1845, %select_n3A_1864 : vector<1x8192xi32>
    %and3A_1868 = arith.andi %eq3A_1866, %lt3A_1867 : vector<1x8192xi1>
    %or3A_1869 = arith.ori %gt3A_1865, %and3A_1868 : vector<1x8192xi1>
    %shift_right_arithmetic3A_1870 = arith.constant 10 : i32
    %shift_right_arithmetic3A_1871 = vector.broadcast %shift_right_arithmetic3A_1870 : i32 to vector<1x8192xi32>
    %shift_right_arithmetic3A_1872 = arith.shrsi %iota3A_4, %shift_right_arithmetic3A_1871 : vector<1x8192xi32>
    %and3A_1873 = arith.constant 1 : i32
    %and3A_1874 = vector.broadcast %and3A_1873 : i32 to vector<1x8192xi32>
    %and3A_1875 = arith.andi %shift_right_arithmetic3A_1872, %and3A_1874 : vector<1x8192xi32>
    %eq3A_1876 = arith.constant 1 : i32
    %eq3A_1877 = vector.broadcast %eq3A_1876 : i32 to vector<1x8192xi32>
    %eq3A_1878 = arith.cmpi eq, %and3A_1875, %eq3A_1877 : vector<1x8192xi32>
    %xor3A_1879 = arith.xori %or3A_1869, %eq3A_1862 : vector<1x8192xi1>
    %xor3A_1880 = arith.xori %xor3A_1879, %eq3A_1878 : vector<1x8192xi1>
    %select_n3A_1881 = arith.select %xor3A_1880, %select_n3A_1844, %select_n3A_1863 : vector<1x8192xi1>, vector<1x8192xi32>
    %select_n3A_1882 = arith.select %xor3A_1880, %select_n3A_1845, %select_n3A_1864 : vector<1x8192xi1>, vector<1x8192xi32>
    %roll3A_1883 = arith.constant 8184 : i32
    %roll3A_1884 = tpu.dynamic_rotate %select_n3A_1881 by %roll3A_1883 dim 1 : vector<1x8192xi32>, i32 -> vector<1x8192xi32>
    %roll3A_1885 = arith.constant 8 : i32
    %roll3A_1886 = tpu.dynamic_rotate %select_n3A_1881 by %roll3A_1885 dim 1 : vector<1x8192xi32>, i32 -> vector<1x8192xi32>
    %roll3A_1887 = arith.constant 8184 : i32
    %roll3A_1888 = tpu.dynamic_rotate %select_n3A_1882 by %roll3A_1887 dim 1 : vector<1x8192xi32>, i32 -> vector<1x8192xi32>
    %roll3A_1889 = arith.constant 8 : i32
    %roll3A_1890 = tpu.dynamic_rotate %select_n3A_1882 by %roll3A_1889 dim 1 : vector<1x8192xi32>, i32 -> vector<1x8192xi32>
    %shift_right_arithmetic3A_1891 = arith.constant 3 : i32
    %shift_right_arithmetic3A_1892 = vector.broadcast %shift_right_arithmetic3A_1891 : i32 to vector<1x8192xi32>
    %shift_right_arithmetic3A_1893 = arith.shrsi %iota3A_4, %shift_right_arithmetic3A_1892 : vector<1x8192xi32>
    %and3A_1894 = arith.constant 1 : i32
    %and3A_1895 = vector.broadcast %and3A_1894 : i32 to vector<1x8192xi32>
    %and3A_1896 = arith.andi %shift_right_arithmetic3A_1893, %and3A_1895 : vector<1x8192xi32>
    %eq3A_1897 = arith.constant 1 : i32
    %eq3A_1898 = vector.broadcast %eq3A_1897 : i32 to vector<1x8192xi32>
    %eq3A_1899 = arith.cmpi eq, %and3A_1896, %eq3A_1898 : vector<1x8192xi32>
    %select_n3A_1900 = arith.select %eq3A_1899, %roll3A_1886, %roll3A_1884 : vector<1x8192xi1>, vector<1x8192xi32>
    %select_n3A_1901 = arith.select %eq3A_1899, %roll3A_1890, %roll3A_1888 : vector<1x8192xi1>, vector<1x8192xi32>
    %gt3A_1902 = arith.cmpi sgt, %select_n3A_1881, %select_n3A_1900 : vector<1x8192xi32>
    %eq3A_1903 = arith.cmpi eq, %select_n3A_1881, %select_n3A_1900 : vector<1x8192xi32>
    %lt3A_1904 = arith.cmpi slt, %select_n3A_1882, %select_n3A_1901 : vector<1x8192xi32>
    %and3A_1905 = arith.andi %eq3A_1903, %lt3A_1904 : vector<1x8192xi1>
    %or3A_1906 = arith.ori %gt3A_1902, %and3A_1905 : vector<1x8192xi1>
    %shift_right_arithmetic3A_1907 = arith.constant 10 : i32
    %shift_right_arithmetic3A_1908 = vector.broadcast %shift_right_arithmetic3A_1907 : i32 to vector<1x8192xi32>
    %shift_right_arithmetic3A_1909 = arith.shrsi %iota3A_4, %shift_right_arithmetic3A_1908 : vector<1x8192xi32>
    %and3A_1910 = arith.constant 1 : i32
    %and3A_1911 = vector.broadcast %and3A_1910 : i32 to vector<1x8192xi32>
    %and3A_1912 = arith.andi %shift_right_arithmetic3A_1909, %and3A_1911 : vector<1x8192xi32>
    %eq3A_1913 = arith.constant 1 : i32
    %eq3A_1914 = vector.broadcast %eq3A_1913 : i32 to vector<1x8192xi32>
    %eq3A_1915 = arith.cmpi eq, %and3A_1912, %eq3A_1914 : vector<1x8192xi32>
    %xor3A_1916 = arith.xori %or3A_1906, %eq3A_1899 : vector<1x8192xi1>
    %xor3A_1917 = arith.xori %xor3A_1916, %eq3A_1915 : vector<1x8192xi1>
    %select_n3A_1918 = arith.select %xor3A_1917, %select_n3A_1881, %select_n3A_1900 : vector<1x8192xi1>, vector<1x8192xi32>
    %select_n3A_1919 = arith.select %xor3A_1917, %select_n3A_1882, %select_n3A_1901 : vector<1x8192xi1>, vector<1x8192xi32>
    %roll3A_1920 = arith.constant 8188 : i32
    %roll3A_1921 = tpu.dynamic_rotate %select_n3A_1918 by %roll3A_1920 dim 1 : vector<1x8192xi32>, i32 -> vector<1x8192xi32>
    %roll3A_1922 = arith.constant 4 : i32
    %roll3A_1923 = tpu.dynamic_rotate %select_n3A_1918 by %roll3A_1922 dim 1 : vector<1x8192xi32>, i32 -> vector<1x8192xi32>
    %roll3A_1924 = arith.constant 8188 : i32
    %roll3A_1925 = tpu.dynamic_rotate %select_n3A_1919 by %roll3A_1924 dim 1 : vector<1x8192xi32>, i32 -> vector<1x8192xi32>
    %roll3A_1926 = arith.constant 4 : i32
    %roll3A_1927 = tpu.dynamic_rotate %select_n3A_1919 by %roll3A_1926 dim 1 : vector<1x8192xi32>, i32 -> vector<1x8192xi32>
    %shift_right_arithmetic3A_1928 = arith.constant 2 : i32
    %shift_right_arithmetic3A_1929 = vector.broadcast %shift_right_arithmetic3A_1928 : i32 to vector<1x8192xi32>
    %shift_right_arithmetic3A_1930 = arith.shrsi %iota3A_4, %shift_right_arithmetic3A_1929 : vector<1x8192xi32>
    %and3A_1931 = arith.constant 1 : i32
    %and3A_1932 = vector.broadcast %and3A_1931 : i32 to vector<1x8192xi32>
    %and3A_1933 = arith.andi %shift_right_arithmetic3A_1930, %and3A_1932 : vector<1x8192xi32>
    %eq3A_1934 = arith.constant 1 : i32
    %eq3A_1935 = vector.broadcast %eq3A_1934 : i32 to vector<1x8192xi32>
    %eq3A_1936 = arith.cmpi eq, %and3A_1933, %eq3A_1935 : vector<1x8192xi32>
    %select_n3A_1937 = arith.select %eq3A_1936, %roll3A_1923, %roll3A_1921 : vector<1x8192xi1>, vector<1x8192xi32>
    %select_n3A_1938 = arith.select %eq3A_1936, %roll3A_1927, %roll3A_1925 : vector<1x8192xi1>, vector<1x8192xi32>
    %gt3A_1939 = arith.cmpi sgt, %select_n3A_1918, %select_n3A_1937 : vector<1x8192xi32>
    %eq3A_1940 = arith.cmpi eq, %select_n3A_1918, %select_n3A_1937 : vector<1x8192xi32>
    %lt3A_1941 = arith.cmpi slt, %select_n3A_1919, %select_n3A_1938 : vector<1x8192xi32>
    %and3A_1942 = arith.andi %eq3A_1940, %lt3A_1941 : vector<1x8192xi1>
    %or3A_1943 = arith.ori %gt3A_1939, %and3A_1942 : vector<1x8192xi1>
    %shift_right_arithmetic3A_1944 = arith.constant 10 : i32
    %shift_right_arithmetic3A_1945 = vector.broadcast %shift_right_arithmetic3A_1944 : i32 to vector<1x8192xi32>
    %shift_right_arithmetic3A_1946 = arith.shrsi %iota3A_4, %shift_right_arithmetic3A_1945 : vector<1x8192xi32>
    %and3A_1947 = arith.constant 1 : i32
    %and3A_1948 = vector.broadcast %and3A_1947 : i32 to vector<1x8192xi32>
    %and3A_1949 = arith.andi %shift_right_arithmetic3A_1946, %and3A_1948 : vector<1x8192xi32>
    %eq3A_1950 = arith.constant 1 : i32
    %eq3A_1951 = vector.broadcast %eq3A_1950 : i32 to vector<1x8192xi32>
    %eq3A_1952 = arith.cmpi eq, %and3A_1949, %eq3A_1951 : vector<1x8192xi32>
    %xor3A_1953 = arith.xori %or3A_1943, %eq3A_1936 : vector<1x8192xi1>
    %xor3A_1954 = arith.xori %xor3A_1953, %eq3A_1952 : vector<1x8192xi1>
    %select_n3A_1955 = arith.select %xor3A_1954, %select_n3A_1918, %select_n3A_1937 : vector<1x8192xi1>, vector<1x8192xi32>
    %select_n3A_1956 = arith.select %xor3A_1954, %select_n3A_1919, %select_n3A_1938 : vector<1x8192xi1>, vector<1x8192xi32>
    %roll3A_1957 = arith.constant 8190 : i32
    %roll3A_1958 = tpu.dynamic_rotate %select_n3A_1955 by %roll3A_1957 dim 1 : vector<1x8192xi32>, i32 -> vector<1x8192xi32>
    %roll3A_1959 = arith.constant 2 : i32
    %roll3A_1960 = tpu.dynamic_rotate %select_n3A_1955 by %roll3A_1959 dim 1 : vector<1x8192xi32>, i32 -> vector<1x8192xi32>
    %roll3A_1961 = arith.constant 8190 : i32
    %roll3A_1962 = tpu.dynamic_rotate %select_n3A_1956 by %roll3A_1961 dim 1 : vector<1x8192xi32>, i32 -> vector<1x8192xi32>
    %roll3A_1963 = arith.constant 2 : i32
    %roll3A_1964 = tpu.dynamic_rotate %select_n3A_1956 by %roll3A_1963 dim 1 : vector<1x8192xi32>, i32 -> vector<1x8192xi32>
    %shift_right_arithmetic3A_1965 = arith.constant 1 : i32
    %shift_right_arithmetic3A_1966 = vector.broadcast %shift_right_arithmetic3A_1965 : i32 to vector<1x8192xi32>
    %shift_right_arithmetic3A_1967 = arith.shrsi %iota3A_4, %shift_right_arithmetic3A_1966 : vector<1x8192xi32>
    %and3A_1968 = arith.constant 1 : i32
    %and3A_1969 = vector.broadcast %and3A_1968 : i32 to vector<1x8192xi32>
    %and3A_1970 = arith.andi %shift_right_arithmetic3A_1967, %and3A_1969 : vector<1x8192xi32>
    %eq3A_1971 = arith.constant 1 : i32
    %eq3A_1972 = vector.broadcast %eq3A_1971 : i32 to vector<1x8192xi32>
    %eq3A_1973 = arith.cmpi eq, %and3A_1970, %eq3A_1972 : vector<1x8192xi32>
    %select_n3A_1974 = arith.select %eq3A_1973, %roll3A_1960, %roll3A_1958 : vector<1x8192xi1>, vector<1x8192xi32>
    %select_n3A_1975 = arith.select %eq3A_1973, %roll3A_1964, %roll3A_1962 : vector<1x8192xi1>, vector<1x8192xi32>
    %gt3A_1976 = arith.cmpi sgt, %select_n3A_1955, %select_n3A_1974 : vector<1x8192xi32>
    %eq3A_1977 = arith.cmpi eq, %select_n3A_1955, %select_n3A_1974 : vector<1x8192xi32>
    %lt3A_1978 = arith.cmpi slt, %select_n3A_1956, %select_n3A_1975 : vector<1x8192xi32>
    %and3A_1979 = arith.andi %eq3A_1977, %lt3A_1978 : vector<1x8192xi1>
    %or3A_1980 = arith.ori %gt3A_1976, %and3A_1979 : vector<1x8192xi1>
    %shift_right_arithmetic3A_1981 = arith.constant 10 : i32
    %shift_right_arithmetic3A_1982 = vector.broadcast %shift_right_arithmetic3A_1981 : i32 to vector<1x8192xi32>
    %shift_right_arithmetic3A_1983 = arith.shrsi %iota3A_4, %shift_right_arithmetic3A_1982 : vector<1x8192xi32>
    %and3A_1984 = arith.constant 1 : i32
    %and3A_1985 = vector.broadcast %and3A_1984 : i32 to vector<1x8192xi32>
    %and3A_1986 = arith.andi %shift_right_arithmetic3A_1983, %and3A_1985 : vector<1x8192xi32>
    %eq3A_1987 = arith.constant 1 : i32
    %eq3A_1988 = vector.broadcast %eq3A_1987 : i32 to vector<1x8192xi32>
    %eq3A_1989 = arith.cmpi eq, %and3A_1986, %eq3A_1988 : vector<1x8192xi32>
    %xor3A_1990 = arith.xori %or3A_1980, %eq3A_1973 : vector<1x8192xi1>
    %xor3A_1991 = arith.xori %xor3A_1990, %eq3A_1989 : vector<1x8192xi1>
    %select_n3A_1992 = arith.select %xor3A_1991, %select_n3A_1955, %select_n3A_1974 : vector<1x8192xi1>, vector<1x8192xi32>
    %select_n3A_1993 = arith.select %xor3A_1991, %select_n3A_1956, %select_n3A_1975 : vector<1x8192xi1>, vector<1x8192xi32>
    %roll3A_1994 = arith.constant 8191 : i32
    %roll3A_1995 = tpu.dynamic_rotate %select_n3A_1992 by %roll3A_1994 dim 1 : vector<1x8192xi32>, i32 -> vector<1x8192xi32>
    %roll3A_1996 = arith.constant 1 : i32
    %roll3A_1997 = tpu.dynamic_rotate %select_n3A_1992 by %roll3A_1996 dim 1 : vector<1x8192xi32>, i32 -> vector<1x8192xi32>
    %roll3A_1998 = arith.constant 8191 : i32
    %roll3A_1999 = tpu.dynamic_rotate %select_n3A_1993 by %roll3A_1998 dim 1 : vector<1x8192xi32>, i32 -> vector<1x8192xi32>
    %roll3A_2000 = arith.constant 1 : i32
    %roll3A_2001 = tpu.dynamic_rotate %select_n3A_1993 by %roll3A_2000 dim 1 : vector<1x8192xi32>, i32 -> vector<1x8192xi32>
    %shift_right_arithmetic3A_2002 = arith.constant 0 : i32
    %shift_right_arithmetic3A_2003 = vector.broadcast %shift_right_arithmetic3A_2002 : i32 to vector<1x8192xi32>
    %shift_right_arithmetic3A_2004 = arith.shrsi %iota3A_4, %shift_right_arithmetic3A_2003 : vector<1x8192xi32>
    %and3A_2005 = arith.constant 1 : i32
    %and3A_2006 = vector.broadcast %and3A_2005 : i32 to vector<1x8192xi32>
    %and3A_2007 = arith.andi %shift_right_arithmetic3A_2004, %and3A_2006 : vector<1x8192xi32>
    %eq3A_2008 = arith.constant 1 : i32
    %eq3A_2009 = vector.broadcast %eq3A_2008 : i32 to vector<1x8192xi32>
    %eq3A_2010 = arith.cmpi eq, %and3A_2007, %eq3A_2009 : vector<1x8192xi32>
    %select_n3A_2011 = arith.select %eq3A_2010, %roll3A_1997, %roll3A_1995 : vector<1x8192xi1>, vector<1x8192xi32>
    %select_n3A_2012 = arith.select %eq3A_2010, %roll3A_2001, %roll3A_1999 : vector<1x8192xi1>, vector<1x8192xi32>
    %gt3A_2013 = arith.cmpi sgt, %select_n3A_1992, %select_n3A_2011 : vector<1x8192xi32>
    %eq3A_2014 = arith.cmpi eq, %select_n3A_1992, %select_n3A_2011 : vector<1x8192xi32>
    %lt3A_2015 = arith.cmpi slt, %select_n3A_1993, %select_n3A_2012 : vector<1x8192xi32>
    %and3A_2016 = arith.andi %eq3A_2014, %lt3A_2015 : vector<1x8192xi1>
    %or3A_2017 = arith.ori %gt3A_2013, %and3A_2016 : vector<1x8192xi1>
    %shift_right_arithmetic3A_2018 = arith.constant 10 : i32
    %shift_right_arithmetic3A_2019 = vector.broadcast %shift_right_arithmetic3A_2018 : i32 to vector<1x8192xi32>
    %shift_right_arithmetic3A_2020 = arith.shrsi %iota3A_4, %shift_right_arithmetic3A_2019 : vector<1x8192xi32>
    %and3A_2021 = arith.constant 1 : i32
    %and3A_2022 = vector.broadcast %and3A_2021 : i32 to vector<1x8192xi32>
    %and3A_2023 = arith.andi %shift_right_arithmetic3A_2020, %and3A_2022 : vector<1x8192xi32>
    %eq3A_2024 = arith.constant 1 : i32
    %eq3A_2025 = vector.broadcast %eq3A_2024 : i32 to vector<1x8192xi32>
    %eq3A_2026 = arith.cmpi eq, %and3A_2023, %eq3A_2025 : vector<1x8192xi32>
    %xor3A_2027 = arith.xori %or3A_2017, %eq3A_2010 : vector<1x8192xi1>
    %xor3A_2028 = arith.xori %xor3A_2027, %eq3A_2026 : vector<1x8192xi1>
    %select_n3A_2029 = arith.select %xor3A_2028, %select_n3A_1992, %select_n3A_2011 : vector<1x8192xi1>, vector<1x8192xi32>
    %select_n3A_2030 = arith.select %xor3A_2028, %select_n3A_1993, %select_n3A_2012 : vector<1x8192xi1>, vector<1x8192xi32>
    %roll3A_2031 = arith.constant 7168 : i32
    %roll3A_2032 = tpu.dynamic_rotate %select_n3A_2029 by %roll3A_2031 dim 1 : vector<1x8192xi32>, i32 -> vector<1x8192xi32>
    %roll3A_2033 = arith.constant 1024 : i32
    %roll3A_2034 = tpu.dynamic_rotate %select_n3A_2029 by %roll3A_2033 dim 1 : vector<1x8192xi32>, i32 -> vector<1x8192xi32>
    %roll3A_2035 = arith.constant 7168 : i32
    %roll3A_2036 = tpu.dynamic_rotate %select_n3A_2030 by %roll3A_2035 dim 1 : vector<1x8192xi32>, i32 -> vector<1x8192xi32>
    %roll3A_2037 = arith.constant 1024 : i32
    %roll3A_2038 = tpu.dynamic_rotate %select_n3A_2030 by %roll3A_2037 dim 1 : vector<1x8192xi32>, i32 -> vector<1x8192xi32>
    %shift_right_arithmetic3A_2039 = arith.constant 10 : i32
    %shift_right_arithmetic3A_2040 = vector.broadcast %shift_right_arithmetic3A_2039 : i32 to vector<1x8192xi32>
    %shift_right_arithmetic3A_2041 = arith.shrsi %iota3A_4, %shift_right_arithmetic3A_2040 : vector<1x8192xi32>
    %and3A_2042 = arith.constant 1 : i32
    %and3A_2043 = vector.broadcast %and3A_2042 : i32 to vector<1x8192xi32>
    %and3A_2044 = arith.andi %shift_right_arithmetic3A_2041, %and3A_2043 : vector<1x8192xi32>
    %eq3A_2045 = arith.constant 1 : i32
    %eq3A_2046 = vector.broadcast %eq3A_2045 : i32 to vector<1x8192xi32>
    %eq3A_2047 = arith.cmpi eq, %and3A_2044, %eq3A_2046 : vector<1x8192xi32>
    %select_n3A_2048 = arith.select %eq3A_2047, %roll3A_2034, %roll3A_2032 : vector<1x8192xi1>, vector<1x8192xi32>
    %select_n3A_2049 = arith.select %eq3A_2047, %roll3A_2038, %roll3A_2036 : vector<1x8192xi1>, vector<1x8192xi32>
    %gt3A_2050 = arith.cmpi sgt, %select_n3A_2029, %select_n3A_2048 : vector<1x8192xi32>
    %eq3A_2051 = arith.cmpi eq, %select_n3A_2029, %select_n3A_2048 : vector<1x8192xi32>
    %lt3A_2052 = arith.cmpi slt, %select_n3A_2030, %select_n3A_2049 : vector<1x8192xi32>
    %and3A_2053 = arith.andi %eq3A_2051, %lt3A_2052 : vector<1x8192xi1>
    %or3A_2054 = arith.ori %gt3A_2050, %and3A_2053 : vector<1x8192xi1>
    %shift_right_arithmetic3A_2055 = arith.constant 11 : i32
    %shift_right_arithmetic3A_2056 = vector.broadcast %shift_right_arithmetic3A_2055 : i32 to vector<1x8192xi32>
    %shift_right_arithmetic3A_2057 = arith.shrsi %iota3A_4, %shift_right_arithmetic3A_2056 : vector<1x8192xi32>
    %and3A_2058 = arith.constant 1 : i32
    %and3A_2059 = vector.broadcast %and3A_2058 : i32 to vector<1x8192xi32>
    %and3A_2060 = arith.andi %shift_right_arithmetic3A_2057, %and3A_2059 : vector<1x8192xi32>
    %eq3A_2061 = arith.constant 1 : i32
    %eq3A_2062 = vector.broadcast %eq3A_2061 : i32 to vector<1x8192xi32>
    %eq3A_2063 = arith.cmpi eq, %and3A_2060, %eq3A_2062 : vector<1x8192xi32>
    %xor3A_2064 = arith.xori %or3A_2054, %eq3A_2047 : vector<1x8192xi1>
    %xor3A_2065 = arith.xori %xor3A_2064, %eq3A_2063 : vector<1x8192xi1>
    %select_n3A_2066 = arith.select %xor3A_2065, %select_n3A_2029, %select_n3A_2048 : vector<1x8192xi1>, vector<1x8192xi32>
    %select_n3A_2067 = arith.select %xor3A_2065, %select_n3A_2030, %select_n3A_2049 : vector<1x8192xi1>, vector<1x8192xi32>
    %roll3A_2068 = arith.constant 7680 : i32
    %roll3A_2069 = tpu.dynamic_rotate %select_n3A_2066 by %roll3A_2068 dim 1 : vector<1x8192xi32>, i32 -> vector<1x8192xi32>
    %roll3A_2070 = arith.constant 512 : i32
    %roll3A_2071 = tpu.dynamic_rotate %select_n3A_2066 by %roll3A_2070 dim 1 : vector<1x8192xi32>, i32 -> vector<1x8192xi32>
    %roll3A_2072 = arith.constant 7680 : i32
    %roll3A_2073 = tpu.dynamic_rotate %select_n3A_2067 by %roll3A_2072 dim 1 : vector<1x8192xi32>, i32 -> vector<1x8192xi32>
    %roll3A_2074 = arith.constant 512 : i32
    %roll3A_2075 = tpu.dynamic_rotate %select_n3A_2067 by %roll3A_2074 dim 1 : vector<1x8192xi32>, i32 -> vector<1x8192xi32>
    %shift_right_arithmetic3A_2076 = arith.constant 9 : i32
    %shift_right_arithmetic3A_2077 = vector.broadcast %shift_right_arithmetic3A_2076 : i32 to vector<1x8192xi32>
    %shift_right_arithmetic3A_2078 = arith.shrsi %iota3A_4, %shift_right_arithmetic3A_2077 : vector<1x8192xi32>
    %and3A_2079 = arith.constant 1 : i32
    %and3A_2080 = vector.broadcast %and3A_2079 : i32 to vector<1x8192xi32>
    %and3A_2081 = arith.andi %shift_right_arithmetic3A_2078, %and3A_2080 : vector<1x8192xi32>
    %eq3A_2082 = arith.constant 1 : i32
    %eq3A_2083 = vector.broadcast %eq3A_2082 : i32 to vector<1x8192xi32>
    %eq3A_2084 = arith.cmpi eq, %and3A_2081, %eq3A_2083 : vector<1x8192xi32>
    %select_n3A_2085 = arith.select %eq3A_2084, %roll3A_2071, %roll3A_2069 : vector<1x8192xi1>, vector<1x8192xi32>
    %select_n3A_2086 = arith.select %eq3A_2084, %roll3A_2075, %roll3A_2073 : vector<1x8192xi1>, vector<1x8192xi32>
    %gt3A_2087 = arith.cmpi sgt, %select_n3A_2066, %select_n3A_2085 : vector<1x8192xi32>
    %eq3A_2088 = arith.cmpi eq, %select_n3A_2066, %select_n3A_2085 : vector<1x8192xi32>
    %lt3A_2089 = arith.cmpi slt, %select_n3A_2067, %select_n3A_2086 : vector<1x8192xi32>
    %and3A_2090 = arith.andi %eq3A_2088, %lt3A_2089 : vector<1x8192xi1>
    %or3A_2091 = arith.ori %gt3A_2087, %and3A_2090 : vector<1x8192xi1>
    %shift_right_arithmetic3A_2092 = arith.constant 11 : i32
    %shift_right_arithmetic3A_2093 = vector.broadcast %shift_right_arithmetic3A_2092 : i32 to vector<1x8192xi32>
    %shift_right_arithmetic3A_2094 = arith.shrsi %iota3A_4, %shift_right_arithmetic3A_2093 : vector<1x8192xi32>
    %and3A_2095 = arith.constant 1 : i32
    %and3A_2096 = vector.broadcast %and3A_2095 : i32 to vector<1x8192xi32>
    %and3A_2097 = arith.andi %shift_right_arithmetic3A_2094, %and3A_2096 : vector<1x8192xi32>
    %eq3A_2098 = arith.constant 1 : i32
    %eq3A_2099 = vector.broadcast %eq3A_2098 : i32 to vector<1x8192xi32>
    %eq3A_2100 = arith.cmpi eq, %and3A_2097, %eq3A_2099 : vector<1x8192xi32>
    %xor3A_2101 = arith.xori %or3A_2091, %eq3A_2084 : vector<1x8192xi1>
    %xor3A_2102 = arith.xori %xor3A_2101, %eq3A_2100 : vector<1x8192xi1>
    %select_n3A_2103 = arith.select %xor3A_2102, %select_n3A_2066, %select_n3A_2085 : vector<1x8192xi1>, vector<1x8192xi32>
    %select_n3A_2104 = arith.select %xor3A_2102, %select_n3A_2067, %select_n3A_2086 : vector<1x8192xi1>, vector<1x8192xi32>
    %roll3A_2105 = arith.constant 7936 : i32
    %roll3A_2106 = tpu.dynamic_rotate %select_n3A_2103 by %roll3A_2105 dim 1 : vector<1x8192xi32>, i32 -> vector<1x8192xi32>
    %roll3A_2107 = arith.constant 256 : i32
    %roll3A_2108 = tpu.dynamic_rotate %select_n3A_2103 by %roll3A_2107 dim 1 : vector<1x8192xi32>, i32 -> vector<1x8192xi32>
    %roll3A_2109 = arith.constant 7936 : i32
    %roll3A_2110 = tpu.dynamic_rotate %select_n3A_2104 by %roll3A_2109 dim 1 : vector<1x8192xi32>, i32 -> vector<1x8192xi32>
    %roll3A_2111 = arith.constant 256 : i32
    %roll3A_2112 = tpu.dynamic_rotate %select_n3A_2104 by %roll3A_2111 dim 1 : vector<1x8192xi32>, i32 -> vector<1x8192xi32>
    %shift_right_arithmetic3A_2113 = arith.constant 8 : i32
    %shift_right_arithmetic3A_2114 = vector.broadcast %shift_right_arithmetic3A_2113 : i32 to vector<1x8192xi32>
    %shift_right_arithmetic3A_2115 = arith.shrsi %iota3A_4, %shift_right_arithmetic3A_2114 : vector<1x8192xi32>
    %and3A_2116 = arith.constant 1 : i32
    %and3A_2117 = vector.broadcast %and3A_2116 : i32 to vector<1x8192xi32>
    %and3A_2118 = arith.andi %shift_right_arithmetic3A_2115, %and3A_2117 : vector<1x8192xi32>
    %eq3A_2119 = arith.constant 1 : i32
    %eq3A_2120 = vector.broadcast %eq3A_2119 : i32 to vector<1x8192xi32>
    %eq3A_2121 = arith.cmpi eq, %and3A_2118, %eq3A_2120 : vector<1x8192xi32>
    %select_n3A_2122 = arith.select %eq3A_2121, %roll3A_2108, %roll3A_2106 : vector<1x8192xi1>, vector<1x8192xi32>
    %select_n3A_2123 = arith.select %eq3A_2121, %roll3A_2112, %roll3A_2110 : vector<1x8192xi1>, vector<1x8192xi32>
    %gt3A_2124 = arith.cmpi sgt, %select_n3A_2103, %select_n3A_2122 : vector<1x8192xi32>
    %eq3A_2125 = arith.cmpi eq, %select_n3A_2103, %select_n3A_2122 : vector<1x8192xi32>
    %lt3A_2126 = arith.cmpi slt, %select_n3A_2104, %select_n3A_2123 : vector<1x8192xi32>
    %and3A_2127 = arith.andi %eq3A_2125, %lt3A_2126 : vector<1x8192xi1>
    %or3A_2128 = arith.ori %gt3A_2124, %and3A_2127 : vector<1x8192xi1>
    %shift_right_arithmetic3A_2129 = arith.constant 11 : i32
    %shift_right_arithmetic3A_2130 = vector.broadcast %shift_right_arithmetic3A_2129 : i32 to vector<1x8192xi32>
    %shift_right_arithmetic3A_2131 = arith.shrsi %iota3A_4, %shift_right_arithmetic3A_2130 : vector<1x8192xi32>
    %and3A_2132 = arith.constant 1 : i32
    %and3A_2133 = vector.broadcast %and3A_2132 : i32 to vector<1x8192xi32>
    %and3A_2134 = arith.andi %shift_right_arithmetic3A_2131, %and3A_2133 : vector<1x8192xi32>
    %eq3A_2135 = arith.constant 1 : i32
    %eq3A_2136 = vector.broadcast %eq3A_2135 : i32 to vector<1x8192xi32>
    %eq3A_2137 = arith.cmpi eq, %and3A_2134, %eq3A_2136 : vector<1x8192xi32>
    %xor3A_2138 = arith.xori %or3A_2128, %eq3A_2121 : vector<1x8192xi1>
    %xor3A_2139 = arith.xori %xor3A_2138, %eq3A_2137 : vector<1x8192xi1>
    %select_n3A_2140 = arith.select %xor3A_2139, %select_n3A_2103, %select_n3A_2122 : vector<1x8192xi1>, vector<1x8192xi32>
    %select_n3A_2141 = arith.select %xor3A_2139, %select_n3A_2104, %select_n3A_2123 : vector<1x8192xi1>, vector<1x8192xi32>
    %roll3A_2142 = arith.constant 8064 : i32
    %roll3A_2143 = tpu.dynamic_rotate %select_n3A_2140 by %roll3A_2142 dim 1 : vector<1x8192xi32>, i32 -> vector<1x8192xi32>
    %roll3A_2144 = arith.constant 128 : i32
    %roll3A_2145 = tpu.dynamic_rotate %select_n3A_2140 by %roll3A_2144 dim 1 : vector<1x8192xi32>, i32 -> vector<1x8192xi32>
    %roll3A_2146 = arith.constant 8064 : i32
    %roll3A_2147 = tpu.dynamic_rotate %select_n3A_2141 by %roll3A_2146 dim 1 : vector<1x8192xi32>, i32 -> vector<1x8192xi32>
    %roll3A_2148 = arith.constant 128 : i32
    %roll3A_2149 = tpu.dynamic_rotate %select_n3A_2141 by %roll3A_2148 dim 1 : vector<1x8192xi32>, i32 -> vector<1x8192xi32>
    %shift_right_arithmetic3A_2150 = arith.constant 7 : i32
    %shift_right_arithmetic3A_2151 = vector.broadcast %shift_right_arithmetic3A_2150 : i32 to vector<1x8192xi32>
    %shift_right_arithmetic3A_2152 = arith.shrsi %iota3A_4, %shift_right_arithmetic3A_2151 : vector<1x8192xi32>
    %and3A_2153 = arith.constant 1 : i32
    %and3A_2154 = vector.broadcast %and3A_2153 : i32 to vector<1x8192xi32>
    %and3A_2155 = arith.andi %shift_right_arithmetic3A_2152, %and3A_2154 : vector<1x8192xi32>
    %eq3A_2156 = arith.constant 1 : i32
    %eq3A_2157 = vector.broadcast %eq3A_2156 : i32 to vector<1x8192xi32>
    %eq3A_2158 = arith.cmpi eq, %and3A_2155, %eq3A_2157 : vector<1x8192xi32>
    %select_n3A_2159 = arith.select %eq3A_2158, %roll3A_2145, %roll3A_2143 : vector<1x8192xi1>, vector<1x8192xi32>
    %select_n3A_2160 = arith.select %eq3A_2158, %roll3A_2149, %roll3A_2147 : vector<1x8192xi1>, vector<1x8192xi32>
    %gt3A_2161 = arith.cmpi sgt, %select_n3A_2140, %select_n3A_2159 : vector<1x8192xi32>
    %eq3A_2162 = arith.cmpi eq, %select_n3A_2140, %select_n3A_2159 : vector<1x8192xi32>
    %lt3A_2163 = arith.cmpi slt, %select_n3A_2141, %select_n3A_2160 : vector<1x8192xi32>
    %and3A_2164 = arith.andi %eq3A_2162, %lt3A_2163 : vector<1x8192xi1>
    %or3A_2165 = arith.ori %gt3A_2161, %and3A_2164 : vector<1x8192xi1>
    %shift_right_arithmetic3A_2166 = arith.constant 11 : i32
    %shift_right_arithmetic3A_2167 = vector.broadcast %shift_right_arithmetic3A_2166 : i32 to vector<1x8192xi32>
    %shift_right_arithmetic3A_2168 = arith.shrsi %iota3A_4, %shift_right_arithmetic3A_2167 : vector<1x8192xi32>
    %and3A_2169 = arith.constant 1 : i32
    %and3A_2170 = vector.broadcast %and3A_2169 : i32 to vector<1x8192xi32>
    %and3A_2171 = arith.andi %shift_right_arithmetic3A_2168, %and3A_2170 : vector<1x8192xi32>
    %eq3A_2172 = arith.constant 1 : i32
    %eq3A_2173 = vector.broadcast %eq3A_2172 : i32 to vector<1x8192xi32>
    %eq3A_2174 = arith.cmpi eq, %and3A_2171, %eq3A_2173 : vector<1x8192xi32>
    %xor3A_2175 = arith.xori %or3A_2165, %eq3A_2158 : vector<1x8192xi1>
    %xor3A_2176 = arith.xori %xor3A_2175, %eq3A_2174 : vector<1x8192xi1>
    %select_n3A_2177 = arith.select %xor3A_2176, %select_n3A_2140, %select_n3A_2159 : vector<1x8192xi1>, vector<1x8192xi32>
    %select_n3A_2178 = arith.select %xor3A_2176, %select_n3A_2141, %select_n3A_2160 : vector<1x8192xi1>, vector<1x8192xi32>
    %roll3A_2179 = arith.constant 8128 : i32
    %roll3A_2180 = tpu.dynamic_rotate %select_n3A_2177 by %roll3A_2179 dim 1 : vector<1x8192xi32>, i32 -> vector<1x8192xi32>
    %roll3A_2181 = arith.constant 64 : i32
    %roll3A_2182 = tpu.dynamic_rotate %select_n3A_2177 by %roll3A_2181 dim 1 : vector<1x8192xi32>, i32 -> vector<1x8192xi32>
    %roll3A_2183 = arith.constant 8128 : i32
    %roll3A_2184 = tpu.dynamic_rotate %select_n3A_2178 by %roll3A_2183 dim 1 : vector<1x8192xi32>, i32 -> vector<1x8192xi32>
    %roll3A_2185 = arith.constant 64 : i32
    %roll3A_2186 = tpu.dynamic_rotate %select_n3A_2178 by %roll3A_2185 dim 1 : vector<1x8192xi32>, i32 -> vector<1x8192xi32>
    %shift_right_arithmetic3A_2187 = arith.constant 6 : i32
    %shift_right_arithmetic3A_2188 = vector.broadcast %shift_right_arithmetic3A_2187 : i32 to vector<1x8192xi32>
    %shift_right_arithmetic3A_2189 = arith.shrsi %iota3A_4, %shift_right_arithmetic3A_2188 : vector<1x8192xi32>
    %and3A_2190 = arith.constant 1 : i32
    %and3A_2191 = vector.broadcast %and3A_2190 : i32 to vector<1x8192xi32>
    %and3A_2192 = arith.andi %shift_right_arithmetic3A_2189, %and3A_2191 : vector<1x8192xi32>
    %eq3A_2193 = arith.constant 1 : i32
    %eq3A_2194 = vector.broadcast %eq3A_2193 : i32 to vector<1x8192xi32>
    %eq3A_2195 = arith.cmpi eq, %and3A_2192, %eq3A_2194 : vector<1x8192xi32>
    %select_n3A_2196 = arith.select %eq3A_2195, %roll3A_2182, %roll3A_2180 : vector<1x8192xi1>, vector<1x8192xi32>
    %select_n3A_2197 = arith.select %eq3A_2195, %roll3A_2186, %roll3A_2184 : vector<1x8192xi1>, vector<1x8192xi32>
    %gt3A_2198 = arith.cmpi sgt, %select_n3A_2177, %select_n3A_2196 : vector<1x8192xi32>
    %eq3A_2199 = arith.cmpi eq, %select_n3A_2177, %select_n3A_2196 : vector<1x8192xi32>
    %lt3A_2200 = arith.cmpi slt, %select_n3A_2178, %select_n3A_2197 : vector<1x8192xi32>
    %and3A_2201 = arith.andi %eq3A_2199, %lt3A_2200 : vector<1x8192xi1>
    %or3A_2202 = arith.ori %gt3A_2198, %and3A_2201 : vector<1x8192xi1>
    %shift_right_arithmetic3A_2203 = arith.constant 11 : i32
    %shift_right_arithmetic3A_2204 = vector.broadcast %shift_right_arithmetic3A_2203 : i32 to vector<1x8192xi32>
    %shift_right_arithmetic3A_2205 = arith.shrsi %iota3A_4, %shift_right_arithmetic3A_2204 : vector<1x8192xi32>
    %and3A_2206 = arith.constant 1 : i32
    %and3A_2207 = vector.broadcast %and3A_2206 : i32 to vector<1x8192xi32>
    %and3A_2208 = arith.andi %shift_right_arithmetic3A_2205, %and3A_2207 : vector<1x8192xi32>
    %eq3A_2209 = arith.constant 1 : i32
    %eq3A_2210 = vector.broadcast %eq3A_2209 : i32 to vector<1x8192xi32>
    %eq3A_2211 = arith.cmpi eq, %and3A_2208, %eq3A_2210 : vector<1x8192xi32>
    %xor3A_2212 = arith.xori %or3A_2202, %eq3A_2195 : vector<1x8192xi1>
    %xor3A_2213 = arith.xori %xor3A_2212, %eq3A_2211 : vector<1x8192xi1>
    %select_n3A_2214 = arith.select %xor3A_2213, %select_n3A_2177, %select_n3A_2196 : vector<1x8192xi1>, vector<1x8192xi32>
    %select_n3A_2215 = arith.select %xor3A_2213, %select_n3A_2178, %select_n3A_2197 : vector<1x8192xi1>, vector<1x8192xi32>
    %roll3A_2216 = arith.constant 8160 : i32
    %roll3A_2217 = tpu.dynamic_rotate %select_n3A_2214 by %roll3A_2216 dim 1 : vector<1x8192xi32>, i32 -> vector<1x8192xi32>
    %roll3A_2218 = arith.constant 32 : i32
    %roll3A_2219 = tpu.dynamic_rotate %select_n3A_2214 by %roll3A_2218 dim 1 : vector<1x8192xi32>, i32 -> vector<1x8192xi32>
    %roll3A_2220 = arith.constant 8160 : i32
    %roll3A_2221 = tpu.dynamic_rotate %select_n3A_2215 by %roll3A_2220 dim 1 : vector<1x8192xi32>, i32 -> vector<1x8192xi32>
    %roll3A_2222 = arith.constant 32 : i32
    %roll3A_2223 = tpu.dynamic_rotate %select_n3A_2215 by %roll3A_2222 dim 1 : vector<1x8192xi32>, i32 -> vector<1x8192xi32>
    %shift_right_arithmetic3A_2224 = arith.constant 5 : i32
    %shift_right_arithmetic3A_2225 = vector.broadcast %shift_right_arithmetic3A_2224 : i32 to vector<1x8192xi32>
    %shift_right_arithmetic3A_2226 = arith.shrsi %iota3A_4, %shift_right_arithmetic3A_2225 : vector<1x8192xi32>
    %and3A_2227 = arith.constant 1 : i32
    %and3A_2228 = vector.broadcast %and3A_2227 : i32 to vector<1x8192xi32>
    %and3A_2229 = arith.andi %shift_right_arithmetic3A_2226, %and3A_2228 : vector<1x8192xi32>
    %eq3A_2230 = arith.constant 1 : i32
    %eq3A_2231 = vector.broadcast %eq3A_2230 : i32 to vector<1x8192xi32>
    %eq3A_2232 = arith.cmpi eq, %and3A_2229, %eq3A_2231 : vector<1x8192xi32>
    %select_n3A_2233 = arith.select %eq3A_2232, %roll3A_2219, %roll3A_2217 : vector<1x8192xi1>, vector<1x8192xi32>
    %select_n3A_2234 = arith.select %eq3A_2232, %roll3A_2223, %roll3A_2221 : vector<1x8192xi1>, vector<1x8192xi32>
    %gt3A_2235 = arith.cmpi sgt, %select_n3A_2214, %select_n3A_2233 : vector<1x8192xi32>
    %eq3A_2236 = arith.cmpi eq, %select_n3A_2214, %select_n3A_2233 : vector<1x8192xi32>
    %lt3A_2237 = arith.cmpi slt, %select_n3A_2215, %select_n3A_2234 : vector<1x8192xi32>
    %and3A_2238 = arith.andi %eq3A_2236, %lt3A_2237 : vector<1x8192xi1>
    %or3A_2239 = arith.ori %gt3A_2235, %and3A_2238 : vector<1x8192xi1>
    %shift_right_arithmetic3A_2240 = arith.constant 11 : i32
    %shift_right_arithmetic3A_2241 = vector.broadcast %shift_right_arithmetic3A_2240 : i32 to vector<1x8192xi32>
    %shift_right_arithmetic3A_2242 = arith.shrsi %iota3A_4, %shift_right_arithmetic3A_2241 : vector<1x8192xi32>
    %and3A_2243 = arith.constant 1 : i32
    %and3A_2244 = vector.broadcast %and3A_2243 : i32 to vector<1x8192xi32>
    %and3A_2245 = arith.andi %shift_right_arithmetic3A_2242, %and3A_2244 : vector<1x8192xi32>
    %eq3A_2246 = arith.constant 1 : i32
    %eq3A_2247 = vector.broadcast %eq3A_2246 : i32 to vector<1x8192xi32>
    %eq3A_2248 = arith.cmpi eq, %and3A_2245, %eq3A_2247 : vector<1x8192xi32>
    %xor3A_2249 = arith.xori %or3A_2239, %eq3A_2232 : vector<1x8192xi1>
    %xor3A_2250 = arith.xori %xor3A_2249, %eq3A_2248 : vector<1x8192xi1>
    %select_n3A_2251 = arith.select %xor3A_2250, %select_n3A_2214, %select_n3A_2233 : vector<1x8192xi1>, vector<1x8192xi32>
    %select_n3A_2252 = arith.select %xor3A_2250, %select_n3A_2215, %select_n3A_2234 : vector<1x8192xi1>, vector<1x8192xi32>
    %roll3A_2253 = arith.constant 8176 : i32
    %roll3A_2254 = tpu.dynamic_rotate %select_n3A_2251 by %roll3A_2253 dim 1 : vector<1x8192xi32>, i32 -> vector<1x8192xi32>
    %roll3A_2255 = arith.constant 16 : i32
    %roll3A_2256 = tpu.dynamic_rotate %select_n3A_2251 by %roll3A_2255 dim 1 : vector<1x8192xi32>, i32 -> vector<1x8192xi32>
    %roll3A_2257 = arith.constant 8176 : i32
    %roll3A_2258 = tpu.dynamic_rotate %select_n3A_2252 by %roll3A_2257 dim 1 : vector<1x8192xi32>, i32 -> vector<1x8192xi32>
    %roll3A_2259 = arith.constant 16 : i32
    %roll3A_2260 = tpu.dynamic_rotate %select_n3A_2252 by %roll3A_2259 dim 1 : vector<1x8192xi32>, i32 -> vector<1x8192xi32>
    %shift_right_arithmetic3A_2261 = arith.constant 4 : i32
    %shift_right_arithmetic3A_2262 = vector.broadcast %shift_right_arithmetic3A_2261 : i32 to vector<1x8192xi32>
    %shift_right_arithmetic3A_2263 = arith.shrsi %iota3A_4, %shift_right_arithmetic3A_2262 : vector<1x8192xi32>
    %and3A_2264 = arith.constant 1 : i32
    %and3A_2265 = vector.broadcast %and3A_2264 : i32 to vector<1x8192xi32>
    %and3A_2266 = arith.andi %shift_right_arithmetic3A_2263, %and3A_2265 : vector<1x8192xi32>
    %eq3A_2267 = arith.constant 1 : i32
    %eq3A_2268 = vector.broadcast %eq3A_2267 : i32 to vector<1x8192xi32>
    %eq3A_2269 = arith.cmpi eq, %and3A_2266, %eq3A_2268 : vector<1x8192xi32>
    %select_n3A_2270 = arith.select %eq3A_2269, %roll3A_2256, %roll3A_2254 : vector<1x8192xi1>, vector<1x8192xi32>
    %select_n3A_2271 = arith.select %eq3A_2269, %roll3A_2260, %roll3A_2258 : vector<1x8192xi1>, vector<1x8192xi32>
    %gt3A_2272 = arith.cmpi sgt, %select_n3A_2251, %select_n3A_2270 : vector<1x8192xi32>
    %eq3A_2273 = arith.cmpi eq, %select_n3A_2251, %select_n3A_2270 : vector<1x8192xi32>
    %lt3A_2274 = arith.cmpi slt, %select_n3A_2252, %select_n3A_2271 : vector<1x8192xi32>
    %and3A_2275 = arith.andi %eq3A_2273, %lt3A_2274 : vector<1x8192xi1>
    %or3A_2276 = arith.ori %gt3A_2272, %and3A_2275 : vector<1x8192xi1>
    %shift_right_arithmetic3A_2277 = arith.constant 11 : i32
    %shift_right_arithmetic3A_2278 = vector.broadcast %shift_right_arithmetic3A_2277 : i32 to vector<1x8192xi32>
    %shift_right_arithmetic3A_2279 = arith.shrsi %iota3A_4, %shift_right_arithmetic3A_2278 : vector<1x8192xi32>
    %and3A_2280 = arith.constant 1 : i32
    %and3A_2281 = vector.broadcast %and3A_2280 : i32 to vector<1x8192xi32>
    %and3A_2282 = arith.andi %shift_right_arithmetic3A_2279, %and3A_2281 : vector<1x8192xi32>
    %eq3A_2283 = arith.constant 1 : i32
    %eq3A_2284 = vector.broadcast %eq3A_2283 : i32 to vector<1x8192xi32>
    %eq3A_2285 = arith.cmpi eq, %and3A_2282, %eq3A_2284 : vector<1x8192xi32>
    %xor3A_2286 = arith.xori %or3A_2276, %eq3A_2269 : vector<1x8192xi1>
    %xor3A_2287 = arith.xori %xor3A_2286, %eq3A_2285 : vector<1x8192xi1>
    %select_n3A_2288 = arith.select %xor3A_2287, %select_n3A_2251, %select_n3A_2270 : vector<1x8192xi1>, vector<1x8192xi32>
    %select_n3A_2289 = arith.select %xor3A_2287, %select_n3A_2252, %select_n3A_2271 : vector<1x8192xi1>, vector<1x8192xi32>
    %roll3A_2290 = arith.constant 8184 : i32
    %roll3A_2291 = tpu.dynamic_rotate %select_n3A_2288 by %roll3A_2290 dim 1 : vector<1x8192xi32>, i32 -> vector<1x8192xi32>
    %roll3A_2292 = arith.constant 8 : i32
    %roll3A_2293 = tpu.dynamic_rotate %select_n3A_2288 by %roll3A_2292 dim 1 : vector<1x8192xi32>, i32 -> vector<1x8192xi32>
    %roll3A_2294 = arith.constant 8184 : i32
    %roll3A_2295 = tpu.dynamic_rotate %select_n3A_2289 by %roll3A_2294 dim 1 : vector<1x8192xi32>, i32 -> vector<1x8192xi32>
    %roll3A_2296 = arith.constant 8 : i32
    %roll3A_2297 = tpu.dynamic_rotate %select_n3A_2289 by %roll3A_2296 dim 1 : vector<1x8192xi32>, i32 -> vector<1x8192xi32>
    %shift_right_arithmetic3A_2298 = arith.constant 3 : i32
    %shift_right_arithmetic3A_2299 = vector.broadcast %shift_right_arithmetic3A_2298 : i32 to vector<1x8192xi32>
    %shift_right_arithmetic3A_2300 = arith.shrsi %iota3A_4, %shift_right_arithmetic3A_2299 : vector<1x8192xi32>
    %and3A_2301 = arith.constant 1 : i32
    %and3A_2302 = vector.broadcast %and3A_2301 : i32 to vector<1x8192xi32>
    %and3A_2303 = arith.andi %shift_right_arithmetic3A_2300, %and3A_2302 : vector<1x8192xi32>
    %eq3A_2304 = arith.constant 1 : i32
    %eq3A_2305 = vector.broadcast %eq3A_2304 : i32 to vector<1x8192xi32>
    %eq3A_2306 = arith.cmpi eq, %and3A_2303, %eq3A_2305 : vector<1x8192xi32>
    %select_n3A_2307 = arith.select %eq3A_2306, %roll3A_2293, %roll3A_2291 : vector<1x8192xi1>, vector<1x8192xi32>
    %select_n3A_2308 = arith.select %eq3A_2306, %roll3A_2297, %roll3A_2295 : vector<1x8192xi1>, vector<1x8192xi32>
    %gt3A_2309 = arith.cmpi sgt, %select_n3A_2288, %select_n3A_2307 : vector<1x8192xi32>
    %eq3A_2310 = arith.cmpi eq, %select_n3A_2288, %select_n3A_2307 : vector<1x8192xi32>
    %lt3A_2311 = arith.cmpi slt, %select_n3A_2289, %select_n3A_2308 : vector<1x8192xi32>
    %and3A_2312 = arith.andi %eq3A_2310, %lt3A_2311 : vector<1x8192xi1>
    %or3A_2313 = arith.ori %gt3A_2309, %and3A_2312 : vector<1x8192xi1>
    %shift_right_arithmetic3A_2314 = arith.constant 11 : i32
    %shift_right_arithmetic3A_2315 = vector.broadcast %shift_right_arithmetic3A_2314 : i32 to vector<1x8192xi32>
    %shift_right_arithmetic3A_2316 = arith.shrsi %iota3A_4, %shift_right_arithmetic3A_2315 : vector<1x8192xi32>
    %and3A_2317 = arith.constant 1 : i32
    %and3A_2318 = vector.broadcast %and3A_2317 : i32 to vector<1x8192xi32>
    %and3A_2319 = arith.andi %shift_right_arithmetic3A_2316, %and3A_2318 : vector<1x8192xi32>
    %eq3A_2320 = arith.constant 1 : i32
    %eq3A_2321 = vector.broadcast %eq3A_2320 : i32 to vector<1x8192xi32>
    %eq3A_2322 = arith.cmpi eq, %and3A_2319, %eq3A_2321 : vector<1x8192xi32>
    %xor3A_2323 = arith.xori %or3A_2313, %eq3A_2306 : vector<1x8192xi1>
    %xor3A_2324 = arith.xori %xor3A_2323, %eq3A_2322 : vector<1x8192xi1>
    %select_n3A_2325 = arith.select %xor3A_2324, %select_n3A_2288, %select_n3A_2307 : vector<1x8192xi1>, vector<1x8192xi32>
    %select_n3A_2326 = arith.select %xor3A_2324, %select_n3A_2289, %select_n3A_2308 : vector<1x8192xi1>, vector<1x8192xi32>
    %roll3A_2327 = arith.constant 8188 : i32
    %roll3A_2328 = tpu.dynamic_rotate %select_n3A_2325 by %roll3A_2327 dim 1 : vector<1x8192xi32>, i32 -> vector<1x8192xi32>
    %roll3A_2329 = arith.constant 4 : i32
    %roll3A_2330 = tpu.dynamic_rotate %select_n3A_2325 by %roll3A_2329 dim 1 : vector<1x8192xi32>, i32 -> vector<1x8192xi32>
    %roll3A_2331 = arith.constant 8188 : i32
    %roll3A_2332 = tpu.dynamic_rotate %select_n3A_2326 by %roll3A_2331 dim 1 : vector<1x8192xi32>, i32 -> vector<1x8192xi32>
    %roll3A_2333 = arith.constant 4 : i32
    %roll3A_2334 = tpu.dynamic_rotate %select_n3A_2326 by %roll3A_2333 dim 1 : vector<1x8192xi32>, i32 -> vector<1x8192xi32>
    %shift_right_arithmetic3A_2335 = arith.constant 2 : i32
    %shift_right_arithmetic3A_2336 = vector.broadcast %shift_right_arithmetic3A_2335 : i32 to vector<1x8192xi32>
    %shift_right_arithmetic3A_2337 = arith.shrsi %iota3A_4, %shift_right_arithmetic3A_2336 : vector<1x8192xi32>
    %and3A_2338 = arith.constant 1 : i32
    %and3A_2339 = vector.broadcast %and3A_2338 : i32 to vector<1x8192xi32>
    %and3A_2340 = arith.andi %shift_right_arithmetic3A_2337, %and3A_2339 : vector<1x8192xi32>
    %eq3A_2341 = arith.constant 1 : i32
    %eq3A_2342 = vector.broadcast %eq3A_2341 : i32 to vector<1x8192xi32>
    %eq3A_2343 = arith.cmpi eq, %and3A_2340, %eq3A_2342 : vector<1x8192xi32>
    %select_n3A_2344 = arith.select %eq3A_2343, %roll3A_2330, %roll3A_2328 : vector<1x8192xi1>, vector<1x8192xi32>
    %select_n3A_2345 = arith.select %eq3A_2343, %roll3A_2334, %roll3A_2332 : vector<1x8192xi1>, vector<1x8192xi32>
    %gt3A_2346 = arith.cmpi sgt, %select_n3A_2325, %select_n3A_2344 : vector<1x8192xi32>
    %eq3A_2347 = arith.cmpi eq, %select_n3A_2325, %select_n3A_2344 : vector<1x8192xi32>
    %lt3A_2348 = arith.cmpi slt, %select_n3A_2326, %select_n3A_2345 : vector<1x8192xi32>
    %and3A_2349 = arith.andi %eq3A_2347, %lt3A_2348 : vector<1x8192xi1>
    %or3A_2350 = arith.ori %gt3A_2346, %and3A_2349 : vector<1x8192xi1>
    %shift_right_arithmetic3A_2351 = arith.constant 11 : i32
    %shift_right_arithmetic3A_2352 = vector.broadcast %shift_right_arithmetic3A_2351 : i32 to vector<1x8192xi32>
    %shift_right_arithmetic3A_2353 = arith.shrsi %iota3A_4, %shift_right_arithmetic3A_2352 : vector<1x8192xi32>
    %and3A_2354 = arith.constant 1 : i32
    %and3A_2355 = vector.broadcast %and3A_2354 : i32 to vector<1x8192xi32>
    %and3A_2356 = arith.andi %shift_right_arithmetic3A_2353, %and3A_2355 : vector<1x8192xi32>
    %eq3A_2357 = arith.constant 1 : i32
    %eq3A_2358 = vector.broadcast %eq3A_2357 : i32 to vector<1x8192xi32>
    %eq3A_2359 = arith.cmpi eq, %and3A_2356, %eq3A_2358 : vector<1x8192xi32>
    %xor3A_2360 = arith.xori %or3A_2350, %eq3A_2343 : vector<1x8192xi1>
    %xor3A_2361 = arith.xori %xor3A_2360, %eq3A_2359 : vector<1x8192xi1>
    %select_n3A_2362 = arith.select %xor3A_2361, %select_n3A_2325, %select_n3A_2344 : vector<1x8192xi1>, vector<1x8192xi32>
    %select_n3A_2363 = arith.select %xor3A_2361, %select_n3A_2326, %select_n3A_2345 : vector<1x8192xi1>, vector<1x8192xi32>
    %roll3A_2364 = arith.constant 8190 : i32
    %roll3A_2365 = tpu.dynamic_rotate %select_n3A_2362 by %roll3A_2364 dim 1 : vector<1x8192xi32>, i32 -> vector<1x8192xi32>
    %roll3A_2366 = arith.constant 2 : i32
    %roll3A_2367 = tpu.dynamic_rotate %select_n3A_2362 by %roll3A_2366 dim 1 : vector<1x8192xi32>, i32 -> vector<1x8192xi32>
    %roll3A_2368 = arith.constant 8190 : i32
    %roll3A_2369 = tpu.dynamic_rotate %select_n3A_2363 by %roll3A_2368 dim 1 : vector<1x8192xi32>, i32 -> vector<1x8192xi32>
    %roll3A_2370 = arith.constant 2 : i32
    %roll3A_2371 = tpu.dynamic_rotate %select_n3A_2363 by %roll3A_2370 dim 1 : vector<1x8192xi32>, i32 -> vector<1x8192xi32>
    %shift_right_arithmetic3A_2372 = arith.constant 1 : i32
    %shift_right_arithmetic3A_2373 = vector.broadcast %shift_right_arithmetic3A_2372 : i32 to vector<1x8192xi32>
    %shift_right_arithmetic3A_2374 = arith.shrsi %iota3A_4, %shift_right_arithmetic3A_2373 : vector<1x8192xi32>
    %and3A_2375 = arith.constant 1 : i32
    %and3A_2376 = vector.broadcast %and3A_2375 : i32 to vector<1x8192xi32>
    %and3A_2377 = arith.andi %shift_right_arithmetic3A_2374, %and3A_2376 : vector<1x8192xi32>
    %eq3A_2378 = arith.constant 1 : i32
    %eq3A_2379 = vector.broadcast %eq3A_2378 : i32 to vector<1x8192xi32>
    %eq3A_2380 = arith.cmpi eq, %and3A_2377, %eq3A_2379 : vector<1x8192xi32>
    %select_n3A_2381 = arith.select %eq3A_2380, %roll3A_2367, %roll3A_2365 : vector<1x8192xi1>, vector<1x8192xi32>
    %select_n3A_2382 = arith.select %eq3A_2380, %roll3A_2371, %roll3A_2369 : vector<1x8192xi1>, vector<1x8192xi32>
    %gt3A_2383 = arith.cmpi sgt, %select_n3A_2362, %select_n3A_2381 : vector<1x8192xi32>
    %eq3A_2384 = arith.cmpi eq, %select_n3A_2362, %select_n3A_2381 : vector<1x8192xi32>
    %lt3A_2385 = arith.cmpi slt, %select_n3A_2363, %select_n3A_2382 : vector<1x8192xi32>
    %and3A_2386 = arith.andi %eq3A_2384, %lt3A_2385 : vector<1x8192xi1>
    %or3A_2387 = arith.ori %gt3A_2383, %and3A_2386 : vector<1x8192xi1>
    %shift_right_arithmetic3A_2388 = arith.constant 11 : i32
    %shift_right_arithmetic3A_2389 = vector.broadcast %shift_right_arithmetic3A_2388 : i32 to vector<1x8192xi32>
    %shift_right_arithmetic3A_2390 = arith.shrsi %iota3A_4, %shift_right_arithmetic3A_2389 : vector<1x8192xi32>
    %and3A_2391 = arith.constant 1 : i32
    %and3A_2392 = vector.broadcast %and3A_2391 : i32 to vector<1x8192xi32>
    %and3A_2393 = arith.andi %shift_right_arithmetic3A_2390, %and3A_2392 : vector<1x8192xi32>
    %eq3A_2394 = arith.constant 1 : i32
    %eq3A_2395 = vector.broadcast %eq3A_2394 : i32 to vector<1x8192xi32>
    %eq3A_2396 = arith.cmpi eq, %and3A_2393, %eq3A_2395 : vector<1x8192xi32>
    %xor3A_2397 = arith.xori %or3A_2387, %eq3A_2380 : vector<1x8192xi1>
    %xor3A_2398 = arith.xori %xor3A_2397, %eq3A_2396 : vector<1x8192xi1>
    %select_n3A_2399 = arith.select %xor3A_2398, %select_n3A_2362, %select_n3A_2381 : vector<1x8192xi1>, vector<1x8192xi32>
    %select_n3A_2400 = arith.select %xor3A_2398, %select_n3A_2363, %select_n3A_2382 : vector<1x8192xi1>, vector<1x8192xi32>
    %roll3A_2401 = arith.constant 8191 : i32
    %roll3A_2402 = tpu.dynamic_rotate %select_n3A_2399 by %roll3A_2401 dim 1 : vector<1x8192xi32>, i32 -> vector<1x8192xi32>
    %roll3A_2403 = arith.constant 1 : i32
    %roll3A_2404 = tpu.dynamic_rotate %select_n3A_2399 by %roll3A_2403 dim 1 : vector<1x8192xi32>, i32 -> vector<1x8192xi32>
    %roll3A_2405 = arith.constant 8191 : i32
    %roll3A_2406 = tpu.dynamic_rotate %select_n3A_2400 by %roll3A_2405 dim 1 : vector<1x8192xi32>, i32 -> vector<1x8192xi32>
    %roll3A_2407 = arith.constant 1 : i32
    %roll3A_2408 = tpu.dynamic_rotate %select_n3A_2400 by %roll3A_2407 dim 1 : vector<1x8192xi32>, i32 -> vector<1x8192xi32>
    %shift_right_arithmetic3A_2409 = arith.constant 0 : i32
    %shift_right_arithmetic3A_2410 = vector.broadcast %shift_right_arithmetic3A_2409 : i32 to vector<1x8192xi32>
    %shift_right_arithmetic3A_2411 = arith.shrsi %iota3A_4, %shift_right_arithmetic3A_2410 : vector<1x8192xi32>
    %and3A_2412 = arith.constant 1 : i32
    %and3A_2413 = vector.broadcast %and3A_2412 : i32 to vector<1x8192xi32>
    %and3A_2414 = arith.andi %shift_right_arithmetic3A_2411, %and3A_2413 : vector<1x8192xi32>
    %eq3A_2415 = arith.constant 1 : i32
    %eq3A_2416 = vector.broadcast %eq3A_2415 : i32 to vector<1x8192xi32>
    %eq3A_2417 = arith.cmpi eq, %and3A_2414, %eq3A_2416 : vector<1x8192xi32>
    %select_n3A_2418 = arith.select %eq3A_2417, %roll3A_2404, %roll3A_2402 : vector<1x8192xi1>, vector<1x8192xi32>
    %select_n3A_2419 = arith.select %eq3A_2417, %roll3A_2408, %roll3A_2406 : vector<1x8192xi1>, vector<1x8192xi32>
    %gt3A_2420 = arith.cmpi sgt, %select_n3A_2399, %select_n3A_2418 : vector<1x8192xi32>
    %eq3A_2421 = arith.cmpi eq, %select_n3A_2399, %select_n3A_2418 : vector<1x8192xi32>
    %lt3A_2422 = arith.cmpi slt, %select_n3A_2400, %select_n3A_2419 : vector<1x8192xi32>
    %and3A_2423 = arith.andi %eq3A_2421, %lt3A_2422 : vector<1x8192xi1>
    %or3A_2424 = arith.ori %gt3A_2420, %and3A_2423 : vector<1x8192xi1>
    %shift_right_arithmetic3A_2425 = arith.constant 11 : i32
    %shift_right_arithmetic3A_2426 = vector.broadcast %shift_right_arithmetic3A_2425 : i32 to vector<1x8192xi32>
    %shift_right_arithmetic3A_2427 = arith.shrsi %iota3A_4, %shift_right_arithmetic3A_2426 : vector<1x8192xi32>
    %and3A_2428 = arith.constant 1 : i32
    %and3A_2429 = vector.broadcast %and3A_2428 : i32 to vector<1x8192xi32>
    %and3A_2430 = arith.andi %shift_right_arithmetic3A_2427, %and3A_2429 : vector<1x8192xi32>
    %eq3A_2431 = arith.constant 1 : i32
    %eq3A_2432 = vector.broadcast %eq3A_2431 : i32 to vector<1x8192xi32>
    %eq3A_2433 = arith.cmpi eq, %and3A_2430, %eq3A_2432 : vector<1x8192xi32>
    %xor3A_2434 = arith.xori %or3A_2424, %eq3A_2417 : vector<1x8192xi1>
    %xor3A_2435 = arith.xori %xor3A_2434, %eq3A_2433 : vector<1x8192xi1>
    %select_n3A_2436 = arith.select %xor3A_2435, %select_n3A_2399, %select_n3A_2418 : vector<1x8192xi1>, vector<1x8192xi32>
    %select_n3A_2437 = arith.select %xor3A_2435, %select_n3A_2400, %select_n3A_2419 : vector<1x8192xi1>, vector<1x8192xi32>
    %roll3A_2438 = arith.constant 6144 : i32
    %roll3A_2439 = tpu.dynamic_rotate %select_n3A_2436 by %roll3A_2438 dim 1 : vector<1x8192xi32>, i32 -> vector<1x8192xi32>
    %roll3A_2440 = arith.constant 2048 : i32
    %roll3A_2441 = tpu.dynamic_rotate %select_n3A_2436 by %roll3A_2440 dim 1 : vector<1x8192xi32>, i32 -> vector<1x8192xi32>
    %roll3A_2442 = arith.constant 6144 : i32
    %roll3A_2443 = tpu.dynamic_rotate %select_n3A_2437 by %roll3A_2442 dim 1 : vector<1x8192xi32>, i32 -> vector<1x8192xi32>
    %roll3A_2444 = arith.constant 2048 : i32
    %roll3A_2445 = tpu.dynamic_rotate %select_n3A_2437 by %roll3A_2444 dim 1 : vector<1x8192xi32>, i32 -> vector<1x8192xi32>
    %shift_right_arithmetic3A_2446 = arith.constant 11 : i32
    %shift_right_arithmetic3A_2447 = vector.broadcast %shift_right_arithmetic3A_2446 : i32 to vector<1x8192xi32>
    %shift_right_arithmetic3A_2448 = arith.shrsi %iota3A_4, %shift_right_arithmetic3A_2447 : vector<1x8192xi32>
    %and3A_2449 = arith.constant 1 : i32
    %and3A_2450 = vector.broadcast %and3A_2449 : i32 to vector<1x8192xi32>
    %and3A_2451 = arith.andi %shift_right_arithmetic3A_2448, %and3A_2450 : vector<1x8192xi32>
    %eq3A_2452 = arith.constant 1 : i32
    %eq3A_2453 = vector.broadcast %eq3A_2452 : i32 to vector<1x8192xi32>
    %eq3A_2454 = arith.cmpi eq, %and3A_2451, %eq3A_2453 : vector<1x8192xi32>
    %select_n3A_2455 = arith.select %eq3A_2454, %roll3A_2441, %roll3A_2439 : vector<1x8192xi1>, vector<1x8192xi32>
    %select_n3A_2456 = arith.select %eq3A_2454, %roll3A_2445, %roll3A_2443 : vector<1x8192xi1>, vector<1x8192xi32>
    %gt3A_2457 = arith.cmpi sgt, %select_n3A_2436, %select_n3A_2455 : vector<1x8192xi32>
    %eq3A_2458 = arith.cmpi eq, %select_n3A_2436, %select_n3A_2455 : vector<1x8192xi32>
    %lt3A_2459 = arith.cmpi slt, %select_n3A_2437, %select_n3A_2456 : vector<1x8192xi32>
    %and3A_2460 = arith.andi %eq3A_2458, %lt3A_2459 : vector<1x8192xi1>
    %or3A_2461 = arith.ori %gt3A_2457, %and3A_2460 : vector<1x8192xi1>
    %shift_right_arithmetic3A_2462 = arith.constant 12 : i32
    %shift_right_arithmetic3A_2463 = vector.broadcast %shift_right_arithmetic3A_2462 : i32 to vector<1x8192xi32>
    %shift_right_arithmetic3A_2464 = arith.shrsi %iota3A_4, %shift_right_arithmetic3A_2463 : vector<1x8192xi32>
    %and3A_2465 = arith.constant 1 : i32
    %and3A_2466 = vector.broadcast %and3A_2465 : i32 to vector<1x8192xi32>
    %and3A_2467 = arith.andi %shift_right_arithmetic3A_2464, %and3A_2466 : vector<1x8192xi32>
    %eq3A_2468 = arith.constant 1 : i32
    %eq3A_2469 = vector.broadcast %eq3A_2468 : i32 to vector<1x8192xi32>
    %eq3A_2470 = arith.cmpi eq, %and3A_2467, %eq3A_2469 : vector<1x8192xi32>
    %xor3A_2471 = arith.xori %or3A_2461, %eq3A_2454 : vector<1x8192xi1>
    %xor3A_2472 = arith.xori %xor3A_2471, %eq3A_2470 : vector<1x8192xi1>
    %select_n3A_2473 = arith.select %xor3A_2472, %select_n3A_2436, %select_n3A_2455 : vector<1x8192xi1>, vector<1x8192xi32>
    %select_n3A_2474 = arith.select %xor3A_2472, %select_n3A_2437, %select_n3A_2456 : vector<1x8192xi1>, vector<1x8192xi32>
    %roll3A_2475 = arith.constant 7168 : i32
    %roll3A_2476 = tpu.dynamic_rotate %select_n3A_2473 by %roll3A_2475 dim 1 : vector<1x8192xi32>, i32 -> vector<1x8192xi32>
    %roll3A_2477 = arith.constant 1024 : i32
    %roll3A_2478 = tpu.dynamic_rotate %select_n3A_2473 by %roll3A_2477 dim 1 : vector<1x8192xi32>, i32 -> vector<1x8192xi32>
    %roll3A_2479 = arith.constant 7168 : i32
    %roll3A_2480 = tpu.dynamic_rotate %select_n3A_2474 by %roll3A_2479 dim 1 : vector<1x8192xi32>, i32 -> vector<1x8192xi32>
    %roll3A_2481 = arith.constant 1024 : i32
    %roll3A_2482 = tpu.dynamic_rotate %select_n3A_2474 by %roll3A_2481 dim 1 : vector<1x8192xi32>, i32 -> vector<1x8192xi32>
    %shift_right_arithmetic3A_2483 = arith.constant 10 : i32
    %shift_right_arithmetic3A_2484 = vector.broadcast %shift_right_arithmetic3A_2483 : i32 to vector<1x8192xi32>
    %shift_right_arithmetic3A_2485 = arith.shrsi %iota3A_4, %shift_right_arithmetic3A_2484 : vector<1x8192xi32>
    %and3A_2486 = arith.constant 1 : i32
    %and3A_2487 = vector.broadcast %and3A_2486 : i32 to vector<1x8192xi32>
    %and3A_2488 = arith.andi %shift_right_arithmetic3A_2485, %and3A_2487 : vector<1x8192xi32>
    %eq3A_2489 = arith.constant 1 : i32
    %eq3A_2490 = vector.broadcast %eq3A_2489 : i32 to vector<1x8192xi32>
    %eq3A_2491 = arith.cmpi eq, %and3A_2488, %eq3A_2490 : vector<1x8192xi32>
    %select_n3A_2492 = arith.select %eq3A_2491, %roll3A_2478, %roll3A_2476 : vector<1x8192xi1>, vector<1x8192xi32>
    %select_n3A_2493 = arith.select %eq3A_2491, %roll3A_2482, %roll3A_2480 : vector<1x8192xi1>, vector<1x8192xi32>
    %gt3A_2494 = arith.cmpi sgt, %select_n3A_2473, %select_n3A_2492 : vector<1x8192xi32>
    %eq3A_2495 = arith.cmpi eq, %select_n3A_2473, %select_n3A_2492 : vector<1x8192xi32>
    %lt3A_2496 = arith.cmpi slt, %select_n3A_2474, %select_n3A_2493 : vector<1x8192xi32>
    %and3A_2497 = arith.andi %eq3A_2495, %lt3A_2496 : vector<1x8192xi1>
    %or3A_2498 = arith.ori %gt3A_2494, %and3A_2497 : vector<1x8192xi1>
    %shift_right_arithmetic3A_2499 = arith.constant 12 : i32
    %shift_right_arithmetic3A_2500 = vector.broadcast %shift_right_arithmetic3A_2499 : i32 to vector<1x8192xi32>
    %shift_right_arithmetic3A_2501 = arith.shrsi %iota3A_4, %shift_right_arithmetic3A_2500 : vector<1x8192xi32>
    %and3A_2502 = arith.constant 1 : i32
    %and3A_2503 = vector.broadcast %and3A_2502 : i32 to vector<1x8192xi32>
    %and3A_2504 = arith.andi %shift_right_arithmetic3A_2501, %and3A_2503 : vector<1x8192xi32>
    %eq3A_2505 = arith.constant 1 : i32
    %eq3A_2506 = vector.broadcast %eq3A_2505 : i32 to vector<1x8192xi32>
    %eq3A_2507 = arith.cmpi eq, %and3A_2504, %eq3A_2506 : vector<1x8192xi32>
    %xor3A_2508 = arith.xori %or3A_2498, %eq3A_2491 : vector<1x8192xi1>
    %xor3A_2509 = arith.xori %xor3A_2508, %eq3A_2507 : vector<1x8192xi1>
    %select_n3A_2510 = arith.select %xor3A_2509, %select_n3A_2473, %select_n3A_2492 : vector<1x8192xi1>, vector<1x8192xi32>
    %select_n3A_2511 = arith.select %xor3A_2509, %select_n3A_2474, %select_n3A_2493 : vector<1x8192xi1>, vector<1x8192xi32>
    %roll3A_2512 = arith.constant 7680 : i32
    %roll3A_2513 = tpu.dynamic_rotate %select_n3A_2510 by %roll3A_2512 dim 1 : vector<1x8192xi32>, i32 -> vector<1x8192xi32>
    %roll3A_2514 = arith.constant 512 : i32
    %roll3A_2515 = tpu.dynamic_rotate %select_n3A_2510 by %roll3A_2514 dim 1 : vector<1x8192xi32>, i32 -> vector<1x8192xi32>
    %roll3A_2516 = arith.constant 7680 : i32
    %roll3A_2517 = tpu.dynamic_rotate %select_n3A_2511 by %roll3A_2516 dim 1 : vector<1x8192xi32>, i32 -> vector<1x8192xi32>
    %roll3A_2518 = arith.constant 512 : i32
    %roll3A_2519 = tpu.dynamic_rotate %select_n3A_2511 by %roll3A_2518 dim 1 : vector<1x8192xi32>, i32 -> vector<1x8192xi32>
    %shift_right_arithmetic3A_2520 = arith.constant 9 : i32
    %shift_right_arithmetic3A_2521 = vector.broadcast %shift_right_arithmetic3A_2520 : i32 to vector<1x8192xi32>
    %shift_right_arithmetic3A_2522 = arith.shrsi %iota3A_4, %shift_right_arithmetic3A_2521 : vector<1x8192xi32>
    %and3A_2523 = arith.constant 1 : i32
    %and3A_2524 = vector.broadcast %and3A_2523 : i32 to vector<1x8192xi32>
    %and3A_2525 = arith.andi %shift_right_arithmetic3A_2522, %and3A_2524 : vector<1x8192xi32>
    %eq3A_2526 = arith.constant 1 : i32
    %eq3A_2527 = vector.broadcast %eq3A_2526 : i32 to vector<1x8192xi32>
    %eq3A_2528 = arith.cmpi eq, %and3A_2525, %eq3A_2527 : vector<1x8192xi32>
    %select_n3A_2529 = arith.select %eq3A_2528, %roll3A_2515, %roll3A_2513 : vector<1x8192xi1>, vector<1x8192xi32>
    %select_n3A_2530 = arith.select %eq3A_2528, %roll3A_2519, %roll3A_2517 : vector<1x8192xi1>, vector<1x8192xi32>
    %gt3A_2531 = arith.cmpi sgt, %select_n3A_2510, %select_n3A_2529 : vector<1x8192xi32>
    %eq3A_2532 = arith.cmpi eq, %select_n3A_2510, %select_n3A_2529 : vector<1x8192xi32>
    %lt3A_2533 = arith.cmpi slt, %select_n3A_2511, %select_n3A_2530 : vector<1x8192xi32>
    %and3A_2534 = arith.andi %eq3A_2532, %lt3A_2533 : vector<1x8192xi1>
    %or3A_2535 = arith.ori %gt3A_2531, %and3A_2534 : vector<1x8192xi1>
    %shift_right_arithmetic3A_2536 = arith.constant 12 : i32
    %shift_right_arithmetic3A_2537 = vector.broadcast %shift_right_arithmetic3A_2536 : i32 to vector<1x8192xi32>
    %shift_right_arithmetic3A_2538 = arith.shrsi %iota3A_4, %shift_right_arithmetic3A_2537 : vector<1x8192xi32>
    %and3A_2539 = arith.constant 1 : i32
    %and3A_2540 = vector.broadcast %and3A_2539 : i32 to vector<1x8192xi32>
    %and3A_2541 = arith.andi %shift_right_arithmetic3A_2538, %and3A_2540 : vector<1x8192xi32>
    %eq3A_2542 = arith.constant 1 : i32
    %eq3A_2543 = vector.broadcast %eq3A_2542 : i32 to vector<1x8192xi32>
    %eq3A_2544 = arith.cmpi eq, %and3A_2541, %eq3A_2543 : vector<1x8192xi32>
    %xor3A_2545 = arith.xori %or3A_2535, %eq3A_2528 : vector<1x8192xi1>
    %xor3A_2546 = arith.xori %xor3A_2545, %eq3A_2544 : vector<1x8192xi1>
    %select_n3A_2547 = arith.select %xor3A_2546, %select_n3A_2510, %select_n3A_2529 : vector<1x8192xi1>, vector<1x8192xi32>
    %select_n3A_2548 = arith.select %xor3A_2546, %select_n3A_2511, %select_n3A_2530 : vector<1x8192xi1>, vector<1x8192xi32>
    %roll3A_2549 = arith.constant 7936 : i32
    %roll3A_2550 = tpu.dynamic_rotate %select_n3A_2547 by %roll3A_2549 dim 1 : vector<1x8192xi32>, i32 -> vector<1x8192xi32>
    %roll3A_2551 = arith.constant 256 : i32
    %roll3A_2552 = tpu.dynamic_rotate %select_n3A_2547 by %roll3A_2551 dim 1 : vector<1x8192xi32>, i32 -> vector<1x8192xi32>
    %roll3A_2553 = arith.constant 7936 : i32
    %roll3A_2554 = tpu.dynamic_rotate %select_n3A_2548 by %roll3A_2553 dim 1 : vector<1x8192xi32>, i32 -> vector<1x8192xi32>
    %roll3A_2555 = arith.constant 256 : i32
    %roll3A_2556 = tpu.dynamic_rotate %select_n3A_2548 by %roll3A_2555 dim 1 : vector<1x8192xi32>, i32 -> vector<1x8192xi32>
    %shift_right_arithmetic3A_2557 = arith.constant 8 : i32
    %shift_right_arithmetic3A_2558 = vector.broadcast %shift_right_arithmetic3A_2557 : i32 to vector<1x8192xi32>
    %shift_right_arithmetic3A_2559 = arith.shrsi %iota3A_4, %shift_right_arithmetic3A_2558 : vector<1x8192xi32>
    %and3A_2560 = arith.constant 1 : i32
    %and3A_2561 = vector.broadcast %and3A_2560 : i32 to vector<1x8192xi32>
    %and3A_2562 = arith.andi %shift_right_arithmetic3A_2559, %and3A_2561 : vector<1x8192xi32>
    %eq3A_2563 = arith.constant 1 : i32
    %eq3A_2564 = vector.broadcast %eq3A_2563 : i32 to vector<1x8192xi32>
    %eq3A_2565 = arith.cmpi eq, %and3A_2562, %eq3A_2564 : vector<1x8192xi32>
    %select_n3A_2566 = arith.select %eq3A_2565, %roll3A_2552, %roll3A_2550 : vector<1x8192xi1>, vector<1x8192xi32>
    %select_n3A_2567 = arith.select %eq3A_2565, %roll3A_2556, %roll3A_2554 : vector<1x8192xi1>, vector<1x8192xi32>
    %gt3A_2568 = arith.cmpi sgt, %select_n3A_2547, %select_n3A_2566 : vector<1x8192xi32>
    %eq3A_2569 = arith.cmpi eq, %select_n3A_2547, %select_n3A_2566 : vector<1x8192xi32>
    %lt3A_2570 = arith.cmpi slt, %select_n3A_2548, %select_n3A_2567 : vector<1x8192xi32>
    %and3A_2571 = arith.andi %eq3A_2569, %lt3A_2570 : vector<1x8192xi1>
    %or3A_2572 = arith.ori %gt3A_2568, %and3A_2571 : vector<1x8192xi1>
    %shift_right_arithmetic3A_2573 = arith.constant 12 : i32
    %shift_right_arithmetic3A_2574 = vector.broadcast %shift_right_arithmetic3A_2573 : i32 to vector<1x8192xi32>
    %shift_right_arithmetic3A_2575 = arith.shrsi %iota3A_4, %shift_right_arithmetic3A_2574 : vector<1x8192xi32>
    %and3A_2576 = arith.constant 1 : i32
    %and3A_2577 = vector.broadcast %and3A_2576 : i32 to vector<1x8192xi32>
    %and3A_2578 = arith.andi %shift_right_arithmetic3A_2575, %and3A_2577 : vector<1x8192xi32>
    %eq3A_2579 = arith.constant 1 : i32
    %eq3A_2580 = vector.broadcast %eq3A_2579 : i32 to vector<1x8192xi32>
    %eq3A_2581 = arith.cmpi eq, %and3A_2578, %eq3A_2580 : vector<1x8192xi32>
    %xor3A_2582 = arith.xori %or3A_2572, %eq3A_2565 : vector<1x8192xi1>
    %xor3A_2583 = arith.xori %xor3A_2582, %eq3A_2581 : vector<1x8192xi1>
    %select_n3A_2584 = arith.select %xor3A_2583, %select_n3A_2547, %select_n3A_2566 : vector<1x8192xi1>, vector<1x8192xi32>
    %select_n3A_2585 = arith.select %xor3A_2583, %select_n3A_2548, %select_n3A_2567 : vector<1x8192xi1>, vector<1x8192xi32>
    %roll3A_2586 = arith.constant 8064 : i32
    %roll3A_2587 = tpu.dynamic_rotate %select_n3A_2584 by %roll3A_2586 dim 1 : vector<1x8192xi32>, i32 -> vector<1x8192xi32>
    %roll3A_2588 = arith.constant 128 : i32
    %roll3A_2589 = tpu.dynamic_rotate %select_n3A_2584 by %roll3A_2588 dim 1 : vector<1x8192xi32>, i32 -> vector<1x8192xi32>
    %roll3A_2590 = arith.constant 8064 : i32
    %roll3A_2591 = tpu.dynamic_rotate %select_n3A_2585 by %roll3A_2590 dim 1 : vector<1x8192xi32>, i32 -> vector<1x8192xi32>
    %roll3A_2592 = arith.constant 128 : i32
    %roll3A_2593 = tpu.dynamic_rotate %select_n3A_2585 by %roll3A_2592 dim 1 : vector<1x8192xi32>, i32 -> vector<1x8192xi32>
    %shift_right_arithmetic3A_2594 = arith.constant 7 : i32
    %shift_right_arithmetic3A_2595 = vector.broadcast %shift_right_arithmetic3A_2594 : i32 to vector<1x8192xi32>
    %shift_right_arithmetic3A_2596 = arith.shrsi %iota3A_4, %shift_right_arithmetic3A_2595 : vector<1x8192xi32>
    %and3A_2597 = arith.constant 1 : i32
    %and3A_2598 = vector.broadcast %and3A_2597 : i32 to vector<1x8192xi32>
    %and3A_2599 = arith.andi %shift_right_arithmetic3A_2596, %and3A_2598 : vector<1x8192xi32>
    %eq3A_2600 = arith.constant 1 : i32
    %eq3A_2601 = vector.broadcast %eq3A_2600 : i32 to vector<1x8192xi32>
    %eq3A_2602 = arith.cmpi eq, %and3A_2599, %eq3A_2601 : vector<1x8192xi32>
    %select_n3A_2603 = arith.select %eq3A_2602, %roll3A_2589, %roll3A_2587 : vector<1x8192xi1>, vector<1x8192xi32>
    %select_n3A_2604 = arith.select %eq3A_2602, %roll3A_2593, %roll3A_2591 : vector<1x8192xi1>, vector<1x8192xi32>
    %gt3A_2605 = arith.cmpi sgt, %select_n3A_2584, %select_n3A_2603 : vector<1x8192xi32>
    %eq3A_2606 = arith.cmpi eq, %select_n3A_2584, %select_n3A_2603 : vector<1x8192xi32>
    %lt3A_2607 = arith.cmpi slt, %select_n3A_2585, %select_n3A_2604 : vector<1x8192xi32>
    %and3A_2608 = arith.andi %eq3A_2606, %lt3A_2607 : vector<1x8192xi1>
    %or3A_2609 = arith.ori %gt3A_2605, %and3A_2608 : vector<1x8192xi1>
    %shift_right_arithmetic3A_2610 = arith.constant 12 : i32
    %shift_right_arithmetic3A_2611 = vector.broadcast %shift_right_arithmetic3A_2610 : i32 to vector<1x8192xi32>
    %shift_right_arithmetic3A_2612 = arith.shrsi %iota3A_4, %shift_right_arithmetic3A_2611 : vector<1x8192xi32>
    %and3A_2613 = arith.constant 1 : i32
    %and3A_2614 = vector.broadcast %and3A_2613 : i32 to vector<1x8192xi32>
    %and3A_2615 = arith.andi %shift_right_arithmetic3A_2612, %and3A_2614 : vector<1x8192xi32>
    %eq3A_2616 = arith.constant 1 : i32
    %eq3A_2617 = vector.broadcast %eq3A_2616 : i32 to vector<1x8192xi32>
    %eq3A_2618 = arith.cmpi eq, %and3A_2615, %eq3A_2617 : vector<1x8192xi32>
    %xor3A_2619 = arith.xori %or3A_2609, %eq3A_2602 : vector<1x8192xi1>
    %xor3A_2620 = arith.xori %xor3A_2619, %eq3A_2618 : vector<1x8192xi1>
    %select_n3A_2621 = arith.select %xor3A_2620, %select_n3A_2584, %select_n3A_2603 : vector<1x8192xi1>, vector<1x8192xi32>
    %select_n3A_2622 = arith.select %xor3A_2620, %select_n3A_2585, %select_n3A_2604 : vector<1x8192xi1>, vector<1x8192xi32>
    %roll3A_2623 = arith.constant 8128 : i32
    %roll3A_2624 = tpu.dynamic_rotate %select_n3A_2621 by %roll3A_2623 dim 1 : vector<1x8192xi32>, i32 -> vector<1x8192xi32>
    %roll3A_2625 = arith.constant 64 : i32
    %roll3A_2626 = tpu.dynamic_rotate %select_n3A_2621 by %roll3A_2625 dim 1 : vector<1x8192xi32>, i32 -> vector<1x8192xi32>
    %roll3A_2627 = arith.constant 8128 : i32
    %roll3A_2628 = tpu.dynamic_rotate %select_n3A_2622 by %roll3A_2627 dim 1 : vector<1x8192xi32>, i32 -> vector<1x8192xi32>
    %roll3A_2629 = arith.constant 64 : i32
    %roll3A_2630 = tpu.dynamic_rotate %select_n3A_2622 by %roll3A_2629 dim 1 : vector<1x8192xi32>, i32 -> vector<1x8192xi32>
    %shift_right_arithmetic3A_2631 = arith.constant 6 : i32
    %shift_right_arithmetic3A_2632 = vector.broadcast %shift_right_arithmetic3A_2631 : i32 to vector<1x8192xi32>
    %shift_right_arithmetic3A_2633 = arith.shrsi %iota3A_4, %shift_right_arithmetic3A_2632 : vector<1x8192xi32>
    %and3A_2634 = arith.constant 1 : i32
    %and3A_2635 = vector.broadcast %and3A_2634 : i32 to vector<1x8192xi32>
    %and3A_2636 = arith.andi %shift_right_arithmetic3A_2633, %and3A_2635 : vector<1x8192xi32>
    %eq3A_2637 = arith.constant 1 : i32
    %eq3A_2638 = vector.broadcast %eq3A_2637 : i32 to vector<1x8192xi32>
    %eq3A_2639 = arith.cmpi eq, %and3A_2636, %eq3A_2638 : vector<1x8192xi32>
    %select_n3A_2640 = arith.select %eq3A_2639, %roll3A_2626, %roll3A_2624 : vector<1x8192xi1>, vector<1x8192xi32>
    %select_n3A_2641 = arith.select %eq3A_2639, %roll3A_2630, %roll3A_2628 : vector<1x8192xi1>, vector<1x8192xi32>
    %gt3A_2642 = arith.cmpi sgt, %select_n3A_2621, %select_n3A_2640 : vector<1x8192xi32>
    %eq3A_2643 = arith.cmpi eq, %select_n3A_2621, %select_n3A_2640 : vector<1x8192xi32>
    %lt3A_2644 = arith.cmpi slt, %select_n3A_2622, %select_n3A_2641 : vector<1x8192xi32>
    %and3A_2645 = arith.andi %eq3A_2643, %lt3A_2644 : vector<1x8192xi1>
    %or3A_2646 = arith.ori %gt3A_2642, %and3A_2645 : vector<1x8192xi1>
    %shift_right_arithmetic3A_2647 = arith.constant 12 : i32
    %shift_right_arithmetic3A_2648 = vector.broadcast %shift_right_arithmetic3A_2647 : i32 to vector<1x8192xi32>
    %shift_right_arithmetic3A_2649 = arith.shrsi %iota3A_4, %shift_right_arithmetic3A_2648 : vector<1x8192xi32>
    %and3A_2650 = arith.constant 1 : i32
    %and3A_2651 = vector.broadcast %and3A_2650 : i32 to vector<1x8192xi32>
    %and3A_2652 = arith.andi %shift_right_arithmetic3A_2649, %and3A_2651 : vector<1x8192xi32>
    %eq3A_2653 = arith.constant 1 : i32
    %eq3A_2654 = vector.broadcast %eq3A_2653 : i32 to vector<1x8192xi32>
    %eq3A_2655 = arith.cmpi eq, %and3A_2652, %eq3A_2654 : vector<1x8192xi32>
    %xor3A_2656 = arith.xori %or3A_2646, %eq3A_2639 : vector<1x8192xi1>
    %xor3A_2657 = arith.xori %xor3A_2656, %eq3A_2655 : vector<1x8192xi1>
    %select_n3A_2658 = arith.select %xor3A_2657, %select_n3A_2621, %select_n3A_2640 : vector<1x8192xi1>, vector<1x8192xi32>
    %select_n3A_2659 = arith.select %xor3A_2657, %select_n3A_2622, %select_n3A_2641 : vector<1x8192xi1>, vector<1x8192xi32>
    %roll3A_2660 = arith.constant 8160 : i32
    %roll3A_2661 = tpu.dynamic_rotate %select_n3A_2658 by %roll3A_2660 dim 1 : vector<1x8192xi32>, i32 -> vector<1x8192xi32>
    %roll3A_2662 = arith.constant 32 : i32
    %roll3A_2663 = tpu.dynamic_rotate %select_n3A_2658 by %roll3A_2662 dim 1 : vector<1x8192xi32>, i32 -> vector<1x8192xi32>
    %roll3A_2664 = arith.constant 8160 : i32
    %roll3A_2665 = tpu.dynamic_rotate %select_n3A_2659 by %roll3A_2664 dim 1 : vector<1x8192xi32>, i32 -> vector<1x8192xi32>
    %roll3A_2666 = arith.constant 32 : i32
    %roll3A_2667 = tpu.dynamic_rotate %select_n3A_2659 by %roll3A_2666 dim 1 : vector<1x8192xi32>, i32 -> vector<1x8192xi32>
    %shift_right_arithmetic3A_2668 = arith.constant 5 : i32
    %shift_right_arithmetic3A_2669 = vector.broadcast %shift_right_arithmetic3A_2668 : i32 to vector<1x8192xi32>
    %shift_right_arithmetic3A_2670 = arith.shrsi %iota3A_4, %shift_right_arithmetic3A_2669 : vector<1x8192xi32>
    %and3A_2671 = arith.constant 1 : i32
    %and3A_2672 = vector.broadcast %and3A_2671 : i32 to vector<1x8192xi32>
    %and3A_2673 = arith.andi %shift_right_arithmetic3A_2670, %and3A_2672 : vector<1x8192xi32>
    %eq3A_2674 = arith.constant 1 : i32
    %eq3A_2675 = vector.broadcast %eq3A_2674 : i32 to vector<1x8192xi32>
    %eq3A_2676 = arith.cmpi eq, %and3A_2673, %eq3A_2675 : vector<1x8192xi32>
    %select_n3A_2677 = arith.select %eq3A_2676, %roll3A_2663, %roll3A_2661 : vector<1x8192xi1>, vector<1x8192xi32>
    %select_n3A_2678 = arith.select %eq3A_2676, %roll3A_2667, %roll3A_2665 : vector<1x8192xi1>, vector<1x8192xi32>
    %gt3A_2679 = arith.cmpi sgt, %select_n3A_2658, %select_n3A_2677 : vector<1x8192xi32>
    %eq3A_2680 = arith.cmpi eq, %select_n3A_2658, %select_n3A_2677 : vector<1x8192xi32>
    %lt3A_2681 = arith.cmpi slt, %select_n3A_2659, %select_n3A_2678 : vector<1x8192xi32>
    %and3A_2682 = arith.andi %eq3A_2680, %lt3A_2681 : vector<1x8192xi1>
    %or3A_2683 = arith.ori %gt3A_2679, %and3A_2682 : vector<1x8192xi1>
    %shift_right_arithmetic3A_2684 = arith.constant 12 : i32
    %shift_right_arithmetic3A_2685 = vector.broadcast %shift_right_arithmetic3A_2684 : i32 to vector<1x8192xi32>
    %shift_right_arithmetic3A_2686 = arith.shrsi %iota3A_4, %shift_right_arithmetic3A_2685 : vector<1x8192xi32>
    %and3A_2687 = arith.constant 1 : i32
    %and3A_2688 = vector.broadcast %and3A_2687 : i32 to vector<1x8192xi32>
    %and3A_2689 = arith.andi %shift_right_arithmetic3A_2686, %and3A_2688 : vector<1x8192xi32>
    %eq3A_2690 = arith.constant 1 : i32
    %eq3A_2691 = vector.broadcast %eq3A_2690 : i32 to vector<1x8192xi32>
    %eq3A_2692 = arith.cmpi eq, %and3A_2689, %eq3A_2691 : vector<1x8192xi32>
    %xor3A_2693 = arith.xori %or3A_2683, %eq3A_2676 : vector<1x8192xi1>
    %xor3A_2694 = arith.xori %xor3A_2693, %eq3A_2692 : vector<1x8192xi1>
    %select_n3A_2695 = arith.select %xor3A_2694, %select_n3A_2658, %select_n3A_2677 : vector<1x8192xi1>, vector<1x8192xi32>
    %select_n3A_2696 = arith.select %xor3A_2694, %select_n3A_2659, %select_n3A_2678 : vector<1x8192xi1>, vector<1x8192xi32>
    %roll3A_2697 = arith.constant 8176 : i32
    %roll3A_2698 = tpu.dynamic_rotate %select_n3A_2695 by %roll3A_2697 dim 1 : vector<1x8192xi32>, i32 -> vector<1x8192xi32>
    %roll3A_2699 = arith.constant 16 : i32
    %roll3A_2700 = tpu.dynamic_rotate %select_n3A_2695 by %roll3A_2699 dim 1 : vector<1x8192xi32>, i32 -> vector<1x8192xi32>
    %roll3A_2701 = arith.constant 8176 : i32
    %roll3A_2702 = tpu.dynamic_rotate %select_n3A_2696 by %roll3A_2701 dim 1 : vector<1x8192xi32>, i32 -> vector<1x8192xi32>
    %roll3A_2703 = arith.constant 16 : i32
    %roll3A_2704 = tpu.dynamic_rotate %select_n3A_2696 by %roll3A_2703 dim 1 : vector<1x8192xi32>, i32 -> vector<1x8192xi32>
    %shift_right_arithmetic3A_2705 = arith.constant 4 : i32
    %shift_right_arithmetic3A_2706 = vector.broadcast %shift_right_arithmetic3A_2705 : i32 to vector<1x8192xi32>
    %shift_right_arithmetic3A_2707 = arith.shrsi %iota3A_4, %shift_right_arithmetic3A_2706 : vector<1x8192xi32>
    %and3A_2708 = arith.constant 1 : i32
    %and3A_2709 = vector.broadcast %and3A_2708 : i32 to vector<1x8192xi32>
    %and3A_2710 = arith.andi %shift_right_arithmetic3A_2707, %and3A_2709 : vector<1x8192xi32>
    %eq3A_2711 = arith.constant 1 : i32
    %eq3A_2712 = vector.broadcast %eq3A_2711 : i32 to vector<1x8192xi32>
    %eq3A_2713 = arith.cmpi eq, %and3A_2710, %eq3A_2712 : vector<1x8192xi32>
    %select_n3A_2714 = arith.select %eq3A_2713, %roll3A_2700, %roll3A_2698 : vector<1x8192xi1>, vector<1x8192xi32>
    %select_n3A_2715 = arith.select %eq3A_2713, %roll3A_2704, %roll3A_2702 : vector<1x8192xi1>, vector<1x8192xi32>
    %gt3A_2716 = arith.cmpi sgt, %select_n3A_2695, %select_n3A_2714 : vector<1x8192xi32>
    %eq3A_2717 = arith.cmpi eq, %select_n3A_2695, %select_n3A_2714 : vector<1x8192xi32>
    %lt3A_2718 = arith.cmpi slt, %select_n3A_2696, %select_n3A_2715 : vector<1x8192xi32>
    %and3A_2719 = arith.andi %eq3A_2717, %lt3A_2718 : vector<1x8192xi1>
    %or3A_2720 = arith.ori %gt3A_2716, %and3A_2719 : vector<1x8192xi1>
    %shift_right_arithmetic3A_2721 = arith.constant 12 : i32
    %shift_right_arithmetic3A_2722 = vector.broadcast %shift_right_arithmetic3A_2721 : i32 to vector<1x8192xi32>
    %shift_right_arithmetic3A_2723 = arith.shrsi %iota3A_4, %shift_right_arithmetic3A_2722 : vector<1x8192xi32>
    %and3A_2724 = arith.constant 1 : i32
    %and3A_2725 = vector.broadcast %and3A_2724 : i32 to vector<1x8192xi32>
    %and3A_2726 = arith.andi %shift_right_arithmetic3A_2723, %and3A_2725 : vector<1x8192xi32>
    %eq3A_2727 = arith.constant 1 : i32
    %eq3A_2728 = vector.broadcast %eq3A_2727 : i32 to vector<1x8192xi32>
    %eq3A_2729 = arith.cmpi eq, %and3A_2726, %eq3A_2728 : vector<1x8192xi32>
    %xor3A_2730 = arith.xori %or3A_2720, %eq3A_2713 : vector<1x8192xi1>
    %xor3A_2731 = arith.xori %xor3A_2730, %eq3A_2729 : vector<1x8192xi1>
    %select_n3A_2732 = arith.select %xor3A_2731, %select_n3A_2695, %select_n3A_2714 : vector<1x8192xi1>, vector<1x8192xi32>
    %select_n3A_2733 = arith.select %xor3A_2731, %select_n3A_2696, %select_n3A_2715 : vector<1x8192xi1>, vector<1x8192xi32>
    %roll3A_2734 = arith.constant 8184 : i32
    %roll3A_2735 = tpu.dynamic_rotate %select_n3A_2732 by %roll3A_2734 dim 1 : vector<1x8192xi32>, i32 -> vector<1x8192xi32>
    %roll3A_2736 = arith.constant 8 : i32
    %roll3A_2737 = tpu.dynamic_rotate %select_n3A_2732 by %roll3A_2736 dim 1 : vector<1x8192xi32>, i32 -> vector<1x8192xi32>
    %roll3A_2738 = arith.constant 8184 : i32
    %roll3A_2739 = tpu.dynamic_rotate %select_n3A_2733 by %roll3A_2738 dim 1 : vector<1x8192xi32>, i32 -> vector<1x8192xi32>
    %roll3A_2740 = arith.constant 8 : i32
    %roll3A_2741 = tpu.dynamic_rotate %select_n3A_2733 by %roll3A_2740 dim 1 : vector<1x8192xi32>, i32 -> vector<1x8192xi32>
    %shift_right_arithmetic3A_2742 = arith.constant 3 : i32
    %shift_right_arithmetic3A_2743 = vector.broadcast %shift_right_arithmetic3A_2742 : i32 to vector<1x8192xi32>
    %shift_right_arithmetic3A_2744 = arith.shrsi %iota3A_4, %shift_right_arithmetic3A_2743 : vector<1x8192xi32>
    %and3A_2745 = arith.constant 1 : i32
    %and3A_2746 = vector.broadcast %and3A_2745 : i32 to vector<1x8192xi32>
    %and3A_2747 = arith.andi %shift_right_arithmetic3A_2744, %and3A_2746 : vector<1x8192xi32>
    %eq3A_2748 = arith.constant 1 : i32
    %eq3A_2749 = vector.broadcast %eq3A_2748 : i32 to vector<1x8192xi32>
    %eq3A_2750 = arith.cmpi eq, %and3A_2747, %eq3A_2749 : vector<1x8192xi32>
    %select_n3A_2751 = arith.select %eq3A_2750, %roll3A_2737, %roll3A_2735 : vector<1x8192xi1>, vector<1x8192xi32>
    %select_n3A_2752 = arith.select %eq3A_2750, %roll3A_2741, %roll3A_2739 : vector<1x8192xi1>, vector<1x8192xi32>
    %gt3A_2753 = arith.cmpi sgt, %select_n3A_2732, %select_n3A_2751 : vector<1x8192xi32>
    %eq3A_2754 = arith.cmpi eq, %select_n3A_2732, %select_n3A_2751 : vector<1x8192xi32>
    %lt3A_2755 = arith.cmpi slt, %select_n3A_2733, %select_n3A_2752 : vector<1x8192xi32>
    %and3A_2756 = arith.andi %eq3A_2754, %lt3A_2755 : vector<1x8192xi1>
    %or3A_2757 = arith.ori %gt3A_2753, %and3A_2756 : vector<1x8192xi1>
    %shift_right_arithmetic3A_2758 = arith.constant 12 : i32
    %shift_right_arithmetic3A_2759 = vector.broadcast %shift_right_arithmetic3A_2758 : i32 to vector<1x8192xi32>
    %shift_right_arithmetic3A_2760 = arith.shrsi %iota3A_4, %shift_right_arithmetic3A_2759 : vector<1x8192xi32>
    %and3A_2761 = arith.constant 1 : i32
    %and3A_2762 = vector.broadcast %and3A_2761 : i32 to vector<1x8192xi32>
    %and3A_2763 = arith.andi %shift_right_arithmetic3A_2760, %and3A_2762 : vector<1x8192xi32>
    %eq3A_2764 = arith.constant 1 : i32
    %eq3A_2765 = vector.broadcast %eq3A_2764 : i32 to vector<1x8192xi32>
    %eq3A_2766 = arith.cmpi eq, %and3A_2763, %eq3A_2765 : vector<1x8192xi32>
    %xor3A_2767 = arith.xori %or3A_2757, %eq3A_2750 : vector<1x8192xi1>
    %xor3A_2768 = arith.xori %xor3A_2767, %eq3A_2766 : vector<1x8192xi1>
    %select_n3A_2769 = arith.select %xor3A_2768, %select_n3A_2732, %select_n3A_2751 : vector<1x8192xi1>, vector<1x8192xi32>
    %select_n3A_2770 = arith.select %xor3A_2768, %select_n3A_2733, %select_n3A_2752 : vector<1x8192xi1>, vector<1x8192xi32>
    %roll3A_2771 = arith.constant 8188 : i32
    %roll3A_2772 = tpu.dynamic_rotate %select_n3A_2769 by %roll3A_2771 dim 1 : vector<1x8192xi32>, i32 -> vector<1x8192xi32>
    %roll3A_2773 = arith.constant 4 : i32
    %roll3A_2774 = tpu.dynamic_rotate %select_n3A_2769 by %roll3A_2773 dim 1 : vector<1x8192xi32>, i32 -> vector<1x8192xi32>
    %roll3A_2775 = arith.constant 8188 : i32
    %roll3A_2776 = tpu.dynamic_rotate %select_n3A_2770 by %roll3A_2775 dim 1 : vector<1x8192xi32>, i32 -> vector<1x8192xi32>
    %roll3A_2777 = arith.constant 4 : i32
    %roll3A_2778 = tpu.dynamic_rotate %select_n3A_2770 by %roll3A_2777 dim 1 : vector<1x8192xi32>, i32 -> vector<1x8192xi32>
    %shift_right_arithmetic3A_2779 = arith.constant 2 : i32
    %shift_right_arithmetic3A_2780 = vector.broadcast %shift_right_arithmetic3A_2779 : i32 to vector<1x8192xi32>
    %shift_right_arithmetic3A_2781 = arith.shrsi %iota3A_4, %shift_right_arithmetic3A_2780 : vector<1x8192xi32>
    %and3A_2782 = arith.constant 1 : i32
    %and3A_2783 = vector.broadcast %and3A_2782 : i32 to vector<1x8192xi32>
    %and3A_2784 = arith.andi %shift_right_arithmetic3A_2781, %and3A_2783 : vector<1x8192xi32>
    %eq3A_2785 = arith.constant 1 : i32
    %eq3A_2786 = vector.broadcast %eq3A_2785 : i32 to vector<1x8192xi32>
    %eq3A_2787 = arith.cmpi eq, %and3A_2784, %eq3A_2786 : vector<1x8192xi32>
    %select_n3A_2788 = arith.select %eq3A_2787, %roll3A_2774, %roll3A_2772 : vector<1x8192xi1>, vector<1x8192xi32>
    %select_n3A_2789 = arith.select %eq3A_2787, %roll3A_2778, %roll3A_2776 : vector<1x8192xi1>, vector<1x8192xi32>
    %gt3A_2790 = arith.cmpi sgt, %select_n3A_2769, %select_n3A_2788 : vector<1x8192xi32>
    %eq3A_2791 = arith.cmpi eq, %select_n3A_2769, %select_n3A_2788 : vector<1x8192xi32>
    %lt3A_2792 = arith.cmpi slt, %select_n3A_2770, %select_n3A_2789 : vector<1x8192xi32>
    %and3A_2793 = arith.andi %eq3A_2791, %lt3A_2792 : vector<1x8192xi1>
    %or3A_2794 = arith.ori %gt3A_2790, %and3A_2793 : vector<1x8192xi1>
    %shift_right_arithmetic3A_2795 = arith.constant 12 : i32
    %shift_right_arithmetic3A_2796 = vector.broadcast %shift_right_arithmetic3A_2795 : i32 to vector<1x8192xi32>
    %shift_right_arithmetic3A_2797 = arith.shrsi %iota3A_4, %shift_right_arithmetic3A_2796 : vector<1x8192xi32>
    %and3A_2798 = arith.constant 1 : i32
    %and3A_2799 = vector.broadcast %and3A_2798 : i32 to vector<1x8192xi32>
    %and3A_2800 = arith.andi %shift_right_arithmetic3A_2797, %and3A_2799 : vector<1x8192xi32>
    %eq3A_2801 = arith.constant 1 : i32
    %eq3A_2802 = vector.broadcast %eq3A_2801 : i32 to vector<1x8192xi32>
    %eq3A_2803 = arith.cmpi eq, %and3A_2800, %eq3A_2802 : vector<1x8192xi32>
    %xor3A_2804 = arith.xori %or3A_2794, %eq3A_2787 : vector<1x8192xi1>
    %xor3A_2805 = arith.xori %xor3A_2804, %eq3A_2803 : vector<1x8192xi1>
    %select_n3A_2806 = arith.select %xor3A_2805, %select_n3A_2769, %select_n3A_2788 : vector<1x8192xi1>, vector<1x8192xi32>
    %select_n3A_2807 = arith.select %xor3A_2805, %select_n3A_2770, %select_n3A_2789 : vector<1x8192xi1>, vector<1x8192xi32>
    %roll3A_2808 = arith.constant 8190 : i32
    %roll3A_2809 = tpu.dynamic_rotate %select_n3A_2806 by %roll3A_2808 dim 1 : vector<1x8192xi32>, i32 -> vector<1x8192xi32>
    %roll3A_2810 = arith.constant 2 : i32
    %roll3A_2811 = tpu.dynamic_rotate %select_n3A_2806 by %roll3A_2810 dim 1 : vector<1x8192xi32>, i32 -> vector<1x8192xi32>
    %roll3A_2812 = arith.constant 8190 : i32
    %roll3A_2813 = tpu.dynamic_rotate %select_n3A_2807 by %roll3A_2812 dim 1 : vector<1x8192xi32>, i32 -> vector<1x8192xi32>
    %roll3A_2814 = arith.constant 2 : i32
    %roll3A_2815 = tpu.dynamic_rotate %select_n3A_2807 by %roll3A_2814 dim 1 : vector<1x8192xi32>, i32 -> vector<1x8192xi32>
    %shift_right_arithmetic3A_2816 = arith.constant 1 : i32
    %shift_right_arithmetic3A_2817 = vector.broadcast %shift_right_arithmetic3A_2816 : i32 to vector<1x8192xi32>
    %shift_right_arithmetic3A_2818 = arith.shrsi %iota3A_4, %shift_right_arithmetic3A_2817 : vector<1x8192xi32>
    %and3A_2819 = arith.constant 1 : i32
    %and3A_2820 = vector.broadcast %and3A_2819 : i32 to vector<1x8192xi32>
    %and3A_2821 = arith.andi %shift_right_arithmetic3A_2818, %and3A_2820 : vector<1x8192xi32>
    %eq3A_2822 = arith.constant 1 : i32
    %eq3A_2823 = vector.broadcast %eq3A_2822 : i32 to vector<1x8192xi32>
    %eq3A_2824 = arith.cmpi eq, %and3A_2821, %eq3A_2823 : vector<1x8192xi32>
    %select_n3A_2825 = arith.select %eq3A_2824, %roll3A_2811, %roll3A_2809 : vector<1x8192xi1>, vector<1x8192xi32>
    %select_n3A_2826 = arith.select %eq3A_2824, %roll3A_2815, %roll3A_2813 : vector<1x8192xi1>, vector<1x8192xi32>
    %gt3A_2827 = arith.cmpi sgt, %select_n3A_2806, %select_n3A_2825 : vector<1x8192xi32>
    %eq3A_2828 = arith.cmpi eq, %select_n3A_2806, %select_n3A_2825 : vector<1x8192xi32>
    %lt3A_2829 = arith.cmpi slt, %select_n3A_2807, %select_n3A_2826 : vector<1x8192xi32>
    %and3A_2830 = arith.andi %eq3A_2828, %lt3A_2829 : vector<1x8192xi1>
    %or3A_2831 = arith.ori %gt3A_2827, %and3A_2830 : vector<1x8192xi1>
    %shift_right_arithmetic3A_2832 = arith.constant 12 : i32
    %shift_right_arithmetic3A_2833 = vector.broadcast %shift_right_arithmetic3A_2832 : i32 to vector<1x8192xi32>
    %shift_right_arithmetic3A_2834 = arith.shrsi %iota3A_4, %shift_right_arithmetic3A_2833 : vector<1x8192xi32>
    %and3A_2835 = arith.constant 1 : i32
    %and3A_2836 = vector.broadcast %and3A_2835 : i32 to vector<1x8192xi32>
    %and3A_2837 = arith.andi %shift_right_arithmetic3A_2834, %and3A_2836 : vector<1x8192xi32>
    %eq3A_2838 = arith.constant 1 : i32
    %eq3A_2839 = vector.broadcast %eq3A_2838 : i32 to vector<1x8192xi32>
    %eq3A_2840 = arith.cmpi eq, %and3A_2837, %eq3A_2839 : vector<1x8192xi32>
    %xor3A_2841 = arith.xori %or3A_2831, %eq3A_2824 : vector<1x8192xi1>
    %xor3A_2842 = arith.xori %xor3A_2841, %eq3A_2840 : vector<1x8192xi1>
    %select_n3A_2843 = arith.select %xor3A_2842, %select_n3A_2806, %select_n3A_2825 : vector<1x8192xi1>, vector<1x8192xi32>
    %select_n3A_2844 = arith.select %xor3A_2842, %select_n3A_2807, %select_n3A_2826 : vector<1x8192xi1>, vector<1x8192xi32>
    %roll3A_2845 = arith.constant 8191 : i32
    %roll3A_2846 = tpu.dynamic_rotate %select_n3A_2843 by %roll3A_2845 dim 1 : vector<1x8192xi32>, i32 -> vector<1x8192xi32>
    %roll3A_2847 = arith.constant 1 : i32
    %roll3A_2848 = tpu.dynamic_rotate %select_n3A_2843 by %roll3A_2847 dim 1 : vector<1x8192xi32>, i32 -> vector<1x8192xi32>
    %roll3A_2849 = arith.constant 8191 : i32
    %roll3A_2850 = tpu.dynamic_rotate %select_n3A_2844 by %roll3A_2849 dim 1 : vector<1x8192xi32>, i32 -> vector<1x8192xi32>
    %roll3A_2851 = arith.constant 1 : i32
    %roll3A_2852 = tpu.dynamic_rotate %select_n3A_2844 by %roll3A_2851 dim 1 : vector<1x8192xi32>, i32 -> vector<1x8192xi32>
    %shift_right_arithmetic3A_2853 = arith.constant 0 : i32
    %shift_right_arithmetic3A_2854 = vector.broadcast %shift_right_arithmetic3A_2853 : i32 to vector<1x8192xi32>
    %shift_right_arithmetic3A_2855 = arith.shrsi %iota3A_4, %shift_right_arithmetic3A_2854 : vector<1x8192xi32>
    %and3A_2856 = arith.constant 1 : i32
    %and3A_2857 = vector.broadcast %and3A_2856 : i32 to vector<1x8192xi32>
    %and3A_2858 = arith.andi %shift_right_arithmetic3A_2855, %and3A_2857 : vector<1x8192xi32>
    %eq3A_2859 = arith.constant 1 : i32
    %eq3A_2860 = vector.broadcast %eq3A_2859 : i32 to vector<1x8192xi32>
    %eq3A_2861 = arith.cmpi eq, %and3A_2858, %eq3A_2860 : vector<1x8192xi32>
    %select_n3A_2862 = arith.select %eq3A_2861, %roll3A_2848, %roll3A_2846 : vector<1x8192xi1>, vector<1x8192xi32>
    %select_n3A_2863 = arith.select %eq3A_2861, %roll3A_2852, %roll3A_2850 : vector<1x8192xi1>, vector<1x8192xi32>
    %gt3A_2864 = arith.cmpi sgt, %select_n3A_2843, %select_n3A_2862 : vector<1x8192xi32>
    %eq3A_2865 = arith.cmpi eq, %select_n3A_2843, %select_n3A_2862 : vector<1x8192xi32>
    %lt3A_2866 = arith.cmpi slt, %select_n3A_2844, %select_n3A_2863 : vector<1x8192xi32>
    %and3A_2867 = arith.andi %eq3A_2865, %lt3A_2866 : vector<1x8192xi1>
    %or3A_2868 = arith.ori %gt3A_2864, %and3A_2867 : vector<1x8192xi1>
    %shift_right_arithmetic3A_2869 = arith.constant 12 : i32
    %shift_right_arithmetic3A_2870 = vector.broadcast %shift_right_arithmetic3A_2869 : i32 to vector<1x8192xi32>
    %shift_right_arithmetic3A_2871 = arith.shrsi %iota3A_4, %shift_right_arithmetic3A_2870 : vector<1x8192xi32>
    %and3A_2872 = arith.constant 1 : i32
    %and3A_2873 = vector.broadcast %and3A_2872 : i32 to vector<1x8192xi32>
    %and3A_2874 = arith.andi %shift_right_arithmetic3A_2871, %and3A_2873 : vector<1x8192xi32>
    %eq3A_2875 = arith.constant 1 : i32
    %eq3A_2876 = vector.broadcast %eq3A_2875 : i32 to vector<1x8192xi32>
    %eq3A_2877 = arith.cmpi eq, %and3A_2874, %eq3A_2876 : vector<1x8192xi32>
    %xor3A_2878 = arith.xori %or3A_2868, %eq3A_2861 : vector<1x8192xi1>
    %xor3A_2879 = arith.xori %xor3A_2878, %eq3A_2877 : vector<1x8192xi1>
    %select_n3A_2880 = arith.select %xor3A_2879, %select_n3A_2843, %select_n3A_2862 : vector<1x8192xi1>, vector<1x8192xi32>
    %select_n3A_2881 = arith.select %xor3A_2879, %select_n3A_2844, %select_n3A_2863 : vector<1x8192xi1>, vector<1x8192xi32>
    %roll3A_2882 = arith.constant 4096 : i32
    %roll3A_2883 = tpu.dynamic_rotate %select_n3A_2880 by %roll3A_2882 dim 1 : vector<1x8192xi32>, i32 -> vector<1x8192xi32>
    %roll3A_2884 = arith.constant 4096 : i32
    %roll3A_2885 = tpu.dynamic_rotate %select_n3A_2880 by %roll3A_2884 dim 1 : vector<1x8192xi32>, i32 -> vector<1x8192xi32>
    %roll3A_2886 = arith.constant 4096 : i32
    %roll3A_2887 = tpu.dynamic_rotate %select_n3A_2881 by %roll3A_2886 dim 1 : vector<1x8192xi32>, i32 -> vector<1x8192xi32>
    %roll3A_2888 = arith.constant 4096 : i32
    %roll3A_2889 = tpu.dynamic_rotate %select_n3A_2881 by %roll3A_2888 dim 1 : vector<1x8192xi32>, i32 -> vector<1x8192xi32>
    %shift_right_arithmetic3A_2890 = arith.constant 12 : i32
    %shift_right_arithmetic3A_2891 = vector.broadcast %shift_right_arithmetic3A_2890 : i32 to vector<1x8192xi32>
    %shift_right_arithmetic3A_2892 = arith.shrsi %iota3A_4, %shift_right_arithmetic3A_2891 : vector<1x8192xi32>
    %and3A_2893 = arith.constant 1 : i32
    %and3A_2894 = vector.broadcast %and3A_2893 : i32 to vector<1x8192xi32>
    %and3A_2895 = arith.andi %shift_right_arithmetic3A_2892, %and3A_2894 : vector<1x8192xi32>
    %eq3A_2896 = arith.constant 1 : i32
    %eq3A_2897 = vector.broadcast %eq3A_2896 : i32 to vector<1x8192xi32>
    %eq3A_2898 = arith.cmpi eq, %and3A_2895, %eq3A_2897 : vector<1x8192xi32>
    %select_n3A_2899 = arith.select %eq3A_2898, %roll3A_2885, %roll3A_2883 : vector<1x8192xi1>, vector<1x8192xi32>
    %select_n3A_2900 = arith.select %eq3A_2898, %roll3A_2889, %roll3A_2887 : vector<1x8192xi1>, vector<1x8192xi32>
    %gt3A_2901 = arith.cmpi sgt, %select_n3A_2880, %select_n3A_2899 : vector<1x8192xi32>
    %eq3A_2902 = arith.cmpi eq, %select_n3A_2880, %select_n3A_2899 : vector<1x8192xi32>
    %lt3A_2903 = arith.cmpi slt, %select_n3A_2881, %select_n3A_2900 : vector<1x8192xi32>
    %and3A_2904 = arith.andi %eq3A_2902, %lt3A_2903 : vector<1x8192xi1>
    %or3A_2905 = arith.ori %gt3A_2901, %and3A_2904 : vector<1x8192xi1>
    %shift_right_arithmetic3A_2906 = arith.constant 13 : i32
    %shift_right_arithmetic3A_2907 = vector.broadcast %shift_right_arithmetic3A_2906 : i32 to vector<1x8192xi32>
    %shift_right_arithmetic3A_2908 = arith.shrsi %iota3A_4, %shift_right_arithmetic3A_2907 : vector<1x8192xi32>
    %and3A_2909 = arith.constant 1 : i32
    %and3A_2910 = vector.broadcast %and3A_2909 : i32 to vector<1x8192xi32>
    %and3A_2911 = arith.andi %shift_right_arithmetic3A_2908, %and3A_2910 : vector<1x8192xi32>
    %eq3A_2912 = arith.constant 1 : i32
    %eq3A_2913 = vector.broadcast %eq3A_2912 : i32 to vector<1x8192xi32>
    %eq3A_2914 = arith.cmpi eq, %and3A_2911, %eq3A_2913 : vector<1x8192xi32>
    %xor3A_2915 = arith.xori %or3A_2905, %eq3A_2898 : vector<1x8192xi1>
    %xor3A_2916 = arith.xori %xor3A_2915, %eq3A_2914 : vector<1x8192xi1>
    %select_n3A_2917 = arith.select %xor3A_2916, %select_n3A_2880, %select_n3A_2899 : vector<1x8192xi1>, vector<1x8192xi32>
    %select_n3A_2918 = arith.select %xor3A_2916, %select_n3A_2881, %select_n3A_2900 : vector<1x8192xi1>, vector<1x8192xi32>
    %roll3A_2919 = arith.constant 6144 : i32
    %roll3A_2920 = tpu.dynamic_rotate %select_n3A_2917 by %roll3A_2919 dim 1 : vector<1x8192xi32>, i32 -> vector<1x8192xi32>
    %roll3A_2921 = arith.constant 2048 : i32
    %roll3A_2922 = tpu.dynamic_rotate %select_n3A_2917 by %roll3A_2921 dim 1 : vector<1x8192xi32>, i32 -> vector<1x8192xi32>
    %roll3A_2923 = arith.constant 6144 : i32
    %roll3A_2924 = tpu.dynamic_rotate %select_n3A_2918 by %roll3A_2923 dim 1 : vector<1x8192xi32>, i32 -> vector<1x8192xi32>
    %roll3A_2925 = arith.constant 2048 : i32
    %roll3A_2926 = tpu.dynamic_rotate %select_n3A_2918 by %roll3A_2925 dim 1 : vector<1x8192xi32>, i32 -> vector<1x8192xi32>
    %shift_right_arithmetic3A_2927 = arith.constant 11 : i32
    %shift_right_arithmetic3A_2928 = vector.broadcast %shift_right_arithmetic3A_2927 : i32 to vector<1x8192xi32>
    %shift_right_arithmetic3A_2929 = arith.shrsi %iota3A_4, %shift_right_arithmetic3A_2928 : vector<1x8192xi32>
    %and3A_2930 = arith.constant 1 : i32
    %and3A_2931 = vector.broadcast %and3A_2930 : i32 to vector<1x8192xi32>
    %and3A_2932 = arith.andi %shift_right_arithmetic3A_2929, %and3A_2931 : vector<1x8192xi32>
    %eq3A_2933 = arith.constant 1 : i32
    %eq3A_2934 = vector.broadcast %eq3A_2933 : i32 to vector<1x8192xi32>
    %eq3A_2935 = arith.cmpi eq, %and3A_2932, %eq3A_2934 : vector<1x8192xi32>
    %select_n3A_2936 = arith.select %eq3A_2935, %roll3A_2922, %roll3A_2920 : vector<1x8192xi1>, vector<1x8192xi32>
    %select_n3A_2937 = arith.select %eq3A_2935, %roll3A_2926, %roll3A_2924 : vector<1x8192xi1>, vector<1x8192xi32>
    %gt3A_2938 = arith.cmpi sgt, %select_n3A_2917, %select_n3A_2936 : vector<1x8192xi32>
    %eq3A_2939 = arith.cmpi eq, %select_n3A_2917, %select_n3A_2936 : vector<1x8192xi32>
    %lt3A_2940 = arith.cmpi slt, %select_n3A_2918, %select_n3A_2937 : vector<1x8192xi32>
    %and3A_2941 = arith.andi %eq3A_2939, %lt3A_2940 : vector<1x8192xi1>
    %or3A_2942 = arith.ori %gt3A_2938, %and3A_2941 : vector<1x8192xi1>
    %shift_right_arithmetic3A_2943 = arith.constant 13 : i32
    %shift_right_arithmetic3A_2944 = vector.broadcast %shift_right_arithmetic3A_2943 : i32 to vector<1x8192xi32>
    %shift_right_arithmetic3A_2945 = arith.shrsi %iota3A_4, %shift_right_arithmetic3A_2944 : vector<1x8192xi32>
    %and3A_2946 = arith.constant 1 : i32
    %and3A_2947 = vector.broadcast %and3A_2946 : i32 to vector<1x8192xi32>
    %and3A_2948 = arith.andi %shift_right_arithmetic3A_2945, %and3A_2947 : vector<1x8192xi32>
    %eq3A_2949 = arith.constant 1 : i32
    %eq3A_2950 = vector.broadcast %eq3A_2949 : i32 to vector<1x8192xi32>
    %eq3A_2951 = arith.cmpi eq, %and3A_2948, %eq3A_2950 : vector<1x8192xi32>
    %xor3A_2952 = arith.xori %or3A_2942, %eq3A_2935 : vector<1x8192xi1>
    %xor3A_2953 = arith.xori %xor3A_2952, %eq3A_2951 : vector<1x8192xi1>
    %select_n3A_2954 = arith.select %xor3A_2953, %select_n3A_2917, %select_n3A_2936 : vector<1x8192xi1>, vector<1x8192xi32>
    %select_n3A_2955 = arith.select %xor3A_2953, %select_n3A_2918, %select_n3A_2937 : vector<1x8192xi1>, vector<1x8192xi32>
    %roll3A_2956 = arith.constant 7168 : i32
    %roll3A_2957 = tpu.dynamic_rotate %select_n3A_2954 by %roll3A_2956 dim 1 : vector<1x8192xi32>, i32 -> vector<1x8192xi32>
    %roll3A_2958 = arith.constant 1024 : i32
    %roll3A_2959 = tpu.dynamic_rotate %select_n3A_2954 by %roll3A_2958 dim 1 : vector<1x8192xi32>, i32 -> vector<1x8192xi32>
    %roll3A_2960 = arith.constant 7168 : i32
    %roll3A_2961 = tpu.dynamic_rotate %select_n3A_2955 by %roll3A_2960 dim 1 : vector<1x8192xi32>, i32 -> vector<1x8192xi32>
    %roll3A_2962 = arith.constant 1024 : i32
    %roll3A_2963 = tpu.dynamic_rotate %select_n3A_2955 by %roll3A_2962 dim 1 : vector<1x8192xi32>, i32 -> vector<1x8192xi32>
    %shift_right_arithmetic3A_2964 = arith.constant 10 : i32
    %shift_right_arithmetic3A_2965 = vector.broadcast %shift_right_arithmetic3A_2964 : i32 to vector<1x8192xi32>
    %shift_right_arithmetic3A_2966 = arith.shrsi %iota3A_4, %shift_right_arithmetic3A_2965 : vector<1x8192xi32>
    %and3A_2967 = arith.constant 1 : i32
    %and3A_2968 = vector.broadcast %and3A_2967 : i32 to vector<1x8192xi32>
    %and3A_2969 = arith.andi %shift_right_arithmetic3A_2966, %and3A_2968 : vector<1x8192xi32>
    %eq3A_2970 = arith.constant 1 : i32
    %eq3A_2971 = vector.broadcast %eq3A_2970 : i32 to vector<1x8192xi32>
    %eq3A_2972 = arith.cmpi eq, %and3A_2969, %eq3A_2971 : vector<1x8192xi32>
    %select_n3A_2973 = arith.select %eq3A_2972, %roll3A_2959, %roll3A_2957 : vector<1x8192xi1>, vector<1x8192xi32>
    %select_n3A_2974 = arith.select %eq3A_2972, %roll3A_2963, %roll3A_2961 : vector<1x8192xi1>, vector<1x8192xi32>
    %gt3A_2975 = arith.cmpi sgt, %select_n3A_2954, %select_n3A_2973 : vector<1x8192xi32>
    %eq3A_2976 = arith.cmpi eq, %select_n3A_2954, %select_n3A_2973 : vector<1x8192xi32>
    %lt3A_2977 = arith.cmpi slt, %select_n3A_2955, %select_n3A_2974 : vector<1x8192xi32>
    %and3A_2978 = arith.andi %eq3A_2976, %lt3A_2977 : vector<1x8192xi1>
    %or3A_2979 = arith.ori %gt3A_2975, %and3A_2978 : vector<1x8192xi1>
    %shift_right_arithmetic3A_2980 = arith.constant 13 : i32
    %shift_right_arithmetic3A_2981 = vector.broadcast %shift_right_arithmetic3A_2980 : i32 to vector<1x8192xi32>
    %shift_right_arithmetic3A_2982 = arith.shrsi %iota3A_4, %shift_right_arithmetic3A_2981 : vector<1x8192xi32>
    %and3A_2983 = arith.constant 1 : i32
    %and3A_2984 = vector.broadcast %and3A_2983 : i32 to vector<1x8192xi32>
    %and3A_2985 = arith.andi %shift_right_arithmetic3A_2982, %and3A_2984 : vector<1x8192xi32>
    %eq3A_2986 = arith.constant 1 : i32
    %eq3A_2987 = vector.broadcast %eq3A_2986 : i32 to vector<1x8192xi32>
    %eq3A_2988 = arith.cmpi eq, %and3A_2985, %eq3A_2987 : vector<1x8192xi32>
    %xor3A_2989 = arith.xori %or3A_2979, %eq3A_2972 : vector<1x8192xi1>
    %xor3A_2990 = arith.xori %xor3A_2989, %eq3A_2988 : vector<1x8192xi1>
    %select_n3A_2991 = arith.select %xor3A_2990, %select_n3A_2954, %select_n3A_2973 : vector<1x8192xi1>, vector<1x8192xi32>
    %select_n3A_2992 = arith.select %xor3A_2990, %select_n3A_2955, %select_n3A_2974 : vector<1x8192xi1>, vector<1x8192xi32>
    %roll3A_2993 = arith.constant 7680 : i32
    %roll3A_2994 = tpu.dynamic_rotate %select_n3A_2991 by %roll3A_2993 dim 1 : vector<1x8192xi32>, i32 -> vector<1x8192xi32>
    %roll3A_2995 = arith.constant 512 : i32
    %roll3A_2996 = tpu.dynamic_rotate %select_n3A_2991 by %roll3A_2995 dim 1 : vector<1x8192xi32>, i32 -> vector<1x8192xi32>
    %roll3A_2997 = arith.constant 7680 : i32
    %roll3A_2998 = tpu.dynamic_rotate %select_n3A_2992 by %roll3A_2997 dim 1 : vector<1x8192xi32>, i32 -> vector<1x8192xi32>
    %roll3A_2999 = arith.constant 512 : i32
    %roll3A_3000 = tpu.dynamic_rotate %select_n3A_2992 by %roll3A_2999 dim 1 : vector<1x8192xi32>, i32 -> vector<1x8192xi32>
    %shift_right_arithmetic3A_3001 = arith.constant 9 : i32
    %shift_right_arithmetic3A_3002 = vector.broadcast %shift_right_arithmetic3A_3001 : i32 to vector<1x8192xi32>
    %shift_right_arithmetic3A_3003 = arith.shrsi %iota3A_4, %shift_right_arithmetic3A_3002 : vector<1x8192xi32>
    %and3A_3004 = arith.constant 1 : i32
    %and3A_3005 = vector.broadcast %and3A_3004 : i32 to vector<1x8192xi32>
    %and3A_3006 = arith.andi %shift_right_arithmetic3A_3003, %and3A_3005 : vector<1x8192xi32>
    %eq3A_3007 = arith.constant 1 : i32
    %eq3A_3008 = vector.broadcast %eq3A_3007 : i32 to vector<1x8192xi32>
    %eq3A_3009 = arith.cmpi eq, %and3A_3006, %eq3A_3008 : vector<1x8192xi32>
    %select_n3A_3010 = arith.select %eq3A_3009, %roll3A_2996, %roll3A_2994 : vector<1x8192xi1>, vector<1x8192xi32>
    %select_n3A_3011 = arith.select %eq3A_3009, %roll3A_3000, %roll3A_2998 : vector<1x8192xi1>, vector<1x8192xi32>
    %gt3A_3012 = arith.cmpi sgt, %select_n3A_2991, %select_n3A_3010 : vector<1x8192xi32>
    %eq3A_3013 = arith.cmpi eq, %select_n3A_2991, %select_n3A_3010 : vector<1x8192xi32>
    %lt3A_3014 = arith.cmpi slt, %select_n3A_2992, %select_n3A_3011 : vector<1x8192xi32>
    %and3A_3015 = arith.andi %eq3A_3013, %lt3A_3014 : vector<1x8192xi1>
    %or3A_3016 = arith.ori %gt3A_3012, %and3A_3015 : vector<1x8192xi1>
    %shift_right_arithmetic3A_3017 = arith.constant 13 : i32
    %shift_right_arithmetic3A_3018 = vector.broadcast %shift_right_arithmetic3A_3017 : i32 to vector<1x8192xi32>
    %shift_right_arithmetic3A_3019 = arith.shrsi %iota3A_4, %shift_right_arithmetic3A_3018 : vector<1x8192xi32>
    %and3A_3020 = arith.constant 1 : i32
    %and3A_3021 = vector.broadcast %and3A_3020 : i32 to vector<1x8192xi32>
    %and3A_3022 = arith.andi %shift_right_arithmetic3A_3019, %and3A_3021 : vector<1x8192xi32>
    %eq3A_3023 = arith.constant 1 : i32
    %eq3A_3024 = vector.broadcast %eq3A_3023 : i32 to vector<1x8192xi32>
    %eq3A_3025 = arith.cmpi eq, %and3A_3022, %eq3A_3024 : vector<1x8192xi32>
    %xor3A_3026 = arith.xori %or3A_3016, %eq3A_3009 : vector<1x8192xi1>
    %xor3A_3027 = arith.xori %xor3A_3026, %eq3A_3025 : vector<1x8192xi1>
    %select_n3A_3028 = arith.select %xor3A_3027, %select_n3A_2991, %select_n3A_3010 : vector<1x8192xi1>, vector<1x8192xi32>
    %select_n3A_3029 = arith.select %xor3A_3027, %select_n3A_2992, %select_n3A_3011 : vector<1x8192xi1>, vector<1x8192xi32>
    %roll3A_3030 = arith.constant 7936 : i32
    %roll3A_3031 = tpu.dynamic_rotate %select_n3A_3028 by %roll3A_3030 dim 1 : vector<1x8192xi32>, i32 -> vector<1x8192xi32>
    %roll3A_3032 = arith.constant 256 : i32
    %roll3A_3033 = tpu.dynamic_rotate %select_n3A_3028 by %roll3A_3032 dim 1 : vector<1x8192xi32>, i32 -> vector<1x8192xi32>
    %roll3A_3034 = arith.constant 7936 : i32
    %roll3A_3035 = tpu.dynamic_rotate %select_n3A_3029 by %roll3A_3034 dim 1 : vector<1x8192xi32>, i32 -> vector<1x8192xi32>
    %roll3A_3036 = arith.constant 256 : i32
    %roll3A_3037 = tpu.dynamic_rotate %select_n3A_3029 by %roll3A_3036 dim 1 : vector<1x8192xi32>, i32 -> vector<1x8192xi32>
    %shift_right_arithmetic3A_3038 = arith.constant 8 : i32
    %shift_right_arithmetic3A_3039 = vector.broadcast %shift_right_arithmetic3A_3038 : i32 to vector<1x8192xi32>
    %shift_right_arithmetic3A_3040 = arith.shrsi %iota3A_4, %shift_right_arithmetic3A_3039 : vector<1x8192xi32>
    %and3A_3041 = arith.constant 1 : i32
    %and3A_3042 = vector.broadcast %and3A_3041 : i32 to vector<1x8192xi32>
    %and3A_3043 = arith.andi %shift_right_arithmetic3A_3040, %and3A_3042 : vector<1x8192xi32>
    %eq3A_3044 = arith.constant 1 : i32
    %eq3A_3045 = vector.broadcast %eq3A_3044 : i32 to vector<1x8192xi32>
    %eq3A_3046 = arith.cmpi eq, %and3A_3043, %eq3A_3045 : vector<1x8192xi32>
    %select_n3A_3047 = arith.select %eq3A_3046, %roll3A_3033, %roll3A_3031 : vector<1x8192xi1>, vector<1x8192xi32>
    %select_n3A_3048 = arith.select %eq3A_3046, %roll3A_3037, %roll3A_3035 : vector<1x8192xi1>, vector<1x8192xi32>
    %gt3A_3049 = arith.cmpi sgt, %select_n3A_3028, %select_n3A_3047 : vector<1x8192xi32>
    %eq3A_3050 = arith.cmpi eq, %select_n3A_3028, %select_n3A_3047 : vector<1x8192xi32>
    %lt3A_3051 = arith.cmpi slt, %select_n3A_3029, %select_n3A_3048 : vector<1x8192xi32>
    %and3A_3052 = arith.andi %eq3A_3050, %lt3A_3051 : vector<1x8192xi1>
    %or3A_3053 = arith.ori %gt3A_3049, %and3A_3052 : vector<1x8192xi1>
    %shift_right_arithmetic3A_3054 = arith.constant 13 : i32
    %shift_right_arithmetic3A_3055 = vector.broadcast %shift_right_arithmetic3A_3054 : i32 to vector<1x8192xi32>
    %shift_right_arithmetic3A_3056 = arith.shrsi %iota3A_4, %shift_right_arithmetic3A_3055 : vector<1x8192xi32>
    %and3A_3057 = arith.constant 1 : i32
    %and3A_3058 = vector.broadcast %and3A_3057 : i32 to vector<1x8192xi32>
    %and3A_3059 = arith.andi %shift_right_arithmetic3A_3056, %and3A_3058 : vector<1x8192xi32>
    %eq3A_3060 = arith.constant 1 : i32
    %eq3A_3061 = vector.broadcast %eq3A_3060 : i32 to vector<1x8192xi32>
    %eq3A_3062 = arith.cmpi eq, %and3A_3059, %eq3A_3061 : vector<1x8192xi32>
    %xor3A_3063 = arith.xori %or3A_3053, %eq3A_3046 : vector<1x8192xi1>
    %xor3A_3064 = arith.xori %xor3A_3063, %eq3A_3062 : vector<1x8192xi1>
    %select_n3A_3065 = arith.select %xor3A_3064, %select_n3A_3028, %select_n3A_3047 : vector<1x8192xi1>, vector<1x8192xi32>
    %select_n3A_3066 = arith.select %xor3A_3064, %select_n3A_3029, %select_n3A_3048 : vector<1x8192xi1>, vector<1x8192xi32>
    %roll3A_3067 = arith.constant 8064 : i32
    %roll3A_3068 = tpu.dynamic_rotate %select_n3A_3065 by %roll3A_3067 dim 1 : vector<1x8192xi32>, i32 -> vector<1x8192xi32>
    %roll3A_3069 = arith.constant 128 : i32
    %roll3A_3070 = tpu.dynamic_rotate %select_n3A_3065 by %roll3A_3069 dim 1 : vector<1x8192xi32>, i32 -> vector<1x8192xi32>
    %roll3A_3071 = arith.constant 8064 : i32
    %roll3A_3072 = tpu.dynamic_rotate %select_n3A_3066 by %roll3A_3071 dim 1 : vector<1x8192xi32>, i32 -> vector<1x8192xi32>
    %roll3A_3073 = arith.constant 128 : i32
    %roll3A_3074 = tpu.dynamic_rotate %select_n3A_3066 by %roll3A_3073 dim 1 : vector<1x8192xi32>, i32 -> vector<1x8192xi32>
    %shift_right_arithmetic3A_3075 = arith.constant 7 : i32
    %shift_right_arithmetic3A_3076 = vector.broadcast %shift_right_arithmetic3A_3075 : i32 to vector<1x8192xi32>
    %shift_right_arithmetic3A_3077 = arith.shrsi %iota3A_4, %shift_right_arithmetic3A_3076 : vector<1x8192xi32>
    %and3A_3078 = arith.constant 1 : i32
    %and3A_3079 = vector.broadcast %and3A_3078 : i32 to vector<1x8192xi32>
    %and3A_3080 = arith.andi %shift_right_arithmetic3A_3077, %and3A_3079 : vector<1x8192xi32>
    %eq3A_3081 = arith.constant 1 : i32
    %eq3A_3082 = vector.broadcast %eq3A_3081 : i32 to vector<1x8192xi32>
    %eq3A_3083 = arith.cmpi eq, %and3A_3080, %eq3A_3082 : vector<1x8192xi32>
    %select_n3A_3084 = arith.select %eq3A_3083, %roll3A_3070, %roll3A_3068 : vector<1x8192xi1>, vector<1x8192xi32>
    %select_n3A_3085 = arith.select %eq3A_3083, %roll3A_3074, %roll3A_3072 : vector<1x8192xi1>, vector<1x8192xi32>
    %gt3A_3086 = arith.cmpi sgt, %select_n3A_3065, %select_n3A_3084 : vector<1x8192xi32>
    %eq3A_3087 = arith.cmpi eq, %select_n3A_3065, %select_n3A_3084 : vector<1x8192xi32>
    %lt3A_3088 = arith.cmpi slt, %select_n3A_3066, %select_n3A_3085 : vector<1x8192xi32>
    %and3A_3089 = arith.andi %eq3A_3087, %lt3A_3088 : vector<1x8192xi1>
    %or3A_3090 = arith.ori %gt3A_3086, %and3A_3089 : vector<1x8192xi1>
    %shift_right_arithmetic3A_3091 = arith.constant 13 : i32
    %shift_right_arithmetic3A_3092 = vector.broadcast %shift_right_arithmetic3A_3091 : i32 to vector<1x8192xi32>
    %shift_right_arithmetic3A_3093 = arith.shrsi %iota3A_4, %shift_right_arithmetic3A_3092 : vector<1x8192xi32>
    %and3A_3094 = arith.constant 1 : i32
    %and3A_3095 = vector.broadcast %and3A_3094 : i32 to vector<1x8192xi32>
    %and3A_3096 = arith.andi %shift_right_arithmetic3A_3093, %and3A_3095 : vector<1x8192xi32>
    %eq3A_3097 = arith.constant 1 : i32
    %eq3A_3098 = vector.broadcast %eq3A_3097 : i32 to vector<1x8192xi32>
    %eq3A_3099 = arith.cmpi eq, %and3A_3096, %eq3A_3098 : vector<1x8192xi32>
    %xor3A_3100 = arith.xori %or3A_3090, %eq3A_3083 : vector<1x8192xi1>
    %xor3A_3101 = arith.xori %xor3A_3100, %eq3A_3099 : vector<1x8192xi1>
    %select_n3A_3102 = arith.select %xor3A_3101, %select_n3A_3065, %select_n3A_3084 : vector<1x8192xi1>, vector<1x8192xi32>
    %select_n3A_3103 = arith.select %xor3A_3101, %select_n3A_3066, %select_n3A_3085 : vector<1x8192xi1>, vector<1x8192xi32>
    %roll3A_3104 = arith.constant 8128 : i32
    %roll3A_3105 = tpu.dynamic_rotate %select_n3A_3102 by %roll3A_3104 dim 1 : vector<1x8192xi32>, i32 -> vector<1x8192xi32>
    %roll3A_3106 = arith.constant 64 : i32
    %roll3A_3107 = tpu.dynamic_rotate %select_n3A_3102 by %roll3A_3106 dim 1 : vector<1x8192xi32>, i32 -> vector<1x8192xi32>
    %roll3A_3108 = arith.constant 8128 : i32
    %roll3A_3109 = tpu.dynamic_rotate %select_n3A_3103 by %roll3A_3108 dim 1 : vector<1x8192xi32>, i32 -> vector<1x8192xi32>
    %roll3A_3110 = arith.constant 64 : i32
    %roll3A_3111 = tpu.dynamic_rotate %select_n3A_3103 by %roll3A_3110 dim 1 : vector<1x8192xi32>, i32 -> vector<1x8192xi32>
    %shift_right_arithmetic3A_3112 = arith.constant 6 : i32
    %shift_right_arithmetic3A_3113 = vector.broadcast %shift_right_arithmetic3A_3112 : i32 to vector<1x8192xi32>
    %shift_right_arithmetic3A_3114 = arith.shrsi %iota3A_4, %shift_right_arithmetic3A_3113 : vector<1x8192xi32>
    %and3A_3115 = arith.constant 1 : i32
    %and3A_3116 = vector.broadcast %and3A_3115 : i32 to vector<1x8192xi32>
    %and3A_3117 = arith.andi %shift_right_arithmetic3A_3114, %and3A_3116 : vector<1x8192xi32>
    %eq3A_3118 = arith.constant 1 : i32
    %eq3A_3119 = vector.broadcast %eq3A_3118 : i32 to vector<1x8192xi32>
    %eq3A_3120 = arith.cmpi eq, %and3A_3117, %eq3A_3119 : vector<1x8192xi32>
    %select_n3A_3121 = arith.select %eq3A_3120, %roll3A_3107, %roll3A_3105 : vector<1x8192xi1>, vector<1x8192xi32>
    %select_n3A_3122 = arith.select %eq3A_3120, %roll3A_3111, %roll3A_3109 : vector<1x8192xi1>, vector<1x8192xi32>
    %gt3A_3123 = arith.cmpi sgt, %select_n3A_3102, %select_n3A_3121 : vector<1x8192xi32>
    %eq3A_3124 = arith.cmpi eq, %select_n3A_3102, %select_n3A_3121 : vector<1x8192xi32>
    %lt3A_3125 = arith.cmpi slt, %select_n3A_3103, %select_n3A_3122 : vector<1x8192xi32>
    %and3A_3126 = arith.andi %eq3A_3124, %lt3A_3125 : vector<1x8192xi1>
    %or3A_3127 = arith.ori %gt3A_3123, %and3A_3126 : vector<1x8192xi1>
    %shift_right_arithmetic3A_3128 = arith.constant 13 : i32
    %shift_right_arithmetic3A_3129 = vector.broadcast %shift_right_arithmetic3A_3128 : i32 to vector<1x8192xi32>
    %shift_right_arithmetic3A_3130 = arith.shrsi %iota3A_4, %shift_right_arithmetic3A_3129 : vector<1x8192xi32>
    %and3A_3131 = arith.constant 1 : i32
    %and3A_3132 = vector.broadcast %and3A_3131 : i32 to vector<1x8192xi32>
    %and3A_3133 = arith.andi %shift_right_arithmetic3A_3130, %and3A_3132 : vector<1x8192xi32>
    %eq3A_3134 = arith.constant 1 : i32
    %eq3A_3135 = vector.broadcast %eq3A_3134 : i32 to vector<1x8192xi32>
    %eq3A_3136 = arith.cmpi eq, %and3A_3133, %eq3A_3135 : vector<1x8192xi32>
    %xor3A_3137 = arith.xori %or3A_3127, %eq3A_3120 : vector<1x8192xi1>
    %xor3A_3138 = arith.xori %xor3A_3137, %eq3A_3136 : vector<1x8192xi1>
    %select_n3A_3139 = arith.select %xor3A_3138, %select_n3A_3102, %select_n3A_3121 : vector<1x8192xi1>, vector<1x8192xi32>
    %select_n3A_3140 = arith.select %xor3A_3138, %select_n3A_3103, %select_n3A_3122 : vector<1x8192xi1>, vector<1x8192xi32>
    %roll3A_3141 = arith.constant 8160 : i32
    %roll3A_3142 = tpu.dynamic_rotate %select_n3A_3139 by %roll3A_3141 dim 1 : vector<1x8192xi32>, i32 -> vector<1x8192xi32>
    %roll3A_3143 = arith.constant 32 : i32
    %roll3A_3144 = tpu.dynamic_rotate %select_n3A_3139 by %roll3A_3143 dim 1 : vector<1x8192xi32>, i32 -> vector<1x8192xi32>
    %roll3A_3145 = arith.constant 8160 : i32
    %roll3A_3146 = tpu.dynamic_rotate %select_n3A_3140 by %roll3A_3145 dim 1 : vector<1x8192xi32>, i32 -> vector<1x8192xi32>
    %roll3A_3147 = arith.constant 32 : i32
    %roll3A_3148 = tpu.dynamic_rotate %select_n3A_3140 by %roll3A_3147 dim 1 : vector<1x8192xi32>, i32 -> vector<1x8192xi32>
    %shift_right_arithmetic3A_3149 = arith.constant 5 : i32
    %shift_right_arithmetic3A_3150 = vector.broadcast %shift_right_arithmetic3A_3149 : i32 to vector<1x8192xi32>
    %shift_right_arithmetic3A_3151 = arith.shrsi %iota3A_4, %shift_right_arithmetic3A_3150 : vector<1x8192xi32>
    %and3A_3152 = arith.constant 1 : i32
    %and3A_3153 = vector.broadcast %and3A_3152 : i32 to vector<1x8192xi32>
    %and3A_3154 = arith.andi %shift_right_arithmetic3A_3151, %and3A_3153 : vector<1x8192xi32>
    %eq3A_3155 = arith.constant 1 : i32
    %eq3A_3156 = vector.broadcast %eq3A_3155 : i32 to vector<1x8192xi32>
    %eq3A_3157 = arith.cmpi eq, %and3A_3154, %eq3A_3156 : vector<1x8192xi32>
    %select_n3A_3158 = arith.select %eq3A_3157, %roll3A_3144, %roll3A_3142 : vector<1x8192xi1>, vector<1x8192xi32>
    %select_n3A_3159 = arith.select %eq3A_3157, %roll3A_3148, %roll3A_3146 : vector<1x8192xi1>, vector<1x8192xi32>
    %gt3A_3160 = arith.cmpi sgt, %select_n3A_3139, %select_n3A_3158 : vector<1x8192xi32>
    %eq3A_3161 = arith.cmpi eq, %select_n3A_3139, %select_n3A_3158 : vector<1x8192xi32>
    %lt3A_3162 = arith.cmpi slt, %select_n3A_3140, %select_n3A_3159 : vector<1x8192xi32>
    %and3A_3163 = arith.andi %eq3A_3161, %lt3A_3162 : vector<1x8192xi1>
    %or3A_3164 = arith.ori %gt3A_3160, %and3A_3163 : vector<1x8192xi1>
    %shift_right_arithmetic3A_3165 = arith.constant 13 : i32
    %shift_right_arithmetic3A_3166 = vector.broadcast %shift_right_arithmetic3A_3165 : i32 to vector<1x8192xi32>
    %shift_right_arithmetic3A_3167 = arith.shrsi %iota3A_4, %shift_right_arithmetic3A_3166 : vector<1x8192xi32>
    %and3A_3168 = arith.constant 1 : i32
    %and3A_3169 = vector.broadcast %and3A_3168 : i32 to vector<1x8192xi32>
    %and3A_3170 = arith.andi %shift_right_arithmetic3A_3167, %and3A_3169 : vector<1x8192xi32>
    %eq3A_3171 = arith.constant 1 : i32
    %eq3A_3172 = vector.broadcast %eq3A_3171 : i32 to vector<1x8192xi32>
    %eq3A_3173 = arith.cmpi eq, %and3A_3170, %eq3A_3172 : vector<1x8192xi32>
    %xor3A_3174 = arith.xori %or3A_3164, %eq3A_3157 : vector<1x8192xi1>
    %xor3A_3175 = arith.xori %xor3A_3174, %eq3A_3173 : vector<1x8192xi1>
    %select_n3A_3176 = arith.select %xor3A_3175, %select_n3A_3139, %select_n3A_3158 : vector<1x8192xi1>, vector<1x8192xi32>
    %select_n3A_3177 = arith.select %xor3A_3175, %select_n3A_3140, %select_n3A_3159 : vector<1x8192xi1>, vector<1x8192xi32>
    %roll3A_3178 = arith.constant 8176 : i32
    %roll3A_3179 = tpu.dynamic_rotate %select_n3A_3176 by %roll3A_3178 dim 1 : vector<1x8192xi32>, i32 -> vector<1x8192xi32>
    %roll3A_3180 = arith.constant 16 : i32
    %roll3A_3181 = tpu.dynamic_rotate %select_n3A_3176 by %roll3A_3180 dim 1 : vector<1x8192xi32>, i32 -> vector<1x8192xi32>
    %roll3A_3182 = arith.constant 8176 : i32
    %roll3A_3183 = tpu.dynamic_rotate %select_n3A_3177 by %roll3A_3182 dim 1 : vector<1x8192xi32>, i32 -> vector<1x8192xi32>
    %roll3A_3184 = arith.constant 16 : i32
    %roll3A_3185 = tpu.dynamic_rotate %select_n3A_3177 by %roll3A_3184 dim 1 : vector<1x8192xi32>, i32 -> vector<1x8192xi32>
    %shift_right_arithmetic3A_3186 = arith.constant 4 : i32
    %shift_right_arithmetic3A_3187 = vector.broadcast %shift_right_arithmetic3A_3186 : i32 to vector<1x8192xi32>
    %shift_right_arithmetic3A_3188 = arith.shrsi %iota3A_4, %shift_right_arithmetic3A_3187 : vector<1x8192xi32>
    %and3A_3189 = arith.constant 1 : i32
    %and3A_3190 = vector.broadcast %and3A_3189 : i32 to vector<1x8192xi32>
    %and3A_3191 = arith.andi %shift_right_arithmetic3A_3188, %and3A_3190 : vector<1x8192xi32>
    %eq3A_3192 = arith.constant 1 : i32
    %eq3A_3193 = vector.broadcast %eq3A_3192 : i32 to vector<1x8192xi32>
    %eq3A_3194 = arith.cmpi eq, %and3A_3191, %eq3A_3193 : vector<1x8192xi32>
    %select_n3A_3195 = arith.select %eq3A_3194, %roll3A_3181, %roll3A_3179 : vector<1x8192xi1>, vector<1x8192xi32>
    %select_n3A_3196 = arith.select %eq3A_3194, %roll3A_3185, %roll3A_3183 : vector<1x8192xi1>, vector<1x8192xi32>
    %gt3A_3197 = arith.cmpi sgt, %select_n3A_3176, %select_n3A_3195 : vector<1x8192xi32>
    %eq3A_3198 = arith.cmpi eq, %select_n3A_3176, %select_n3A_3195 : vector<1x8192xi32>
    %lt3A_3199 = arith.cmpi slt, %select_n3A_3177, %select_n3A_3196 : vector<1x8192xi32>
    %and3A_3200 = arith.andi %eq3A_3198, %lt3A_3199 : vector<1x8192xi1>
    %or3A_3201 = arith.ori %gt3A_3197, %and3A_3200 : vector<1x8192xi1>
    %shift_right_arithmetic3A_3202 = arith.constant 13 : i32
    %shift_right_arithmetic3A_3203 = vector.broadcast %shift_right_arithmetic3A_3202 : i32 to vector<1x8192xi32>
    %shift_right_arithmetic3A_3204 = arith.shrsi %iota3A_4, %shift_right_arithmetic3A_3203 : vector<1x8192xi32>
    %and3A_3205 = arith.constant 1 : i32
    %and3A_3206 = vector.broadcast %and3A_3205 : i32 to vector<1x8192xi32>
    %and3A_3207 = arith.andi %shift_right_arithmetic3A_3204, %and3A_3206 : vector<1x8192xi32>
    %eq3A_3208 = arith.constant 1 : i32
    %eq3A_3209 = vector.broadcast %eq3A_3208 : i32 to vector<1x8192xi32>
    %eq3A_3210 = arith.cmpi eq, %and3A_3207, %eq3A_3209 : vector<1x8192xi32>
    %xor3A_3211 = arith.xori %or3A_3201, %eq3A_3194 : vector<1x8192xi1>
    %xor3A_3212 = arith.xori %xor3A_3211, %eq3A_3210 : vector<1x8192xi1>
    %select_n3A_3213 = arith.select %xor3A_3212, %select_n3A_3176, %select_n3A_3195 : vector<1x8192xi1>, vector<1x8192xi32>
    %select_n3A_3214 = arith.select %xor3A_3212, %select_n3A_3177, %select_n3A_3196 : vector<1x8192xi1>, vector<1x8192xi32>
    %roll3A_3215 = arith.constant 8184 : i32
    %roll3A_3216 = tpu.dynamic_rotate %select_n3A_3213 by %roll3A_3215 dim 1 : vector<1x8192xi32>, i32 -> vector<1x8192xi32>
    %roll3A_3217 = arith.constant 8 : i32
    %roll3A_3218 = tpu.dynamic_rotate %select_n3A_3213 by %roll3A_3217 dim 1 : vector<1x8192xi32>, i32 -> vector<1x8192xi32>
    %roll3A_3219 = arith.constant 8184 : i32
    %roll3A_3220 = tpu.dynamic_rotate %select_n3A_3214 by %roll3A_3219 dim 1 : vector<1x8192xi32>, i32 -> vector<1x8192xi32>
    %roll3A_3221 = arith.constant 8 : i32
    %roll3A_3222 = tpu.dynamic_rotate %select_n3A_3214 by %roll3A_3221 dim 1 : vector<1x8192xi32>, i32 -> vector<1x8192xi32>
    %shift_right_arithmetic3A_3223 = arith.constant 3 : i32
    %shift_right_arithmetic3A_3224 = vector.broadcast %shift_right_arithmetic3A_3223 : i32 to vector<1x8192xi32>
    %shift_right_arithmetic3A_3225 = arith.shrsi %iota3A_4, %shift_right_arithmetic3A_3224 : vector<1x8192xi32>
    %and3A_3226 = arith.constant 1 : i32
    %and3A_3227 = vector.broadcast %and3A_3226 : i32 to vector<1x8192xi32>
    %and3A_3228 = arith.andi %shift_right_arithmetic3A_3225, %and3A_3227 : vector<1x8192xi32>
    %eq3A_3229 = arith.constant 1 : i32
    %eq3A_3230 = vector.broadcast %eq3A_3229 : i32 to vector<1x8192xi32>
    %eq3A_3231 = arith.cmpi eq, %and3A_3228, %eq3A_3230 : vector<1x8192xi32>
    %select_n3A_3232 = arith.select %eq3A_3231, %roll3A_3218, %roll3A_3216 : vector<1x8192xi1>, vector<1x8192xi32>
    %select_n3A_3233 = arith.select %eq3A_3231, %roll3A_3222, %roll3A_3220 : vector<1x8192xi1>, vector<1x8192xi32>
    %gt3A_3234 = arith.cmpi sgt, %select_n3A_3213, %select_n3A_3232 : vector<1x8192xi32>
    %eq3A_3235 = arith.cmpi eq, %select_n3A_3213, %select_n3A_3232 : vector<1x8192xi32>
    %lt3A_3236 = arith.cmpi slt, %select_n3A_3214, %select_n3A_3233 : vector<1x8192xi32>
    %and3A_3237 = arith.andi %eq3A_3235, %lt3A_3236 : vector<1x8192xi1>
    %or3A_3238 = arith.ori %gt3A_3234, %and3A_3237 : vector<1x8192xi1>
    %shift_right_arithmetic3A_3239 = arith.constant 13 : i32
    %shift_right_arithmetic3A_3240 = vector.broadcast %shift_right_arithmetic3A_3239 : i32 to vector<1x8192xi32>
    %shift_right_arithmetic3A_3241 = arith.shrsi %iota3A_4, %shift_right_arithmetic3A_3240 : vector<1x8192xi32>
    %and3A_3242 = arith.constant 1 : i32
    %and3A_3243 = vector.broadcast %and3A_3242 : i32 to vector<1x8192xi32>
    %and3A_3244 = arith.andi %shift_right_arithmetic3A_3241, %and3A_3243 : vector<1x8192xi32>
    %eq3A_3245 = arith.constant 1 : i32
    %eq3A_3246 = vector.broadcast %eq3A_3245 : i32 to vector<1x8192xi32>
    %eq3A_3247 = arith.cmpi eq, %and3A_3244, %eq3A_3246 : vector<1x8192xi32>
    %xor3A_3248 = arith.xori %or3A_3238, %eq3A_3231 : vector<1x8192xi1>
    %xor3A_3249 = arith.xori %xor3A_3248, %eq3A_3247 : vector<1x8192xi1>
    %select_n3A_3250 = arith.select %xor3A_3249, %select_n3A_3213, %select_n3A_3232 : vector<1x8192xi1>, vector<1x8192xi32>
    %select_n3A_3251 = arith.select %xor3A_3249, %select_n3A_3214, %select_n3A_3233 : vector<1x8192xi1>, vector<1x8192xi32>
    %roll3A_3252 = arith.constant 8188 : i32
    %roll3A_3253 = tpu.dynamic_rotate %select_n3A_3250 by %roll3A_3252 dim 1 : vector<1x8192xi32>, i32 -> vector<1x8192xi32>
    %roll3A_3254 = arith.constant 4 : i32
    %roll3A_3255 = tpu.dynamic_rotate %select_n3A_3250 by %roll3A_3254 dim 1 : vector<1x8192xi32>, i32 -> vector<1x8192xi32>
    %roll3A_3256 = arith.constant 8188 : i32
    %roll3A_3257 = tpu.dynamic_rotate %select_n3A_3251 by %roll3A_3256 dim 1 : vector<1x8192xi32>, i32 -> vector<1x8192xi32>
    %roll3A_3258 = arith.constant 4 : i32
    %roll3A_3259 = tpu.dynamic_rotate %select_n3A_3251 by %roll3A_3258 dim 1 : vector<1x8192xi32>, i32 -> vector<1x8192xi32>
    %shift_right_arithmetic3A_3260 = arith.constant 2 : i32
    %shift_right_arithmetic3A_3261 = vector.broadcast %shift_right_arithmetic3A_3260 : i32 to vector<1x8192xi32>
    %shift_right_arithmetic3A_3262 = arith.shrsi %iota3A_4, %shift_right_arithmetic3A_3261 : vector<1x8192xi32>
    %and3A_3263 = arith.constant 1 : i32
    %and3A_3264 = vector.broadcast %and3A_3263 : i32 to vector<1x8192xi32>
    %and3A_3265 = arith.andi %shift_right_arithmetic3A_3262, %and3A_3264 : vector<1x8192xi32>
    %eq3A_3266 = arith.constant 1 : i32
    %eq3A_3267 = vector.broadcast %eq3A_3266 : i32 to vector<1x8192xi32>
    %eq3A_3268 = arith.cmpi eq, %and3A_3265, %eq3A_3267 : vector<1x8192xi32>
    %select_n3A_3269 = arith.select %eq3A_3268, %roll3A_3255, %roll3A_3253 : vector<1x8192xi1>, vector<1x8192xi32>
    %select_n3A_3270 = arith.select %eq3A_3268, %roll3A_3259, %roll3A_3257 : vector<1x8192xi1>, vector<1x8192xi32>
    %gt3A_3271 = arith.cmpi sgt, %select_n3A_3250, %select_n3A_3269 : vector<1x8192xi32>
    %eq3A_3272 = arith.cmpi eq, %select_n3A_3250, %select_n3A_3269 : vector<1x8192xi32>
    %lt3A_3273 = arith.cmpi slt, %select_n3A_3251, %select_n3A_3270 : vector<1x8192xi32>
    %and3A_3274 = arith.andi %eq3A_3272, %lt3A_3273 : vector<1x8192xi1>
    %or3A_3275 = arith.ori %gt3A_3271, %and3A_3274 : vector<1x8192xi1>
    %shift_right_arithmetic3A_3276 = arith.constant 13 : i32
    %shift_right_arithmetic3A_3277 = vector.broadcast %shift_right_arithmetic3A_3276 : i32 to vector<1x8192xi32>
    %shift_right_arithmetic3A_3278 = arith.shrsi %iota3A_4, %shift_right_arithmetic3A_3277 : vector<1x8192xi32>
    %and3A_3279 = arith.constant 1 : i32
    %and3A_3280 = vector.broadcast %and3A_3279 : i32 to vector<1x8192xi32>
    %and3A_3281 = arith.andi %shift_right_arithmetic3A_3278, %and3A_3280 : vector<1x8192xi32>
    %eq3A_3282 = arith.constant 1 : i32
    %eq3A_3283 = vector.broadcast %eq3A_3282 : i32 to vector<1x8192xi32>
    %eq3A_3284 = arith.cmpi eq, %and3A_3281, %eq3A_3283 : vector<1x8192xi32>
    %xor3A_3285 = arith.xori %or3A_3275, %eq3A_3268 : vector<1x8192xi1>
    %xor3A_3286 = arith.xori %xor3A_3285, %eq3A_3284 : vector<1x8192xi1>
    %select_n3A_3287 = arith.select %xor3A_3286, %select_n3A_3250, %select_n3A_3269 : vector<1x8192xi1>, vector<1x8192xi32>
    %select_n3A_3288 = arith.select %xor3A_3286, %select_n3A_3251, %select_n3A_3270 : vector<1x8192xi1>, vector<1x8192xi32>
    %roll3A_3289 = arith.constant 8190 : i32
    %roll3A_3290 = tpu.dynamic_rotate %select_n3A_3287 by %roll3A_3289 dim 1 : vector<1x8192xi32>, i32 -> vector<1x8192xi32>
    %roll3A_3291 = arith.constant 2 : i32
    %roll3A_3292 = tpu.dynamic_rotate %select_n3A_3287 by %roll3A_3291 dim 1 : vector<1x8192xi32>, i32 -> vector<1x8192xi32>
    %roll3A_3293 = arith.constant 8190 : i32
    %roll3A_3294 = tpu.dynamic_rotate %select_n3A_3288 by %roll3A_3293 dim 1 : vector<1x8192xi32>, i32 -> vector<1x8192xi32>
    %roll3A_3295 = arith.constant 2 : i32
    %roll3A_3296 = tpu.dynamic_rotate %select_n3A_3288 by %roll3A_3295 dim 1 : vector<1x8192xi32>, i32 -> vector<1x8192xi32>
    %shift_right_arithmetic3A_3297 = arith.constant 1 : i32
    %shift_right_arithmetic3A_3298 = vector.broadcast %shift_right_arithmetic3A_3297 : i32 to vector<1x8192xi32>
    %shift_right_arithmetic3A_3299 = arith.shrsi %iota3A_4, %shift_right_arithmetic3A_3298 : vector<1x8192xi32>
    %and3A_3300 = arith.constant 1 : i32
    %and3A_3301 = vector.broadcast %and3A_3300 : i32 to vector<1x8192xi32>
    %and3A_3302 = arith.andi %shift_right_arithmetic3A_3299, %and3A_3301 : vector<1x8192xi32>
    %eq3A_3303 = arith.constant 1 : i32
    %eq3A_3304 = vector.broadcast %eq3A_3303 : i32 to vector<1x8192xi32>
    %eq3A_3305 = arith.cmpi eq, %and3A_3302, %eq3A_3304 : vector<1x8192xi32>
    %select_n3A_3306 = arith.select %eq3A_3305, %roll3A_3292, %roll3A_3290 : vector<1x8192xi1>, vector<1x8192xi32>
    %select_n3A_3307 = arith.select %eq3A_3305, %roll3A_3296, %roll3A_3294 : vector<1x8192xi1>, vector<1x8192xi32>
    %gt3A_3308 = arith.cmpi sgt, %select_n3A_3287, %select_n3A_3306 : vector<1x8192xi32>
    %eq3A_3309 = arith.cmpi eq, %select_n3A_3287, %select_n3A_3306 : vector<1x8192xi32>
    %lt3A_3310 = arith.cmpi slt, %select_n3A_3288, %select_n3A_3307 : vector<1x8192xi32>
    %and3A_3311 = arith.andi %eq3A_3309, %lt3A_3310 : vector<1x8192xi1>
    %or3A_3312 = arith.ori %gt3A_3308, %and3A_3311 : vector<1x8192xi1>
    %shift_right_arithmetic3A_3313 = arith.constant 13 : i32
    %shift_right_arithmetic3A_3314 = vector.broadcast %shift_right_arithmetic3A_3313 : i32 to vector<1x8192xi32>
    %shift_right_arithmetic3A_3315 = arith.shrsi %iota3A_4, %shift_right_arithmetic3A_3314 : vector<1x8192xi32>
    %and3A_3316 = arith.constant 1 : i32
    %and3A_3317 = vector.broadcast %and3A_3316 : i32 to vector<1x8192xi32>
    %and3A_3318 = arith.andi %shift_right_arithmetic3A_3315, %and3A_3317 : vector<1x8192xi32>
    %eq3A_3319 = arith.constant 1 : i32
    %eq3A_3320 = vector.broadcast %eq3A_3319 : i32 to vector<1x8192xi32>
    %eq3A_3321 = arith.cmpi eq, %and3A_3318, %eq3A_3320 : vector<1x8192xi32>
    %xor3A_3322 = arith.xori %or3A_3312, %eq3A_3305 : vector<1x8192xi1>
    %xor3A_3323 = arith.xori %xor3A_3322, %eq3A_3321 : vector<1x8192xi1>
    %select_n3A_3324 = arith.select %xor3A_3323, %select_n3A_3287, %select_n3A_3306 : vector<1x8192xi1>, vector<1x8192xi32>
    %select_n3A_3325 = arith.select %xor3A_3323, %select_n3A_3288, %select_n3A_3307 : vector<1x8192xi1>, vector<1x8192xi32>
    %roll3A_3326 = arith.constant 8191 : i32
    %roll3A_3327 = tpu.dynamic_rotate %select_n3A_3324 by %roll3A_3326 dim 1 : vector<1x8192xi32>, i32 -> vector<1x8192xi32>
    %roll3A_3328 = arith.constant 1 : i32
    %roll3A_3329 = tpu.dynamic_rotate %select_n3A_3324 by %roll3A_3328 dim 1 : vector<1x8192xi32>, i32 -> vector<1x8192xi32>
    %roll3A_3330 = arith.constant 8191 : i32
    %roll3A_3331 = tpu.dynamic_rotate %select_n3A_3325 by %roll3A_3330 dim 1 : vector<1x8192xi32>, i32 -> vector<1x8192xi32>
    %roll3A_3332 = arith.constant 1 : i32
    %roll3A_3333 = tpu.dynamic_rotate %select_n3A_3325 by %roll3A_3332 dim 1 : vector<1x8192xi32>, i32 -> vector<1x8192xi32>
    %shift_right_arithmetic3A_3334 = arith.constant 0 : i32
    %shift_right_arithmetic3A_3335 = vector.broadcast %shift_right_arithmetic3A_3334 : i32 to vector<1x8192xi32>
    %shift_right_arithmetic3A_3336 = arith.shrsi %iota3A_4, %shift_right_arithmetic3A_3335 : vector<1x8192xi32>
    %and3A_3337 = arith.constant 1 : i32
    %and3A_3338 = vector.broadcast %and3A_3337 : i32 to vector<1x8192xi32>
    %and3A_3339 = arith.andi %shift_right_arithmetic3A_3336, %and3A_3338 : vector<1x8192xi32>
    %eq3A_3340 = arith.constant 1 : i32
    %eq3A_3341 = vector.broadcast %eq3A_3340 : i32 to vector<1x8192xi32>
    %eq3A_3342 = arith.cmpi eq, %and3A_3339, %eq3A_3341 : vector<1x8192xi32>
    %select_n3A_3343 = arith.select %eq3A_3342, %roll3A_3329, %roll3A_3327 : vector<1x8192xi1>, vector<1x8192xi32>
    %select_n3A_3344 = arith.select %eq3A_3342, %roll3A_3333, %roll3A_3331 : vector<1x8192xi1>, vector<1x8192xi32>
    %gt3A_3345 = arith.cmpi sgt, %select_n3A_3324, %select_n3A_3343 : vector<1x8192xi32>
    %eq3A_3346 = arith.cmpi eq, %select_n3A_3324, %select_n3A_3343 : vector<1x8192xi32>
    %lt3A_3347 = arith.cmpi slt, %select_n3A_3325, %select_n3A_3344 : vector<1x8192xi32>
    %and3A_3348 = arith.andi %eq3A_3346, %lt3A_3347 : vector<1x8192xi1>
    %or3A_3349 = arith.ori %gt3A_3345, %and3A_3348 : vector<1x8192xi1>
    %shift_right_arithmetic3A_3350 = arith.constant 13 : i32
    %shift_right_arithmetic3A_3351 = vector.broadcast %shift_right_arithmetic3A_3350 : i32 to vector<1x8192xi32>
    %shift_right_arithmetic3A_3352 = arith.shrsi %iota3A_4, %shift_right_arithmetic3A_3351 : vector<1x8192xi32>
    %and3A_3353 = arith.constant 1 : i32
    %and3A_3354 = vector.broadcast %and3A_3353 : i32 to vector<1x8192xi32>
    %and3A_3355 = arith.andi %shift_right_arithmetic3A_3352, %and3A_3354 : vector<1x8192xi32>
    %eq3A_3356 = arith.constant 1 : i32
    %eq3A_3357 = vector.broadcast %eq3A_3356 : i32 to vector<1x8192xi32>
    %eq3A_3358 = arith.cmpi eq, %and3A_3355, %eq3A_3357 : vector<1x8192xi32>
    %xor3A_3359 = arith.xori %or3A_3349, %eq3A_3342 : vector<1x8192xi1>
    %xor3A_3360 = arith.xori %xor3A_3359, %eq3A_3358 : vector<1x8192xi1>
    %select_n3A_3361 = arith.select %xor3A_3360, %select_n3A_3325, %select_n3A_3344 : vector<1x8192xi1>, vector<1x8192xi32>
    %swap3A = arith.constant 0 : index
    %swap3A_3362 = arith.constant 0 : index
    %swap3A_3363 = arith.constant 0 : index
    %swap3A_3364 = vector.load %arg2[%swap3A, %swap3A_3362, %swap3A_3363] : memref<1x1x8192xi32, #tpu.memory_space<vmem>>, vector<1x1x8192xi32>
    %swap3A_3365 = vector.shape_cast %swap3A_3364 : vector<1x1x8192xi32> to vector<1x8192xi32>
    %swap3A_3366 = vector.shape_cast %select_n3A_3361 : vector<1x8192xi32> to vector<1x1x8192xi32>
    tpu.vector_store %arg2[%swap3A, %swap3A_3362, %swap3A_3363], %swap3A_3366 {strides = array<i32>} : memref<1x1x8192xi32, #tpu.memory_space<vmem>>, vector<1x1x8192xi32>,
    return
  }
  func.func @transform_0(%arg0: i32) -> (i32, i32, i32) {
    %c0_i32 = arith.constant 0 : i32
    %c0_i32_0 = arith.constant 0 : i32
    %c0_i32_1 = arith.constant 0 : i32
    return %arg0, %c0_i32, %c0_i32_0 : i32, i32, i32
  }
  func.func @transform_1(%arg0: i32) -> (i32, i32, i32) {
    %c0_i32 = arith.constant 0 : i32
    %c0_i32_0 = arith.constant 0 : i32
    %c0_i32_1 = arith.constant 0 : i32
    return %arg0, %c0_i32, %c0_i32_0 : i32, i32, i32
  }
}

</mosaic_0001>

<sc_bundles>
// kernel: kernel.5.cloned.1.call-start
scs
__scs_entry_jumppad:
0x0: {  	(pc) =	sbr.rel $0x88, $3  }
0x1: {  	(tag) =	ssettag $0x0;
	lr =	simm.s32 $0x1  }
0x2: {  	[smem:$0x3F99] =	sst lr;
	_ =	strace $0xD0000000  }
0x3: {  	_ = 	snop  }
0x4: {  	_ = 	snop  }
0x5: {  	_ = 	snop  }
0x6: {  	_ = 	snop  }
0x7: {  	_ = 	snop  }
__scs_overlays_trampoline_lowered:
0x8: {  	[smem:$0x3FA8] =	sst s0  }
0x9: {  	[smem:$0x3FA9] =	sst s1  }
0xa: {  	[smem:$0x3FAA] =	sst s2  }
0xb: {  	[smem:$0x3FAB] =	sst s3  }
0xc: {  	[smem:$0x3FAC] =	sst s4  }
0xd: {  	[smem:$0x3FAD] =	sst s5  }
0xe: {  	[smem:$0x3FAE] =	sst s6  }
0xf: {  	[smem:$0x3FAF] =	sst s7  }
0x10: {  	[smem:$0x3FB0] =	sst s8  }
0x11: {  	[smem:$0x3FB1] =	sst s9;
	s0 =	simm.s32 @!p0 $0x0  }
0x12: {  	s1 =	sld [smem:$0x3F97];
	s0 =	simm.s32 @p0 $0x1  }
0x13: {  	[smem:$0x3FB2] =	sst s0;
	s0 =	simm.s32 @!p1 $0x0  }
0x14: {  	s2 =	sld [smem:$0x3F96];
	s0 =	simm.s32 @p1 $0x1  }
0x15: {  	[smem:$0x3FB3] =	sst s0;
	s0 =	simm.s32 @!p2 $0x0  }
0x16: {  	s3 =	sld [smem:$0x3FDB];
	s0 =	simm.s32 @p2 $0x1  }
0x17: {  	s4 =	simm.s32 $0x1BF5;
	[smem:$0x3FB5] =	sst s0  }
0x18: {  	s0 =	sld [smem:$0x3F98];
	_ =	swait.ge [sflag:s4], $0x0  }
0x19: {  	s7 =	sld [smem:$0x3F99]  }
0x1a: {  	s8 =	sadd.s32 $0xFFFFE003, lr  }
0x1b: {  	s9 =	sadd.s32 $0xFFFFFEF7, lr;
	s5 =	simm.s32 $0xFFFFFFFF;
	p2 =	slt.u32 s8, $0xFFFFF086  }
0x1c: {  	p1 =	slt.u32 s9, $0xF7A;
	s5 =	simm.s32 @!p2 $0x0  }
0x1d: {  	s5 =	simm.s32 @p1 $0x1;
	p0 =	seq.s32 s7, s2  }
0x1e: {  	s7 =	smul.u32 @!p0 $0xF7A, s2;
	p2 =	seq.s32 @!p0 s5, $0x0  }
0x1f: {  	s9 =	smul.u32 $0xF7A, s1;
	s8 =	simm.s32 @!p0 $0x1BF5;
	p2 =	por !p2, p0  }
0x20: {  	[sflag:s8] =	ssyncset.s32 @!p0 $0xFFFFF086;
	s6 =	sadd.s32 @!p0 s3, s7;
	s7 =	simm.s32 @!p0 $0x108  }
0x21: {  	s3 =	sadd.s32 s3, s9;
	s6 =	sadd.s32 @!p0 $0x88, s6;
	s7 =	simm.s32 @p2 $0x1082  }
0x22: {  	[simem:s7], [sflag:s8] =	dma.local @!p0 [hbm:s6], $0xF7A  }
0x23: {  	s9 =	sor.u32 $0xD0000000, s2;
	s6 =	simm.s32 $0x108;
	_ =	swait.ge @!p0 [sflag:s8], $0x0  }
0x24: {  	s3 =	sadd.s32 $0x88, s3;
	s6 =	simm.s32 @!p1 $0x1082;
	[sflag:s4] =	ssyncset.s32 $0xFFFFF086  }
0x25: {  	[simem:s6], [sflag:s4] =	dma.local [hbm:s3], $0xF7A  }
0x26: {  	[smem:$0x3F99] =	sst s1;
	(tag) =	ssettag s2;
	_ =	strace s9  }
0x27: {  	s1 =	sld [smem:$0x3FA9]  }
0x28: {  	s2 =	sld [smem:$0x3FAA]  }
0x29: {  	s4 =	sld [smem:$0x3FAC]  }
0x2a: {  	p0 =	seq.s32 s5, $0x0;
	s5 =	sld [smem:$0x3FAD]  }
0x2b: {  	s6 =	sld [smem:$0x3FAE]  }
0x2c: {  	s7 =	sld [smem:$0x3FAF]  }
0x2d: {  	s3 =	simm.s32 $0x108;
	s8 =	sld [smem:$0x3FB0]  }
0x2e: {  	s3 =	simm.s32 @!p0 $0x1082;
	s9 =	sld [smem:$0x3FB1]  }
0x2f: {  	lr =	sadd.s32 s0, s3;
	s0 =	sld [smem:$0x3FA8]  }
0x30: {  	s3 =	sld [smem:$0x3FAB]  }
0x31: {  	[smem:$0x3FB4] =	sst s10  }
0x32: {  	s10 =	sld [smem:$0x3FB2];
	_ =	sdelay $0x3  }
0x33: {  	p0 =	seq.s32 s10, $0x1;
	s10 =	sld [smem:$0x3FB4];
	_ =	sdelay $0x3  }
0x34: {  	[smem:$0x3FB4] =	sst s10  }
0x35: {  	s10 =	sld [smem:$0x3FB3];
	_ =	sdelay $0x3  }
0x36: {  	p1 =	seq.s32 s10, $0x1;
	s10 =	sld [smem:$0x3FB4];
	_ =	sdelay $0x3  }
0x37: {  	[smem:$0x3FB4] =	sst s10  }
0x38: {  	s10 =	sld [smem:$0x3FB5]  }
0x39: {  	_ = 	snop;
	(pc) =	sbr.ind lr, $3  }
0x3a: {  	_ = 	snop  }
0x3b: {  	_ = 	snop  }
0x3c: {  	p2 =	seq.s32 s10, $0x1;
	s10 =	sld [smem:$0x3FB4]  }
0x3d: {  	_ =	shalt  }
0x3e: {  	_ =	shalt  }
0x3f: {  	_ =	shalt  }
0x40: {  	_ =	shalt  }
0x41: {  	_ =	shalt  }
0x42: {  	_ =	shalt  }
0x43: {  	_ =	shalt  }
0x44: {  	_ =	shalt  }
0x45: {  	_ =	shalt  }
0x46: {  	_ =	shalt  }
0x47: {  	_ =	shalt  }
0x48: {  	_ =	shalt  }
0x49: {  	_ =	shalt  }
0x4a: {  	_ =	shalt  }
0x4b: {  	_ =	shalt  }
0x4c: {  	_ =	shalt  }
0x4d: {  	_ =	shalt  }
0x4e: {  	_ =	shalt  }
0x4f: {  	_ =	shalt  }
0x50: {  	_ =	shalt  }
0x51: {  	_ =	shalt  }
0x52: {  	_ =	shalt  }
0x53: {  	_ =	shalt  }
0x54: {  	_ =	shalt  }
0x55: {  	_ =	shalt  }
0x56: {  	_ =	shalt  }
0x57: {  	_ =	shalt  }
0x58: {  	_ =	shalt  }
0x59: {  	_ =	shalt  }
0x5a: {  	_ =	shalt  }
0x5b: {  	_ =	shalt  }
0x5c: {  	_ =	shalt  }
0x5d: {  	_ =	shalt  }
0x5e: {  	_ =	shalt  }
0x5f: {  	_ =	shalt  }
0x60: {  	_ =	shalt  }
0x61: {  	_ =	shalt  }
0x62: {  	_ =	shalt  }
0x63: {  	_ =	shalt  }
0x64: {  	_ =	shalt  }
0x65: {  	_ =	shalt  }
0x66: {  	_ =	shalt  }
0x67: {  	_ =	shalt  }
0x68: {  	_ =	shalt  }
0x69: {  	_ =	shalt  }
0x6a: {  	_ =	shalt  }
0x6b: {  	_ =	shalt  }
0x6c: {  	_ =	shalt  }
0x6d: {  	_ =	shalt  }
0x6e: {  	_ =	shalt  }
0x6f: {  	_ =	shalt  }
0x70: {  	_ =	shalt  }
0x71: {  	_ =	shalt  }
0x72: {  	_ =	shalt  }
0x73: {  	_ =	shalt  }
0x74: {  	_ =	shalt  }
0x75: {  	_ =	shalt  }
0x76: {  	_ =	shalt  }
0x77: {  	_ =	shalt  }
0x78: {  	_ =	shalt  }
0x79: {  	_ =	shalt  }
0x7a: {  	_ =	shalt  }
0x7b: {  	_ =	shalt  }
0x7c: {  	_ =	shalt  }
0x7d: {  	_ =	shalt  }
0x7e: {  	_ =	shalt  }
0x7f: {  	_ =	shalt  }
0x80: {  	_ =	shalt  }
0x81: {  	_ =	shalt  }
0x82: {  	_ =	shalt  }
0x83: {  	_ =	shalt  }
0x84: {  	_ =	shalt  }
0x85: {  	_ =	shalt  }
0x86: {  	_ =	shalt  }
0x87: {  	_ =	shalt  }
.Lfunc_end0:
.L_simem_size_0:
called_computation_lowered:
.L_overlay_start_0:
0x88: {  	s2 =	sld [smem:$0x3FD9]  }
0x89: {  	s3 =	sld [smem:$0x3FFE];
	_ =	sdelay $0x1  }
0x8a: {  	s1 =	srdreg.scid  }
0x8b: {  	s0 =	sand.u32 $0x1, s1  }
0x8c: {  	s14 =	sshll.u32 s0, $0xA;
	s2 =	sadd.s32 s3, s2  }
0x8d: {  	s2 =	sadd.s32 s2, s14  }
0x8e: {  	[smem:$0x3FC0] =	sst s2  }
0x8f: {  	_ = 	snop  }
0x90: {  	s2 =	sld [smem:$0x3FD0];
	_ =	sdelay $0x1  }
0x91: {  	s15 =	sld [smem:$0x3FC9]  }
0x92: {  	s5 =	simm.s32 $0xA;
	s6 =	simm.s32 $0x10;
	s4 =	sld [smem:$0x3FC8]  }
0x93: {  	[smem:s6], [sflag:s5] =	dma.local [hbm:s2], $0x1  }
0x94: {  	_ =	swait.eq [sflag:s5], $0x1  }
0x95: {  	[sflag:s5] =	ssyncset.done $0x0  }
0x96: {  	s16 =	sld [smem:$0x10];
	[sflag:s5] =	ssyncadd.s32 $0xFFFFFFFF  }
0x97: {  	s17 =	sld [smem:$0x11];
	(tm) =	ssettm $0x1  }
0x98: {  	s18 =	sld [smem:$0x3FFB];
	_ =	sdelay $0x3  }
0x99: {  	_ =	strace s18  }
0x9a: {  	s6 =	sld [smem:$0x3FFC];
	_ =	sdelay $0x3  }
0x9b: {  	_ =	strace s6  }
0x9c: {  	s6 =	sld [smem:$0x3FFD];
	_ =	sdelay $0x3  }
0x9d: {  	_ =	strace s6  }
0x9e: {  	_ =	strace $0x8FFFFFFF  }
0x9f: {  	s19 =	sld [smem:$0x3FDB];
	_ =	sdelay $0x1  }
0xa0: {  	s7 =	simm.s32 $_scs_section_size  }
0xa1: {  	s8 =	simm.s32 $_size__tile_overlayer_lowered;
	s9 =	simm.s32 $_tile_overlayer_lowered  }
0xa2: {  	s22 =	simm.s32 $0x1BFF;
	s21 =	sshll.u32 s9, $0x1;
	s6 =	sadd.s32 s7, s19  }
0xa3: {  	s10 =	simm.s32 $0x0;
	s20 =	sshll.u32 s8, $0x1;
	s8 =	sadd.s32 s21, s6  }
0xa4: {  	[timem:s10], [sflag:s22] =	dma.local [hbm:s8], s20  }
0xa5: {  	_ =	swait.ge [sflag:s22], s20  }
0xa6: {  	s7 =	ssub.s32 $0x0, s20;
	[sflag:s22] =	ssyncset.done $0x0  }
0xa7: {  	[sflag:s22] =	ssyncadd.s32 s7;
	_ =	sdelay $0x1  }
0xa8: {  	s23 =	simm.s32 $0x1B8B  }
0xa9: {  	_ =	swait.ge [sflag:s23], $0x1  }
0xaa: {  	[sflag:s23] =	ssyncset.done $0x0  }
0xab: {  	s25 =	simm.s32 $0x1B8E;
	s24 =	sld [smem:$0x3FFE];
	[sflag:s23] =	ssyncadd.s32 $0xFFFFFFFF  }
0xac: {  	s26 =	simm.s32 $execute0_lowered;
	[smem:$0x3FD2] =	sst s25  }
0xad: {  	s8 =	sshll.u32 s26, $0x1;
	_ =	strace $0x80000046;
	[dreg:$0x1] =	wrdreg $0xFFFFFFFF  }
0xae: {  	s28 =	simm.s32 $_size_execute0_lowered;
	s6 =	sadd.s32 s6, s8;
	[dreg:$0x0] =	wrdreg $0x0  }
0xaf: {  	s8 =	sshll.u32 s28, $0x1;
	[dreg:$0x2] =	wrdreg s6  }
0xb0: {  	[dreg:$0x3] =	wrdreg s8  }
0xb1: {  	[dreg:$0x4] =	wrdreg $0xC0  }
0xb2: {  	_ =	task [dreg:s10], $0x5FFFF  }
0xb3: {  	[dreg:$0x1] =	wrdreg $0xFFFFFFFF  }
0xb4: {  	[dreg:$0x0] =	wrdreg $0x60  }
0xb5: {  	[dreg:$0x2] =	wrdreg s15  }
0xb6: {  	[dreg:$0x3] =	wrdreg s4  }
0xb7: {  	[dreg:$0x4] =	wrdreg s24  }
0xb8: {  	[dreg:$0x5] =	wrdreg s16  }
0xb9: {  	[dreg:$0x6] =	wrdreg s17  }
0xba: {  	[dreg:$0x7] =	wrdreg $0x9  }
0xbb: {  	_ =	task.clear_ibuf [dreg:s10], $0x8FFFF;
	_ =	strace $0x90000046  }
0xbc: {  	s29 =	simm.s32 $0x9;
	_ =	strace $0x80000048  }
0xbd: {  	_ =	swait.ge [sflag:s29], $0x1  }
0xbe: {  	[sflag:s29] =	ssyncadd.s32 $0xFFFFFFFF  }
0xbf: {  	_ =	strace $0x90000048  }
0xc0: {  	_ =	sfence  }
0xc1: {  	s30 =	sld [smem:$0x0];
	_ =	sdelay $0x2  }
0xc2: {  	s31 =	sshll.u32 s1, $0xD;
	s1 =	sshrl.u32 s1, $0x2  }
0xc3: {  	s3 =	sand.u32 $0x4000, s31;
	s1 =	sadd.s32 s1, s30  }
0xc4: {  	s0 =	sor.u32 s3, s0;
	s1 =	sshll.u32 s1, $0x11  }
0xc5: {  	s0 =	sor.u32 s1, s0  }
0xc6: {  	s0 =	sadd.s32 $0x8F2B, s0  }
0xc7: {  	[sflag:s0] =	ssyncadd.remote.s32 $0x1  }
0xc8: {  	_ =	sfence.sel $0xFFFF  }
0xc9: {  	[dreg:$0x0] =	wrdreg $0xFFFFFFFF;
	(pc) =	sbr.abs _section_cstart, $3  }
0xca: {  	[dreg:$0x1] =	wrdreg $0xFFFFFFFF  }
0xcb: {  	_ =	task.clear_ibuf [dreg:s10], $0x2FFFF;
	_ =	strace $0x9FFFFFFF  }
0xcc: {  	(tm) =	ssettm $0x7FFFFFFF  }
0xcd: {  	_ =	shalt  }
tec
execute0_lowered:
.L_overlay_start_1:
0x0: {  	(tag) =	ssettag $0x1  }
0x1: {  	s0 =	rddreg [dreg:$0x0]  }
0x2: {  	s2 =	rddreg [dreg:$0x1]  }
0x3: {  	s1 =	rddreg [dreg:$0x2]  }
0x4: {  	s3 =	srdreg.scid;
	s5 =	rddreg [dreg:$0x3]  }
0x5: {  	s4 =	stileid.u32;
	s7 =	rddreg [dreg:$0x4]  }
0x6: {  	s30 =	simm.s32 $0x200;
	s17 =	simm.s32 $0x1;
	s3 =	sand.u32 $0x1, s3  }
0x7: {  	s6 =	sshll.u32 s4, $0x7;
	s4 =	simm.s32 $0x0;
	s8 =	sshll.u32 s3, $0x6  }
0x8: {  	[smem:$0x7FF] =	sst s4;
	s3 =	ssub.s32 $0x2, s3;
	s6 =	sor.u32 s8, s6  }
0x9: {  	_ =	strace $0x80000047;
	s25 =	sshrl.u32 s3, $0x1;
	s8 =	smul.u32 $0x300, s6  }
0xa: {  	s1 =	sadd.s32 s1, s6;
	s6 =	smul.u32 $0x1800, s6;
	s3 =	ssub.s32 s3, s25  }
0xb: {  	[dreg:$0x6] =	wrdreg s1;
	s1 =	smax.u32 s3, $0x1;
	s21 =	sadd.s32 s5, s8  }
0xc: {  	s9 =	sor.u32 $0x3000, s8;
	s26 =	sadd.s32 s7, s8;
	[dreg:$0x7] =	wrdreg s21  }
0xd: {  	s6 =	sshrl.u32 s6, $0x3;
	s22 =	sadd.s32 s5, s9;
	[dreg:$0xb] =	wrdreg s26  }
0xe: {  	s10 =	sadd.s32 $0x6000, s6;
	s28 =	sadd.s32 s7, s9;
	[dreg:$0x8] =	wrdreg s22  }
0xf: {  	s11 =	sadd.s32 $0x9000, s6;
	s23 =	sadd.s32 s5, s10;
	[dreg:$0xc] =	wrdreg s28  }
0x10: {  	s8 =	sadd.s32 $0x200, s2;
	s24 =	sadd.s32 s5, s11;
	[dreg:$0x9] =	wrdreg s23  }
0x11: {  	v2 =	vlaneseq.u32;
	s6 =	sadd.s32 $0x200, s0;
	s29 =	sadd.s32 s7, s10;
	[dreg:$0xa] =	wrdreg s24  }
0x12: {  	vm0 =	vmmov $0xffff;
	v1 =	vshrl.u32 v2, $0x3;
	s5 =	sadd.s32 $0x100, s0;
	s31 =	sadd.s32 s7, s11;
	[dreg:$0xd] =	wrdreg s29  }
0x13: {  	v0 =	vand.u32 $0x7, v2;
	v2 =	vor.u32 $0x8, v2;
	v1 =	vmul.u32 $0x8, v1;
	s7 =	sadd.s32 $0x100, s2;
	s10 =	simm.s32 $0x2;
	[dreg:$0xe] =	wrdreg s31  }
.LBB2_1:
0x14: {  	[dreg:$0xf] =	wrdreg s1  }
0x15: {  	s18 =	rddreg [dreg:$0x6]  }
0x16: {  	[tilespmem:s4], [sflag:$0x2] =	stream.linear.gather [hbm4b:s18+s4], $0x200, $0x38;
	[tilespmem:$0x18200] =	vst v63  }
0x17: {  	_ =	swait.ge [sflag:s10], $0x200  }
0x18: {  	[sflag:s10] =	ssyncset.done $0x0  }
0x19: {  	[sflag:s10] =	ssyncadd.s32 $0xFFFFFE00  }
0x1a: {  	v3 =	vld [tilespmem:$0x0];
	_ =	sdelay $0x4  }
0x1b: {  	v4 =	vshrl.u32 v3, $0x3  }
0x1c: {  	v4 =	vmul.u32 $0x30, v4  }
0x1d: {  	v3 =	vand.u32 $0x7, v3  }
0x1e: {  	v3 =	vor.u32 v3, v4  }
0x1f: {  	v4 =	vperm.xlane v3, v0;
	_ =	sdelay $0x1  }
0x20: {  	v4 =	vadd.s32 v1, v4;
	_ =	sdelay $0x3  }
0x21: {  	v3 =	vperm.xlane v3, v2  }
0x22: {  	[tilespmem:s30], [sflag:$0x1] =	stream.indirect_vreg.gather [hbm4b:s0+s4], $0x80, v4, vm0, $0xb8;
	[tilespmem:$0x18200] =	vst v63  }
0x23: {  	s26 =	simm.s32 $0xA00;
	v3 =	vadd.s32 v1, v3  }
0x24: {  	[tilespmem:s26], [sflag:$0x1] =	stream.indirect_vreg.gather [hbm4b:s5+s4], $0x80, v4, vm0, $0xb8;
	[tilespmem:$0x18200] =	vst v63  }
0x25: {  	s28 =	simm.s32 $0x1200  }
0x26: {  	[tilespmem:s28], [sflag:$0x1] =	stream.indirect_vreg.gather [hbm4b:s6+s4], $0x80, v4, vm0, $0xb8;
	[tilespmem:$0x18200] =	vst v63  }
0x27: {  	s29 =	simm.s32 $0x1A00  }
0x28: {  	[tilespmem:s29], [sflag:$0x1] =	stream.indirect_vreg.gather [hbm4b:s0+s4], $0x80, v3, vm0, $0xb8;
	[tilespmem:$0x18200] =	vst v63  }
0x29: {  	s31 =	simm.s32 $0x2200  }
0x2a: {  	[tilespmem:s31], [sflag:$0x1] =	stream.indirect_vreg.gather [hbm4b:s5+s4], $0x80, v3, vm0, $0xb8;
	[tilespmem:$0x18200] =	vst v63  }
0x2b: {  	s9 =	simm.s32 $0x2A00  }
0x2c: {  	[tilespmem:s9], [sflag:$0x1] =	stream.indirect_vreg.gather [hbm4b:s6+s4], $0x80, v3, vm0, $0xb8;
	[tilespmem:$0x18200] =	vst v63  }
0x2d: {  	v3 =	vld [tilespmem:$0x10];
	_ =	sdelay $0x4  }
0x2e: {  	v57 =	vshrl.u32 v3, $0x3  }
0x2f: {  	v4 =	vmul.u32 $0x30, v57  }
0x30: {  	v3 =	vand.u32 $0x7, v3  }
0x31: {  	v3 =	vor.u32 v3, v4  }
0x32: {  	v4 =	vperm.xlane v3, v0;
	_ =	sdelay $0x1  }
0x33: {  	v4 =	vadd.s32 v1, v4;
	_ =	sdelay $0x3  }
0x34: {  	s11 =	simm.s32 $0x3200;
	v3 =	vperm.xlane v3, v2  }
0x35: {  	[tilespmem:s11], [sflag:$0x1] =	stream.indirect_vreg.gather [hbm4b:s0+s4], $0x80, v4, vm0, $0xb8;
	[tilespmem:$0x18200] =	vst v63  }
0x36: {  	s12 =	simm.s32 $0x3A00;
	v3 =	vadd.s32 v1, v3  }
0x37: {  	[tilespmem:s12], [sflag:$0x1] =	stream.indirect_vreg.gather [hbm4b:s5+s4], $0x80, v4, vm0, $0xb8;
	[tilespmem:$0x18200] =	vst v63  }
0x38: {  	s15 =	simm.s32 $0x4200  }
0x39: {  	[tilespmem:s15], [sflag:$0x1] =	stream.indirect_vreg.gather [hbm4b:s6+s4], $0x80, v4, vm0, $0xb8;
	[tilespmem:$0x18200] =	vst v63  }
0x3a: {  	s16 =	simm.s32 $0x4A00  }
0x3b: {  	[tilespmem:s16], [sflag:$0x1] =	stream.indirect_vreg.gather [hbm4b:s0+s4], $0x80, v3, vm0, $0xb8;
	[tilespmem:$0x18200] =	vst v63  }
0x3c: {  	s18 =	simm.s32 $0x5200  }
0x3d: {  	[tilespmem:s18], [sflag:$0x1] =	stream.indirect_vreg.gather [hbm4b:s5+s4], $0x80, v3, vm0, $0xb8;
	[tilespmem:$0x18200] =	vst v63  }
0x3e: {  	s19 =	simm.s32 $0x5A00  }
0x3f: {  	[tilespmem:s19], [sflag:$0x1] =	stream.indirect_vreg.gather [hbm4b:s6+s4], $0x80, v3, vm0, $0xb8;
	[tilespmem:$0x18200] =	vst v63  }
0x40: {  	v3 =	vld [tilespmem:$0x20];
	_ =	sdelay $0x4  }
0x41: {  	v58 =	vshrl.u32 v3, $0x3  }
0x42: {  	v4 =	vmul.u32 $0x30, v58  }
0x43: {  	v3 =	vand.u32 $0x7, v3  }
0x44: {  	v3 =	vor.u32 v3, v4  }
0x45: {  	v4 =	vperm.xlane v3, v0;
	_ =	sdelay $0x1  }
0x46: {  	v4 =	vadd.s32 v1, v4;
	_ =	sdelay $0x3  }
0x47: {  	s20 =	simm.s32 $0x6200;
	v3 =	vperm.xlane v3, v2  }
0x48: {  	[tilespmem:s20], [sflag:$0x1] =	stream.indirect_vreg.gather [hbm4b:s0+s4], $0x80, v4, vm0, $0xb8;
	[tilespmem:$0x18200] =	vst v63  }
0x49: {  	s21 =	simm.s32 $0x6A00;
	v3 =	vadd.s32 v1, v3  }
0x4a: {  	[tilespmem:s21], [sflag:$0x1] =	stream.indirect_vreg.gather [hbm4b:s5+s4], $0x80, v4, vm0, $0xb8;
	[tilespmem:$0x18200] =	vst v63  }
0x4b: {  	s22 =	simm.s32 $0x7200  }
0x4c: {  	[tilespmem:s22], [sflag:$0x1] =	stream.indirect_vreg.gather [hbm4b:s6+s4], $0x80, v4, vm0, $0xb8;
	[tilespmem:$0x18200] =	vst v63  }
0x4d: {  	s23 =	simm.s32 $0x7A00  }
0x4e: {  	[tilespmem:s23], [sflag:$0x1] =	stream.indirect_vreg.gather [hbm4b:s0+s4], $0x80, v3, vm0, $0xb8;
	[tilespmem:$0x18200] =	vst v63  }
0x4f: {  	s24 =	simm.s32 $0x8200  }
0x50: {  	[tilespmem:s24], [sflag:$0x1] =	stream.indirect_vreg.gather [hbm4b:s5+s4], $0x80, v3, vm0, $0xb8;
	[tilespmem:$0x18200] =	vst v63  }
0x51: {  	s25 =	simm.s32 $0x8A00  }
0x52: {  	[tilespmem:s25], [sflag:$0x1] =	stream.indirect_vreg.gather [hbm4b:s6+s4], $0x80, v3, vm0, $0xb8;
	[tilespmem:$0x18200] =	vst v63  }
0x53: {  	v3 =	vld [tilespmem:$0x30];
	_ =	sdelay $0x4  }
0x54: {  	v59 =	vshrl.u32 v3, $0x3  }
0x55: {  	v4 =	vmul.u32 $0x30, v59  }
0x56: {  	v3 =	vand.u32 $0x7, v3  }
0x57: {  	v3 =	vor.u32 v3, v4  }
0x58: {  	v4 =	vperm.xlane v3, v0;
	_ =	sdelay $0x1  }
0x59: {  	v4 =	vadd.s32 v1, v4;
	_ =	sdelay $0x3  }
0x5a: {  	s26 =	simm.s32 $0x9200;
	v3 =	vperm.xlane v3, v2  }
0x5b: {  	[tilespmem:s26], [sflag:$0x1] =	stream.indirect_vreg.gather [hbm4b:s0+s4], $0x80, v4, vm0, $0xb8;
	[tilespmem:$0x18200] =	vst v63  }
0x5c: {  	s28 =	simm.s32 $0x9A00;
	v3 =	vadd.s32 v1, v3  }
0x5d: {  	[tilespmem:s28], [sflag:$0x1] =	stream.indirect_vreg.gather [hbm4b:s5+s4], $0x80, v4, vm0, $0xb8;
	[tilespmem:$0x18200] =	vst v63  }
0x5e: {  	s29 =	simm.s32 $0xA200  }
0x5f: {  	[tilespmem:s29], [sflag:$0x1] =	stream.indirect_vreg.gather [hbm4b:s6+s4], $0x80, v4, vm0, $0xb8;
	[tilespmem:$0x18200] =	vst v63  }
0x60: {  	s1 =	simm.s32 $0xAA00  }
0x61: {  	[tilespmem:s1], [sflag:$0x1] =	stream.indirect_vreg.gather [hbm4b:s0+s4], $0x80, v3, vm0, $0xb8;
	[tilespmem:$0x18200] =	vst v63  }
0x62: {  	s9 =	simm.s32 $0xB200  }
0x63: {  	[tilespmem:s9], [sflag:$0x1] =	stream.indirect_vreg.gather [hbm4b:s5+s4], $0x80, v3, vm0, $0xb8;
	[tilespmem:$0x18200] =	vst v63  }
0x64: {  	s11 =	simm.s32 $0xBA00  }
0x65: {  	[tilespmem:s11], [sflag:$0x1] =	stream.indirect_vreg.gather [hbm4b:s6+s4], $0x80, v3, vm0, $0xb8;
	[tilespmem:$0x18200] =	vst v63  }
0x66: {  	v3 =	vld [tilespmem:$0x40];
	_ =	sdelay $0x4  }
0x67: {  	v60 =	vshrl.u32 v3, $0x3  }
0x68: {  	v4 =	vmul.u32 $0x30, v60  }
0x69: {  	v3 =	vand.u32 $0x7, v3  }
0x6a: {  	v3 =	vor.u32 v3, v4  }
0x6b: {  	v4 =	vperm.xlane v3, v0;
	_ =	sdelay $0x1  }
0x6c: {  	v4 =	vadd.s32 v1, v4;
	_ =	sdelay $0x3  }
0x6d: {  	s12 =	simm.s32 $0xC200;
	v3 =	vperm.xlane v3, v2  }
0x6e: {  	[tilespmem:s12], [sflag:$0x1] =	stream.indirect_vreg.gather [hbm4b:s0+s4], $0x80, v4, vm0, $0xb8;
	[tilespmem:$0x18200] =	vst v63  }
0x6f: {  	s15 =	simm.s32 $0xCA00;
	v3 =	vadd.s32 v1, v3  }
0x70: {  	[tilespmem:s15], [sflag:$0x1] =	stream.indirect_vreg.gather [hbm4b:s5+s4], $0x80, v4, vm0, $0xb8;
	[tilespmem:$0x18200] =	vst v63  }
0x71: {  	s16 =	simm.s32 $0xD200  }
0x72: {  	[tilespmem:s16], [sflag:$0x1] =	stream.indirect_vreg.gather [hbm4b:s6+s4], $0x80, v4, vm0, $0xb8;
	[tilespmem:$0x18200] =	vst v63  }
0x73: {  	s22 =	simm.s32 $0xDA00  }
0x74: {  	[tilespmem:s22], [sflag:$0x1] =	stream.indirect_vreg.gather [hbm4b:s0+s4], $0x80, v3, vm0, $0xb8;
	[tilespmem:$0x18200] =	vst v63  }
0x75: {  	s23 =	simm.s32 $0xE200  }
0x76: {  	[tilespmem:s23], [sflag:$0x1] =	stream.indirect_vreg.gather [hbm4b:s5+s4], $0x80, v3, vm0, $0xb8;
	[tilespmem:$0x18200] =	vst v63  }
0x77: {  	s24 =	simm.s32 $0xEA00  }
0x78: {  	[tilespmem:s24], [sflag:$0x1] =	stream.indirect_vreg.gather [hbm4b:s6+s4], $0x80, v3, vm0, $0xb8;
	[tilespmem:$0x18200] =	vst v63  }
0x79: {  	v3 =	vld [tilespmem:$0x50];
	_ =	sdelay $0x4  }
0x7a: {  	v61 =	vshrl.u32 v3, $0x3  }
0x7b: {  	v4 =	vmul.u32 $0x30, v61  }
0x7c: {  	v3 =	vand.u32 $0x7, v3  }
0x7d: {  	v3 =	vor.u32 v3, v4  }
0x7e: {  	v4 =	vperm.xlane v3, v0;
	_ =	sdelay $0x1  }
0x7f: {  	v4 =	vadd.s32 v1, v4;
	_ =	sdelay $0x3  }
0x80: {  	s25 =	simm.s32 $0xF200;
	v3 =	vperm.xlane v3, v2  }
0x81: {  	[tilespmem:s25], [sflag:$0x1] =	stream.indirect_vreg.gather [hbm4b:s0+s4], $0x80, v4, vm0, $0xb8;
	[tilespmem:$0x18200] =	vst v63  }
0x82: {  	s26 =	simm.s32 $0xFA00;
	v3 =	vadd.s32 v1, v3  }
0x83: {  	[tilespmem:s26], [sflag:$0x1] =	stream.indirect_vreg.gather [hbm4b:s5+s4], $0x80, v4, vm0, $0xb8;
	[tilespmem:$0x18200] =	vst v63  }
0x84: {  	s28 =	simm.s32 $0x10200  }
0x85: {  	[tilespmem:s28], [sflag:$0x1] =	stream.indirect_vreg.gather [hbm4b:s6+s4], $0x80, v4, vm0, $0xb8;
	[tilespmem:$0x18200] =	vst v63  }
0x86: {  	s29 =	simm.s32 $0x10A00  }
0x87: {  	[tilespmem:s29], [sflag:$0x1] =	stream.indirect_vreg.gather [hbm4b:s0+s4], $0x80, v3, vm0, $0xb8;
	[tilespmem:$0x18200] =	vst v63  }
0x88: {  	s1 =	simm.s32 $0x11200  }
0x89: {  	[tilespmem:s1], [sflag:$0x1] =	stream.indirect_vreg.gather [hbm4b:s5+s4], $0x80, v3, vm0, $0xb8;
	[tilespmem:$0x18200] =	vst v63  }
0x8a: {  	s9 =	simm.s32 $0x11A00  }
0x8b: {  	[tilespmem:s9], [sflag:$0x1] =	stream.indirect_vreg.gather [hbm4b:s6+s4], $0x80, v3, vm0, $0xb8;
	[tilespmem:$0x18200] =	vst v63  }
0x8c: {  	v3 =	vld [tilespmem:$0x60];
	_ =	sdelay $0x4  }
0x8d: {  	v62 =	vshrl.u32 v3, $0x3  }
0x8e: {  	v4 =	vmul.u32 $0x30, v62  }
0x8f: {  	v3 =	vand.u32 $0x7, v3  }
0x90: {  	v3 =	vor.u32 v3, v4  }
0x91: {  	v4 =	vperm.xlane v3, v0;
	_ =	sdelay $0x1  }
0x92: {  	v4 =	vadd.s32 v1, v4;
	_ =	sdelay $0x3  }
0x93: {  	s11 =	simm.s32 $0x12200;
	v3 =	vperm.xlane v3, v2  }
0x94: {  	[tilespmem:s11], [sflag:$0x1] =	stream.indirect_vreg.gather [hbm4b:s0+s4], $0x80, v4, vm0, $0xb8;
	[tilespmem:$0x18200] =	vst v63  }
0x95: {  	s12 =	simm.s32 $0x12A00;
	v3 =	vadd.s32 v1, v3  }
0x96: {  	[tilespmem:s12], [sflag:$0x1] =	stream.indirect_vreg.gather [hbm4b:s5+s4], $0x80, v4, vm0, $0xb8;
	[tilespmem:$0x18200] =	vst v63  }
0x97: {  	s15 =	simm.s32 $0x13200  }
0x98: {  	[tilespmem:s15], [sflag:$0x1] =	stream.indirect_vreg.gather [hbm4b:s6+s4], $0x80, v4, vm0, $0xb8;
	[tilespmem:$0x18200] =	vst v63  }
0x99: {  	s16 =	simm.s32 $0x13A00  }
0x9a: {  	[tilespmem:s16], [sflag:$0x1] =	stream.indirect_vreg.gather [hbm4b:s0+s4], $0x80, v3, vm0, $0xb8;
	[tilespmem:$0x18200] =	vst v63  }
0x9b: {  	s26 =	simm.s32 $0x14200  }
0x9c: {  	[tilespmem:s26], [sflag:$0x1] =	stream.indirect_vreg.gather [hbm4b:s5+s4], $0x80, v3, vm0, $0xb8;
	[tilespmem:$0x18200] =	vst v63  }
0x9d: {  	s28 =	simm.s32 $0x14A00  }
0x9e: {  	[tilespmem:s28], [sflag:$0x1] =	stream.indirect_vreg.gather [hbm4b:s6+s4], $0x80, v3, vm0, $0xb8;
	[tilespmem:$0x18200] =	vst v63  }
0x9f: {  	v3 =	vld [tilespmem:$0x70];
	_ =	sdelay $0x4  }
0xa0: {  	v63 =	vshrl.u32 v3, $0x3  }
0xa1: {  	v4 =	vmul.u32 $0x30, v63  }
0xa2: {  	v3 =	vand.u32 $0x7, v3  }
0xa3: {  	v3 =	vor.u32 v3, v4  }
0xa4: {  	v4 =	vperm.xlane v3, v0;
	_ =	sdelay $0x1  }
0xa5: {  	v4 =	vadd.s32 v1, v4;
	_ =	sdelay $0x3  }
0xa6: {  	s29 =	simm.s32 $0x15200;
	v3 =	vperm.xlane v3, v2  }
0xa7: {  	[tilespmem:s29], [sflag:$0x1] =	stream.indirect_vreg.gather [hbm4b:s0+s4], $0x80, v4, vm0, $0xb8;
	[tilespmem:$0x18200] =	vst v63  }
0xa8: {  	s1 =	simm.s32 $0x15A00;
	v3 =	vadd.s32 v1, v3  }
0xa9: {  	[tilespmem:s1], [sflag:$0x1] =	stream.indirect_vreg.gather [hbm4b:s5+s4], $0x80, v4, vm0, $0xb8;
	[tilespmem:$0x18200] =	vst v63  }
0xaa: {  	s9 =	simm.s32 $0x16200  }
0xab: {  	[tilespmem:s9], [sflag:$0x1] =	stream.indirect_vreg.gather [hbm4b:s6+s4], $0x80, v4, vm0, $0xb8;
	[tilespmem:$0x18200] =	vst v63  }
0xac: {  	s11 =	simm.s32 $0x16A00  }
0xad: {  	[tilespmem:s11], [sflag:$0x1] =	stream.indirect_vreg.gather [hbm4b:s0+s4], $0x80, v3, vm0, $0xb8;
	[tilespmem:$0x18200] =	vst v63  }
0xae: {  	s12 =	simm.s32 $0x17200  }
0xaf: {  	[tilespmem:s12], [sflag:$0x1] =	stream.indirect_vreg.gather [hbm4b:s5+s4], $0x80, v3, vm0, $0xb8;
	[tilespmem:$0x18200] =	vst v63  }
0xb0: {  	s15 =	simm.s32 $0x17A00  }
0xb1: {  	[tilespmem:s15], [sflag:$0x1] =	stream.indirect_vreg.gather [hbm4b:s6+s4], $0x80, v3, vm0, $0xb8;
	[tilespmem:$0x18200] =	vst v63  }
0xb2: {  	_ =	swait.ge [sflag:s17], $0x18000  }
0xb3: {  	[sflag:s17] =	ssyncset.done $0x0  }
0xb4: {  	s16 =	rddreg [dreg:$0x7];
	[sflag:s17] =	ssyncadd.s32 $0xFFFE8000  }
0xb5: {  	[hbm4b:s16+s4] =	stream.linear.scatter [tilespmem:s30], [sflag:$0x2], $0x18000, $0x38;
	[tilespmem:$0x18200] =	vst v63  }
0xb6: {  	_ =	swait.ge [sflag:s10], $0x18000  }
0xb7: {  	[sflag:s10] =	ssyncset.done $0x0  }
0xb8: {  	[sflag:s10] =	ssyncadd.s32 $0xFFFE8000  }
0xb9: {  	v3 =	vld [tilespmem:$0x80];
	_ =	sdelay $0x4  }
0xba: {  	v8 =	vshrl.u32 v3, $0x3  }
0xbb: {  	v4 =	vmul.u32 $0x30, v8  }
0xbc: {  	v3 =	vand.u32 $0x7, v3  }
0xbd: {  	v3 =	vor.u32 v3, v4  }
0xbe: {  	v4 =	vperm.xlane v3, v0;
	_ =	sdelay $0x1  }
0xbf: {  	v4 =	vadd.s32 v1, v4;
	_ =	sdelay $0x3  }
0xc0: {  	v3 =	vperm.xlane v3, v2  }
0xc1: {  	[tilespmem:s30], [sflag:$0x1] =	stream.indirect_vreg.gather [hbm4b:s0+s4], $0x80, v4, vm0, $0xb8;
	[tilespmem:$0x18200] =	vst v63  }
0xc2: {  	s3 =	simm.s32 $0xA00;
	v3 =	vadd.s32 v1, v3  }
0xc3: {  	[tilespmem:s3], [sflag:$0x1] =	stream.indirect_vreg.gather [hbm4b:s5+s4], $0x80, v4, vm0, $0xb8;
	[tilespmem:$0x18200] =	vst v63  }
0xc4: {  	s11 =	simm.s32 $0x1200  }
0xc5: {  	[tilespmem:s11], [sflag:$0x1] =	stream.indirect_vreg.gather [hbm4b:s6+s4], $0x80, v4, vm0, $0xb8;
	[tilespmem:$0x18200] =	vst v63  }
0xc6: {  	s9 =	simm.s32 $0x1A00  }
0xc7: {  	[tilespmem:s9], [sflag:$0x1] =	stream.indirect_vreg.gather [hbm4b:s0+s4], $0x80, v3, vm0, $0xb8;
	[tilespmem:$0x18200] =	vst v63  }
0xc8: {  	s12 =	simm.s32 $0x2200  }
0xc9: {  	[tilespmem:s12], [sflag:$0x1] =	stream.indirect_vreg.gather [hbm4b:s5+s4], $0x80, v3, vm0, $0xb8;
	[tilespmem:$0x18200] =	vst v63  }
0xca: {  	s13 =	simm.s32 $0x2A00  }
0xcb: {  	[tilespmem:s13], [sflag:$0x1] =	stream.indirect_vreg.gather [hbm4b:s6+s4], $0x80, v3, vm0, $0xb8;
	[tilespmem:$0x18200] =	vst v63  }
0xcc: {  	v3 =	vld [tilespmem:$0x90];
	_ =	sdelay $0x4  }
0xcd: {  	v9 =	vshrl.u32 v3, $0x3  }
0xce: {  	v4 =	vmul.u32 $0x30, v9  }
0xcf: {  	v3 =	vand.u32 $0x7, v3  }
0xd0: {  	v3 =	vor.u32 v3, v4  }
0xd1: {  	v4 =	vperm.xlane v3, v0;
	_ =	sdelay $0x1  }
0xd2: {  	v4 =	vadd.s32 v1, v4;
	_ =	sdelay $0x3  }
0xd3: {  	s14 =	simm.s32 $0x3200;
	v3 =	vperm.xlane v3, v2  }
0xd4: {  	[tilespmem:s14], [sflag:$0x1] =	stream.indirect_vreg.gather [hbm4b:s0+s4], $0x80, v4, vm0, $0xb8;
	[tilespmem:$0x18200] =	vst v63  }
0xd5: {  	s13 =	simm.s32 $0x3A00;
	v3 =	vadd.s32 v1, v3  }
0xd6: {  	[tilespmem:s13], [sflag:$0x1] =	stream.indirect_vreg.gather [hbm4b:s5+s4], $0x80, v4, vm0, $0xb8;
	[tilespmem:$0x18200] =	vst v63  }
0xd7: {  	s14 =	simm.s32 $0x4200  }
0xd8: {  	[tilespmem:s14], [sflag:$0x1] =	stream.indirect_vreg.gather [hbm4b:s6+s4], $0x80, v4, vm0, $0xb8;
	[tilespmem:$0x18200] =	vst v63  }
0xd9: {  	s15 =	simm.s32 $0x4A00  }
0xda: {  	[tilespmem:s15], [sflag:$0x1] =	stream.indirect_vreg.gather [hbm4b:s0+s4], $0x80, v3, vm0, $0xb8;
	[tilespmem:$0x18200] =	vst v63  }
0xdb: {  	s16 =	simm.s32 $0x5200  }
0xdc: {  	[tilespmem:s16], [sflag:$0x1] =	stream.indirect_vreg.gather [hbm4b:s5+s4], $0x80, v3, vm0, $0xb8;
	[tilespmem:$0x18200] =	vst v63  }
0xdd: {  	s19 =	simm.s32 $0x5A00  }
0xde: {  	[tilespmem:s19], [sflag:$0x1] =	stream.indirect_vreg.gather [hbm4b:s6+s4], $0x80, v3, vm0, $0xb8;
	[tilespmem:$0x18200] =	vst v63  }
0xdf: {  	v3 =	vld [tilespmem:$0xA0];
	_ =	sdelay $0x4  }
0xe0: {  	v10 =	vshrl.u32 v3, $0x3  }
0xe1: {  	v4 =	vmul.u32 $0x30, v10  }
0xe2: {  	v3 =	vand.u32 $0x7, v3  }
0xe3: {  	v3 =	vor.u32 v3, v4  }
0xe4: {  	v4 =	vperm.xlane v3, v0;
	_ =	sdelay $0x1  }
0xe5: {  	v4 =	vadd.s32 v1, v4;
	_ =	sdelay $0x3  }
0xe6: {  	s20 =	simm.s32 $0x6200;
	v3 =	vperm.xlane v3, v2  }
0xe7: {  	[tilespmem:s20], [sflag:$0x1] =	stream.indirect_vreg.gather [hbm4b:s0+s4], $0x80, v4, vm0, $0xb8;
	[tilespmem:$0x18200] =	vst v63  }
0xe8: {  	s31 =	simm.s32 $0x6A00;
	v3 =	vadd.s32 v1, v3  }
0xe9: {  	[tilespmem:s31], [sflag:$0x1] =	stream.indirect_vreg.gather [hbm4b:s5+s4], $0x80, v4, vm0, $0xb8;
	[tilespmem:$0x18200] =	vst v63  }
0xea: {  	s31 =	simm.s32 $0x7200  }
0xeb: {  	[tilespmem:s31], [sflag:$0x1] =	stream.indirect_vreg.gather [hbm4b:s6+s4], $0x80, v4, vm0, $0xb8;
	[tilespmem:$0x18200] =	vst v63  }
0xec: {  	s1 =	simm.s32 $0x7A00  }
0xed: {  	[tilespmem:s1], [sflag:$0x1] =	stream.indirect_vreg.gather [hbm4b:s0+s4], $0x80, v3, vm0, $0xb8;
	[tilespmem:$0x18200] =	vst v63  }
0xee: {  	s3 =	simm.s32 $0x8200  }
0xef: {  	[tilespmem:s3], [sflag:$0x1] =	stream.indirect_vreg.gather [hbm4b:s5+s4], $0x80, v3, vm0, $0xb8;
	[tilespmem:$0x18200] =	vst v63  }
0xf0: {  	s19 =	simm.s32 $0x8A00  }
0xf1: {  	[tilespmem:s19], [sflag:$0x1] =	stream.indirect_vreg.gather [hbm4b:s6+s4], $0x80, v3, vm0, $0xb8;
	[tilespmem:$0x18200] =	vst v63  }
0xf2: {  	v3 =	vld [tilespmem:$0xB0];
	_ =	sdelay $0x4  }
0xf3: {  	v11 =	vshrl.u32 v3, $0x3  }
0xf4: {  	v4 =	vmul.u32 $0x30, v11  }
0xf5: {  	v3 =	vand.u32 $0x7, v3  }
0xf6: {  	v3 =	vor.u32 v3, v4  }
0xf7: {  	v4 =	vperm.xlane v3, v0;
	_ =	sdelay $0x1  }
0xf8: {  	v4 =	vadd.s32 v1, v4;
	_ =	sdelay $0x3  }
0xf9: {  	s20 =	simm.s32 $0x9200;
	v3 =	vperm.xlane v3, v2  }
0xfa: {  	[tilespmem:s20], [sflag:$0x1] =	stream.indirect_vreg.gather [hbm4b:s0+s4], $0x80, v4, vm0, $0xb8;
	[tilespmem:$0x18200] =	vst v63  }
0xfb: {  	s18 =	simm.s32 $0x9A00;
	v3 =	vadd.s32 v1, v3  }
0xfc: {  	[tilespmem:s18], [sflag:$0x1] =	stream.indirect_vreg.gather [hbm4b:s5+s4], $0x80, v4, vm0, $0xb8;
	[tilespmem:$0x18200] =	vst v63  }
0xfd: {  	s18 =	simm.s32 $0xA200  }
0xfe: {  	[tilespmem:s18], [sflag:$0x1] =	stream.indirect_vreg.gather [hbm4b:s6+s4], $0x80, v4, vm0, $0xb8;
	[tilespmem:$0x18200] =	vst v63  }
0xff: {  	s18 =	simm.s32 $0xAA00  }
0x100: {  	[tilespmem:s18], [sflag:$0x1] =	stream.indirect_vreg.gather [hbm4b:s0+s4], $0x80, v3, vm0, $0xb8;
	[tilespmem:$0x18200] =	vst v63  }
0x101: {  	s18 =	simm.s32 $0xB200  }
0x102: {  	[tilespmem:s18], [sflag:$0x1] =	stream.indirect_vreg.gather [hbm4b:s5+s4], $0x80, v3, vm0, $0xb8;
	[tilespmem:$0x18200] =	vst v63  }
0x103: {  	s18 =	simm.s32 $0xBA00  }
0x104: {  	[tilespmem:s18], [sflag:$0x1] =	stream.indirect_vreg.gather [hbm4b:s6+s4], $0x80, v3, vm0, $0xb8;
	[tilespmem:$0x18200] =	vst v63  }
0x105: {  	v3 =	vld [tilespmem:$0xC0];
	_ =	sdelay $0x4  }
0x106: {  	v12 =	vshrl.u32 v3, $0x3  }
0x107: {  	v4 =	vmul.u32 $0x30, v12  }
0x108: {  	v3 =	vand.u32 $0x7, v3  }
0x109: {  	v3 =	vor.u32 v3, v4  }
0x10a: {  	v4 =	vperm.xlane v3, v0;
	_ =	sdelay $0x1  }
0x10b: {  	v4 =	vadd.s32 v1, v4;
	_ =	sdelay $0x3  }
0x10c: {  	s21 =	simm.s32 $0xC200;
	v3 =	vperm.xlane v3, v2  }
0x10d: {  	[tilespmem:s21], [sflag:$0x1] =	stream.indirect_vreg.gather [hbm4b:s0+s4], $0x80, v4, vm0, $0xb8;
	[tilespmem:$0x18200] =	vst v63  }
0x10e: {  	v3 =	vadd.s32 v1, v3;
	s21 =	simm.s32 $0xCA00  }
0x10f: {  	[tilespmem:s21], [sflag:$0x1] =	stream.indirect_vreg.gather [hbm4b:s5+s4], $0x80, v4, vm0, $0xb8;
	[tilespmem:$0x18200] =	vst v63  }
0x110: {  	s18 =	simm.s32 $0xD200  }
0x111: {  	[tilespmem:s18], [sflag:$0x1] =	stream.indirect_vreg.gather [hbm4b:s6+s4], $0x80, v4, vm0, $0xb8;
	[tilespmem:$0x18200] =	vst v63  }
0x112: {  	s18 =	simm.s32 $0xDA00  }
0x113: {  	[tilespmem:s18], [sflag:$0x1] =	stream.indirect_vreg.gather [hbm4b:s0+s4], $0x80, v3, vm0, $0xb8;
	[tilespmem:$0x18200] =	vst v63  }
0x114: {  	s18 =	simm.s32 $0xE200  }
0x115: {  	[tilespmem:s18], [sflag:$0x1] =	stream.indirect_vreg.gather [hbm4b:s5+s4], $0x80, v3, vm0, $0xb8;
	[tilespmem:$0x18200] =	vst v63  }
0x116: {  	s22 =	simm.s32 $0xEA00  }
0x117: {  	[tilespmem:s22], [sflag:$0x1] =	stream.indirect_vreg.gather [hbm4b:s6+s4], $0x80, v3, vm0, $0xb8;
	[tilespmem:$0x18200] =	vst v63  }
0x118: {  	v3 =	vld [tilespmem:$0xD0];
	_ =	sdelay $0x4  }
0x119: {  	v13 =	vshrl.u32 v3, $0x3  }
0x11a: {  	v4 =	vmul.u32 $0x30, v13  }
0x11b: {  	v3 =	vand.u32 $0x7, v3  }
0x11c: {  	v3 =	vor.u32 v3, v4  }
0x11d: {  	v4 =	vperm.xlane v3, v0;
	_ =	sdelay $0x1  }
0x11e: {  	v4 =	vadd.s32 v1, v4;
	_ =	sdelay $0x3  }
0x11f: {  	s23 =	simm.s32 $0xF200;
	v3 =	vperm.xlane v3, v2  }
0x120: {  	[tilespmem:s23], [sflag:$0x1] =	stream.indirect_vreg.gather [hbm4b:s0+s4], $0x80, v4, vm0, $0xb8;
	[tilespmem:$0x18200] =	vst v63  }
0x121: {  	s22 =	simm.s32 $0xFA00;
	v3 =	vadd.s32 v1, v3  }
0x122: {  	[tilespmem:s22], [sflag:$0x1] =	stream.indirect_vreg.gather [hbm4b:s5+s4], $0x80, v4, vm0, $0xb8;
	[tilespmem:$0x18200] =	vst v63  }
0x123: {  	s23 =	simm.s32 $0x10200  }
0x124: {  	[tilespmem:s23], [sflag:$0x1] =	stream.indirect_vreg.gather [hbm4b:s6+s4], $0x80, v4, vm0, $0xb8;
	[tilespmem:$0x18200] =	vst v63  }
0x125: {  	s18 =	simm.s32 $0x10A00  }
0x126: {  	[tilespmem:s18], [sflag:$0x1] =	stream.indirect_vreg.gather [hbm4b:s0+s4], $0x80, v3, vm0, $0xb8;
	[tilespmem:$0x18200] =	vst v63  }
0x127: {  	s18 =	simm.s32 $0x11200  }
0x128: {  	[tilespmem:s18], [sflag:$0x1] =	stream.indirect_vreg.gather [hbm4b:s5+s4], $0x80, v3, vm0, $0xb8;
	[tilespmem:$0x18200] =	vst v63  }
0x129: {  	s24 =	simm.s32 $0x11A00  }
0x12a: {  	[tilespmem:s24], [sflag:$0x1] =	stream.indirect_vreg.gather [hbm4b:s6+s4], $0x80, v3, vm0, $0xb8;
	[tilespmem:$0x18200] =	vst v63  }
0x12b: {  	v3 =	vld [tilespmem:$0xE0];
	_ =	sdelay $0x4  }
0x12c: {  	v14 =	vshrl.u32 v3, $0x3  }
0x12d: {  	v4 =	vmul.u32 $0x30, v14  }
0x12e: {  	v3 =	vand.u32 $0x7, v3  }
0x12f: {  	v3 =	vor.u32 v3, v4  }
0x130: {  	v4 =	vperm.xlane v3, v0;
	_ =	sdelay $0x1  }
0x131: {  	v4 =	vadd.s32 v1, v4;
	_ =	sdelay $0x3  }
0x132: {  	s25 =	simm.s32 $0x12200;
	v3 =	vperm.xlane v3, v2  }
0x133: {  	[tilespmem:s25], [sflag:$0x1] =	stream.indirect_vreg.gather [hbm4b:s0+s4], $0x80, v4, vm0, $0xb8;
	[tilespmem:$0x18200] =	vst v63  }
0x134: {  	s24 =	simm.s32 $0x12A00;
	v3 =	vadd.s32 v1, v3  }
0x135: {  	[tilespmem:s24], [sflag:$0x1] =	stream.indirect_vreg.gather [hbm4b:s5+s4], $0x80, v4, vm0, $0xb8;
	[tilespmem:$0x18200] =	vst v63  }
0x136: {  	s25 =	simm.s32 $0x13200  }
0x137: {  	[tilespmem:s25], [sflag:$0x1] =	stream.indirect_vreg.gather [hbm4b:s6+s4], $0x80, v4, vm0, $0xb8;
	[tilespmem:$0x18200] =	vst v63  }
0x138: {  	s18 =	simm.s32 $0x13A00  }
0x139: {  	[tilespmem:s18], [sflag:$0x1] =	stream.indirect_vreg.gather [hbm4b:s0+s4], $0x80, v3, vm0, $0xb8;
	[tilespmem:$0x18200] =	vst v63  }
0x13a: {  	s18 =	simm.s32 $0x14200  }
0x13b: {  	[tilespmem:s18], [sflag:$0x1] =	stream.indirect_vreg.gather [hbm4b:s5+s4], $0x80, v3, vm0, $0xb8;
	[tilespmem:$0x18200] =	vst v63  }
0x13c: {  	s26 =	simm.s32 $0x14A00  }
0x13d: {  	[tilespmem:s26], [sflag:$0x1] =	stream.indirect_vreg.gather [hbm4b:s6+s4], $0x80, v3, vm0, $0xb8;
	[tilespmem:$0x18200] =	vst v63  }
0x13e: {  	v3 =	vld [tilespmem:$0xF0];
	_ =	sdelay $0x4  }
0x13f: {  	v15 =	vshrl.u32 v3, $0x3  }
0x140: {  	v4 =	vmul.u32 $0x30, v15  }
0x141: {  	v3 =	vand.u32 $0x7, v3  }
0x142: {  	v3 =	vor.u32 v3, v4  }
0x143: {  	v4 =	vperm.xlane v3, v0;
	_ =	sdelay $0x1  }
0x144: {  	v4 =	vadd.s32 v1, v4;
	_ =	sdelay $0x3  }
0x145: {  	s28 =	simm.s32 $0x15200;
	v3 =	vperm.xlane v3, v2  }
0x146: {  	[tilespmem:s28], [sflag:$0x1] =	stream.indirect_vreg.gather [hbm4b:s0+s4], $0x80, v4, vm0, $0xb8;
	[tilespmem:$0x18200] =	vst v63  }
0x147: {  	s26 =	simm.s32 $0x15A00;
	v3 =	vadd.s32 v1, v3  }
0x148: {  	[tilespmem:s26], [sflag:$0x1] =	stream.indirect_vreg.gather [hbm4b:s5+s4], $0x80, v4, vm0, $0xb8;
	[tilespmem:$0x18200] =	vst v63  }
0x149: {  	s28 =	simm.s32 $0x16200  }
0x14a: {  	[tilespmem:s28], [sflag:$0x1] =	stream.indirect_vreg.gather [hbm4b:s6+s4], $0x80, v4, vm0, $0xb8;
	[tilespmem:$0x18200] =	vst v63  }
0x14b: {  	s18 =	simm.s32 $0x16A00  }
0x14c: {  	[tilespmem:s18], [sflag:$0x1] =	stream.indirect_vreg.gather [hbm4b:s0+s4], $0x80, v3, vm0, $0xb8;
	[tilespmem:$0x18200] =	vst v63  }
0x14d: {  	s18 =	simm.s32 $0x17200  }
0x14e: {  	[tilespmem:s18], [sflag:$0x1] =	stream.indirect_vreg.gather [hbm4b:s5+s4], $0x80, v3, vm0, $0xb8;
	[tilespmem:$0x18200] =	vst v63  }
0x14f: {  	s29 =	simm.s32 $0x17A00  }
0x150: {  	[tilespmem:s29], [sflag:$0x1] =	stream.indirect_vreg.gather [hbm4b:s6+s4], $0x80, v3, vm0, $0xb8;
	[tilespmem:$0x18200] =	vst v63  }
0x151: {  	_ =	swait.ge [sflag:s17], $0x18000  }
0x152: {  	[sflag:s17] =	ssyncset.done $0x0  }
0x153: {  	s18 =	rddreg [dreg:$0x8];
	[sflag:s17] =	ssyncadd.s32 $0xFFFE8000  }
0x154: {  	[hbm4b:s18+s4] =	stream.linear.scatter [tilespmem:s30], [sflag:$0x2], $0x18000, $0x38;
	[tilespmem:$0x18200] =	vst v63  }
0x155: {  	_ =	swait.ge [sflag:s10], $0x18000  }
0x156: {  	[sflag:s10] =	ssyncset.done $0x0  }
0x157: {  	[sflag:s10] =	ssyncadd.s32 $0xFFFE8000  }
0x158: {  	v3 =	vld [tilespmem:$0x100];
	_ =	sdelay $0x4  }
0x159: {  	v16 =	vshrl.u32 v3, $0x3  }
0x15a: {  	v4 =	vmul.u32 $0x30, v16  }
0x15b: {  	v3 =	vand.u32 $0x7, v3  }
0x15c: {  	v3 =	vor.u32 v3, v4  }
0x15d: {  	v4 =	vperm.xlane v3, v0;
	_ =	sdelay $0x1  }
0x15e: {  	v4 =	vadd.s32 v1, v4;
	_ =	sdelay $0x3  }
0x15f: {  	v3 =	vperm.xlane v3, v2  }
0x160: {  	[tilespmem:s30], [sflag:$0x1] =	stream.indirect_vreg.gather [hbm4b:s0+s4], $0x80, v4, vm0, $0xb8;
	[tilespmem:$0x18200] =	vst v63  }
0x161: {  	s18 =	simm.s32 $0xA00;
	v3 =	vadd.s32 v1, v3  }
0x162: {  	[tilespmem:s18], [sflag:$0x1] =	stream.indirect_vreg.gather [hbm4b:s5+s4], $0x80, v4, vm0, $0xb8;
	[tilespmem:$0x18200] =	vst v63  }
0x163: {  	_ = 	snop  }
0x164: {  	[tilespmem:s11], [sflag:$0x1] =	stream.indirect_vreg.gather [hbm4b:s6+s4], $0x80, v4, vm0, $0xb8;
	[tilespmem:$0x18200] =	vst v63  }
0x165: {  	_ = 	snop  }
0x166: {  	[tilespmem:s9], [sflag:$0x1] =	stream.indirect_vreg.gather [hbm4b:s0+s4], $0x80, v3, vm0, $0xb8;
	[tilespmem:$0x18200] =	vst v63  }
0x167: {  	_ = 	snop  }
0x168: {  	[tilespmem:s12], [sflag:$0x1] =	stream.indirect_vreg.gather [hbm4b:s5+s4], $0x80, v3, vm0, $0xb8;
	[tilespmem:$0x18200] =	vst v63  }
0x169: {  	s18 =	simm.s32 $0x2A00  }
0x16a: {  	[tilespmem:s18], [sflag:$0x1] =	stream.indirect_vreg.gather [hbm4b:s6+s4], $0x80, v3, vm0, $0xb8;
	[tilespmem:$0x18200] =	vst v63  }
0x16b: {  	v3 =	vld [tilespmem:$0x110];
	_ =	sdelay $0x4  }
0x16c: {  	v17 =	vshrl.u32 v3, $0x3  }
0x16d: {  	v4 =	vmul.u32 $0x30, v17  }
0x16e: {  	v3 =	vand.u32 $0x7, v3  }
0x16f: {  	v3 =	vor.u32 v3, v4  }
0x170: {  	v4 =	vperm.xlane v3, v0;
	_ =	sdelay $0x1  }
0x171: {  	v4 =	vadd.s32 v1, v4;
	_ =	sdelay $0x3  }
0x172: {  	s18 =	simm.s32 $0x3200;
	v3 =	vperm.xlane v3, v2  }
0x173: {  	[tilespmem:s18], [sflag:$0x1] =	stream.indirect_vreg.gather [hbm4b:s0+s4], $0x80, v4, vm0, $0xb8;
	[tilespmem:$0x18200] =	vst v63  }
0x174: {  	v3 =	vadd.s32 v1, v3  }
0x175: {  	[tilespmem:s13], [sflag:$0x1] =	stream.indirect_vreg.gather [hbm4b:s5+s4], $0x80, v4, vm0, $0xb8;
	[tilespmem:$0x18200] =	vst v63  }
0x176: {  	_ = 	snop  }
0x177: {  	[tilespmem:s14], [sflag:$0x1] =	stream.indirect_vreg.gather [hbm4b:s6+s4], $0x80, v4, vm0, $0xb8;
	[tilespmem:$0x18200] =	vst v63  }
0x178: {  	_ = 	snop  }
0x179: {  	[tilespmem:s15], [sflag:$0x1] =	stream.indirect_vreg.gather [hbm4b:s0+s4], $0x80, v3, vm0, $0xb8;
	[tilespmem:$0x18200] =	vst v63  }
0x17a: {  	_ = 	snop  }
0x17b: {  	[tilespmem:s16], [sflag:$0x1] =	stream.indirect_vreg.gather [hbm4b:s5+s4], $0x80, v3, vm0, $0xb8;
	[tilespmem:$0x18200] =	vst v63  }
0x17c: {  	s18 =	simm.s32 $0x5A00  }
0x17d: {  	[tilespmem:s18], [sflag:$0x1] =	stream.indirect_vreg.gather [hbm4b:s6+s4], $0x80, v3, vm0, $0xb8;
	[tilespmem:$0x18200] =	vst v63  }
0x17e: {  	v3 =	vld [tilespmem:$0x120];
	_ =	sdelay $0x4  }
0x17f: {  	v18 =	vshrl.u32 v3, $0x3  }
0x180: {  	v4 =	vmul.u32 $0x30, v18  }
0x181: {  	v3 =	vand.u32 $0x7, v3  }
0x182: {  	v3 =	vor.u32 v3, v4  }
0x183: {  	v4 =	vperm.xlane v3, v0;
	_ =	sdelay $0x1  }
0x184: {  	v4 =	vadd.s32 v1, v4;
	_ =	sdelay $0x3  }
0x185: {  	s18 =	simm.s32 $0x6200;
	v3 =	vperm.xlane v3, v2  }
0x186: {  	[tilespmem:s18], [sflag:$0x1] =	stream.indirect_vreg.gather [hbm4b:s0+s4], $0x80, v4, vm0, $0xb8;
	[tilespmem:$0x18200] =	vst v63  }
0x187: {  	v3 =	vadd.s32 v1, v3;
	s18 =	simm.s32 $0x6A00  }
0x188: {  	[tilespmem:s18], [sflag:$0x1] =	stream.indirect_vreg.gather [hbm4b:s5+s4], $0x80, v4, vm0, $0xb8;
	[tilespmem:$0x18200] =	vst v63  }
0x189: {  	_ = 	snop  }
0x18a: {  	[tilespmem:s31], [sflag:$0x1] =	stream.indirect_vreg.gather [hbm4b:s6+s4], $0x80, v4, vm0, $0xb8;
	[tilespmem:$0x18200] =	vst v63  }
0x18b: {  	_ = 	snop  }
0x18c: {  	[tilespmem:s1], [sflag:$0x1] =	stream.indirect_vreg.gather [hbm4b:s0+s4], $0x80, v3, vm0, $0xb8;
	[tilespmem:$0x18200] =	vst v63  }
0x18d: {  	_ = 	snop  }
0x18e: {  	[tilespmem:s3], [sflag:$0x1] =	stream.indirect_vreg.gather [hbm4b:s5+s4], $0x80, v3, vm0, $0xb8;
	[tilespmem:$0x18200] =	vst v63  }
0x18f: {  	_ = 	snop  }
0x190: {  	[tilespmem:s19], [sflag:$0x1] =	stream.indirect_vreg.gather [hbm4b:s6+s4], $0x80, v3, vm0, $0xb8;
	[tilespmem:$0x18200] =	vst v63  }
0x191: {  	v3 =	vld [tilespmem:$0x130];
	_ =	sdelay $0x4  }
0x192: {  	v19 =	vshrl.u32 v3, $0x3  }
0x193: {  	v4 =	vmul.u32 $0x30, v19  }
0x194: {  	v3 =	vand.u32 $0x7, v3  }
0x195: {  	v3 =	vor.u32 v3, v4  }
0x196: {  	v4 =	vperm.xlane v3, v0;
	_ =	sdelay $0x1  }
0x197: {  	v4 =	vadd.s32 v1, v4;
	_ =	sdelay $0x3  }
0x198: {  	v3 =	vperm.xlane v3, v2  }
0x199: {  	[tilespmem:s20], [sflag:$0x1] =	stream.indirect_vreg.gather [hbm4b:s0+s4], $0x80, v4, vm0, $0xb8;
	[tilespmem:$0x18200] =	vst v63  }
0x19a: {  	s31 =	simm.s32 $0x9A00;
	v3 =	vadd.s32 v1, v3  }
0x19b: {  	[tilespmem:s31], [sflag:$0x1] =	stream.indirect_vreg.gather [hbm4b:s5+s4], $0x80, v4, vm0, $0xb8;
	[tilespmem:$0x18200] =	vst v63  }
0x19c: {  	s20 =	simm.s32 $0xA200  }
0x19d: {  	[tilespmem:s20], [sflag:$0x1] =	stream.indirect_vreg.gather [hbm4b:s6+s4], $0x80, v4, vm0, $0xb8;
	[tilespmem:$0x18200] =	vst v63  }
0x19e: {  	s31 =	simm.s32 $0xAA00  }
0x19f: {  	[tilespmem:s31], [sflag:$0x1] =	stream.indirect_vreg.gather [hbm4b:s0+s4], $0x80, v3, vm0, $0xb8;
	[tilespmem:$0x18200] =	vst v63  }
0x1a0: {  	s18 =	simm.s32 $0xB200  }
0x1a1: {  	[tilespmem:s18], [sflag:$0x1] =	stream.indirect_vreg.gather [hbm4b:s5+s4], $0x80, v3, vm0, $0xb8;
	[tilespmem:$0x18200] =	vst v63  }
0x1a2: {  	s18 =	simm.s32 $0xBA00  }
0x1a3: {  	[tilespmem:s18], [sflag:$0x1] =	stream.indirect_vreg.gather [hbm4b:s6+s4], $0x80, v3, vm0, $0xb8;
	[tilespmem:$0x18200] =	vst v63  }
0x1a4: {  	v3 =	vld [tilespmem:$0x140];
	_ =	sdelay $0x4  }
0x1a5: {  	v20 =	vshrl.u32 v3, $0x3  }
0x1a6: {  	v4 =	vmul.u32 $0x30, v20  }
0x1a7: {  	v3 =	vand.u32 $0x7, v3  }
0x1a8: {  	v3 =	vor.u32 v3, v4  }
0x1a9: {  	v4 =	vperm.xlane v3, v0;
	_ =	sdelay $0x1  }
0x1aa: {  	v4 =	vadd.s32 v1, v4;
	_ =	sdelay $0x3  }
0x1ab: {  	s18 =	simm.s32 $0xC200;
	v3 =	vperm.xlane v3, v2  }
0x1ac: {  	[tilespmem:s18], [sflag:$0x1] =	stream.indirect_vreg.gather [hbm4b:s0+s4], $0x80, v4, vm0, $0xb8;
	[tilespmem:$0x18200] =	vst v63  }
0x1ad: {  	s21 =	simm.s32 $0xCA00;
	v3 =	vadd.s32 v1, v3  }
0x1ae: {  	[tilespmem:s21], [sflag:$0x1] =	stream.indirect_vreg.gather [hbm4b:s5+s4], $0x80, v4, vm0, $0xb8;
	[tilespmem:$0x18200] =	vst v63  }
0x1af: {  	s18 =	simm.s32 $0xD200  }
0x1b0: {  	[tilespmem:s18], [sflag:$0x1] =	stream.indirect_vreg.gather [hbm4b:s6+s4], $0x80, v4, vm0, $0xb8;
	[tilespmem:$0x18200] =	vst v63  }
0x1b1: {  	s18 =	simm.s32 $0xDA00  }
0x1b2: {  	[tilespmem:s18], [sflag:$0x1] =	stream.indirect_vreg.gather [hbm4b:s0+s4], $0x80, v3, vm0, $0xb8;
	[tilespmem:$0x18200] =	vst v63  }
0x1b3: {  	s18 =	simm.s32 $0xE200  }
0x1b4: {  	[tilespmem:s18], [sflag:$0x1] =	stream.indirect_vreg.gather [hbm4b:s5+s4], $0x80, v3, vm0, $0xb8;
	[tilespmem:$0x18200] =	vst v63  }
0x1b5: {  	s18 =	simm.s32 $0xEA00  }
0x1b6: {  	[tilespmem:s18], [sflag:$0x1] =	stream.indirect_vreg.gather [hbm4b:s6+s4], $0x80, v3, vm0, $0xb8;
	[tilespmem:$0x18200] =	vst v63  }
0x1b7: {  	v3 =	vld [tilespmem:$0x150];
	_ =	sdelay $0x4  }
0x1b8: {  	v21 =	vshrl.u32 v3, $0x3  }
0x1b9: {  	v4 =	vmul.u32 $0x30, v21  }
0x1ba: {  	v3 =	vand.u32 $0x7, v3  }
0x1bb: {  	v3 =	vor.u32 v3, v4  }
0x1bc: {  	v4 =	vperm.xlane v3, v0;
	_ =	sdelay $0x1  }
0x1bd: {  	v4 =	vadd.s32 v1, v4;
	_ =	sdelay $0x3  }
0x1be: {  	s18 =	simm.s32 $0xF200;
	v3 =	vperm.xlane v3, v2  }
0x1bf: {  	[tilespmem:s18], [sflag:$0x1] =	stream.indirect_vreg.gather [hbm4b:s0+s4], $0x80, v4, vm0, $0xb8;
	[tilespmem:$0x18200] =	vst v63  }
0x1c0: {  	s22 =	simm.s32 $0xFA00;
	v3 =	vadd.s32 v1, v3  }
0x1c1: {  	[tilespmem:s22], [sflag:$0x1] =	stream.indirect_vreg.gather [hbm4b:s5+s4], $0x80, v4, vm0, $0xb8;
	[tilespmem:$0x18200] =	vst v63  }
0x1c2: {  	s23 =	simm.s32 $0x10200  }
0x1c3: {  	[tilespmem:s23], [sflag:$0x1] =	stream.indirect_vreg.gather [hbm4b:s6+s4], $0x80, v4, vm0, $0xb8;
	[tilespmem:$0x18200] =	vst v63  }
0x1c4: {  	s18 =	simm.s32 $0x10A00  }
0x1c5: {  	[tilespmem:s18], [sflag:$0x1] =	stream.indirect_vreg.gather [hbm4b:s0+s4], $0x80, v3, vm0, $0xb8;
	[tilespmem:$0x18200] =	vst v63  }
0x1c6: {  	s18 =	simm.s32 $0x11200  }
0x1c7: {  	[tilespmem:s18], [sflag:$0x1] =	stream.indirect_vreg.gather [hbm4b:s5+s4], $0x80, v3, vm0, $0xb8;
	[tilespmem:$0x18200] =	vst v63  }
0x1c8: {  	s18 =	simm.s32 $0x11A00  }
0x1c9: {  	[tilespmem:s18], [sflag:$0x1] =	stream.indirect_vreg.gather [hbm4b:s6+s4], $0x80, v3, vm0, $0xb8;
	[tilespmem:$0x18200] =	vst v63  }
0x1ca: {  	v3 =	vld [tilespmem:$0x160];
	_ =	sdelay $0x4  }
0x1cb: {  	v22 =	vshrl.u32 v3, $0x3  }
0x1cc: {  	v4 =	vmul.u32 $0x30, v22  }
0x1cd: {  	v3 =	vand.u32 $0x7, v3  }
0x1ce: {  	v3 =	vor.u32 v3, v4  }
0x1cf: {  	v4 =	vperm.xlane v3, v0;
	_ =	sdelay $0x1  }
0x1d0: {  	v4 =	vadd.s32 v1, v4;
	_ =	sdelay $0x3  }
0x1d1: {  	s18 =	simm.s32 $0x12200;
	v3 =	vperm.xlane v3, v2  }
0x1d2: {  	[tilespmem:s18], [sflag:$0x1] =	stream.indirect_vreg.gather [hbm4b:s0+s4], $0x80, v4, vm0, $0xb8;
	[tilespmem:$0x18200] =	vst v63  }
0x1d3: {  	s24 =	simm.s32 $0x12A00;
	v3 =	vadd.s32 v1, v3  }
0x1d4: {  	[tilespmem:s24], [sflag:$0x1] =	stream.indirect_vreg.gather [hbm4b:s5+s4], $0x80, v4, vm0, $0xb8;
	[tilespmem:$0x18200] =	vst v63  }
0x1d5: {  	s25 =	simm.s32 $0x13200  }
0x1d6: {  	[tilespmem:s25], [sflag:$0x1] =	stream.indirect_vreg.gather [hbm4b:s6+s4], $0x80, v4, vm0, $0xb8;
	[tilespmem:$0x18200] =	vst v63  }
0x1d7: {  	s18 =	simm.s32 $0x13A00  }
0x1d8: {  	[tilespmem:s18], [sflag:$0x1] =	stream.indirect_vreg.gather [hbm4b:s0+s4], $0x80, v3, vm0, $0xb8;
	[tilespmem:$0x18200] =	vst v63  }
0x1d9: {  	s18 =	simm.s32 $0x14200  }
0x1da: {  	[tilespmem:s18], [sflag:$0x1] =	stream.indirect_vreg.gather [hbm4b:s5+s4], $0x80, v3, vm0, $0xb8;
	[tilespmem:$0x18200] =	vst v63  }
0x1db: {  	s18 =	simm.s32 $0x14A00  }
0x1dc: {  	[tilespmem:s18], [sflag:$0x1] =	stream.indirect_vreg.gather [hbm4b:s6+s4], $0x80, v3, vm0, $0xb8;
	[tilespmem:$0x18200] =	vst v63  }
0x1dd: {  	v3 =	vld [tilespmem:$0x170];
	_ =	sdelay $0x4  }
0x1de: {  	v23 =	vshrl.u32 v3, $0x3  }
0x1df: {  	v4 =	vmul.u32 $0x30, v23  }
0x1e0: {  	v3 =	vand.u32 $0x7, v3  }
0x1e1: {  	v3 =	vor.u32 v3, v4  }
0x1e2: {  	v4 =	vperm.xlane v3, v0;
	_ =	sdelay $0x1  }
0x1e3: {  	v4 =	vadd.s32 v1, v4;
	_ =	sdelay $0x3  }
0x1e4: {  	s18 =	simm.s32 $0x15200;
	v3 =	vperm.xlane v3, v2  }
0x1e5: {  	[tilespmem:s18], [sflag:$0x1] =	stream.indirect_vreg.gather [hbm4b:s0+s4], $0x80, v4, vm0, $0xb8;
	[tilespmem:$0x18200] =	vst v63  }
0x1e6: {  	s26 =	simm.s32 $0x15A00;
	v3 =	vadd.s32 v1, v3  }
0x1e7: {  	[tilespmem:s26], [sflag:$0x1] =	stream.indirect_vreg.gather [hbm4b:s5+s4], $0x80, v4, vm0, $0xb8;
	[tilespmem:$0x18200] =	vst v63  }
0x1e8: {  	s28 =	simm.s32 $0x16200  }
0x1e9: {  	[tilespmem:s28], [sflag:$0x1] =	stream.indirect_vreg.gather [hbm4b:s6+s4], $0x80, v4, vm0, $0xb8;
	[tilespmem:$0x18200] =	vst v63  }
0x1ea: {  	s18 =	simm.s32 $0x16A00  }
0x1eb: {  	[tilespmem:s18], [sflag:$0x1] =	stream.indirect_vreg.gather [hbm4b:s0+s4], $0x80, v3, vm0, $0xb8;
	[tilespmem:$0x18200] =	vst v63  }
0x1ec: {  	s18 =	simm.s32 $0x17200  }
0x1ed: {  	[tilespmem:s18], [sflag:$0x1] =	stream.indirect_vreg.gather [hbm4b:s5+s4], $0x80, v3, vm0, $0xb8;
	[tilespmem:$0x18200] =	vst v63  }
0x1ee: {  	s29 =	simm.s32 $0x17A00  }
0x1ef: {  	[tilespmem:s29], [sflag:$0x1] =	stream.indirect_vreg.gather [hbm4b:s6+s4], $0x80, v3, vm0, $0xb8;
	[tilespmem:$0x18200] =	vst v63  }
0x1f0: {  	_ =	swait.ge [sflag:s17], $0x18000  }
0x1f1: {  	[sflag:s17] =	ssyncset.done $0x0  }
0x1f2: {  	s18 =	rddreg [dreg:$0x9];
	[sflag:s17] =	ssyncadd.s32 $0xFFFE8000  }
0x1f3: {  	[hbm4b:s18+s4] =	stream.linear.scatter [tilespmem:s30], [sflag:$0x2], $0x18000, $0x38;
	[tilespmem:$0x18200] =	vst v63  }
0x1f4: {  	_ =	swait.ge [sflag:s10], $0x18000  }
0x1f5: {  	[sflag:s10] =	ssyncset.done $0x0  }
0x1f6: {  	[sflag:s10] =	ssyncadd.s32 $0xFFFE8000  }
0x1f7: {  	v3 =	vld [tilespmem:$0x180];
	_ =	sdelay $0x4  }
0x1f8: {  	v24 =	vshrl.u32 v3, $0x3  }
0x1f9: {  	v4 =	vmul.u32 $0x30, v24  }
0x1fa: {  	v3 =	vand.u32 $0x7, v3  }
0x1fb: {  	v3 =	vor.u32 v3, v4  }
0x1fc: {  	v4 =	vperm.xlane v3, v0;
	_ =	sdelay $0x1  }
0x1fd: {  	v4 =	vadd.s32 v1, v4;
	_ =	sdelay $0x3  }
0x1fe: {  	v3 =	vperm.xlane v3, v2  }
0x1ff: {  	[tilespmem:s30], [sflag:$0x1] =	stream.indirect_vreg.gather [hbm4b:s0+s4], $0x80, v4, vm0, $0xb8;
	[tilespmem:$0x18200] =	vst v63  }
0x200: {  	s18 =	simm.s32 $0xA00;
	v3 =	vadd.s32 v1, v3  }
0x201: {  	[tilespmem:s18], [sflag:$0x1] =	stream.indirect_vreg.gather [hbm4b:s5+s4], $0x80, v4, vm0, $0xb8;
	[tilespmem:$0x18200] =	vst v63  }
0x202: {  	s18 =	simm.s32 $0x1200  }
0x203: {  	[tilespmem:s18], [sflag:$0x1] =	stream.indirect_vreg.gather [hbm4b:s6+s4], $0x80, v4, vm0, $0xb8;
	[tilespmem:$0x18200] =	vst v63  }
0x204: {  	s11 =	simm.s32 $0x1A00  }
0x205: {  	[tilespmem:s11], [sflag:$0x1] =	stream.indirect_vreg.gather [hbm4b:s0+s4], $0x80, v3, vm0, $0xb8;
	[tilespmem:$0x18200] =	vst v63  }
0x206: {  	s12 =	simm.s32 $0x2200  }
0x207: {  	[tilespmem:s12], [sflag:$0x1] =	stream.indirect_vreg.gather [hbm4b:s5+s4], $0x80, v3, vm0, $0xb8;
	[tilespmem:$0x18200] =	vst v63  }
0x208: {  	s18 =	simm.s32 $0x2A00  }
0x209: {  	[tilespmem:s18], [sflag:$0x1] =	stream.indirect_vreg.gather [hbm4b:s6+s4], $0x80, v3, vm0, $0xb8;
	[tilespmem:$0x18200] =	vst v63  }
0x20a: {  	v3 =	vld [tilespmem:$0x190];
	_ =	sdelay $0x4  }
0x20b: {  	v25 =	vshrl.u32 v3, $0x3  }
0x20c: {  	v4 =	vmul.u32 $0x30, v25  }
0x20d: {  	v3 =	vand.u32 $0x7, v3  }
0x20e: {  	v3 =	vor.u32 v3, v4  }
0x20f: {  	v4 =	vperm.xlane v3, v0;
	_ =	sdelay $0x1  }
0x210: {  	v4 =	vadd.s32 v1, v4;
	_ =	sdelay $0x3  }
0x211: {  	s18 =	simm.s32 $0x3200;
	v3 =	vperm.xlane v3, v2  }
0x212: {  	[tilespmem:s18], [sflag:$0x1] =	stream.indirect_vreg.gather [hbm4b:s0+s4], $0x80, v4, vm0, $0xb8;
	[tilespmem:$0x18200] =	vst v63  }
0x213: {  	s13 =	simm.s32 $0x3A00;
	v3 =	vadd.s32 v1, v3  }
0x214: {  	[tilespmem:s13], [sflag:$0x1] =	stream.indirect_vreg.gather [hbm4b:s5+s4], $0x80, v4, vm0, $0xb8;
	[tilespmem:$0x18200] =	vst v63  }
0x215: {  	s14 =	simm.s32 $0x4200  }
0x216: {  	[tilespmem:s14], [sflag:$0x1] =	stream.indirect_vreg.gather [hbm4b:s6+s4], $0x80, v4, vm0, $0xb8;
	[tilespmem:$0x18200] =	vst v63  }
0x217: {  	s15 =	simm.s32 $0x4A00  }
0x218: {  	[tilespmem:s15], [sflag:$0x1] =	stream.indirect_vreg.gather [hbm4b:s0+s4], $0x80, v3, vm0, $0xb8;
	[tilespmem:$0x18200] =	vst v63  }
0x219: {  	s16 =	simm.s32 $0x5200  }
0x21a: {  	[tilespmem:s16], [sflag:$0x1] =	stream.indirect_vreg.gather [hbm4b:s5+s4], $0x80, v3, vm0, $0xb8;
	[tilespmem:$0x18200] =	vst v63  }
0x21b: {  	s18 =	simm.s32 $0x5A00  }
0x21c: {  	[tilespmem:s18], [sflag:$0x1] =	stream.indirect_vreg.gather [hbm4b:s6+s4], $0x80, v3, vm0, $0xb8;
	[tilespmem:$0x18200] =	vst v63  }
0x21d: {  	v3 =	vld [tilespmem:$0x1A0];
	_ =	sdelay $0x4  }
0x21e: {  	v26 =	vshrl.u32 v3, $0x3  }
0x21f: {  	v4 =	vmul.u32 $0x30, v26  }
0x220: {  	v3 =	vand.u32 $0x7, v3  }
0x221: {  	v3 =	vor.u32 v3, v4  }
0x222: {  	v4 =	vperm.xlane v3, v0;
	_ =	sdelay $0x1  }
0x223: {  	v4 =	vadd.s32 v1, v4;
	_ =	sdelay $0x3  }
0x224: {  	s18 =	simm.s32 $0x6200;
	v3 =	vperm.xlane v3, v2  }
0x225: {  	[tilespmem:s18], [sflag:$0x1] =	stream.indirect_vreg.gather [hbm4b:s0+s4], $0x80, v4, vm0, $0xb8;
	[tilespmem:$0x18200] =	vst v63  }
0x226: {  	v3 =	vadd.s32 v1, v3;
	s18 =	simm.s32 $0x6A00  }
0x227: {  	[tilespmem:s18], [sflag:$0x1] =	stream.indirect_vreg.gather [hbm4b:s5+s4], $0x80, v4, vm0, $0xb8;
	[tilespmem:$0x18200] =	vst v63  }
0x228: {  	s9 =	simm.s32 $0x7200  }
0x229: {  	[tilespmem:s9], [sflag:$0x1] =	stream.indirect_vreg.gather [hbm4b:s6+s4], $0x80, v4, vm0, $0xb8;
	[tilespmem:$0x18200] =	vst v63  }
0x22a: {  	s18 =	simm.s32 $0x7A00  }
0x22b: {  	[tilespmem:s18], [sflag:$0x1] =	stream.indirect_vreg.gather [hbm4b:s0+s4], $0x80, v3, vm0, $0xb8;
	[tilespmem:$0x18200] =	vst v63  }
0x22c: {  	s1 =	simm.s32 $0x8200  }
0x22d: {  	[tilespmem:s1], [sflag:$0x1] =	stream.indirect_vreg.gather [hbm4b:s5+s4], $0x80, v3, vm0, $0xb8;
	[tilespmem:$0x18200] =	vst v63  }
0x22e: {  	s3 =	simm.s32 $0x8A00  }
0x22f: {  	[tilespmem:s3], [sflag:$0x1] =	stream.indirect_vreg.gather [hbm4b:s6+s4], $0x80, v3, vm0, $0xb8;
	[tilespmem:$0x18200] =	vst v63  }
0x230: {  	v3 =	vld [tilespmem:$0x1B0];
	_ =	sdelay $0x4  }
0x231: {  	v27 =	vshrl.u32 v3, $0x3  }
0x232: {  	v4 =	vmul.u32 $0x30, v27  }
0x233: {  	v3 =	vand.u32 $0x7, v3  }
0x234: {  	v3 =	vor.u32 v3, v4  }
0x235: {  	v4 =	vperm.xlane v3, v0;
	_ =	sdelay $0x1  }
0x236: {  	v4 =	vadd.s32 v1, v4;
	_ =	sdelay $0x3  }
0x237: {  	s19 =	simm.s32 $0x9200;
	v3 =	vperm.xlane v3, v2  }
0x238: {  	[tilespmem:s19], [sflag:$0x1] =	stream.indirect_vreg.gather [hbm4b:s0+s4], $0x80, v4, vm0, $0xb8;
	[tilespmem:$0x18200] =	vst v63  }
0x239: {  	s18 =	simm.s32 $0x9A00;
	v3 =	vadd.s32 v1, v3  }
0x23a: {  	[tilespmem:s18], [sflag:$0x1] =	stream.indirect_vreg.gather [hbm4b:s5+s4], $0x80, v4, vm0, $0xb8;
	[tilespmem:$0x18200] =	vst v63  }
0x23b: {  	s20 =	simm.s32 $0xA200  }
0x23c: {  	[tilespmem:s20], [sflag:$0x1] =	stream.indirect_vreg.gather [hbm4b:s6+s4], $0x80, v4, vm0, $0xb8;
	[tilespmem:$0x18200] =	vst v63  }
0x23d: {  	s31 =	simm.s32 $0xAA00  }
0x23e: {  	[tilespmem:s31], [sflag:$0x1] =	stream.indirect_vreg.gather [hbm4b:s0+s4], $0x80, v3, vm0, $0xb8;
	[tilespmem:$0x18200] =	vst v63  }
0x23f: {  	s18 =	simm.s32 $0xB200  }
0x240: {  	[tilespmem:s18], [sflag:$0x1] =	stream.indirect_vreg.gather [hbm4b:s5+s4], $0x80, v3, vm0, $0xb8;
	[tilespmem:$0x18200] =	vst v63  }
0x241: {  	s18 =	simm.s32 $0xBA00  }
0x242: {  	[tilespmem:s18], [sflag:$0x1] =	stream.indirect_vreg.gather [hbm4b:s6+s4], $0x80, v3, vm0, $0xb8;
	[tilespmem:$0x18200] =	vst v63  }
0x243: {  	v3 =	vld [tilespmem:$0x1C0];
	_ =	sdelay $0x4  }
0x244: {  	v28 =	vshrl.u32 v3, $0x3  }
0x245: {  	v4 =	vmul.u32 $0x30, v28  }
0x246: {  	v3 =	vand.u32 $0x7, v3  }
0x247: {  	v3 =	vor.u32 v3, v4  }
0x248: {  	v4 =	vperm.xlane v3, v0;
	_ =	sdelay $0x1  }
0x249: {  	v4 =	vadd.s32 v1, v4;
	_ =	sdelay $0x3  }
0x24a: {  	s18 =	simm.s32 $0xC200;
	v3 =	vperm.xlane v3, v2  }
0x24b: {  	[tilespmem:s18], [sflag:$0x1] =	stream.indirect_vreg.gather [hbm4b:s0+s4], $0x80, v4, vm0, $0xb8;
	[tilespmem:$0x18200] =	vst v63  }
0x24c: {  	s21 =	simm.s32 $0xCA00;
	v3 =	vadd.s32 v1, v3  }
0x24d: {  	[tilespmem:s21], [sflag:$0x1] =	stream.indirect_vreg.gather [hbm4b:s5+s4], $0x80, v4, vm0, $0xb8;
	[tilespmem:$0x18200] =	vst v63  }
0x24e: {  	s18 =	simm.s32 $0xD200  }
0x24f: {  	[tilespmem:s18], [sflag:$0x1] =	stream.indirect_vreg.gather [hbm4b:s6+s4], $0x80, v4, vm0, $0xb8;
	[tilespmem:$0x18200] =	vst v63  }
0x250: {  	s18 =	simm.s32 $0xDA00  }
0x251: {  	[tilespmem:s18], [sflag:$0x1] =	stream.indirect_vreg.gather [hbm4b:s0+s4], $0x80, v3, vm0, $0xb8;
	[tilespmem:$0x18200] =	vst v63  }
0x252: {  	s18 =	simm.s32 $0xE200  }
0x253: {  	[tilespmem:s18], [sflag:$0x1] =	stream.indirect_vreg.gather [hbm4b:s5+s4], $0x80, v3, vm0, $0xb8;
	[tilespmem:$0x18200] =	vst v63  }
0x254: {  	s18 =	simm.s32 $0xEA00  }
0x255: {  	[tilespmem:s18], [sflag:$0x1] =	stream.indirect_vreg.gather [hbm4b:s6+s4], $0x80, v3, vm0, $0xb8;
	[tilespmem:$0x18200] =	vst v63  }
0x256: {  	v3 =	vld [tilespmem:$0x1D0];
	_ =	sdelay $0x4  }
0x257: {  	v29 =	vshrl.u32 v3, $0x3  }
0x258: {  	v4 =	vmul.u32 $0x30, v29  }
0x259: {  	v3 =	vand.u32 $0x7, v3  }
0x25a: {  	v3 =	vor.u32 v3, v4  }
0x25b: {  	v4 =	vperm.xlane v3, v0;
	_ =	sdelay $0x1  }
0x25c: {  	v4 =	vadd.s32 v1, v4;
	_ =	sdelay $0x3  }
0x25d: {  	s18 =	simm.s32 $0xF200;
	v3 =	vperm.xlane v3, v2  }
0x25e: {  	[tilespmem:s18], [sflag:$0x1] =	stream.indirect_vreg.gather [hbm4b:s0+s4], $0x80, v4, vm0, $0xb8;
	[tilespmem:$0x18200] =	vst v63  }
0x25f: {  	s22 =	simm.s32 $0xFA00;
	v3 =	vadd.s32 v1, v3  }
0x260: {  	[tilespmem:s22], [sflag:$0x1] =	stream.indirect_vreg.gather [hbm4b:s5+s4], $0x80, v4, vm0, $0xb8;
	[tilespmem:$0x18200] =	vst v63  }
0x261: {  	s23 =	simm.s32 $0x10200  }
0x262: {  	[tilespmem:s23], [sflag:$0x1] =	stream.indirect_vreg.gather [hbm4b:s6+s4], $0x80, v4, vm0, $0xb8;
	[tilespmem:$0x18200] =	vst v63  }
0x263: {  	s18 =	simm.s32 $0x10A00  }
0x264: {  	[tilespmem:s18], [sflag:$0x1] =	stream.indirect_vreg.gather [hbm4b:s0+s4], $0x80, v3, vm0, $0xb8;
	[tilespmem:$0x18200] =	vst v63  }
0x265: {  	s18 =	simm.s32 $0x11200  }
0x266: {  	[tilespmem:s18], [sflag:$0x1] =	stream.indirect_vreg.gather [hbm4b:s5+s4], $0x80, v3, vm0, $0xb8;
	[tilespmem:$0x18200] =	vst v63  }
0x267: {  	s18 =	simm.s32 $0x11A00  }
0x268: {  	[tilespmem:s18], [sflag:$0x1] =	stream.indirect_vreg.gather [hbm4b:s6+s4], $0x80, v3, vm0, $0xb8;
	[tilespmem:$0x18200] =	vst v63  }
0x269: {  	v3 =	vld [tilespmem:$0x1E0];
	_ =	sdelay $0x4  }
0x26a: {  	v30 =	vshrl.u32 v3, $0x3  }
0x26b: {  	v4 =	vmul.u32 $0x30, v30  }
0x26c: {  	v3 =	vand.u32 $0x7, v3  }
0x26d: {  	v3 =	vor.u32 v3, v4  }
0x26e: {  	v4 =	vperm.xlane v3, v0;
	_ =	sdelay $0x1  }
0x26f: {  	v4 =	vadd.s32 v1, v4;
	_ =	sdelay $0x3  }
0x270: {  	s18 =	simm.s32 $0x12200;
	v3 =	vperm.xlane v3, v2  }
0x271: {  	[tilespmem:s18], [sflag:$0x1] =	stream.indirect_vreg.gather [hbm4b:s0+s4], $0x80, v4, vm0, $0xb8;
	[tilespmem:$0x18200] =	vst v63  }
0x272: {  	s24 =	simm.s32 $0x12A00;
	v3 =	vadd.s32 v1, v3  }
0x273: {  	[tilespmem:s24], [sflag:$0x1] =	stream.indirect_vreg.gather [hbm4b:s5+s4], $0x80, v4, vm0, $0xb8;
	[tilespmem:$0x18200] =	vst v63  }
0x274: {  	s25 =	simm.s32 $0x13200  }
0x275: {  	[tilespmem:s25], [sflag:$0x1] =	stream.indirect_vreg.gather [hbm4b:s6+s4], $0x80, v4, vm0, $0xb8;
	[tilespmem:$0x18200] =	vst v63  }
0x276: {  	s18 =	simm.s32 $0x13A00  }
0x277: {  	[tilespmem:s18], [sflag:$0x1] =	stream.indirect_vreg.gather [hbm4b:s0+s4], $0x80, v3, vm0, $0xb8;
	[tilespmem:$0x18200] =	vst v63  }
0x278: {  	s18 =	simm.s32 $0x14200  }
0x279: {  	[tilespmem:s18], [sflag:$0x1] =	stream.indirect_vreg.gather [hbm4b:s5+s4], $0x80, v3, vm0, $0xb8;
	[tilespmem:$0x18200] =	vst v63  }
0x27a: {  	s18 =	simm.s32 $0x14A00  }
0x27b: {  	[tilespmem:s18], [sflag:$0x1] =	stream.indirect_vreg.gather [hbm4b:s6+s4], $0x80, v3, vm0, $0xb8;
	[tilespmem:$0x18200] =	vst v63  }
0x27c: {  	v3 =	vld [tilespmem:$0x1F0];
	_ =	sdelay $0x4  }
0x27d: {  	v31 =	vshrl.u32 v3, $0x3  }
0x27e: {  	v4 =	vmul.u32 $0x30, v31  }
0x27f: {  	v3 =	vand.u32 $0x7, v3  }
0x280: {  	v3 =	vor.u32 v3, v4  }
0x281: {  	v4 =	vperm.xlane v3, v0;
	_ =	sdelay $0x1  }
0x282: {  	v4 =	vadd.s32 v1, v4;
	_ =	sdelay $0x3  }
0x283: {  	s18 =	simm.s32 $0x15200;
	v3 =	vperm.xlane v3, v2  }
0x284: {  	[tilespmem:s18], [sflag:$0x1] =	stream.indirect_vreg.gather [hbm4b:s0+s4], $0x80, v4, vm0, $0xb8;
	[tilespmem:$0x18200] =	vst v63  }
0x285: {  	s26 =	simm.s32 $0x15A00;
	v3 =	vadd.s32 v1, v3  }
0x286: {  	[tilespmem:s26], [sflag:$0x1] =	stream.indirect_vreg.gather [hbm4b:s5+s4], $0x80, v4, vm0, $0xb8;
	[tilespmem:$0x18200] =	vst v63  }
0x287: {  	s28 =	simm.s32 $0x16200  }
0x288: {  	[tilespmem:s28], [sflag:$0x1] =	stream.indirect_vreg.gather [hbm4b:s6+s4], $0x80, v4, vm0, $0xb8;
	[tilespmem:$0x18200] =	vst v63  }
0x289: {  	s18 =	simm.s32 $0x16A00  }
0x28a: {  	[tilespmem:s18], [sflag:$0x1] =	stream.indirect_vreg.gather [hbm4b:s0+s4], $0x80, v3, vm0, $0xb8;
	[tilespmem:$0x18200] =	vst v63  }
0x28b: {  	s18 =	simm.s32 $0x17200  }
0x28c: {  	[tilespmem:s18], [sflag:$0x1] =	stream.indirect_vreg.gather [hbm4b:s5+s4], $0x80, v3, vm0, $0xb8;
	[tilespmem:$0x18200] =	vst v63  }
0x28d: {  	s29 =	simm.s32 $0x17A00  }
0x28e: {  	[tilespmem:s29], [sflag:$0x1] =	stream.indirect_vreg.gather [hbm4b:s6+s4], $0x80, v3, vm0, $0xb8;
	[tilespmem:$0x18200] =	vst v63  }
0x28f: {  	_ =	swait.ge [sflag:s17], $0x18000  }
0x290: {  	[sflag:s17] =	ssyncset.done $0x0  }
0x291: {  	s18 =	rddreg [dreg:$0xa];
	[sflag:s17] =	ssyncadd.s32 $0xFFFE8000  }
0x292: {  	[hbm4b:s18+s4] =	stream.linear.scatter [tilespmem:s30], [sflag:$0x2], $0x18000, $0x38;
	[tilespmem:$0x18200] =	vst v63  }
0x293: {  	_ =	swait.ge [sflag:s10], $0x18000  }
0x294: {  	[sflag:s10] =	ssyncset.done $0x0  }
0x295: {  	[sflag:s10] =	ssyncadd.s32 $0xFFFE8000  }
0x296: {  	v3 =	vld [tilespmem:$0x0];
	_ =	sdelay $0x4  }
0x297: {  	v32 =	vshrl.u32 v3, $0x3  }
0x298: {  	v4 =	vmul.u32 $0x30, v32  }
0x299: {  	v3 =	vand.u32 $0x7, v3  }
0x29a: {  	v3 =	vor.u32 v3, v4  }
0x29b: {  	v4 =	vperm.xlane v3, v0;
	_ =	sdelay $0x1  }
0x29c: {  	v4 =	vadd.s32 v1, v4;
	_ =	sdelay $0x3  }
0x29d: {  	v3 =	vperm.xlane v3, v2  }
0x29e: {  	[tilespmem:s30], [sflag:$0x1] =	stream.indirect_vreg.gather [hbm4b:s2+s4], $0x80, v4, vm0, $0xb8;
	[tilespmem:$0x18200] =	vst v63  }
0x29f: {  	s18 =	simm.s32 $0xA00;
	v3 =	vadd.s32 v1, v3  }
0x2a0: {  	[tilespmem:s18], [sflag:$0x1] =	stream.indirect_vreg.gather [hbm4b:s7+s4], $0x80, v4, vm0, $0xb8;
	[tilespmem:$0x18200] =	vst v63  }
0x2a1: {  	s18 =	simm.s32 $0x1200  }
0x2a2: {  	[tilespmem:s18], [sflag:$0x1] =	stream.indirect_vreg.gather [hbm4b:s8+s4], $0x80, v4, vm0, $0xb8;
	[tilespmem:$0x18200] =	vst v63  }
0x2a3: {  	s11 =	simm.s32 $0x1A00  }
0x2a4: {  	[tilespmem:s11], [sflag:$0x1] =	stream.indirect_vreg.gather [hbm4b:s2+s4], $0x80, v3, vm0, $0xb8;
	[tilespmem:$0x18200] =	vst v63  }
0x2a5: {  	s12 =	simm.s32 $0x2200  }
0x2a6: {  	[tilespmem:s12], [sflag:$0x1] =	stream.indirect_vreg.gather [hbm4b:s7+s4], $0x80, v3, vm0, $0xb8;
	[tilespmem:$0x18200] =	vst v63  }
0x2a7: {  	s18 =	simm.s32 $0x2A00  }
0x2a8: {  	[tilespmem:s18], [sflag:$0x1] =	stream.indirect_vreg.gather [hbm4b:s8+s4], $0x80, v3, vm0, $0xb8;
	[tilespmem:$0x18200] =	vst v63  }
0x2a9: {  	v3 =	vld [tilespmem:$0x10];
	_ =	sdelay $0x4  }
0x2aa: {  	v33 =	vshrl.u32 v3, $0x3  }
0x2ab: {  	v4 =	vmul.u32 $0x30, v33  }
0x2ac: {  	v3 =	vand.u32 $0x7, v3  }
0x2ad: {  	v3 =	vor.u32 v3, v4  }
0x2ae: {  	v4 =	vperm.xlane v3, v0;
	_ =	sdelay $0x1  }
0x2af: {  	v4 =	vadd.s32 v1, v4;
	_ =	sdelay $0x3  }
0x2b0: {  	s18 =	simm.s32 $0x3200;
	v3 =	vperm.xlane v3, v2  }
0x2b1: {  	[tilespmem:s18], [sflag:$0x1] =	stream.indirect_vreg.gather [hbm4b:s2+s4], $0x80, v4, vm0, $0xb8;
	[tilespmem:$0x18200] =	vst v63  }
0x2b2: {  	s13 =	simm.s32 $0x3A00;
	v3 =	vadd.s32 v1, v3  }
0x2b3: {  	[tilespmem:s13], [sflag:$0x1] =	stream.indirect_vreg.gather [hbm4b:s7+s4], $0x80, v4, vm0, $0xb8;
	[tilespmem:$0x18200] =	vst v63  }
0x2b4: {  	s14 =	simm.s32 $0x4200  }
0x2b5: {  	[tilespmem:s14], [sflag:$0x1] =	stream.indirect_vreg.gather [hbm4b:s8+s4], $0x80, v4, vm0, $0xb8;
	[tilespmem:$0x18200] =	vst v63  }
0x2b6: {  	s15 =	simm.s32 $0x4A00  }
0x2b7: {  	[tilespmem:s15], [sflag:$0x1] =	stream.indirect_vreg.gather [hbm4b:s2+s4], $0x80, v3, vm0, $0xb8;
	[tilespmem:$0x18200] =	vst v63  }
0x2b8: {  	s16 =	simm.s32 $0x5200  }
0x2b9: {  	[tilespmem:s16], [sflag:$0x1] =	stream.indirect_vreg.gather [hbm4b:s7+s4], $0x80, v3, vm0, $0xb8;
	[tilespmem:$0x18200] =	vst v63  }
0x2ba: {  	s18 =	simm.s32 $0x5A00  }
0x2bb: {  	[tilespmem:s18], [sflag:$0x1] =	stream.indirect_vreg.gather [hbm4b:s8+s4], $0x80, v3, vm0, $0xb8;
	[tilespmem:$0x18200] =	vst v63  }
0x2bc: {  	v3 =	vld [tilespmem:$0x20];
	_ =	sdelay $0x4  }
0x2bd: {  	v34 =	vshrl.u32 v3, $0x3  }
0x2be: {  	v4 =	vmul.u32 $0x30, v34  }
0x2bf: {  	v3 =	vand.u32 $0x7, v3  }
0x2c0: {  	v3 =	vor.u32 v3, v4  }
0x2c1: {  	v4 =	vperm.xlane v3, v0;
	_ =	sdelay $0x1  }
0x2c2: {  	v4 =	vadd.s32 v1, v4;
	_ =	sdelay $0x3  }
0x2c3: {  	s18 =	simm.s32 $0x6200;
	v3 =	vperm.xlane v3, v2  }
0x2c4: {  	[tilespmem:s18], [sflag:$0x1] =	stream.indirect_vreg.gather [hbm4b:s2+s4], $0x80, v4, vm0, $0xb8;
	[tilespmem:$0x18200] =	vst v63  }
0x2c5: {  	v3 =	vadd.s32 v1, v3;
	s18 =	simm.s32 $0x6A00  }
0x2c6: {  	[tilespmem:s18], [sflag:$0x1] =	stream.indirect_vreg.gather [hbm4b:s7+s4], $0x80, v4, vm0, $0xb8;
	[tilespmem:$0x18200] =	vst v63  }
0x2c7: {  	s9 =	simm.s32 $0x7200  }
0x2c8: {  	[tilespmem:s9], [sflag:$0x1] =	stream.indirect_vreg.gather [hbm4b:s8+s4], $0x80, v4, vm0, $0xb8;
	[tilespmem:$0x18200] =	vst v63  }
0x2c9: {  	s18 =	simm.s32 $0x7A00  }
0x2ca: {  	[tilespmem:s18], [sflag:$0x1] =	stream.indirect_vreg.gather [hbm4b:s2+s4], $0x80, v3, vm0, $0xb8;
	[tilespmem:$0x18200] =	vst v63  }
0x2cb: {  	s1 =	simm.s32 $0x8200  }
0x2cc: {  	[tilespmem:s1], [sflag:$0x1] =	stream.indirect_vreg.gather [hbm4b:s7+s4], $0x80, v3, vm0, $0xb8;
	[tilespmem:$0x18200] =	vst v63  }
0x2cd: {  	s3 =	simm.s32 $0x8A00  }
0x2ce: {  	[tilespmem:s3], [sflag:$0x1] =	stream.indirect_vreg.gather [hbm4b:s8+s4], $0x80, v3, vm0, $0xb8;
	[tilespmem:$0x18200] =	vst v63  }
0x2cf: {  	v3 =	vld [tilespmem:$0x30];
	_ =	sdelay $0x4  }
0x2d0: {  	v35 =	vshrl.u32 v3, $0x3  }
0x2d1: {  	v4 =	vmul.u32 $0x30, v35  }
0x2d2: {  	v3 =	vand.u32 $0x7, v3  }
0x2d3: {  	v3 =	vor.u32 v3, v4  }
0x2d4: {  	v4 =	vperm.xlane v3, v0;
	_ =	sdelay $0x1  }
0x2d5: {  	v4 =	vadd.s32 v1, v4;
	_ =	sdelay $0x3  }
0x2d6: {  	s19 =	simm.s32 $0x9200;
	v3 =	vperm.xlane v3, v2  }
0x2d7: {  	[tilespmem:s19], [sflag:$0x1] =	stream.indirect_vreg.gather [hbm4b:s2+s4], $0x80, v4, vm0, $0xb8;
	[tilespmem:$0x18200] =	vst v63  }
0x2d8: {  	s18 =	simm.s32 $0x9A00;
	v3 =	vadd.s32 v1, v3  }
0x2d9: {  	[tilespmem:s18], [sflag:$0x1] =	stream.indirect_vreg.gather [hbm4b:s7+s4], $0x80, v4, vm0, $0xb8;
	[tilespmem:$0x18200] =	vst v63  }
0x2da: {  	s20 =	simm.s32 $0xA200  }
0x2db: {  	[tilespmem:s20], [sflag:$0x1] =	stream.indirect_vreg.gather [hbm4b:s8+s4], $0x80, v4, vm0, $0xb8;
	[tilespmem:$0x18200] =	vst v63  }
0x2dc: {  	s31 =	simm.s32 $0xAA00  }
0x2dd: {  	[tilespmem:s31], [sflag:$0x1] =	stream.indirect_vreg.gather [hbm4b:s2+s4], $0x80, v3, vm0, $0xb8;
	[tilespmem:$0x18200] =	vst v63  }
0x2de: {  	s18 =	simm.s32 $0xB200  }
0x2df: {  	[tilespmem:s18], [sflag:$0x1] =	stream.indirect_vreg.gather [hbm4b:s7+s4], $0x80, v3, vm0, $0xb8;
	[tilespmem:$0x18200] =	vst v63  }
0x2e0: {  	s18 =	simm.s32 $0xBA00  }
0x2e1: {  	[tilespmem:s18], [sflag:$0x1] =	stream.indirect_vreg.gather [hbm4b:s8+s4], $0x80, v3, vm0, $0xb8;
	[tilespmem:$0x18200] =	vst v63  }
0x2e2: {  	v3 =	vld [tilespmem:$0x40];
	_ =	sdelay $0x4  }
0x2e3: {  	v36 =	vshrl.u32 v3, $0x3  }
0x2e4: {  	v4 =	vmul.u32 $0x30, v36  }
0x2e5: {  	v3 =	vand.u32 $0x7, v3  }
0x2e6: {  	v3 =	vor.u32 v3, v4  }
0x2e7: {  	v4 =	vperm.xlane v3, v0;
	_ =	sdelay $0x1  }
0x2e8: {  	v4 =	vadd.s32 v1, v4;
	_ =	sdelay $0x3  }
0x2e9: {  	s18 =	simm.s32 $0xC200;
	v3 =	vperm.xlane v3, v2  }
0x2ea: {  	[tilespmem:s18], [sflag:$0x1] =	stream.indirect_vreg.gather [hbm4b:s2+s4], $0x80, v4, vm0, $0xb8;
	[tilespmem:$0x18200] =	vst v63  }
0x2eb: {  	s21 =	simm.s32 $0xCA00;
	v3 =	vadd.s32 v1, v3  }
0x2ec: {  	[tilespmem:s21], [sflag:$0x1] =	stream.indirect_vreg.gather [hbm4b:s7+s4], $0x80, v4, vm0, $0xb8;
	[tilespmem:$0x18200] =	vst v63  }
0x2ed: {  	s18 =	simm.s32 $0xD200  }
0x2ee: {  	[tilespmem:s18], [sflag:$0x1] =	stream.indirect_vreg.gather [hbm4b:s8+s4], $0x80, v4, vm0, $0xb8;
	[tilespmem:$0x18200] =	vst v63  }
0x2ef: {  	s18 =	simm.s32 $0xDA00  }
0x2f0: {  	[tilespmem:s18], [sflag:$0x1] =	stream.indirect_vreg.gather [hbm4b:s2+s4], $0x80, v3, vm0, $0xb8;
	[tilespmem:$0x18200] =	vst v63  }
0x2f1: {  	s18 =	simm.s32 $0xE200  }
0x2f2: {  	[tilespmem:s18], [sflag:$0x1] =	stream.indirect_vreg.gather [hbm4b:s7+s4], $0x80, v3, vm0, $0xb8;
	[tilespmem:$0x18200] =	vst v63  }
0x2f3: {  	s18 =	simm.s32 $0xEA00  }
0x2f4: {  	[tilespmem:s18], [sflag:$0x1] =	stream.indirect_vreg.gather [hbm4b:s8+s4], $0x80, v3, vm0, $0xb8;
	[tilespmem:$0x18200] =	vst v63  }
0x2f5: {  	v3 =	vld [tilespmem:$0x50];
	_ =	sdelay $0x4  }
0x2f6: {  	v37 =	vshrl.u32 v3, $0x3  }
0x2f7: {  	v4 =	vmul.u32 $0x30, v37  }
0x2f8: {  	v3 =	vand.u32 $0x7, v3  }
0x2f9: {  	v3 =	vor.u32 v3, v4  }
0x2fa: {  	v4 =	vperm.xlane v3, v0;
	_ =	sdelay $0x1  }
0x2fb: {  	v4 =	vadd.s32 v1, v4;
	_ =	sdelay $0x3  }
0x2fc: {  	s18 =	simm.s32 $0xF200;
	v3 =	vperm.xlane v3, v2  }
0x2fd: {  	[tilespmem:s18], [sflag:$0x1] =	stream.indirect_vreg.gather [hbm4b:s2+s4], $0x80, v4, vm0, $0xb8;
	[tilespmem:$0x18200] =	vst v63  }
0x2fe: {  	s22 =	simm.s32 $0xFA00;
	v3 =	vadd.s32 v1, v3  }
0x2ff: {  	[tilespmem:s22], [sflag:$0x1] =	stream.indirect_vreg.gather [hbm4b:s7+s4], $0x80, v4, vm0, $0xb8;
	[tilespmem:$0x18200] =	vst v63  }
0x300: {  	s23 =	simm.s32 $0x10200  }
0x301: {  	[tilespmem:s23], [sflag:$0x1] =	stream.indirect_vreg.gather [hbm4b:s8+s4], $0x80, v4, vm0, $0xb8;
	[tilespmem:$0x18200] =	vst v63  }
0x302: {  	s18 =	simm.s32 $0x10A00  }
0x303: {  	[tilespmem:s18], [sflag:$0x1] =	stream.indirect_vreg.gather [hbm4b:s2+s4], $0x80, v3, vm0, $0xb8;
	[tilespmem:$0x18200] =	vst v63  }
0x304: {  	s18 =	simm.s32 $0x11200  }
0x305: {  	[tilespmem:s18], [sflag:$0x1] =	stream.indirect_vreg.gather [hbm4b:s7+s4], $0x80, v3, vm0, $0xb8;
	[tilespmem:$0x18200] =	vst v63  }
0x306: {  	s18 =	simm.s32 $0x11A00  }
0x307: {  	[tilespmem:s18], [sflag:$0x1] =	stream.indirect_vreg.gather [hbm4b:s8+s4], $0x80, v3, vm0, $0xb8;
	[tilespmem:$0x18200] =	vst v63  }
0x308: {  	v3 =	vld [tilespmem:$0x60];
	_ =	sdelay $0x4  }
0x309: {  	v38 =	vshrl.u32 v3, $0x3  }
0x30a: {  	v4 =	vmul.u32 $0x30, v38  }
0x30b: {  	v3 =	vand.u32 $0x7, v3  }
0x30c: {  	v3 =	vor.u32 v3, v4  }
0x30d: {  	v4 =	vperm.xlane v3, v0;
	_ =	sdelay $0x1  }
0x30e: {  	v4 =	vadd.s32 v1, v4;
	_ =	sdelay $0x3  }
0x30f: {  	s18 =	simm.s32 $0x12200;
	v3 =	vperm.xlane v3, v2  }
0x310: {  	[tilespmem:s18], [sflag:$0x1] =	stream.indirect_vreg.gather [hbm4b:s2+s4], $0x80, v4, vm0, $0xb8;
	[tilespmem:$0x18200] =	vst v63  }
0x311: {  	s24 =	simm.s32 $0x12A00;
	v3 =	vadd.s32 v1, v3  }
0x312: {  	[tilespmem:s24], [sflag:$0x1] =	stream.indirect_vreg.gather [hbm4b:s7+s4], $0x80, v4, vm0, $0xb8;
	[tilespmem:$0x18200] =	vst v63  }
0x313: {  	s25 =	simm.s32 $0x13200  }
0x314: {  	[tilespmem:s25], [sflag:$0x1] =	stream.indirect_vreg.gather [hbm4b:s8+s4], $0x80, v4, vm0, $0xb8;
	[tilespmem:$0x18200] =	vst v63  }
0x315: {  	s18 =	simm.s32 $0x13A00  }
0x316: {  	[tilespmem:s18], [sflag:$0x1] =	stream.indirect_vreg.gather [hbm4b:s2+s4], $0x80, v3, vm0, $0xb8;
	[tilespmem:$0x18200] =	vst v63  }
0x317: {  	s18 =	simm.s32 $0x14200  }
0x318: {  	[tilespmem:s18], [sflag:$0x1] =	stream.indirect_vreg.gather [hbm4b:s7+s4], $0x80, v3, vm0, $0xb8;
	[tilespmem:$0x18200] =	vst v63  }
0x319: {  	s18 =	simm.s32 $0x14A00  }
0x31a: {  	[tilespmem:s18], [sflag:$0x1] =	stream.indirect_vreg.gather [hbm4b:s8+s4], $0x80, v3, vm0, $0xb8;
	[tilespmem:$0x18200] =	vst v63  }
0x31b: {  	v3 =	vld [tilespmem:$0x70];
	_ =	sdelay $0x4  }
0x31c: {  	v39 =	vshrl.u32 v3, $0x3  }
0x31d: {  	v4 =	vmul.u32 $0x30, v39  }
0x31e: {  	v3 =	vand.u32 $0x7, v3  }
0x31f: {  	v3 =	vor.u32 v3, v4  }
0x320: {  	v4 =	vperm.xlane v3, v0;
	_ =	sdelay $0x1  }
0x321: {  	v4 =	vadd.s32 v1, v4;
	_ =	sdelay $0x3  }
0x322: {  	s18 =	simm.s32 $0x15200;
	v3 =	vperm.xlane v3, v2  }
0x323: {  	[tilespmem:s18], [sflag:$0x1] =	stream.indirect_vreg.gather [hbm4b:s2+s4], $0x80, v4, vm0, $0xb8;
	[tilespmem:$0x18200] =	vst v63  }
0x324: {  	s26 =	simm.s32 $0x15A00;
	v3 =	vadd.s32 v1, v3  }
0x325: {  	[tilespmem:s26], [sflag:$0x1] =	stream.indirect_vreg.gather [hbm4b:s7+s4], $0x80, v4, vm0, $0xb8;
	[tilespmem:$0x18200] =	vst v63  }
0x326: {  	s28 =	simm.s32 $0x16200  }
0x327: {  	[tilespmem:s28], [sflag:$0x1] =	stream.indirect_vreg.gather [hbm4b:s8+s4], $0x80, v4, vm0, $0xb8;
	[tilespmem:$0x18200] =	vst v63  }
0x328: {  	s18 =	simm.s32 $0x16A00  }
0x329: {  	[tilespmem:s18], [sflag:$0x1] =	stream.indirect_vreg.gather [hbm4b:s2+s4], $0x80, v3, vm0, $0xb8;
	[tilespmem:$0x18200] =	vst v63  }
0x32a: {  	s18 =	simm.s32 $0x17200  }
0x32b: {  	[tilespmem:s18], [sflag:$0x1] =	stream.indirect_vreg.gather [hbm4b:s7+s4], $0x80, v3, vm0, $0xb8;
	[tilespmem:$0x18200] =	vst v63  }
0x32c: {  	s29 =	simm.s32 $0x17A00  }
0x32d: {  	[tilespmem:s29], [sflag:$0x1] =	stream.indirect_vreg.gather [hbm4b:s8+s4], $0x80, v3, vm0, $0xb8;
	[tilespmem:$0x18200] =	vst v63  }
0x32e: {  	_ =	swait.ge [sflag:s17], $0x18000  }
0x32f: {  	[sflag:s17] =	ssyncset.done $0x0  }
0x330: {  	s18 =	rddreg [dreg:$0xb];
	[sflag:s17] =	ssyncadd.s32 $0xFFFE8000  }
0x331: {  	[hbm4b:s18+s4] =	stream.linear.scatter [tilespmem:s30], [sflag:$0x2], $0x18000, $0x38;
	[tilespmem:$0x18200] =	vst v63  }
0x332: {  	_ =	swait.ge [sflag:s10], $0x18000  }
0x333: {  	[sflag:s10] =	ssyncset.done $0x0  }
0x334: {  	[sflag:s10] =	ssyncadd.s32 $0xFFFE8000  }
0x335: {  	v3 =	vld [tilespmem:$0x80];
	_ =	sdelay $0x4  }
0x336: {  	v40 =	vshrl.u32 v3, $0x3  }
0x337: {  	v4 =	vmul.u32 $0x30, v40  }
0x338: {  	v3 =	vand.u32 $0x7, v3  }
0x339: {  	v3 =	vor.u32 v3, v4  }
0x33a: {  	v4 =	vperm.xlane v3, v0;
	_ =	sdelay $0x1  }
0x33b: {  	v4 =	vadd.s32 v1, v4;
	_ =	sdelay $0x3  }
0x33c: {  	v3 =	vperm.xlane v3, v2  }
0x33d: {  	[tilespmem:s30], [sflag:$0x1] =	stream.indirect_vreg.gather [hbm4b:s2+s4], $0x80, v4, vm0, $0xb8;
	[tilespmem:$0x18200] =	vst v63  }
0x33e: {  	s18 =	simm.s32 $0xA00;
	v3 =	vadd.s32 v1, v3  }
0x33f: {  	[tilespmem:s18], [sflag:$0x1] =	stream.indirect_vreg.gather [hbm4b:s7+s4], $0x80, v4, vm0, $0xb8;
	[tilespmem:$0x18200] =	vst v63  }
0x340: {  	s18 =	simm.s32 $0x1200  }
0x341: {  	[tilespmem:s18], [sflag:$0x1] =	stream.indirect_vreg.gather [hbm4b:s8+s4], $0x80, v4, vm0, $0xb8;
	[tilespmem:$0x18200] =	vst v63  }
0x342: {  	s11 =	simm.s32 $0x1A00  }
0x343: {  	[tilespmem:s11], [sflag:$0x1] =	stream.indirect_vreg.gather [hbm4b:s2+s4], $0x80, v3, vm0, $0xb8;
	[tilespmem:$0x18200] =	vst v63  }
0x344: {  	s12 =	simm.s32 $0x2200  }
0x345: {  	[tilespmem:s12], [sflag:$0x1] =	stream.indirect_vreg.gather [hbm4b:s7+s4], $0x80, v3, vm0, $0xb8;
	[tilespmem:$0x18200] =	vst v63  }
0x346: {  	s12 =	simm.s32 $0x2A00  }
0x347: {  	[tilespmem:s12], [sflag:$0x1] =	stream.indirect_vreg.gather [hbm4b:s8+s4], $0x80, v3, vm0, $0xb8;
	[tilespmem:$0x18200] =	vst v63  }
0x348: {  	v3 =	vld [tilespmem:$0x90];
	_ =	sdelay $0x4  }
0x349: {  	v41 =	vshrl.u32 v3, $0x3  }
0x34a: {  	v4 =	vmul.u32 $0x30, v41  }
0x34b: {  	v3 =	vand.u32 $0x7, v3  }
0x34c: {  	v3 =	vor.u32 v3, v4  }
0x34d: {  	v4 =	vperm.xlane v3, v0;
	_ =	sdelay $0x1  }
0x34e: {  	v4 =	vadd.s32 v1, v4;
	_ =	sdelay $0x3  }
0x34f: {  	s18 =	simm.s32 $0x3200;
	v3 =	vperm.xlane v3, v2  }
0x350: {  	[tilespmem:s18], [sflag:$0x1] =	stream.indirect_vreg.gather [hbm4b:s2+s4], $0x80, v4, vm0, $0xb8;
	[tilespmem:$0x18200] =	vst v63  }
0x351: {  	s13 =	simm.s32 $0x3A00;
	v3 =	vadd.s32 v1, v3  }
0x352: {  	[tilespmem:s13], [sflag:$0x1] =	stream.indirect_vreg.gather [hbm4b:s7+s4], $0x80, v4, vm0, $0xb8;
	[tilespmem:$0x18200] =	vst v63  }
0x353: {  	s14 =	simm.s32 $0x4200  }
0x354: {  	[tilespmem:s14], [sflag:$0x1] =	stream.indirect_vreg.gather [hbm4b:s8+s4], $0x80, v4, vm0, $0xb8;
	[tilespmem:$0x18200] =	vst v63  }
0x355: {  	s15 =	simm.s32 $0x4A00  }
0x356: {  	[tilespmem:s15], [sflag:$0x1] =	stream.indirect_vreg.gather [hbm4b:s2+s4], $0x80, v3, vm0, $0xb8;
	[tilespmem:$0x18200] =	vst v63  }
0x357: {  	s16 =	simm.s32 $0x5200  }
0x358: {  	[tilespmem:s16], [sflag:$0x1] =	stream.indirect_vreg.gather [hbm4b:s7+s4], $0x80, v3, vm0, $0xb8;
	[tilespmem:$0x18200] =	vst v63  }
0x359: {  	s12 =	simm.s32 $0x5A00  }
0x35a: {  	[tilespmem:s12], [sflag:$0x1] =	stream.indirect_vreg.gather [hbm4b:s8+s4], $0x80, v3, vm0, $0xb8;
	[tilespmem:$0x18200] =	vst v63  }
0x35b: {  	v3 =	vld [tilespmem:$0xA0];
	_ =	sdelay $0x4  }
0x35c: {  	v42 =	vshrl.u32 v3, $0x3  }
0x35d: {  	v4 =	vmul.u32 $0x30, v42  }
0x35e: {  	v3 =	vand.u32 $0x7, v3  }
0x35f: {  	v3 =	vor.u32 v3, v4  }
0x360: {  	v4 =	vperm.xlane v3, v0;
	_ =	sdelay $0x1  }
0x361: {  	v4 =	vadd.s32 v1, v4;
	_ =	sdelay $0x3  }
0x362: {  	s13 =	simm.s32 $0x6200;
	v3 =	vperm.xlane v3, v2  }
0x363: {  	[tilespmem:s13], [sflag:$0x1] =	stream.indirect_vreg.gather [hbm4b:s2+s4], $0x80, v4, vm0, $0xb8;
	[tilespmem:$0x18200] =	vst v63  }
0x364: {  	s14 =	simm.s32 $0x6A00;
	v3 =	vadd.s32 v1, v3  }
0x365: {  	[tilespmem:s14], [sflag:$0x1] =	stream.indirect_vreg.gather [hbm4b:s7+s4], $0x80, v4, vm0, $0xb8;
	[tilespmem:$0x18200] =	vst v63  }
0x366: {  	s9 =	simm.s32 $0x7200  }
0x367: {  	[tilespmem:s9], [sflag:$0x1] =	stream.indirect_vreg.gather [hbm4b:s8+s4], $0x80, v4, vm0, $0xb8;
	[tilespmem:$0x18200] =	vst v63  }
0x368: {  	s15 =	simm.s32 $0x7A00  }
0x369: {  	[tilespmem:s15], [sflag:$0x1] =	stream.indirect_vreg.gather [hbm4b:s2+s4], $0x80, v3, vm0, $0xb8;
	[tilespmem:$0x18200] =	vst v63  }
0x36a: {  	s1 =	simm.s32 $0x8200  }
0x36b: {  	[tilespmem:s1], [sflag:$0x1] =	stream.indirect_vreg.gather [hbm4b:s7+s4], $0x80, v3, vm0, $0xb8;
	[tilespmem:$0x18200] =	vst v63  }
0x36c: {  	s3 =	simm.s32 $0x8A00  }
0x36d: {  	[tilespmem:s3], [sflag:$0x1] =	stream.indirect_vreg.gather [hbm4b:s8+s4], $0x80, v3, vm0, $0xb8;
	[tilespmem:$0x18200] =	vst v63  }
0x36e: {  	v3 =	vld [tilespmem:$0xB0];
	_ =	sdelay $0x4  }
0x36f: {  	v43 =	vshrl.u32 v3, $0x3  }
0x370: {  	v4 =	vmul.u32 $0x30, v43  }
0x371: {  	v3 =	vand.u32 $0x7, v3  }
0x372: {  	v3 =	vor.u32 v3, v4  }
0x373: {  	v4 =	vperm.xlane v3, v0;
	_ =	sdelay $0x1  }
0x374: {  	v4 =	vadd.s32 v1, v4;
	_ =	sdelay $0x3  }
0x375: {  	s19 =	simm.s32 $0x9200;
	v3 =	vperm.xlane v3, v2  }
0x376: {  	[tilespmem:s19], [sflag:$0x1] =	stream.indirect_vreg.gather [hbm4b:s2+s4], $0x80, v4, vm0, $0xb8;
	[tilespmem:$0x18200] =	vst v63  }
0x377: {  	s16 =	simm.s32 $0x9A00;
	v3 =	vadd.s32 v1, v3  }
0x378: {  	[tilespmem:s16], [sflag:$0x1] =	stream.indirect_vreg.gather [hbm4b:s7+s4], $0x80, v4, vm0, $0xb8;
	[tilespmem:$0x18200] =	vst v63  }
0x379: {  	s20 =	simm.s32 $0xA200  }
0x37a: {  	[tilespmem:s20], [sflag:$0x1] =	stream.indirect_vreg.gather [hbm4b:s8+s4], $0x80, v4, vm0, $0xb8;
	[tilespmem:$0x18200] =	vst v63  }
0x37b: {  	s31 =	simm.s32 $0xAA00  }
0x37c: {  	[tilespmem:s31], [sflag:$0x1] =	stream.indirect_vreg.gather [hbm4b:s2+s4], $0x80, v3, vm0, $0xb8;
	[tilespmem:$0x18200] =	vst v63  }
0x37d: {  	s18 =	simm.s32 $0xB200  }
0x37e: {  	[tilespmem:s18], [sflag:$0x1] =	stream.indirect_vreg.gather [hbm4b:s7+s4], $0x80, v3, vm0, $0xb8;
	[tilespmem:$0x18200] =	vst v63  }
0x37f: {  	s19 =	simm.s32 $0xBA00  }
0x380: {  	[tilespmem:s19], [sflag:$0x1] =	stream.indirect_vreg.gather [hbm4b:s8+s4], $0x80, v3, vm0, $0xb8;
	[tilespmem:$0x18200] =	vst v63  }
0x381: {  	v3 =	vld [tilespmem:$0xC0];
	_ =	sdelay $0x4  }
0x382: {  	v44 =	vshrl.u32 v3, $0x3  }
0x383: {  	v4 =	vmul.u32 $0x30, v44  }
0x384: {  	v3 =	vand.u32 $0x7, v3  }
0x385: {  	v3 =	vor.u32 v3, v4  }
0x386: {  	v4 =	vperm.xlane v3, v0;
	_ =	sdelay $0x1  }
0x387: {  	v4 =	vadd.s32 v1, v4;
	_ =	sdelay $0x3  }
0x388: {  	s20 =	simm.s32 $0xC200;
	v3 =	vperm.xlane v3, v2  }
0x389: {  	[tilespmem:s20], [sflag:$0x1] =	stream.indirect_vreg.gather [hbm4b:s2+s4], $0x80, v4, vm0, $0xb8;
	[tilespmem:$0x18200] =	vst v63  }
0x38a: {  	s21 =	simm.s32 $0xCA00;
	v3 =	vadd.s32 v1, v3  }
0x38b: {  	[tilespmem:s21], [sflag:$0x1] =	stream.indirect_vreg.gather [hbm4b:s7+s4], $0x80, v4, vm0, $0xb8;
	[tilespmem:$0x18200] =	vst v63  }
0x38c: {  	s12 =	simm.s32 $0xD200  }
0x38d: {  	[tilespmem:s12], [sflag:$0x1] =	stream.indirect_vreg.gather [hbm4b:s8+s4], $0x80, v4, vm0, $0xb8;
	[tilespmem:$0x18200] =	vst v63  }
0x38e: {  	s13 =	simm.s32 $0xDA00  }
0x38f: {  	[tilespmem:s13], [sflag:$0x1] =	stream.indirect_vreg.gather [hbm4b:s2+s4], $0x80, v3, vm0, $0xb8;
	[tilespmem:$0x18200] =	vst v63  }
0x390: {  	s14 =	simm.s32 $0xE200  }
0x391: {  	[tilespmem:s14], [sflag:$0x1] =	stream.indirect_vreg.gather [hbm4b:s7+s4], $0x80, v3, vm0, $0xb8;
	[tilespmem:$0x18200] =	vst v63  }
0x392: {  	s15 =	simm.s32 $0xEA00  }
0x393: {  	[tilespmem:s15], [sflag:$0x1] =	stream.indirect_vreg.gather [hbm4b:s8+s4], $0x80, v3, vm0, $0xb8;
	[tilespmem:$0x18200] =	vst v63  }
0x394: {  	v3 =	vld [tilespmem:$0xD0];
	_ =	sdelay $0x4  }
0x395: {  	v45 =	vshrl.u32 v3, $0x3  }
0x396: {  	v4 =	vmul.u32 $0x30, v45  }
0x397: {  	v3 =	vand.u32 $0x7, v3  }
0x398: {  	v3 =	vor.u32 v3, v4  }
0x399: {  	v4 =	vperm.xlane v3, v0;
	_ =	sdelay $0x1  }
0x39a: {  	v4 =	vadd.s32 v1, v4;
	_ =	sdelay $0x3  }
0x39b: {  	s16 =	simm.s32 $0xF200;
	v3 =	vperm.xlane v3, v2  }
0x39c: {  	[tilespmem:s16], [sflag:$0x1] =	stream.indirect_vreg.gather [hbm4b:s2+s4], $0x80, v4, vm0, $0xb8;
	[tilespmem:$0x18200] =	vst v63  }
0x39d: {  	s22 =	simm.s32 $0xFA00;
	v3 =	vadd.s32 v1, v3  }
0x39e: {  	[tilespmem:s22], [sflag:$0x1] =	stream.indirect_vreg.gather [hbm4b:s7+s4], $0x80, v4, vm0, $0xb8;
	[tilespmem:$0x18200] =	vst v63  }
0x39f: {  	s23 =	simm.s32 $0x10200  }
0x3a0: {  	[tilespmem:s23], [sflag:$0x1] =	stream.indirect_vreg.gather [hbm4b:s8+s4], $0x80, v4, vm0, $0xb8;
	[tilespmem:$0x18200] =	vst v63  }
0x3a1: {  	s18 =	simm.s32 $0x10A00  }
0x3a2: {  	[tilespmem:s18], [sflag:$0x1] =	stream.indirect_vreg.gather [hbm4b:s2+s4], $0x80, v3, vm0, $0xb8;
	[tilespmem:$0x18200] =	vst v63  }
0x3a3: {  	s19 =	simm.s32 $0x11200  }
0x3a4: {  	[tilespmem:s19], [sflag:$0x1] =	stream.indirect_vreg.gather [hbm4b:s7+s4], $0x80, v3, vm0, $0xb8;
	[tilespmem:$0x18200] =	vst v63  }
0x3a5: {  	s20 =	simm.s32 $0x11A00  }
0x3a6: {  	[tilespmem:s20], [sflag:$0x1] =	stream.indirect_vreg.gather [hbm4b:s8+s4], $0x80, v3, vm0, $0xb8;
	[tilespmem:$0x18200] =	vst v63  }
0x3a7: {  	v3 =	vld [tilespmem:$0xE0];
	_ =	sdelay $0x4  }
0x3a8: {  	v46 =	vshrl.u32 v3, $0x3  }
0x3a9: {  	v4 =	vmul.u32 $0x30, v46  }
0x3aa: {  	v3 =	vand.u32 $0x7, v3  }
0x3ab: {  	v3 =	vor.u32 v3, v4  }
0x3ac: {  	v4 =	vperm.xlane v3, v0;
	_ =	sdelay $0x1  }
0x3ad: {  	v4 =	vadd.s32 v1, v4;
	_ =	sdelay $0x3  }
0x3ae: {  	s21 =	simm.s32 $0x12200;
	v3 =	vperm.xlane v3, v2  }
0x3af: {  	[tilespmem:s21], [sflag:$0x1] =	stream.indirect_vreg.gather [hbm4b:s2+s4], $0x80, v4, vm0, $0xb8;
	[tilespmem:$0x18200] =	vst v63  }
0x3b0: {  	s24 =	simm.s32 $0x12A00;
	v3 =	vadd.s32 v1, v3  }
0x3b1: {  	[tilespmem:s24], [sflag:$0x1] =	stream.indirect_vreg.gather [hbm4b:s7+s4], $0x80, v4, vm0, $0xb8;
	[tilespmem:$0x18200] =	vst v63  }
0x3b2: {  	s25 =	simm.s32 $0x13200  }
0x3b3: {  	[tilespmem:s25], [sflag:$0x1] =	stream.indirect_vreg.gather [hbm4b:s8+s4], $0x80, v4, vm0, $0xb8;
	[tilespmem:$0x18200] =	vst v63  }
0x3b4: {  	s22 =	simm.s32 $0x13A00  }
0x3b5: {  	[tilespmem:s22], [sflag:$0x1] =	stream.indirect_vreg.gather [hbm4b:s2+s4], $0x80, v3, vm0, $0xb8;
	[tilespmem:$0x18200] =	vst v63  }
0x3b6: {  	s23 =	simm.s32 $0x14200  }
0x3b7: {  	[tilespmem:s23], [sflag:$0x1] =	stream.indirect_vreg.gather [hbm4b:s7+s4], $0x80, v3, vm0, $0xb8;
	[tilespmem:$0x18200] =	vst v63  }
0x3b8: {  	s24 =	simm.s32 $0x14A00  }
0x3b9: {  	[tilespmem:s24], [sflag:$0x1] =	stream.indirect_vreg.gather [hbm4b:s8+s4], $0x80, v3, vm0, $0xb8;
	[tilespmem:$0x18200] =	vst v63  }
0x3ba: {  	v3 =	vld [tilespmem:$0xF0];
	_ =	sdelay $0x4  }
0x3bb: {  	v47 =	vshrl.u32 v3, $0x3  }
0x3bc: {  	v4 =	vmul.u32 $0x30, v47  }
0x3bd: {  	v3 =	vand.u32 $0x7, v3  }
0x3be: {  	v3 =	vor.u32 v3, v4  }
0x3bf: {  	v4 =	vperm.xlane v3, v0;
	_ =	sdelay $0x1  }
0x3c0: {  	v4 =	vadd.s32 v1, v4;
	_ =	sdelay $0x3  }
0x3c1: {  	s25 =	simm.s32 $0x15200;
	v3 =	vperm.xlane v3, v2  }
0x3c2: {  	[tilespmem:s25], [sflag:$0x1] =	stream.indirect_vreg.gather [hbm4b:s2+s4], $0x80, v4, vm0, $0xb8;
	[tilespmem:$0x18200] =	vst v63  }
0x3c3: {  	s26 =	simm.s32 $0x15A00;
	v3 =	vadd.s32 v1, v3  }
0x3c4: {  	[tilespmem:s26], [sflag:$0x1] =	stream.indirect_vreg.gather [hbm4b:s7+s4], $0x80, v4, vm0, $0xb8;
	[tilespmem:$0x18200] =	vst v63  }
0x3c5: {  	s28 =	simm.s32 $0x16200  }
0x3c6: {  	[tilespmem:s28], [sflag:$0x1] =	stream.indirect_vreg.gather [hbm4b:s8+s4], $0x80, v4, vm0, $0xb8;
	[tilespmem:$0x18200] =	vst v63  }
0x3c7: {  	s12 =	simm.s32 $0x16A00  }
0x3c8: {  	[tilespmem:s12], [sflag:$0x1] =	stream.indirect_vreg.gather [hbm4b:s2+s4], $0x80, v3, vm0, $0xb8;
	[tilespmem:$0x18200] =	vst v63  }
0x3c9: {  	s13 =	simm.s32 $0x17200  }
0x3ca: {  	[tilespmem:s13], [sflag:$0x1] =	stream.indirect_vreg.gather [hbm4b:s7+s4], $0x80, v3, vm0, $0xb8;
	[tilespmem:$0x18200] =	vst v63  }
0x3cb: {  	s29 =	simm.s32 $0x17A00  }
0x3cc: {  	[tilespmem:s29], [sflag:$0x1] =	stream.indirect_vreg.gather [hbm4b:s8+s4], $0x80, v3, vm0, $0xb8;
	[tilespmem:$0x18200] =	vst v63  }
0x3cd: {  	_ =	swait.ge [sflag:s17], $0x18000  }
0x3ce: {  	[sflag:s17] =	ssyncset.done $0x0  }
0x3cf: {  	s14 =	rddreg [dreg:$0xc];
	[sflag:s17] =	ssyncadd.s32 $0xFFFE8000  }
0x3d0: {  	[hbm4b:s14+s4] =	stream.linear.scatter [tilespmem:s30], [sflag:$0x2], $0x18000, $0x38;
	[tilespmem:$0x18200] =	vst v63  }
0x3d1: {  	_ =	swait.ge [sflag:s10], $0x18000  }
0x3d2: {  	[sflag:s10] =	ssyncset.done $0x0  }
0x3d3: {  	[sflag:s10] =	ssyncadd.s32 $0xFFFE8000  }
0x3d4: {  	v3 =	vld [tilespmem:$0x100];
	_ =	sdelay $0x4  }
0x3d5: {  	v48 =	vshrl.u32 v3, $0x3  }
0x3d6: {  	v4 =	vmul.u32 $0x30, v48  }
0x3d7: {  	v3 =	vand.u32 $0x7, v3  }
0x3d8: {  	v3 =	vor.u32 v3, v4  }
0x3d9: {  	v4 =	vperm.xlane v3, v0;
	_ =	sdelay $0x1  }
0x3da: {  	v4 =	vadd.s32 v1, v4;
	_ =	sdelay $0x3  }
0x3db: {  	v3 =	vperm.xlane v3, v2  }
0x3dc: {  	[tilespmem:s30], [sflag:$0x1] =	stream.indirect_vreg.gather [hbm4b:s2+s4], $0x80, v4, vm0, $0xb8;
	[tilespmem:$0x18200] =	vst v63  }
0x3dd: {  	s15 =	simm.s32 $0xA00;
	v3 =	vadd.s32 v1, v3  }
0x3de: {  	[tilespmem:s15], [sflag:$0x1] =	stream.indirect_vreg.gather [hbm4b:s7+s4], $0x80, v4, vm0, $0xb8;
	[tilespmem:$0x18200] =	vst v63  }
0x3df: {  	s16 =	simm.s32 $0x1200  }
0x3e0: {  	[tilespmem:s16], [sflag:$0x1] =	stream.indirect_vreg.gather [hbm4b:s8+s4], $0x80, v4, vm0, $0xb8;
	[tilespmem:$0x18200] =	vst v63  }
0x3e1: {  	s18 =	simm.s32 $0x1A00  }
0x3e2: {  	[tilespmem:s18], [sflag:$0x1] =	stream.indirect_vreg.gather [hbm4b:s2+s4], $0x80, v3, vm0, $0xb8;
	[tilespmem:$0x18200] =	vst v63  }
0x3e3: {  	s19 =	simm.s32 $0x2200  }
0x3e4: {  	[tilespmem:s19], [sflag:$0x1] =	stream.indirect_vreg.gather [hbm4b:s7+s4], $0x80, v3, vm0, $0xb8;
	[tilespmem:$0x18200] =	vst v63  }
0x3e5: {  	s20 =	simm.s32 $0x2A00  }
0x3e6: {  	[tilespmem:s20], [sflag:$0x1] =	stream.indirect_vreg.gather [hbm4b:s8+s4], $0x80, v3, vm0, $0xb8;
	[tilespmem:$0x18200] =	vst v63  }
0x3e7: {  	v3 =	vld [tilespmem:$0x110];
	_ =	sdelay $0x4  }
0x3e8: {  	v49 =	vshrl.u32 v3, $0x3  }
0x3e9: {  	v4 =	vmul.u32 $0x30, v49  }
0x3ea: {  	v3 =	vand.u32 $0x7, v3  }
0x3eb: {  	v3 =	vor.u32 v3, v4  }
0x3ec: {  	v4 =	vperm.xlane v3, v0;
	_ =	sdelay $0x1  }
0x3ed: {  	v4 =	vadd.s32 v1, v4;
	_ =	sdelay $0x3  }
0x3ee: {  	s21 =	simm.s32 $0x3200;
	v3 =	vperm.xlane v3, v2  }
0x3ef: {  	[tilespmem:s21], [sflag:$0x1] =	stream.indirect_vreg.gather [hbm4b:s2+s4], $0x80, v4, vm0, $0xb8;
	[tilespmem:$0x18200] =	vst v63  }
0x3f0: {  	s22 =	simm.s32 $0x3A00;
	v3 =	vadd.s32 v1, v3  }
0x3f1: {  	[tilespmem:s22], [sflag:$0x1] =	stream.indirect_vreg.gather [hbm4b:s7+s4], $0x80, v4, vm0, $0xb8;
	[tilespmem:$0x18200] =	vst v63  }
0x3f2: {  	s23 =	simm.s32 $0x4200  }
0x3f3: {  	[tilespmem:s23], [sflag:$0x1] =	stream.indirect_vreg.gather [hbm4b:s8+s4], $0x80, v4, vm0, $0xb8;
	[tilespmem:$0x18200] =	vst v63  }
0x3f4: {  	s24 =	simm.s32 $0x4A00  }
0x3f5: {  	[tilespmem:s24], [sflag:$0x1] =	stream.indirect_vreg.gather [hbm4b:s2+s4], $0x80, v3, vm0, $0xb8;
	[tilespmem:$0x18200] =	vst v63  }
0x3f6: {  	s25 =	simm.s32 $0x5200  }
0x3f7: {  	[tilespmem:s25], [sflag:$0x1] =	stream.indirect_vreg.gather [hbm4b:s7+s4], $0x80, v3, vm0, $0xb8;
	[tilespmem:$0x18200] =	vst v63  }
0x3f8: {  	s26 =	simm.s32 $0x5A00  }
0x3f9: {  	[tilespmem:s26], [sflag:$0x1] =	stream.indirect_vreg.gather [hbm4b:s8+s4], $0x80, v3, vm0, $0xb8;
	[tilespmem:$0x18200] =	vst v63  }
0x3fa: {  	v3 =	vld [tilespmem:$0x120];
	_ =	sdelay $0x4  }
0x3fb: {  	v50 =	vshrl.u32 v3, $0x3  }
0x3fc: {  	v4 =	vmul.u32 $0x30, v50  }
0x3fd: {  	v3 =	vand.u32 $0x7, v3  }
0x3fe: {  	v3 =	vor.u32 v3, v4  }
0x3ff: {  	v4 =	vperm.xlane v3, v0;
	_ =	sdelay $0x1  }
0x400: {  	v4 =	vadd.s32 v1, v4;
	_ =	sdelay $0x3  }
0x401: {  	s28 =	simm.s32 $0x6200;
	v3 =	vperm.xlane v3, v2  }
0x402: {  	[tilespmem:s28], [sflag:$0x1] =	stream.indirect_vreg.gather [hbm4b:s2+s4], $0x80, v4, vm0, $0xb8;
	[tilespmem:$0x18200] =	vst v63  }
0x403: {  	s29 =	simm.s32 $0x6A00;
	v3 =	vadd.s32 v1, v3  }
0x404: {  	[tilespmem:s29], [sflag:$0x1] =	stream.indirect_vreg.gather [hbm4b:s7+s4], $0x80, v4, vm0, $0xb8;
	[tilespmem:$0x18200] =	vst v63  }
0x405: {  	s9 =	simm.s32 $0x7200  }
0x406: {  	[tilespmem:s9], [sflag:$0x1] =	stream.indirect_vreg.gather [hbm4b:s8+s4], $0x80, v4, vm0, $0xb8;
	[tilespmem:$0x18200] =	vst v63  }
0x407: {  	s18 =	simm.s32 $0x7A00  }
0x408: {  	[tilespmem:s18], [sflag:$0x1] =	stream.indirect_vreg.gather [hbm4b:s2+s4], $0x80, v3, vm0, $0xb8;
	[tilespmem:$0x18200] =	vst v63  }
0x409: {  	s1 =	simm.s32 $0x8200  }
0x40a: {  	[tilespmem:s1], [sflag:$0x1] =	stream.indirect_vreg.gather [hbm4b:s7+s4], $0x80, v3, vm0, $0xb8;
	[tilespmem:$0x18200] =	vst v63  }
0x40b: {  	s11 =	simm.s32 $0x8A00  }
0x40c: {  	[tilespmem:s11], [sflag:$0x1] =	stream.indirect_vreg.gather [hbm4b:s8+s4], $0x80, v3, vm0, $0xb8;
	[tilespmem:$0x18200] =	vst v63  }
0x40d: {  	v3 =	vld [tilespmem:$0x130];
	_ =	sdelay $0x4  }
0x40e: {  	v51 =	vshrl.u32 v3, $0x3  }
0x40f: {  	v4 =	vmul.u32 $0x30, v51  }
0x410: {  	v3 =	vand.u32 $0x7, v3  }
0x411: {  	v3 =	vor.u32 v3, v4  }
0x412: {  	v4 =	vperm.xlane v3, v0;
	_ =	sdelay $0x1  }
0x413: {  	v4 =	vadd.s32 v1, v4;
	_ =	sdelay $0x3  }
0x414: {  	s21 =	simm.s32 $0x9200;
	v3 =	vperm.xlane v3, v2  }
0x415: {  	[tilespmem:s21], [sflag:$0x1] =	stream.indirect_vreg.gather [hbm4b:s2+s4], $0x80, v4, vm0, $0xb8;
	[tilespmem:$0x18200] =	vst v63  }
0x416: {  	s22 =	simm.s32 $0x9A00;
	v3 =	vadd.s32 v1, v3  }
0x417: {  	[tilespmem:s22], [sflag:$0x1] =	stream.indirect_vreg.gather [hbm4b:s7+s4], $0x80, v4, vm0, $0xb8;
	[tilespmem:$0x18200] =	vst v63  }
0x418: {  	s24 =	simm.s32 $0xA200  }
0x419: {  	[tilespmem:s24], [sflag:$0x1] =	stream.indirect_vreg.gather [hbm4b:s8+s4], $0x80, v4, vm0, $0xb8;
	[tilespmem:$0x18200] =	vst v63  }
0x41a: {  	s31 =	simm.s32 $0xAA00  }
0x41b: {  	[tilespmem:s31], [sflag:$0x1] =	stream.indirect_vreg.gather [hbm4b:s2+s4], $0x80, v3, vm0, $0xb8;
	[tilespmem:$0x18200] =	vst v63  }
0x41c: {  	s25 =	simm.s32 $0xB200  }
0x41d: {  	[tilespmem:s25], [sflag:$0x1] =	stream.indirect_vreg.gather [hbm4b:s7+s4], $0x80, v3, vm0, $0xb8;
	[tilespmem:$0x18200] =	vst v63  }
0x41e: {  	s26 =	simm.s32 $0xBA00  }
0x41f: {  	[tilespmem:s26], [sflag:$0x1] =	stream.indirect_vreg.gather [hbm4b:s8+s4], $0x80, v3, vm0, $0xb8;
	[tilespmem:$0x18200] =	vst v63  }
0x420: {  	v3 =	vld [tilespmem:$0x140];
	_ =	sdelay $0x4  }
0x421: {  	v52 =	vshrl.u32 v3, $0x3  }
0x422: {  	v4 =	vmul.u32 $0x30, v52  }
0x423: {  	v3 =	vand.u32 $0x7, v3  }
0x424: {  	v3 =	vor.u32 v3, v4  }
0x425: {  	v4 =	vperm.xlane v3, v0;
	_ =	sdelay $0x1  }
0x426: {  	v4 =	vadd.s32 v1, v4;
	_ =	sdelay $0x3  }
0x427: {  	s28 =	simm.s32 $0xC200;
	v3 =	vperm.xlane v3, v2  }
0x428: {  	[tilespmem:s28], [sflag:$0x1] =	stream.indirect_vreg.gather [hbm4b:s2+s4], $0x80, v4, vm0, $0xb8;
	[tilespmem:$0x18200] =	vst v63  }
0x429: {  	s24 =	simm.s32 $0xCA00;
	v3 =	vadd.s32 v1, v3  }
0x42a: {  	[tilespmem:s24], [sflag:$0x1] =	stream.indirect_vreg.gather [hbm4b:s7+s4], $0x80, v4, vm0, $0xb8;
	[tilespmem:$0x18200] =	vst v63  }
0x42b: {  	s25 =	simm.s32 $0xD200  }
0x42c: {  	[tilespmem:s25], [sflag:$0x1] =	stream.indirect_vreg.gather [hbm4b:s8+s4], $0x80, v4, vm0, $0xb8;
	[tilespmem:$0x18200] =	vst v63  }
0x42d: {  	s26 =	simm.s32 $0xDA00  }
0x42e: {  	[tilespmem:s26], [sflag:$0x1] =	stream.indirect_vreg.gather [hbm4b:s2+s4], $0x80, v3, vm0, $0xb8;
	[tilespmem:$0x18200] =	vst v63  }
0x42f: {  	s28 =	simm.s32 $0xE200  }
0x430: {  	[tilespmem:s28], [sflag:$0x1] =	stream.indirect_vreg.gather [hbm4b:s7+s4], $0x80, v3, vm0, $0xb8;
	[tilespmem:$0x18200] =	vst v63  }
0x431: {  	s18 =	simm.s32 $0xEA00  }
0x432: {  	[tilespmem:s18], [sflag:$0x1] =	stream.indirect_vreg.gather [hbm4b:s8+s4], $0x80, v3, vm0, $0xb8;
	[tilespmem:$0x18200] =	vst v63  }
0x433: {  	v3 =	vld [tilespmem:$0x150];
	_ =	sdelay $0x4  }
0x434: {  	v53 =	vshrl.u32 v3, $0x3  }
0x435: {  	v4 =	vmul.u32 $0x30, v53  }
0x436: {  	v3 =	vand.u32 $0x7, v3  }
0x437: {  	v3 =	vor.u32 v3, v4  }
0x438: {  	v4 =	vperm.xlane v3, v0;
	_ =	sdelay $0x1  }
0x439: {  	v4 =	vadd.s32 v1, v4;
	_ =	sdelay $0x3  }
0x43a: {  	s18 =	simm.s32 $0xF200;
	v3 =	vperm.xlane v3, v2  }
0x43b: {  	[tilespmem:s18], [sflag:$0x1] =	stream.indirect_vreg.gather [hbm4b:s2+s4], $0x80, v4, vm0, $0xb8;
	[tilespmem:$0x18200] =	vst v63  }
0x43c: {  	v3 =	vadd.s32 v1, v3;
	s18 =	simm.s32 $0xFA00  }
0x43d: {  	[tilespmem:s18], [sflag:$0x1] =	stream.indirect_vreg.gather [hbm4b:s7+s4], $0x80, v4, vm0, $0xb8;
	[tilespmem:$0x18200] =	vst v63  }
0x43e: {  	s18 =	simm.s32 $0x10200  }
0x43f: {  	[tilespmem:s18], [sflag:$0x1] =	stream.indirect_vreg.gather [hbm4b:s8+s4], $0x80, v4, vm0, $0xb8;
	[tilespmem:$0x18200] =	vst v63  }
0x440: {  	s18 =	simm.s32 $0x10A00  }
0x441: {  	[tilespmem:s18], [sflag:$0x1] =	stream.indirect_vreg.gather [hbm4b:s2+s4], $0x80, v3, vm0, $0xb8;
	[tilespmem:$0x18200] =	vst v63  }
0x442: {  	s18 =	simm.s32 $0x11200  }
0x443: {  	[tilespmem:s18], [sflag:$0x1] =	stream.indirect_vreg.gather [hbm4b:s7+s4], $0x80, v3, vm0, $0xb8;
	[tilespmem:$0x18200] =	vst v63  }
0x444: {  	s18 =	simm.s32 $0x11A00  }
0x445: {  	[tilespmem:s18], [sflag:$0x1] =	stream.indirect_vreg.gather [hbm4b:s8+s4], $0x80, v3, vm0, $0xb8;
	[tilespmem:$0x18200] =	vst v63  }
0x446: {  	v3 =	vld [tilespmem:$0x160];
	_ =	sdelay $0x4  }
0x447: {  	v54 =	vshrl.u32 v3, $0x3  }
0x448: {  	v4 =	vmul.u32 $0x30, v54  }
0x449: {  	v3 =	vand.u32 $0x7, v3  }
0x44a: {  	v3 =	vor.u32 v3, v4  }
0x44b: {  	v4 =	vperm.xlane v3, v0;
	_ =	sdelay $0x1  }
0x44c: {  	v4 =	vadd.s32 v1, v4;
	_ =	sdelay $0x3  }
0x44d: {  	s18 =	simm.s32 $0x12200;
	v3 =	vperm.xlane v3, v2  }
0x44e: {  	[tilespmem:s18], [sflag:$0x1] =	stream.indirect_vreg.gather [hbm4b:s2+s4], $0x80, v4, vm0, $0xb8;
	[tilespmem:$0x18200] =	vst v63  }
0x44f: {  	v3 =	vadd.s32 v1, v3;
	s18 =	simm.s32 $0x12A00  }
0x450: {  	[tilespmem:s18], [sflag:$0x1] =	stream.indirect_vreg.gather [hbm4b:s7+s4], $0x80, v4, vm0, $0xb8;
	[tilespmem:$0x18200] =	vst v63  }
0x451: {  	s18 =	simm.s32 $0x13200  }
0x452: {  	[tilespmem:s18], [sflag:$0x1] =	stream.indirect_vreg.gather [hbm4b:s8+s4], $0x80, v4, vm0, $0xb8;
	[tilespmem:$0x18200] =	vst v63  }
0x453: {  	s18 =	simm.s32 $0x13A00  }
0x454: {  	[tilespmem:s18], [sflag:$0x1] =	stream.indirect_vreg.gather [hbm4b:s2+s4], $0x80, v3, vm0, $0xb8;
	[tilespmem:$0x18200] =	vst v63  }
0x455: {  	s18 =	simm.s32 $0x14200  }
0x456: {  	[tilespmem:s18], [sflag:$0x1] =	stream.indirect_vreg.gather [hbm4b:s7+s4], $0x80, v3, vm0, $0xb8;
	[tilespmem:$0x18200] =	vst v63  }
0x457: {  	s18 =	simm.s32 $0x14A00  }
0x458: {  	[tilespmem:s18], [sflag:$0x1] =	stream.indirect_vreg.gather [hbm4b:s8+s4], $0x80, v3, vm0, $0xb8;
	[tilespmem:$0x18200] =	vst v63  }
0x459: {  	v3 =	vld [tilespmem:$0x170];
	_ =	sdelay $0x4  }
0x45a: {  	v55 =	vshrl.u32 v3, $0x3  }
0x45b: {  	v4 =	vmul.u32 $0x30, v55  }
0x45c: {  	v3 =	vand.u32 $0x7, v3  }
0x45d: {  	v3 =	vor.u32 v3, v4  }
0x45e: {  	v4 =	vperm.xlane v3, v0;
	_ =	sdelay $0x1  }
0x45f: {  	v4 =	vadd.s32 v1, v4;
	_ =	sdelay $0x3  }
0x460: {  	s18 =	simm.s32 $0x15200;
	v3 =	vperm.xlane v3, v2  }
0x461: {  	[tilespmem:s18], [sflag:$0x1] =	stream.indirect_vreg.gather [hbm4b:s2+s4], $0x80, v4, vm0, $0xb8;
	[tilespmem:$0x18200] =	vst v63  }
0x462: {  	v3 =	vadd.s32 v1, v3;
	s18 =	simm.s32 $0x15A00  }
0x463: {  	[tilespmem:s18], [sflag:$0x1] =	stream.indirect_vreg.gather [hbm4b:s7+s4], $0x80, v4, vm0, $0xb8;
	[tilespmem:$0x18200] =	vst v63  }
0x464: {  	s18 =	simm.s32 $0x16200  }
0x465: {  	[tilespmem:s18], [sflag:$0x1] =	stream.indirect_vreg.gather [hbm4b:s8+s4], $0x80, v4, vm0, $0xb8;
	[tilespmem:$0x18200] =	vst v63  }
0x466: {  	s18 =	simm.s32 $0x16A00  }
0x467: {  	[tilespmem:s18], [sflag:$0x1] =	stream.indirect_vreg.gather [hbm4b:s2+s4], $0x80, v3, vm0, $0xb8;
	[tilespmem:$0x18200] =	vst v63  }
0x468: {  	s18 =	simm.s32 $0x17200  }
0x469: {  	[tilespmem:s18], [sflag:$0x1] =	stream.indirect_vreg.gather [hbm4b:s7+s4], $0x80, v3, vm0, $0xb8;
	[tilespmem:$0x18200] =	vst v63  }
0x46a: {  	s18 =	simm.s32 $0x17A00  }
0x46b: {  	[tilespmem:s18], [sflag:$0x1] =	stream.indirect_vreg.gather [hbm4b:s8+s4], $0x80, v3, vm0, $0xb8;
	[tilespmem:$0x18200] =	vst v63  }
0x46c: {  	_ =	swait.ge [sflag:s17], $0x18000  }
0x46d: {  	[sflag:s17] =	ssyncset.done $0x0  }
0x46e: {  	s18 =	rddreg [dreg:$0xd];
	[sflag:s17] =	ssyncadd.s32 $0xFFFE8000  }
0x46f: {  	[hbm4b:s18+s4] =	stream.linear.scatter [tilespmem:s30], [sflag:$0x2], $0x18000, $0x38;
	[tilespmem:$0x18200] =	vst v63  }
0x470: {  	_ =	swait.ge [sflag:s10], $0x18000  }
0x471: {  	[sflag:s10] =	ssyncset.done $0x0  }
0x472: {  	[sflag:s10] =	ssyncadd.s32 $0xFFFE8000  }
0x473: {  	v3 =	vld [tilespmem:$0x180];
	_ =	sdelay $0x4  }
0x474: {  	v56 =	vshrl.u32 v3, $0x3  }
0x475: {  	v4 =	vmul.u32 $0x30, v56  }
0x476: {  	v3 =	vand.u32 $0x7, v3  }
0x477: {  	v3 =	vor.u32 v3, v4  }
0x478: {  	v4 =	vperm.xlane v3, v0;
	_ =	sdelay $0x1  }
0x479: {  	v4 =	vadd.s32 v1, v4;
	_ =	sdelay $0x3  }
0x47a: {  	v3 =	vperm.xlane v3, v2  }
0x47b: {  	[tilespmem:s30], [sflag:$0x1] =	stream.indirect_vreg.gather [hbm4b:s2+s4], $0x80, v4, vm0, $0xb8;
	[tilespmem:$0x18200] =	vst v63  }
0x47c: {  	s18 =	simm.s32 $0xA00;
	v3 =	vadd.s32 v1, v3  }
0x47d: {  	[tilespmem:s18], [sflag:$0x1] =	stream.indirect_vreg.gather [hbm4b:s7+s4], $0x80, v4, vm0, $0xb8;
	[tilespmem:$0x18200] =	vst v63  }
0x47e: {  	s3 =	simm.s32 $0x1200  }
0x47f: {  	[tilespmem:s3], [sflag:$0x1] =	stream.indirect_vreg.gather [hbm4b:s8+s4], $0x80, v4, vm0, $0xb8;
	[tilespmem:$0x18200] =	vst v63  }
0x480: {  	s12 =	simm.s32 $0x1A00  }
0x481: {  	[tilespmem:s12], [sflag:$0x1] =	stream.indirect_vreg.gather [hbm4b:s2+s4], $0x80, v3, vm0, $0xb8;
	[tilespmem:$0x18200] =	vst v63  }
0x482: {  	s13 =	simm.s32 $0x2200  }
0x483: {  	[tilespmem:s13], [sflag:$0x1] =	stream.indirect_vreg.gather [hbm4b:s7+s4], $0x80, v3, vm0, $0xb8;
	[tilespmem:$0x18200] =	vst v63  }
0x484: {  	s12 =	simm.s32 $0x2A00  }
0x485: {  	[tilespmem:s12], [sflag:$0x1] =	stream.indirect_vreg.gather [hbm4b:s8+s4], $0x80, v3, vm0, $0xb8;
	[tilespmem:$0x18200] =	vst v63  }
0x486: {  	v3 =	vld [tilespmem:$0x190];
	_ =	sdelay $0x4  }
0x487: {  	v57 =	vshrl.u32 v3, $0x3  }
0x488: {  	v4 =	vmul.u32 $0x30, v57  }
0x489: {  	v3 =	vand.u32 $0x7, v3  }
0x48a: {  	v3 =	vor.u32 v3, v4  }
0x48b: {  	v4 =	vperm.xlane v3, v0;
	_ =	sdelay $0x1  }
0x48c: {  	v4 =	vadd.s32 v1, v4;
	_ =	sdelay $0x3  }
0x48d: {  	s13 =	simm.s32 $0x3200;
	v3 =	vperm.xlane v3, v2  }
0x48e: {  	[tilespmem:s13], [sflag:$0x1] =	stream.indirect_vreg.gather [hbm4b:s2+s4], $0x80, v4, vm0, $0xb8;
	[tilespmem:$0x18200] =	vst v63  }
0x48f: {  	s14 =	simm.s32 $0x3A00;
	v3 =	vadd.s32 v1, v3  }
0x490: {  	[tilespmem:s14], [sflag:$0x1] =	stream.indirect_vreg.gather [hbm4b:s7+s4], $0x80, v4, vm0, $0xb8;
	[tilespmem:$0x18200] =	vst v63  }
0x491: {  	s15 =	simm.s32 $0x4200  }
0x492: {  	[tilespmem:s15], [sflag:$0x1] =	stream.indirect_vreg.gather [hbm4b:s8+s4], $0x80, v4, vm0, $0xb8;
	[tilespmem:$0x18200] =	vst v63  }
0x493: {  	s16 =	simm.s32 $0x4A00  }
0x494: {  	[tilespmem:s16], [sflag:$0x1] =	stream.indirect_vreg.gather [hbm4b:s2+s4], $0x80, v3, vm0, $0xb8;
	[tilespmem:$0x18200] =	vst v63  }
0x495: {  	s19 =	simm.s32 $0x5200  }
0x496: {  	[tilespmem:s19], [sflag:$0x1] =	stream.indirect_vreg.gather [hbm4b:s7+s4], $0x80, v3, vm0, $0xb8;
	[tilespmem:$0x18200] =	vst v63  }
0x497: {  	s18 =	simm.s32 $0x5A00  }
0x498: {  	[tilespmem:s18], [sflag:$0x1] =	stream.indirect_vreg.gather [hbm4b:s8+s4], $0x80, v3, vm0, $0xb8;
	[tilespmem:$0x18200] =	vst v63  }
0x499: {  	v3 =	vld [tilespmem:$0x1A0];
	_ =	sdelay $0x4  }
0x49a: {  	v58 =	vshrl.u32 v3, $0x3  }
0x49b: {  	v4 =	vmul.u32 $0x30, v58  }
0x49c: {  	v3 =	vand.u32 $0x7, v3  }
0x49d: {  	v3 =	vor.u32 v3, v4  }
0x49e: {  	v4 =	vperm.xlane v3, v0;
	_ =	sdelay $0x1  }
0x49f: {  	v4 =	vadd.s32 v1, v4;
	_ =	sdelay $0x3  }
0x4a0: {  	s19 =	simm.s32 $0x6200;
	v3 =	vperm.xlane v3, v2  }
0x4a1: {  	[tilespmem:s19], [sflag:$0x1] =	stream.indirect_vreg.gather [hbm4b:s2+s4], $0x80, v4, vm0, $0xb8;
	[tilespmem:$0x18200] =	vst v63  }
0x4a2: {  	s20 =	simm.s32 $0x6A00;
	v3 =	vadd.s32 v1, v3  }
0x4a3: {  	[tilespmem:s20], [sflag:$0x1] =	stream.indirect_vreg.gather [hbm4b:s7+s4], $0x80, v4, vm0, $0xb8;
	[tilespmem:$0x18200] =	vst v63  }
0x4a4: {  	s29 =	simm.s32 $0x7200  }
0x4a5: {  	[tilespmem:s29], [sflag:$0x1] =	stream.indirect_vreg.gather [hbm4b:s8+s4], $0x80, v4, vm0, $0xb8;
	[tilespmem:$0x18200] =	vst v63  }
0x4a6: {  	s23 =	simm.s32 $0x7A00  }
0x4a7: {  	[tilespmem:s23], [sflag:$0x1] =	stream.indirect_vreg.gather [hbm4b:s2+s4], $0x80, v3, vm0, $0xb8;
	[tilespmem:$0x18200] =	vst v63  }
0x4a8: {  	s9 =	simm.s32 $0x8200  }
0x4a9: {  	[tilespmem:s9], [sflag:$0x1] =	stream.indirect_vreg.gather [hbm4b:s7+s4], $0x80, v3, vm0, $0xb8;
	[tilespmem:$0x18200] =	vst v63  }
0x4aa: {  	s1 =	simm.s32 $0x8A00  }
0x4ab: {  	[tilespmem:s1], [sflag:$0x1] =	stream.indirect_vreg.gather [hbm4b:s8+s4], $0x80, v3, vm0, $0xb8;
	[tilespmem:$0x18200] =	vst v63  }
0x4ac: {  	v3 =	vld [tilespmem:$0x1B0];
	_ =	sdelay $0x4  }
0x4ad: {  	v59 =	vshrl.u32 v3, $0x3  }
0x4ae: {  	v4 =	vmul.u32 $0x30, v59  }
0x4af: {  	v3 =	vand.u32 $0x7, v3  }
0x4b0: {  	v3 =	vor.u32 v3, v4  }
0x4b1: {  	v4 =	vperm.xlane v3, v0;
	_ =	sdelay $0x1  }
0x4b2: {  	v4 =	vadd.s32 v1, v4;
	_ =	sdelay $0x3  }
0x4b3: {  	s11 =	simm.s32 $0x9200;
	v3 =	vperm.xlane v3, v2  }
0x4b4: {  	[tilespmem:s11], [sflag:$0x1] =	stream.indirect_vreg.gather [hbm4b:s2+s4], $0x80, v4, vm0, $0xb8;
	[tilespmem:$0x18200] =	vst v63  }
0x4b5: {  	s20 =	simm.s32 $0x9A00;
	v3 =	vadd.s32 v1, v3  }
0x4b6: {  	[tilespmem:s20], [sflag:$0x1] =	stream.indirect_vreg.gather [hbm4b:s7+s4], $0x80, v4, vm0, $0xb8;
	[tilespmem:$0x18200] =	vst v63  }
0x4b7: {  	s21 =	simm.s32 $0xA200  }
0x4b8: {  	[tilespmem:s21], [sflag:$0x1] =	stream.indirect_vreg.gather [hbm4b:s8+s4], $0x80, v4, vm0, $0xb8;
	[tilespmem:$0x18200] =	vst v63  }
0x4b9: {  	s22 =	simm.s32 $0xAA00  }
0x4ba: {  	[tilespmem:s22], [sflag:$0x1] =	stream.indirect_vreg.gather [hbm4b:s2+s4], $0x80, v3, vm0, $0xb8;
	[tilespmem:$0x18200] =	vst v63  }
0x4bb: {  	s31 =	simm.s32 $0xB200  }
0x4bc: {  	[tilespmem:s31], [sflag:$0x1] =	stream.indirect_vreg.gather [hbm4b:s7+s4], $0x80, v3, vm0, $0xb8;
	[tilespmem:$0x18200] =	vst v63  }
0x4bd: {  	s23 =	simm.s32 $0xBA00  }
0x4be: {  	[tilespmem:s23], [sflag:$0x1] =	stream.indirect_vreg.gather [hbm4b:s8+s4], $0x80, v3, vm0, $0xb8;
	[tilespmem:$0x18200] =	vst v63  }
0x4bf: {  	v3 =	vld [tilespmem:$0x1C0];
	_ =	sdelay $0x4  }
0x4c0: {  	v60 =	vshrl.u32 v3, $0x3  }
0x4c1: {  	v4 =	vmul.u32 $0x30, v60  }
0x4c2: {  	v3 =	vand.u32 $0x7, v3  }
0x4c3: {  	v3 =	vor.u32 v3, v4  }
0x4c4: {  	v4 =	vperm.xlane v3, v0;
	_ =	sdelay $0x1  }
0x4c5: {  	v4 =	vadd.s32 v1, v4;
	_ =	sdelay $0x3  }
0x4c6: {  	s29 =	simm.s32 $0xC200;
	v3 =	vperm.xlane v3, v2  }
0x4c7: {  	[tilespmem:s29], [sflag:$0x1] =	stream.indirect_vreg.gather [hbm4b:s2+s4], $0x80, v4, vm0, $0xb8;
	[tilespmem:$0x18200] =	vst v63  }
0x4c8: {  	s24 =	simm.s32 $0xCA00;
	v3 =	vadd.s32 v1, v3  }
0x4c9: {  	[tilespmem:s24], [sflag:$0x1] =	stream.indirect_vreg.gather [hbm4b:s7+s4], $0x80, v4, vm0, $0xb8;
	[tilespmem:$0x18200] =	vst v63  }
0x4ca: {  	s25 =	simm.s32 $0xD200  }
0x4cb: {  	[tilespmem:s25], [sflag:$0x1] =	stream.indirect_vreg.gather [hbm4b:s8+s4], $0x80, v4, vm0, $0xb8;
	[tilespmem:$0x18200] =	vst v63  }
0x4cc: {  	s26 =	simm.s32 $0xDA00  }
0x4cd: {  	[tilespmem:s26], [sflag:$0x1] =	stream.indirect_vreg.gather [hbm4b:s2+s4], $0x80, v3, vm0, $0xb8;
	[tilespmem:$0x18200] =	vst v63  }
0x4ce: {  	s28 =	simm.s32 $0xE200  }
0x4cf: {  	[tilespmem:s28], [sflag:$0x1] =	stream.indirect_vreg.gather [hbm4b:s7+s4], $0x80, v3, vm0, $0xb8;
	[tilespmem:$0x18200] =	vst v63  }
0x4d0: {  	s31 =	simm.s32 $0xEA00  }
0x4d1: {  	[tilespmem:s31], [sflag:$0x1] =	stream.indirect_vreg.gather [hbm4b:s8+s4], $0x80, v3, vm0, $0xb8;
	[tilespmem:$0x18200] =	vst v63  }
0x4d2: {  	v3 =	vld [tilespmem:$0x1D0];
	_ =	sdelay $0x4  }
0x4d3: {  	v61 =	vshrl.u32 v3, $0x3  }
0x4d4: {  	v4 =	vmul.u32 $0x30, v61  }
0x4d5: {  	v3 =	vand.u32 $0x7, v3  }
0x4d6: {  	v3 =	vor.u32 v3, v4  }
0x4d7: {  	v4 =	vperm.xlane v3, v0;
	_ =	sdelay $0x1  }
0x4d8: {  	v4 =	vadd.s32 v1, v4;
	_ =	sdelay $0x3  }
0x4d9: {  	s9 =	simm.s32 $0xF200;
	v3 =	vperm.xlane v3, v2  }
0x4da: {  	[tilespmem:s9], [sflag:$0x1] =	stream.indirect_vreg.gather [hbm4b:s2+s4], $0x80, v4, vm0, $0xb8;
	[tilespmem:$0x18200] =	vst v63  }
0x4db: {  	s11 =	simm.s32 $0xFA00;
	v3 =	vadd.s32 v1, v3  }
0x4dc: {  	[tilespmem:s11], [sflag:$0x1] =	stream.indirect_vreg.gather [hbm4b:s7+s4], $0x80, v4, vm0, $0xb8;
	[tilespmem:$0x18200] =	vst v63  }
0x4dd: {  	s12 =	simm.s32 $0x10200  }
0x4de: {  	[tilespmem:s12], [sflag:$0x1] =	stream.indirect_vreg.gather [hbm4b:s8+s4], $0x80, v4, vm0, $0xb8;
	[tilespmem:$0x18200] =	vst v63  }
0x4df: {  	s13 =	simm.s32 $0x10A00  }
0x4e0: {  	[tilespmem:s13], [sflag:$0x1] =	stream.indirect_vreg.gather [hbm4b:s2+s4], $0x80, v3, vm0, $0xb8;
	[tilespmem:$0x18200] =	vst v63  }
0x4e1: {  	s14 =	simm.s32 $0x11200  }
0x4e2: {  	[tilespmem:s14], [sflag:$0x1] =	stream.indirect_vreg.gather [hbm4b:s7+s4], $0x80, v3, vm0, $0xb8;
	[tilespmem:$0x18200] =	vst v63  }
0x4e3: {  	s15 =	simm.s32 $0x11A00  }
0x4e4: {  	[tilespmem:s15], [sflag:$0x1] =	stream.indirect_vreg.gather [hbm4b:s8+s4], $0x80, v3, vm0, $0xb8;
	[tilespmem:$0x18200] =	vst v63  }
0x4e5: {  	v3 =	vld [tilespmem:$0x1E0];
	_ =	sdelay $0x4  }
0x4e6: {  	v62 =	vshrl.u32 v3, $0x3  }
0x4e7: {  	v4 =	vmul.u32 $0x30, v62  }
0x4e8: {  	v3 =	vand.u32 $0x7, v3  }
0x4e9: {  	v3 =	vor.u32 v3, v4  }
0x4ea: {  	v4 =	vperm.xlane v3, v0;
	_ =	sdelay $0x1  }
0x4eb: {  	v4 =	vadd.s32 v1, v4;
	_ =	sdelay $0x3  }
0x4ec: {  	s16 =	simm.s32 $0x12200;
	v3 =	vperm.xlane v3, v2  }
0x4ed: {  	[tilespmem:s16], [sflag:$0x1] =	stream.indirect_vreg.gather [hbm4b:s2+s4], $0x80, v4, vm0, $0xb8;
	[tilespmem:$0x18200] =	vst v63  }
0x4ee: {  	s18 =	simm.s32 $0x12A00;
	v3 =	vadd.s32 v1, v3  }
0x4ef: {  	[tilespmem:s18], [sflag:$0x1] =	stream.indirect_vreg.gather [hbm4b:s7+s4], $0x80, v4, vm0, $0xb8;
	[tilespmem:$0x18200] =	vst v63  }
0x4f0: {  	s19 =	simm.s32 $0x13200  }
0x4f1: {  	[tilespmem:s19], [sflag:$0x1] =	stream.indirect_vreg.gather [hbm4b:s8+s4], $0x80, v4, vm0, $0xb8;
	[tilespmem:$0x18200] =	vst v63  }
0x4f2: {  	s20 =	simm.s32 $0x13A00  }
0x4f3: {  	[tilespmem:s20], [sflag:$0x1] =	stream.indirect_vreg.gather [hbm4b:s2+s4], $0x80, v3, vm0, $0xb8;
	[tilespmem:$0x18200] =	vst v63  }
0x4f4: {  	s21 =	simm.s32 $0x14200  }
0x4f5: {  	[tilespmem:s21], [sflag:$0x1] =	stream.indirect_vreg.gather [hbm4b:s7+s4], $0x80, v3, vm0, $0xb8;
	[tilespmem:$0x18200] =	vst v63  }
0x4f6: {  	s22 =	simm.s32 $0x14A00  }
0x4f7: {  	[tilespmem:s22], [sflag:$0x1] =	stream.indirect_vreg.gather [hbm4b:s8+s4], $0x80, v3, vm0, $0xb8;
	[tilespmem:$0x18200] =	vst v63  }
0x4f8: {  	v3 =	vld [tilespmem:$0x1F0];
	_ =	sdelay $0x4  }
0x4f9: {  	v63 =	vshrl.u32 v3, $0x3  }
0x4fa: {  	v4 =	vmul.u32 $0x30, v63  }
0x4fb: {  	v3 =	vand.u32 $0x7, v3  }
0x4fc: {  	v3 =	vor.u32 v3, v4  }
0x4fd: {  	v4 =	vperm.xlane v3, v0;
	_ =	sdelay $0x1  }
0x4fe: {  	v4 =	vadd.s32 v1, v4;
	_ =	sdelay $0x3  }
0x4ff: {  	s23 =	simm.s32 $0x15200;
	v3 =	vperm.xlane v3, v2  }
0x500: {  	[tilespmem:s23], [sflag:$0x1] =	stream.indirect_vreg.gather [hbm4b:s2+s4], $0x80, v4, vm0, $0xb8;
	[tilespmem:$0x18200] =	vst v63  }
0x501: {  	s24 =	simm.s32 $0x15A00;
	v3 =	vadd.s32 v1, v3  }
0x502: {  	[tilespmem:s24], [sflag:$0x1] =	stream.indirect_vreg.gather [hbm4b:s7+s4], $0x80, v4, vm0, $0xb8;
	[tilespmem:$0x18200] =	vst v63  }
0x503: {  	s25 =	simm.s32 $0x16200  }
0x504: {  	[tilespmem:s25], [sflag:$0x1] =	stream.indirect_vreg.gather [hbm4b:s8+s4], $0x80, v4, vm0, $0xb8;
	[tilespmem:$0x18200] =	vst v63  }
0x505: {  	s26 =	simm.s32 $0x16A00  }
0x506: {  	[tilespmem:s26], [sflag:$0x1] =	stream.indirect_vreg.gather [hbm4b:s2+s4], $0x80, v3, vm0, $0xb8;
	[tilespmem:$0x18200] =	vst v63  }
0x507: {  	s28 =	simm.s32 $0x17200  }
0x508: {  	[tilespmem:s28], [sflag:$0x1] =	stream.indirect_vreg.gather [hbm4b:s7+s4], $0x80, v3, vm0, $0xb8;
	[tilespmem:$0x18200] =	vst v63  }
0x509: {  	s29 =	simm.s32 $0x17A00  }
0x50a: {  	[tilespmem:s29], [sflag:$0x1] =	stream.indirect_vreg.gather [hbm4b:s8+s4], $0x80, v3, vm0, $0xb8;
	[tilespmem:$0x18200] =	vst v63  }
0x50b: {  	s1 =	rddreg [dreg:$0xf];
	_ =	swait.ge [sflag:s17], $0x18000  }
0x50c: {  	p0 =	sne.s32 s1, $0x1;
	[sflag:s17] =	ssyncset.done $0x0  }
.Ltmp0:
0x50d: {  	s31 =	rddreg [dreg:$0xe];
	[sflag:s17] =	ssyncadd.s32 $0xFFFE8000;
	(pc) =	sbr.rel @p0 .LBB2_1-.Ltmp0, $4  }
0x50e: {  	[hbm4b:s31+s4] =	stream.linear.scatter [tilespmem:s30], [sflag:$0x2], $0x18000, $0x38;
	[tilespmem:$0x18200] =	vst v63  }
0x50f: {  	_ =	swait.ge [sflag:s10], $0x18000  }
0x510: {  	[sflag:s10] =	ssyncset.done $0x0  }
0x511: {  	s1 =	sadd.s32 $0xFFFFFFFF, s1;
	[sflag:s10] =	ssyncadd.s32 $0xFFFE8000  }
0x512: {  	_ =	sfence.sel $0x180000  }
0x513: {  	[bflag:$0x0] =	sbarrier.arrive $0xFFFF  }
0x514: {  	_ =	strace $0x90000047  }
0x515: {  	s0 =	stileid.u32;
	[bflag:$0x2] =	sbarrier.arrive $0xFFFF  }
0x516: {  	p0 =	sne.s32 s0, $0x0;
	s0 =	rddreg [dreg:$0x5]  }
0x517: {  	s0 =	sadd.s32 @!p0 $0x100000, s0  }
0x518: {  	[sflag:s0] =	ssyncadd.tile.s32 @!p0 $0x1;
	_ =	shalt  }
.Lfunc_end2:
_tile_overlayer_lowered:
.L_overlay_start_2:
0x519: {  	(tag) =	ssettag $0x2  }
0x51a: {  	s0 =	rddreg [dreg:$0x0];
	s2 =	stileid.u32  }
0x51b: {  	s1 =	rddreg [dreg:$0x1];
	p0 =	sne.s32 s2, $0x0  }
0x51c: {  	s3 =	rddreg [dreg:$0x2];
	[bflag:$0x3] =	sbarrier.arrive $0xFFFF;
	s2 =	simm.s32 @!p0 $0x1C02  }
0x51d: {  	[timem:s3], [sflag:s2] =	dma.local @!p0 [hbm:s0], s1  }
0x51e: {  	s0 =	simm.s32 @!p0 $0x2  }
0x51f: {  	_ =	swait.ge @!p0 [sflag:s0], s1  }
0x520: {  	s1 =	ssub.s32 @!p0 $0x0, s1;
	[sflag:s0] =	ssyncset.done @!p0 $0x0  }
0x521: {  	[sflag:s0] =	ssyncadd.s32 @!p0 s1  }
0x522: {  	[bflag:$0x3] =	sbarrier.arrive $0xFFFF  }
0x523: {  	_ =	shalt  }

</sc_bundles>
